<compile_context>
chip_gen: v7x
topology: tpu7x:2x2x1
jax: 0.10.2.dev20260603
libtpu: 0.0.44.dev20260713+nightly
codegen_flags: <defaults>
</compile_context>

<pallas_src>
import jax
import jax.numpy as jnp
from jax import lax
from jax.experimental import pallas as pl
from jax.experimental.pallas import tpu as pltpu
from jax.experimental.pallas import tpu_sc as plsc

_N_ROWS = 100_000
_CH = 128
_NSEG = 256
_NW = 32
_RPT = 3136
_LAST_BASE = _N_ROWS - _RPT
_CHUNK = 224
_NCHUNK = _RPT // _CHUNK
_GROUPS = _CHUNK // 16
_CHUNK_EL = _CHUNK * _CH
_TBL = _NSEG * _CH
_NEG = float("-inf")


def _sc_body(feat_hbm, ids_hbm, part_hbm, ids_v, buf, table_v, acc_v,
             sem0, sem1, semi):
    c = lax.axis_index("c")
    s = lax.axis_index("s")
    wid = c * 16 + s
    base = pl.multiple_of(jnp.minimum(wid * _RPT, _LAST_BASE), 16)

    idcp = pltpu.async_copy(ids_hbm.at[pl.ds(base, _RPT)], ids_v, semi)

    pltpu.async_copy(feat_hbm.at[pl.ds(base * _CH, _CHUNK_EL)],
                     buf.at[pl.ds(0, _CHUNK_EL)], sem0)
    pltpu.async_copy(feat_hbm.at[pl.ds((base + _CHUNK) * _CH, _CHUNK_EL)],
                     buf.at[pl.ds(_CHUNK_EL, _CHUNK_EL)], sem1)

    neg = jnp.full((16,), _NEG, jnp.float32)
    neg2 = neg.reshape(1, 16)

    @pl.loop(0, _NSEG)
    def _(i):
        for k in range(8):
            table_v[pl.ds(i, 1), pl.ds(k * 16, 16)] = neg2

    for k in range(8):
        acc_v[pl.ds(k * 16, 16)] = neg

    idcp.wait()
    cur0 = ids_v[pl.ds(0, 16)][0]

    def flush(seg, acc):
        for k in range(8):
            table_v[pl.ds(seg, 1), pl.ds(k * 16, 16)] = acc[k].reshape(1, 16)

    def chunk_step(j, cur):
        even = lax.rem(j, 2) == 0

        @pl.when(even)
        def _():
            pltpu.make_async_copy(feat_hbm.at[pl.ds(0, _CHUNK_EL)],
                                  buf.at[pl.ds(0, _CHUNK_EL)], sem0).wait()

        @pl.when(jnp.logical_not(even))
        def _():
            pltpu.make_async_copy(feat_hbm.at[pl.ds(0, _CHUNK_EL)],
                                  buf.at[pl.ds(_CHUNK_EL, _CHUNK_EL)],
                                  sem1).wait()

        par = lax.rem(j, 2) * _CHUNK_EL

        def group_step(g, cur):
            idv = ids_v[pl.ds(j * _CHUNK + g * 16, 16)]
            rbase = par + g * 16 * _CH

            def fast(cur):
                acc = [acc_v[pl.ds(k * 16, 16)] for k in range(8)]
                for r in range(16):
                    rb = rbase + r * _CH
                    for k in range(8):
                        x = buf[pl.ds(rb + k * 16, 16)]
                        acc[k] = jnp.maximum(acc[k], x)
                for k in range(8):
                    acc_v[pl.ds(k * 16, 16)] = acc[k]
                return cur

            def slow(cur):
                acc = [acc_v[pl.ds(k * 16, 16)] for k in range(8)]
                for r in range(16):
                    idr = idv[r]
                    fresh = idr != cur
                    cur_old = cur
                    acc_old = list(acc)

                    @pl.when(fresh)
                    def _():
                        flush(cur_old, acc_old)

                    rb = rbase + r * _CH
                    for k in range(8):
                        x = buf[pl.ds(rb + k * 16, 16)]
                        acc[k] = jnp.where(fresh, x,
                                           jnp.maximum(acc[k], x))
                    cur = jnp.where(fresh, idr, cur)
                for k in range(8):
                    acc_v[pl.ds(k * 16, 16)] = acc[k]
                return cur

            return lax.cond(idv[15] == cur, fast, slow, cur)

        cur = lax.fori_loop(0, _GROUPS, group_step, cur)

        nxt = (base + (j + 2) * _CHUNK) * _CH

        @pl.when(even & (j + 2 < _NCHUNK))
        def _():
            pltpu.async_copy(feat_hbm.at[pl.ds(nxt, _CHUNK_EL)],
                             buf.at[pl.ds(0, _CHUNK_EL)], sem0)

        @pl.when(jnp.logical_not(even) & (j + 2 < _NCHUNK))
        def _():
            pltpu.async_copy(feat_hbm.at[pl.ds(nxt, _CHUNK_EL)],
                             buf.at[pl.ds(_CHUNK_EL, _CHUNK_EL)], sem1)

        return cur

    cur = lax.fori_loop(0, _NCHUNK, chunk_step, cur0)

    flush(cur, [acc_v[pl.ds(k * 16, 16)] for k in range(8)])
    pltpu.sync_copy(table_v, part_hbm.at[pl.ds(wid * _NSEG, _NSEG), :])


_sc_segmax = pl.kernel(
    _sc_body,
    out_type=jax.ShapeDtypeStruct((_NW * _NSEG, _CH), jnp.float32),
    mesh=plsc.VectorSubcoreMesh(core_axis_name="c", subcore_axis_name="s"),
    scratch_types=[
        pltpu.VMEM((_RPT,), jnp.int32),
        pltpu.VMEM((2 * _CHUNK_EL,), jnp.float32),
        pltpu.VMEM((_NSEG, _CH), jnp.float32),
        pltpu.VMEM((_CH,), jnp.float32),
        pltpu.SemaphoreType.DMA,
        pltpu.SemaphoreType.DMA,
        pltpu.SemaphoreType.DMA,
    ],
)


def _combine_body(p_ref, o_ref):
    acc = p_ref[pl.ds(0, _NSEG), :]
    for t in range(1, _NW):
        acc = jnp.maximum(acc, p_ref[pl.ds(t * _NSEG, _NSEG), :])
    o_ref[...] = acc


_combine = pl.pallas_call(
    _combine_body,
    out_shape=jax.ShapeDtypeStruct((_NSEG, _CH), jnp.float32),
)


@jax.jit
def kernel(features, segment_ids):
    feat = features.reshape(_N_ROWS * _CH)
    ids = segment_ids.astype(jnp.int32)
    part = _sc_segmax(feat, ids)
    return _combine(part)

# --- scband reference (transcript-rebuilt; emitter-appended) ---
"""Pipeline reference for scband-gpooling-6433861009742 (READ-ONLY COPY).

The authoritative reference and input builder live on the scoring server;
editing this copy changes nothing except your own understanding.
"""

import jax, jax.numpy as jnp
import numpy as np

NUM_SEGMENTS = 256

def setup_inputs(seed: int = 0) -> dict:
    key = jax.random.key(seed)
    k1, k2 = jax.random.split(key)
    features = jax.random.normal(k1, (100000, 128, 1), dtype=jnp.float32)
    segment_ids = jnp.sort(jax.random.randint(k2, (100000,), 0, NUM_SEGMENTS, dtype=jnp.int64))
    return {"features": features, "segment_ids": segment_ids}

def reference(features, segment_ids):
    # GPooling with feat_type=0, pool='max':
    # DGL MaxPooling over a batched graph == per-graph segment max over nodes,
    # applied to the type-0 feature tensor of shape [N, channels, 1],
    # followed by squeeze(dim=-1).
    pooled = jax.ops.segment_max(features, segment_ids, num_segments=NUM_SEGMENTS)
    return pooled.squeeze(-1)

if __name__ == "__main__":
    import jax
    _d = setup_inputs()
    print(jax.jit(kernel)(*tuple(_d.values())))

</pallas_src>

<mosaic_0001>
#map = affine_map<(d0, d1) -> (0)>
#map1 = affine_map<(d0, d1) -> (0, 0)>
module attributes {stable_mosaic.version = 14 : i64} {
  func.func @_sc_body(%arg0: i32, %arg1: i32, %arg2: memref<12800000xf32, #tpu.memory_space<hbm>>, %arg3: memref<100000xi32, #tpu.memory_space<hbm>>, %arg4: memref<8192x128xf32, #tpu.memory_space<hbm>>, %arg5: memref<3136xi32, #tpu.memory_space<vmem>>, %arg6: memref<57344xf32, #tpu.memory_space<vmem>>, %arg7: memref<256x128xf32, #tpu.memory_space<vmem>>, %arg8: memref<128xf32, #tpu.memory_space<vmem>>, %arg9: memref<!tpu.dma_semaphore, #tpu.memory_space<semaphore_mem>>, %arg10: memref<!tpu.dma_semaphore, #tpu.memory_space<semaphore_mem>>, %arg11: memref<!tpu.dma_semaphore, #tpu.memory_space<semaphore_mem>>) attributes {dimension_semantics = [#tpu.dimension_semantics<core_parallel>, #tpu.dimension_semantics<subcore_parallel>], iteration_bounds = array<i64: 2, 16>, scalar_prefetch = 0 : i64, scratch_operands = 7 : i64, tpu.core_type = #tpu.core_type<sc_vector_subcore>, window_params = [{transform_indices = #map}, {transform_indices = #map}, {transform_indices = #map1}]} {
    %mul3A = arith.constant 16 : i32
    %mul3A_0 = arith.muli %arg0, %mul3A : i32
    %add3A = arith.addi %mul3A_0, %arg1 : i32
    %mul3A_1 = arith.constant 3136 : i32
    %mul3A_2 = arith.muli %add3A, %mul3A_1 : i32
    %min3A = arith.constant 96864 : i32
    %min3A_3 = arith.minsi %mul3A_2, %min3A : i32
    %multiple_of3A = tpu.assume_multiple %min3A_3, 16 : i32
    %dma_start3A = tpu.memref_slice %arg3[%multiple_of3A] : memref<100000xi32, #tpu.memory_space<hbm>> -> memref<3136xi32, #tpu.memory_space<hbm>>
    %dma_start3A_4 = tpu.memref_slice %arg3[%multiple_of3A] : memref<100000xi32, #tpu.memory_space<hbm>> -> memref<3136xi32, #tpu.memory_space<hbm>>
    tpu.enqueue_dma source(%dma_start3A_4 : memref<3136xi32, #tpu.memory_space<hbm>>) target(%arg5 : memref<3136xi32, #tpu.memory_space<vmem>>) target_semaphore(%arg11 : memref<!tpu.dma_semaphore, #tpu.memory_space<semaphore_mem>>)
    %mul3A_5 = arith.constant 128 : i32
    %mul3A_6 = arith.muli %multiple_of3A, %mul3A_5 : i32
    %dma_start3A_7 = arith.constant 0 : i32
    %dma_start3A_8 = tpu.memref_slice %arg6[%dma_start3A_7] : memref<57344xf32, #tpu.memory_space<vmem>> -> memref<28672xf32, #tpu.memory_space<vmem>>
    %dma_start3A_9 = tpu.memref_slice %arg2[%mul3A_6] : memref<12800000xf32, #tpu.memory_space<hbm>> -> memref<28672xf32, #tpu.memory_space<hbm>>
    %dma_start3A_10 = arith.constant 0 : i32
    %dma_start3A_11 = tpu.memref_slice %arg6[%dma_start3A_10] : memref<57344xf32, #tpu.memory_space<vmem>> -> memref<28672xf32, #tpu.memory_space<vmem>>
    %dma_start3A_12 = tpu.memref_slice %arg2[%mul3A_6] : memref<12800000xf32, #tpu.memory_space<hbm>> -> memref<28672xf32, #tpu.memory_space<hbm>>
    tpu.enqueue_dma source(%dma_start3A_12 : memref<28672xf32, #tpu.memory_space<hbm>>) target(%dma_start3A_11 : memref<28672xf32, #tpu.memory_space<vmem>>) target_semaphore(%arg9 : memref<!tpu.dma_semaphore, #tpu.memory_space<semaphore_mem>>)
    %add3A_13 = arith.constant 224 : i32
    %add3A_14 = arith.addi %multiple_of3A, %add3A_13 : i32
    %mul3A_15 = arith.constant 128 : i32
    %mul3A_16 = arith.muli %add3A_14, %mul3A_15 : i32
    %dma_start3A_17 = arith.constant 28672 : i32
    %dma_start3A_18 = tpu.memref_slice %arg6[%dma_start3A_17] : memref<57344xf32, #tpu.memory_space<vmem>> -> memref<28672xf32, #tpu.memory_space<vmem>>
    %dma_start3A_19 = tpu.memref_slice %arg2[%mul3A_16] : memref<12800000xf32, #tpu.memory_space<hbm>> -> memref<28672xf32, #tpu.memory_space<hbm>>
    %dma_start3A_20 = arith.constant 28672 : i32
    %dma_start3A_21 = tpu.memref_slice %arg6[%dma_start3A_20] : memref<57344xf32, #tpu.memory_space<vmem>> -> memref<28672xf32, #tpu.memory_space<vmem>>
    %dma_start3A_22 = tpu.memref_slice %arg2[%mul3A_16] : memref<12800000xf32, #tpu.memory_space<hbm>> -> memref<28672xf32, #tpu.memory_space<hbm>>
    tpu.enqueue_dma source(%dma_start3A_22 : memref<28672xf32, #tpu.memory_space<hbm>>) target(%dma_start3A_21 : memref<28672xf32, #tpu.memory_space<vmem>>) target_semaphore(%arg10 : memref<!tpu.dma_semaphore, #tpu.memory_space<semaphore_mem>>)
    %broadcast_in_dim3A = arith.constant 0xFF800000 : f32
    %broadcast_in_dim3A_23 = vector.broadcast %broadcast_in_dim3A : f32 to vector<16xf32>
    %reshape3A = vector.shape_cast %broadcast_in_dim3A_23 : vector<16xf32> to vector<1x16xf32>
    %scan3A = arith.constant 0 : i32
    %scan3A_24 = arith.constant 256 : i32
    %scan3A_25 = arith.addi %scan3A, %scan3A_24 : i32
    %scan3A_26 = arith.constant 1 : i32
    scf.for %scan3A_142 = %scan3A to %scan3A_25 step %scan3A_26  : i32 {
      %mul3A_143 = arith.constant 1 : i32
      %mul3A_144 = arith.muli %scan3A_142, %mul3A_143 : i32
      %add3A_145 = arith.constant 0 : i32
      %add3A_146 = arith.addi %add3A_145, %mul3A_144 : i32
      %swap3A_147 = arith.index_cast %add3A_146 : i32 to index
      %swap3A_148 = arith.constant 0 : index
      %swap3A_149 = tpu.vector_load %arg7[%swap3A_147, %swap3A_148] {strides = array<i32>} : memref<256x128xf32, #tpu.memory_space<vmem>>, vector<1x16xf32>,
      %swap3A_150 = vector.shape_cast %swap3A_149 : vector<1x16xf32> to vector<1x16xf32>
      %swap3A_151 = vector.shape_cast %reshape3A : vector<1x16xf32> to vector<1x16xf32>
      tpu.vector_store %arg7[%swap3A_147, %swap3A_148], %swap3A_151 {strides = array<i32>} : memref<256x128xf32, #tpu.memory_space<vmem>>, vector<1x16xf32>,
      %swap3A_152 = arith.index_cast %add3A_146 : i32 to index
      %swap3A_153 = arith.constant 16 : index
      %swap3A_154 = tpu.vector_load %arg7[%swap3A_152, %swap3A_153] {strides = array<i32>} : memref<256x128xf32, #tpu.memory_space<vmem>>, vector<1x16xf32>,
      %swap3A_155 = vector.shape_cast %swap3A_154 : vector<1x16xf32> to vector<1x16xf32>
      %swap3A_156 = vector.shape_cast %reshape3A : vector<1x16xf32> to vector<1x16xf32>
      tpu.vector_store %arg7[%swap3A_152, %swap3A_153], %swap3A_156 {strides = array<i32>} : memref<256x128xf32, #tpu.memory_space<vmem>>, vector<1x16xf32>,
      %swap3A_157 = arith.index_cast %add3A_146 : i32 to index
      %swap3A_158 = arith.constant 32 : index
      %swap3A_159 = tpu.vector_load %arg7[%swap3A_157, %swap3A_158] {strides = array<i32>} : memref<256x128xf32, #tpu.memory_space<vmem>>, vector<1x16xf32>,
      %swap3A_160 = vector.shape_cast %swap3A_159 : vector<1x16xf32> to vector<1x16xf32>
      %swap3A_161 = vector.shape_cast %reshape3A : vector<1x16xf32> to vector<1x16xf32>
      tpu.vector_store %arg7[%swap3A_157, %swap3A_158], %swap3A_161 {strides = array<i32>} : memref<256x128xf32, #tpu.memory_space<vmem>>, vector<1x16xf32>,
      %swap3A_162 = arith.index_cast %add3A_146 : i32 to index
      %swap3A_163 = arith.constant 48 : index
      %swap3A_164 = tpu.vector_load %arg7[%swap3A_162, %swap3A_163] {strides = array<i32>} : memref<256x128xf32, #tpu.memory_space<vmem>>, vector<1x16xf32>,
      %swap3A_165 = vector.shape_cast %swap3A_164 : vector<1x16xf32> to vector<1x16xf32>
      %swap3A_166 = vector.shape_cast %reshape3A : vector<1x16xf32> to vector<1x16xf32>
      tpu.vector_store %arg7[%swap3A_162, %swap3A_163], %swap3A_166 {strides = array<i32>} : memref<256x128xf32, #tpu.memory_space<vmem>>, vector<1x16xf32>,
      %swap3A_167 = arith.index_cast %add3A_146 : i32 to index
      %swap3A_168 = arith.constant 64 : index
      %swap3A_169 = tpu.vector_load %arg7[%swap3A_167, %swap3A_168] {strides = array<i32>} : memref<256x128xf32, #tpu.memory_space<vmem>>, vector<1x16xf32>,
      %swap3A_170 = vector.shape_cast %swap3A_169 : vector<1x16xf32> to vector<1x16xf32>
      %swap3A_171 = vector.shape_cast %reshape3A : vector<1x16xf32> to vector<1x16xf32>
      tpu.vector_store %arg7[%swap3A_167, %swap3A_168], %swap3A_171 {strides = array<i32>} : memref<256x128xf32, #tpu.memory_space<vmem>>, vector<1x16xf32>,
      %swap3A_172 = arith.index_cast %add3A_146 : i32 to index
      %swap3A_173 = arith.constant 80 : index
      %swap3A_174 = tpu.vector_load %arg7[%swap3A_172, %swap3A_173] {strides = array<i32>} : memref<256x128xf32, #tpu.memory_space<vmem>>, vector<1x16xf32>,
      %swap3A_175 = vector.shape_cast %swap3A_174 : vector<1x16xf32> to vector<1x16xf32>
      %swap3A_176 = vector.shape_cast %reshape3A : vector<1x16xf32> to vector<1x16xf32>
      tpu.vector_store %arg7[%swap3A_172, %swap3A_173], %swap3A_176 {strides = array<i32>} : memref<256x128xf32, #tpu.memory_space<vmem>>, vector<1x16xf32>,
      %swap3A_177 = arith.index_cast %add3A_146 : i32 to index
      %swap3A_178 = arith.constant 96 : index
      %swap3A_179 = tpu.vector_load %arg7[%swap3A_177, %swap3A_178] {strides = array<i32>} : memref<256x128xf32, #tpu.memory_space<vmem>>, vector<1x16xf32>,
      %swap3A_180 = vector.shape_cast %swap3A_179 : vector<1x16xf32> to vector<1x16xf32>
      %swap3A_181 = vector.shape_cast %reshape3A : vector<1x16xf32> to vector<1x16xf32>
      tpu.vector_store %arg7[%swap3A_177, %swap3A_178], %swap3A_181 {strides = array<i32>} : memref<256x128xf32, #tpu.memory_space<vmem>>, vector<1x16xf32>,
      %swap3A_182 = arith.index_cast %add3A_146 : i32 to index
      %swap3A_183 = arith.constant 112 : index
      %swap3A_184 = tpu.vector_load %arg7[%swap3A_182, %swap3A_183] {strides = array<i32>} : memref<256x128xf32, #tpu.memory_space<vmem>>, vector<1x16xf32>,
      %swap3A_185 = vector.shape_cast %swap3A_184 : vector<1x16xf32> to vector<1x16xf32>
      %swap3A_186 = vector.shape_cast %reshape3A : vector<1x16xf32> to vector<1x16xf32>
      tpu.vector_store %arg7[%swap3A_182, %swap3A_183], %swap3A_186 {strides = array<i32>} : memref<256x128xf32, #tpu.memory_space<vmem>>, vector<1x16xf32>,
    }
    %scan3A_27 = arith.constant 256 : i32
    %swap3A = arith.constant 0 : index
    %swap3A_28 = tpu.vector_load %arg8[%swap3A] {strides = array<i32>} : memref<128xf32, #tpu.memory_space<vmem>>, vector<16xf32>,
    %swap3A_29 = vector.shape_cast %swap3A_28 : vector<16xf32> to vector<16xf32>
    %swap3A_30 = vector.shape_cast %broadcast_in_dim3A_23 : vector<16xf32> to vector<16xf32>
    tpu.vector_store %arg8[%swap3A], %swap3A_30 {strides = array<i32>} : memref<128xf32, #tpu.memory_space<vmem>>, vector<16xf32>,
    %swap3A_31 = arith.constant 16 : index
    %swap3A_32 = tpu.vector_load %arg8[%swap3A_31] {strides = array<i32>} : memref<128xf32, #tpu.memory_space<vmem>>, vector<16xf32>,
    %swap3A_33 = vector.shape_cast %swap3A_32 : vector<16xf32> to vector<16xf32>
    %swap3A_34 = vector.shape_cast %broadcast_in_dim3A_23 : vector<16xf32> to vector<16xf32>
    tpu.vector_store %arg8[%swap3A_31], %swap3A_34 {strides = array<i32>} : memref<128xf32, #tpu.memory_space<vmem>>, vector<16xf32>,
    %swap3A_35 = arith.constant 32 : index
    %swap3A_36 = tpu.vector_load %arg8[%swap3A_35] {strides = array<i32>} : memref<128xf32, #tpu.memory_space<vmem>>, vector<16xf32>,
    %swap3A_37 = vector.shape_cast %swap3A_36 : vector<16xf32> to vector<16xf32>
    %swap3A_38 = vector.shape_cast %broadcast_in_dim3A_23 : vector<16xf32> to vector<16xf32>
    tpu.vector_store %arg8[%swap3A_35], %swap3A_38 {strides = array<i32>} : memref<128xf32, #tpu.memory_space<vmem>>, vector<16xf32>,
    %swap3A_39 = arith.constant 48 : index
    %swap3A_40 = tpu.vector_load %arg8[%swap3A_39] {strides = array<i32>} : memref<128xf32, #tpu.memory_space<vmem>>, vector<16xf32>,
    %swap3A_41 = vector.shape_cast %swap3A_40 : vector<16xf32> to vector<16xf32>
    %swap3A_42 = vector.shape_cast %broadcast_in_dim3A_23 : vector<16xf32> to vector<16xf32>
    tpu.vector_store %arg8[%swap3A_39], %swap3A_42 {strides = array<i32>} : memref<128xf32, #tpu.memory_space<vmem>>, vector<16xf32>,
    %swap3A_43 = arith.constant 64 : index
    %swap3A_44 = tpu.vector_load %arg8[%swap3A_43] {strides = array<i32>} : memref<128xf32, #tpu.memory_space<vmem>>, vector<16xf32>,
    %swap3A_45 = vector.shape_cast %swap3A_44 : vector<16xf32> to vector<16xf32>
    %swap3A_46 = vector.shape_cast %broadcast_in_dim3A_23 : vector<16xf32> to vector<16xf32>
    tpu.vector_store %arg8[%swap3A_43], %swap3A_46 {strides = array<i32>} : memref<128xf32, #tpu.memory_space<vmem>>, vector<16xf32>,
    %swap3A_47 = arith.constant 80 : index
    %swap3A_48 = tpu.vector_load %arg8[%swap3A_47] {strides = array<i32>} : memref<128xf32, #tpu.memory_space<vmem>>, vector<16xf32>,
    %swap3A_49 = vector.shape_cast %swap3A_48 : vector<16xf32> to vector<16xf32>
    %swap3A_50 = vector.shape_cast %broadcast_in_dim3A_23 : vector<16xf32> to vector<16xf32>
    tpu.vector_store %arg8[%swap3A_47], %swap3A_50 {strides = array<i32>} : memref<128xf32, #tpu.memory_space<vmem>>, vector<16xf32>,
    %swap3A_51 = arith.constant 96 : index
    %swap3A_52 = tpu.vector_load %arg8[%swap3A_51] {strides = array<i32>} : memref<128xf32, #tpu.memory_space<vmem>>, vector<16xf32>,
    %swap3A_53 = vector.shape_cast %swap3A_52 : vector<16xf32> to vector<16xf32>
    %swap3A_54 = vector.shape_cast %broadcast_in_dim3A_23 : vector<16xf32> to vector<16xf32>
    tpu.vector_store %arg8[%swap3A_51], %swap3A_54 {strides = array<i32>} : memref<128xf32, #tpu.memory_space<vmem>>, vector<16xf32>,
    %swap3A_55 = arith.constant 112 : index
    %swap3A_56 = tpu.vector_load %arg8[%swap3A_55] {strides = array<i32>} : memref<128xf32, #tpu.memory_space<vmem>>, vector<16xf32>,
    %swap3A_57 = vector.shape_cast %swap3A_56 : vector<16xf32> to vector<16xf32>
    %swap3A_58 = vector.shape_cast %broadcast_in_dim3A_23 : vector<16xf32> to vector<16xf32>
    tpu.vector_store %arg8[%swap3A_55], %swap3A_58 {strides = array<i32>} : memref<128xf32, #tpu.memory_space<vmem>>, vector<16xf32>,
    %dma_wait3A = tpu.memref_slice %arg3[%multiple_of3A] : memref<100000xi32, #tpu.memory_space<hbm>> -> memref<3136xi32, #tpu.memory_space<hbm>>
    %dma_wait3A_59 = tpu.memref_slice %arg3[%multiple_of3A] : memref<100000xi32, #tpu.memory_space<hbm>> -> memref<3136xi32, #tpu.memory_space<hbm>>
    tpu.wait_dma2 semaphore(%arg11 : memref<!tpu.dma_semaphore, #tpu.memory_space<semaphore_mem>>) src(%dma_wait3A_59 : memref<3136xi32, #tpu.memory_space<hbm>>) dst(%arg5 : memref<3136xi32, #tpu.memory_space<vmem>>)
    %get3A = arith.constant 0 : index
    %get3A_60 = tpu.vector_load %arg5[%get3A] {strides = array<i32>} : memref<3136xi32, #tpu.memory_space<vmem>>, vector<16xi32>,
    %get3A_61 = vector.shape_cast %get3A_60 : vector<16xi32> to vector<16xi32>
    %slice3A = vector.extract_strided_slice %get3A_61 {offsets = [0], sizes = [1], strides = [1]} : vector<16xi32> to vector<1xi32>
    %squeeze3A = vector.extract %slice3A[0] : i32 from vector<1xi32>
    %scan3A_62 = arith.constant 0 : i32
    %scan3A_63 = arith.constant 14 : i32
    %scan3A_64 = arith.addi %scan3A_62, %scan3A_63 : i32
    %scan3A_65 = arith.constant 1 : i32
    %scan3A_66 = scf.for %scan3A_142 = %scan3A_62 to %scan3A_64 step %scan3A_65 iter_args(%scan3A_143 = %squeeze3A) -> (i32)  : i32 {
      %rem3A = arith.constant 2 : i32
      %rem3A_144 = arith.remsi %scan3A_142, %rem3A : i32
      %eq3A = arith.constant 0 : i32
      %eq3A_145 = arith.cmpi eq, %rem3A_144, %eq3A : i32
      %convert_element_type3A = arith.extui %eq3A_145 : i1 to i32
      %cond3A = arith.constant 0 : i32
      %cond3A_146 = arith.cmpi ne, %convert_element_type3A, %cond3A : i32
      scf.if %cond3A_146 {
        %dma_wait3A_184 = arith.constant 0 : i32
        %dma_wait3A_185 = tpu.memref_slice %arg6[%dma_wait3A_184] : memref<57344xf32, #tpu.memory_space<vmem>> -> memref<28672xf32, #tpu.memory_space<vmem>>
        %dma_wait3A_186 = arith.constant 0 : i32
        %dma_wait3A_187 = tpu.memref_slice %arg2[%dma_wait3A_186] : memref<12800000xf32, #tpu.memory_space<hbm>> -> memref<28672xf32, #tpu.memory_space<hbm>>
        %dma_wait3A_188 = arith.constant 0 : i32
        %dma_wait3A_189 = tpu.memref_slice %arg6[%dma_wait3A_188] : memref<57344xf32, #tpu.memory_space<vmem>> -> memref<28672xf32, #tpu.memory_space<vmem>>
        %dma_wait3A_190 = arith.constant 0 : i32
        %dma_wait3A_191 = tpu.memref_slice %arg2[%dma_wait3A_190] : memref<12800000xf32, #tpu.memory_space<hbm>> -> memref<28672xf32, #tpu.memory_space<hbm>>
        tpu.wait_dma2 semaphore(%arg9 : memref<!tpu.dma_semaphore, #tpu.memory_space<semaphore_mem>>) src(%dma_wait3A_191 : memref<28672xf32, #tpu.memory_space<hbm>>) dst(%dma_wait3A_189 : memref<28672xf32, #tpu.memory_space<vmem>>)
      } else {
      }
      %not3A = arith.constant true
      %not3A_147 = arith.xori %eq3A_145, %not3A : i1
      %convert_element_type3A_148 = arith.extui %not3A_147 : i1 to i32
      %cond3A_149 = arith.constant 0 : i32
      %cond3A_150 = arith.cmpi ne, %convert_element_type3A_148, %cond3A_149 : i32
      scf.if %cond3A_150 {
        %dma_wait3A_184 = arith.constant 28672 : i32
        %dma_wait3A_185 = tpu.memref_slice %arg6[%dma_wait3A_184] : memref<57344xf32, #tpu.memory_space<vmem>> -> memref<28672xf32, #tpu.memory_space<vmem>>
        %dma_wait3A_186 = arith.constant 0 : i32
        %dma_wait3A_187 = tpu.memref_slice %arg2[%dma_wait3A_186] : memref<12800000xf32, #tpu.memory_space<hbm>> -> memref<28672xf32, #tpu.memory_space<hbm>>
        %dma_wait3A_188 = arith.constant 28672 : i32
        %dma_wait3A_189 = tpu.memref_slice %arg6[%dma_wait3A_188] : memref<57344xf32, #tpu.memory_space<vmem>> -> memref<28672xf32, #tpu.memory_space<vmem>>
        %dma_wait3A_190 = arith.constant 0 : i32
        %dma_wait3A_191 = tpu.memref_slice %arg2[%dma_wait3A_190] : memref<12800000xf32, #tpu.memory_space<hbm>> -> memref<28672xf32, #tpu.memory_space<hbm>>
        tpu.wait_dma2 semaphore(%arg10 : memref<!tpu.dma_semaphore, #tpu.memory_space<semaphore_mem>>) src(%dma_wait3A_191 : memref<28672xf32, #tpu.memory_space<hbm>>) dst(%dma_wait3A_189 : memref<28672xf32, #tpu.memory_space<vmem>>)
      } else {
      }
      %rem3A_151 = arith.constant 2 : i32
      %rem3A_152 = arith.remsi %scan3A_142, %rem3A_151 : i32
      %mul3A_153 = arith.constant 28672 : i32
      %mul3A_154 = arith.muli %rem3A_152, %mul3A_153 : i32
      %scan3A_155 = arith.constant 0 : i32
      %scan3A_156 = arith.constant 14 : i32
      %scan3A_157 = arith.addi %scan3A_155, %scan3A_156 : i32
      %scan3A_158 = arith.constant 1 : i32
      %scan3A_159 = scf.for %scan3A_184 = %scan3A_155 to %scan3A_157 step %scan3A_158 iter_args(%scan3A_185 = %scan3A_143) -> (i32)  : i32 {
        %mul3A_186 = arith.constant 224 : i32
        %mul3A_187 = arith.muli %scan3A_142, %mul3A_186 : i32
        %mul3A_188 = arith.constant 16 : i32
        %mul3A_189 = arith.muli %scan3A_184, %mul3A_188 : i32
        %add3A_190 = arith.addi %mul3A_187, %mul3A_189 : i32
        %get3A_191 = arith.index_cast %add3A_190 : i32 to index
        %get3A_192 = tpu.vector_load %arg5[%get3A_191] {strides = array<i32>} : memref<3136xi32, #tpu.memory_space<vmem>>, vector<16xi32>,
        %get3A_193 = vector.shape_cast %get3A_192 : vector<16xi32> to vector<16xi32>
        %mul3A_194 = arith.constant 16 : i32
        %mul3A_195 = arith.muli %scan3A_184, %mul3A_194 : i32
        %mul3A_196 = arith.constant 128 : i32
        %mul3A_197 = arith.muli %mul3A_195, %mul3A_196 : i32
        %add3A_198 = arith.addi %mul3A_154, %mul3A_197 : i32
        %slice3A_199 = vector.extract_strided_slice %get3A_193 {offsets = [15], sizes = [1], strides = [1]} : vector<16xi32> to vector<1xi32>
        %squeeze3A_200 = vector.extract %slice3A_199[0] : i32 from vector<1xi32>
        %eq3A_201 = arith.cmpi eq, %squeeze3A_200, %scan3A_185 : i32
        %convert_element_type3A_202 = arith.extui %eq3A_201 : i1 to i32
        %cond3A_203 = arith.constant 0 : i32
        %cond3A_204 = arith.cmpi ne, %convert_element_type3A_202, %cond3A_203 : i32
        %cond3A_205 = scf.if %cond3A_204 -> (i32) {
          %get3A_206 = arith.constant 0 : index
          %get3A_207 = tpu.vector_load %arg8[%get3A_206] {strides = array<i32>} : memref<128xf32, #tpu.memory_space<vmem>>, vector<16xf32>,
          %get3A_208 = vector.shape_cast %get3A_207 : vector<16xf32> to vector<16xf32>
          %get3A_209 = arith.constant 16 : index
          %get3A_210 = tpu.vector_load %arg8[%get3A_209] {strides = array<i32>} : memref<128xf32, #tpu.memory_space<vmem>>, vector<16xf32>,
          %get3A_211 = vector.shape_cast %get3A_210 : vector<16xf32> to vector<16xf32>
          %get3A_212 = arith.constant 32 : index
          %get3A_213 = tpu.vector_load %arg8[%get3A_212] {strides = array<i32>} : memref<128xf32, #tpu.memory_space<vmem>>, vector<16xf32>,
          %get3A_214 = vector.shape_cast %get3A_213 : vector<16xf32> to vector<16xf32>
          %get3A_215 = arith.constant 48 : index
          %get3A_216 = tpu.vector_load %arg8[%get3A_215] {strides = array<i32>} : memref<128xf32, #tpu.memory_space<vmem>>, vector<16xf32>,
          %get3A_217 = vector.shape_cast %get3A_216 : vector<16xf32> to vector<16xf32>
          %get3A_218 = arith.constant 64 : index
          %get3A_219 = tpu.vector_load %arg8[%get3A_218] {strides = array<i32>} : memref<128xf32, #tpu.memory_space<vmem>>, vector<16xf32>,
          %get3A_220 = vector.shape_cast %get3A_219 : vector<16xf32> to vector<16xf32>
          %get3A_221 = arith.constant 80 : index
          %get3A_222 = tpu.vector_load %arg8[%get3A_221] {strides = array<i32>} : memref<128xf32, #tpu.memory_space<vmem>>, vector<16xf32>,
          %get3A_223 = vector.shape_cast %get3A_222 : vector<16xf32> to vector<16xf32>
          %get3A_224 = arith.constant 96 : index
          %get3A_225 = tpu.vector_load %arg8[%get3A_224] {strides = array<i32>} : memref<128xf32, #tpu.memory_space<vmem>>, vector<16xf32>,
          %get3A_226 = vector.shape_cast %get3A_225 : vector<16xf32> to vector<16xf32>
          %get3A_227 = arith.constant 112 : index
          %get3A_228 = tpu.vector_load %arg8[%get3A_227] {strides = array<i32>} : memref<128xf32, #tpu.memory_space<vmem>>, vector<16xf32>,
          %get3A_229 = vector.shape_cast %get3A_228 : vector<16xf32> to vector<16xf32>
          %add3A_230 = arith.constant 0 : i32
          %add3A_231 = arith.addi %add3A_198, %add3A_230 : i32
          %add3A_232 = arith.constant 0 : i32
          %add3A_233 = arith.addi %add3A_231, %add3A_232 : i32
          %get3A_234 = arith.index_cast %add3A_233 : i32 to index
          %get3A_235 = tpu.vector_load %arg6[%get3A_234] {strides = array<i32>} : memref<57344xf32, #tpu.memory_space<vmem>>, vector<16xf32>,
          %get3A_236 = vector.shape_cast %get3A_235 : vector<16xf32> to vector<16xf32>
          %max3A = arith.maximumf %get3A_208, %get3A_236 : vector<16xf32>
          %add3A_237 = arith.constant 16 : i32
          %add3A_238 = arith.addi %add3A_231, %add3A_237 : i32
          %get3A_239 = arith.index_cast %add3A_238 : i32 to index
          %get3A_240 = tpu.vector_load %arg6[%get3A_239] {strides = array<i32>} : memref<57344xf32, #tpu.memory_space<vmem>>, vector<16xf32>,
          %get3A_241 = vector.shape_cast %get3A_240 : vector<16xf32> to vector<16xf32>
          %max3A_242 = arith.maximumf %get3A_211, %get3A_241 : vector<16xf32>
          %add3A_243 = arith.constant 32 : i32
          %add3A_244 = arith.addi %add3A_231, %add3A_243 : i32
          %get3A_245 = arith.index_cast %add3A_244 : i32 to index
          %get3A_246 = tpu.vector_load %arg6[%get3A_245] {strides = array<i32>} : memref<57344xf32, #tpu.memory_space<vmem>>, vector<16xf32>,
          %get3A_247 = vector.shape_cast %get3A_246 : vector<16xf32> to vector<16xf32>
          %max3A_248 = arith.maximumf %get3A_214, %get3A_247 : vector<16xf32>
          %add3A_249 = arith.constant 48 : i32
          %add3A_250 = arith.addi %add3A_231, %add3A_249 : i32
          %get3A_251 = arith.index_cast %add3A_250 : i32 to index
          %get3A_252 = tpu.vector_load %arg6[%get3A_251] {strides = array<i32>} : memref<57344xf32, #tpu.memory_space<vmem>>, vector<16xf32>,
          %get3A_253 = vector.shape_cast %get3A_252 : vector<16xf32> to vector<16xf32>
          %max3A_254 = arith.maximumf %get3A_217, %get3A_253 : vector<16xf32>
          %add3A_255 = arith.constant 64 : i32
          %add3A_256 = arith.addi %add3A_231, %add3A_255 : i32
          %get3A_257 = arith.index_cast %add3A_256 : i32 to index
          %get3A_258 = tpu.vector_load %arg6[%get3A_257] {strides = array<i32>} : memref<57344xf32, #tpu.memory_space<vmem>>, vector<16xf32>,
          %get3A_259 = vector.shape_cast %get3A_258 : vector<16xf32> to vector<16xf32>
          %max3A_260 = arith.maximumf %get3A_220, %get3A_259 : vector<16xf32>
          %add3A_261 = arith.constant 80 : i32
          %add3A_262 = arith.addi %add3A_231, %add3A_261 : i32
          %get3A_263 = arith.index_cast %add3A_262 : i32 to index
          %get3A_264 = tpu.vector_load %arg6[%get3A_263] {strides = array<i32>} : memref<57344xf32, #tpu.memory_space<vmem>>, vector<16xf32>,
          %get3A_265 = vector.shape_cast %get3A_264 : vector<16xf32> to vector<16xf32>
          %max3A_266 = arith.maximumf %get3A_223, %get3A_265 : vector<16xf32>
          %add3A_267 = arith.constant 96 : i32
          %add3A_268 = arith.addi %add3A_231, %add3A_267 : i32
          %get3A_269 = arith.index_cast %add3A_268 : i32 to index
          %get3A_270 = tpu.vector_load %arg6[%get3A_269] {strides = array<i32>} : memref<57344xf32, #tpu.memory_space<vmem>>, vector<16xf32>,
          %get3A_271 = vector.shape_cast %get3A_270 : vector<16xf32> to vector<16xf32>
          %max3A_272 = arith.maximumf %get3A_226, %get3A_271 : vector<16xf32>
          %add3A_273 = arith.constant 112 : i32
          %add3A_274 = arith.addi %add3A_231, %add3A_273 : i32
          %get3A_275 = arith.index_cast %add3A_274 : i32 to index
          %get3A_276 = tpu.vector_load %arg6[%get3A_275] {strides = array<i32>} : memref<57344xf32, #tpu.memory_space<vmem>>, vector<16xf32>,
          %get3A_277 = vector.shape_cast %get3A_276 : vector<16xf32> to vector<16xf32>
          %max3A_278 = arith.maximumf %get3A_229, %get3A_277 : vector<16xf32>
          %add3A_279 = arith.constant 128 : i32
          %add3A_280 = arith.addi %add3A_198, %add3A_279 : i32
          %add3A_281 = arith.constant 0 : i32
          %add3A_282 = arith.addi %add3A_280, %add3A_281 : i32
          %get3A_283 = arith.index_cast %add3A_282 : i32 to index
          %get3A_284 = tpu.vector_load %arg6[%get3A_283] {strides = array<i32>} : memref<57344xf32, #tpu.memory_space<vmem>>, vector<16xf32>,
          %get3A_285 = vector.shape_cast %get3A_284 : vector<16xf32> to vector<16xf32>
          %max3A_286 = arith.maximumf %max3A, %get3A_285 : vector<16xf32>
          %add3A_287 = arith.constant 16 : i32
          %add3A_288 = arith.addi %add3A_280, %add3A_287 : i32
          %get3A_289 = arith.index_cast %add3A_288 : i32 to index
          %get3A_290 = tpu.vector_load %arg6[%get3A_289] {strides = array<i32>} : memref<57344xf32, #tpu.memory_space<vmem>>, vector<16xf32>,
          %get3A_291 = vector.shape_cast %get3A_290 : vector<16xf32> to vector<16xf32>
          %max3A_292 = arith.maximumf %max3A_242, %get3A_291 : vector<16xf32>
          %add3A_293 = arith.constant 32 : i32
          %add3A_294 = arith.addi %add3A_280, %add3A_293 : i32
          %get3A_295 = arith.index_cast %add3A_294 : i32 to index
          %get3A_296 = tpu.vector_load %arg6[%get3A_295] {strides = array<i32>} : memref<57344xf32, #tpu.memory_space<vmem>>, vector<16xf32>,
          %get3A_297 = vector.shape_cast %get3A_296 : vector<16xf32> to vector<16xf32>
          %max3A_298 = arith.maximumf %max3A_248, %get3A_297 : vector<16xf32>
          %add3A_299 = arith.constant 48 : i32
          %add3A_300 = arith.addi %add3A_280, %add3A_299 : i32
          %get3A_301 = arith.index_cast %add3A_300 : i32 to index
          %get3A_302 = tpu.vector_load %arg6[%get3A_301] {strides = array<i32>} : memref<57344xf32, #tpu.memory_space<vmem>>, vector<16xf32>,
          %get3A_303 = vector.shape_cast %get3A_302 : vector<16xf32> to vector<16xf32>
          %max3A_304 = arith.maximumf %max3A_254, %get3A_303 : vector<16xf32>
          %add3A_305 = arith.constant 64 : i32
          %add3A_306 = arith.addi %add3A_280, %add3A_305 : i32
          %get3A_307 = arith.index_cast %add3A_306 : i32 to index
          %get3A_308 = tpu.vector_load %arg6[%get3A_307] {strides = array<i32>} : memref<57344xf32, #tpu.memory_space<vmem>>, vector<16xf32>,
          %get3A_309 = vector.shape_cast %get3A_308 : vector<16xf32> to vector<16xf32>
          %max3A_310 = arith.maximumf %max3A_260, %get3A_309 : vector<16xf32>
          %add3A_311 = arith.constant 80 : i32
          %add3A_312 = arith.addi %add3A_280, %add3A_311 : i32
          %get3A_313 = arith.index_cast %add3A_312 : i32 to index
          %get3A_314 = tpu.vector_load %arg6[%get3A_313] {strides = array<i32>} : memref<57344xf32, #tpu.memory_space<vmem>>, vector<16xf32>,
          %get3A_315 = vector.shape_cast %get3A_314 : vector<16xf32> to vector<16xf32>
          %max3A_316 = arith.maximumf %max3A_266, %get3A_315 : vector<16xf32>
          %add3A_317 = arith.constant 96 : i32
          %add3A_318 = arith.addi %add3A_280, %add3A_317 : i32
          %get3A_319 = arith.index_cast %add3A_318 : i32 to index
          %get3A_320 = tpu.vector_load %arg6[%get3A_319] {strides = array<i32>} : memref<57344xf32, #tpu.memory_space<vmem>>, vector<16xf32>,
          %get3A_321 = vector.shape_cast %get3A_320 : vector<16xf32> to vector<16xf32>
          %max3A_322 = arith.maximumf %max3A_272, %get3A_321 : vector<16xf32>
          %add3A_323 = arith.constant 112 : i32
          %add3A_324 = arith.addi %add3A_280, %add3A_323 : i32
          %get3A_325 = arith.index_cast %add3A_324 : i32 to index
          %get3A_326 = tpu.vector_load %arg6[%get3A_325] {strides = array<i32>} : memref<57344xf32, #tpu.memory_space<vmem>>, vector<16xf32>,
          %get3A_327 = vector.shape_cast %get3A_326 : vector<16xf32> to vector<16xf32>
          %max3A_328 = arith.maximumf %max3A_278, %get3A_327 : vector<16xf32>
          %add3A_329 = arith.constant 256 : i32
          %add3A_330 = arith.addi %add3A_198, %add3A_329 : i32
          %add3A_331 = arith.constant 0 : i32
          %add3A_332 = arith.addi %add3A_330, %add3A_331 : i32
          %get3A_333 = arith.index_cast %add3A_332 : i32 to index
          %get3A_334 = tpu.vector_load %arg6[%get3A_333] {strides = array<i32>} : memref<57344xf32, #tpu.memory_space<vmem>>, vector<16xf32>,
          %get3A_335 = vector.shape_cast %get3A_334 : vector<16xf32> to vector<16xf32>
          %max3A_336 = arith.maximumf %max3A_286, %get3A_335 : vector<16xf32>
          %add3A_337 = arith.constant 16 : i32
          %add3A_338 = arith.addi %add3A_330, %add3A_337 : i32
          %get3A_339 = arith.index_cast %add3A_338 : i32 to index
          %get3A_340 = tpu.vector_load %arg6[%get3A_339] {strides = array<i32>} : memref<57344xf32, #tpu.memory_space<vmem>>, vector<16xf32>,
          %get3A_341 = vector.shape_cast %get3A_340 : vector<16xf32> to vector<16xf32>
          %max3A_342 = arith.maximumf %max3A_292, %get3A_341 : vector<16xf32>
          %add3A_343 = arith.constant 32 : i32
          %add3A_344 = arith.addi %add3A_330, %add3A_343 : i32
          %get3A_345 = arith.index_cast %add3A_344 : i32 to index
          %get3A_346 = tpu.vector_load %arg6[%get3A_345] {strides = array<i32>} : memref<57344xf32, #tpu.memory_space<vmem>>, vector<16xf32>,
          %get3A_347 = vector.shape_cast %get3A_346 : vector<16xf32> to vector<16xf32>
          %max3A_348 = arith.maximumf %max3A_298, %get3A_347 : vector<16xf32>
          %add3A_349 = arith.constant 48 : i32
          %add3A_350 = arith.addi %add3A_330, %add3A_349 : i32
          %get3A_351 = arith.index_cast %add3A_350 : i32 to index
          %get3A_352 = tpu.vector_load %arg6[%get3A_351] {strides = array<i32>} : memref<57344xf32, #tpu.memory_space<vmem>>, vector<16xf32>,
          %get3A_353 = vector.shape_cast %get3A_352 : vector<16xf32> to vector<16xf32>
          %max3A_354 = arith.maximumf %max3A_304, %get3A_353 : vector<16xf32>
          %add3A_355 = arith.constant 64 : i32
          %add3A_356 = arith.addi %add3A_330, %add3A_355 : i32
          %get3A_357 = arith.index_cast %add3A_356 : i32 to index
          %get3A_358 = tpu.vector_load %arg6[%get3A_357] {strides = array<i32>} : memref<57344xf32, #tpu.memory_space<vmem>>, vector<16xf32>,
          %get3A_359 = vector.shape_cast %get3A_358 : vector<16xf32> to vector<16xf32>
          %max3A_360 = arith.maximumf %max3A_310, %get3A_359 : vector<16xf32>
          %add3A_361 = arith.constant 80 : i32
          %add3A_362 = arith.addi %add3A_330, %add3A_361 : i32
          %get3A_363 = arith.index_cast %add3A_362 : i32 to index
          %get3A_364 = tpu.vector_load %arg6[%get3A_363] {strides = array<i32>} : memref<57344xf32, #tpu.memory_space<vmem>>, vector<16xf32>,
          %get3A_365 = vector.shape_cast %get3A_364 : vector<16xf32> to vector<16xf32>
          %max3A_366 = arith.maximumf %max3A_316, %get3A_365 : vector<16xf32>
          %add3A_367 = arith.constant 96 : i32
          %add3A_368 = arith.addi %add3A_330, %add3A_367 : i32
          %get3A_369 = arith.index_cast %add3A_368 : i32 to index
          %get3A_370 = tpu.vector_load %arg6[%get3A_369] {strides = array<i32>} : memref<57344xf32, #tpu.memory_space<vmem>>, vector<16xf32>,
          %get3A_371 = vector.shape_cast %get3A_370 : vector<16xf32> to vector<16xf32>
          %max3A_372 = arith.maximumf %max3A_322, %get3A_371 : vector<16xf32>
          %add3A_373 = arith.constant 112 : i32
          %add3A_374 = arith.addi %add3A_330, %add3A_373 : i32
          %get3A_375 = arith.index_cast %add3A_374 : i32 to index
          %get3A_376 = tpu.vector_load %arg6[%get3A_375] {strides = array<i32>} : memref<57344xf32, #tpu.memory_space<vmem>>, vector<16xf32>,
          %get3A_377 = vector.shape_cast %get3A_376 : vector<16xf32> to vector<16xf32>
          %max3A_378 = arith.maximumf %max3A_328, %get3A_377 : vector<16xf32>
          %add3A_379 = arith.constant 384 : i32
          %add3A_380 = arith.addi %add3A_198, %add3A_379 : i32
          %add3A_381 = arith.constant 0 : i32
          %add3A_382 = arith.addi %add3A_380, %add3A_381 : i32
          %get3A_383 = arith.index_cast %add3A_382 : i32 to index
          %get3A_384 = tpu.vector_load %arg6[%get3A_383] {strides = array<i32>} : memref<57344xf32, #tpu.memory_space<vmem>>, vector<16xf32>,
          %get3A_385 = vector.shape_cast %get3A_384 : vector<16xf32> to vector<16xf32>
          %max3A_386 = arith.maximumf %max3A_336, %get3A_385 : vector<16xf32>
          %add3A_387 = arith.constant 16 : i32
          %add3A_388 = arith.addi %add3A_380, %add3A_387 : i32
          %get3A_389 = arith.index_cast %add3A_388 : i32 to index
          %get3A_390 = tpu.vector_load %arg6[%get3A_389] {strides = array<i32>} : memref<57344xf32, #tpu.memory_space<vmem>>, vector<16xf32>,
          %get3A_391 = vector.shape_cast %get3A_390 : vector<16xf32> to vector<16xf32>
          %max3A_392 = arith.maximumf %max3A_342, %get3A_391 : vector<16xf32>
          %add3A_393 = arith.constant 32 : i32
          %add3A_394 = arith.addi %add3A_380, %add3A_393 : i32
          %get3A_395 = arith.index_cast %add3A_394 : i32 to index
          %get3A_396 = tpu.vector_load %arg6[%get3A_395] {strides = array<i32>} : memref<57344xf32, #tpu.memory_space<vmem>>, vector<16xf32>,
          %get3A_397 = vector.shape_cast %get3A_396 : vector<16xf32> to vector<16xf32>
          %max3A_398 = arith.maximumf %max3A_348, %get3A_397 : vector<16xf32>
          %add3A_399 = arith.constant 48 : i32
          %add3A_400 = arith.addi %add3A_380, %add3A_399 : i32
          %get3A_401 = arith.index_cast %add3A_400 : i32 to index
          %get3A_402 = tpu.vector_load %arg6[%get3A_401] {strides = array<i32>} : memref<57344xf32, #tpu.memory_space<vmem>>, vector<16xf32>,
          %get3A_403 = vector.shape_cast %get3A_402 : vector<16xf32> to vector<16xf32>
          %max3A_404 = arith.maximumf %max3A_354, %get3A_403 : vector<16xf32>
          %add3A_405 = arith.constant 64 : i32
          %add3A_406 = arith.addi %add3A_380, %add3A_405 : i32
          %get3A_407 = arith.index_cast %add3A_406 : i32 to index
          %get3A_408 = tpu.vector_load %arg6[%get3A_407] {strides = array<i32>} : memref<57344xf32, #tpu.memory_space<vmem>>, vector<16xf32>,
          %get3A_409 = vector.shape_cast %get3A_408 : vector<16xf32> to vector<16xf32>
          %max3A_410 = arith.maximumf %max3A_360, %get3A_409 : vector<16xf32>
          %add3A_411 = arith.constant 80 : i32
          %add3A_412 = arith.addi %add3A_380, %add3A_411 : i32
          %get3A_413 = arith.index_cast %add3A_412 : i32 to index
          %get3A_414 = tpu.vector_load %arg6[%get3A_413] {strides = array<i32>} : memref<57344xf32, #tpu.memory_space<vmem>>, vector<16xf32>,
          %get3A_415 = vector.shape_cast %get3A_414 : vector<16xf32> to vector<16xf32>
          %max3A_416 = arith.maximumf %max3A_366, %get3A_415 : vector<16xf32>
          %add3A_417 = arith.constant 96 : i32
          %add3A_418 = arith.addi %add3A_380, %add3A_417 : i32
          %get3A_419 = arith.index_cast %add3A_418 : i32 to index
          %get3A_420 = tpu.vector_load %arg6[%get3A_419] {strides = array<i32>} : memref<57344xf32, #tpu.memory_space<vmem>>, vector<16xf32>,
          %get3A_421 = vector.shape_cast %get3A_420 : vector<16xf32> to vector<16xf32>
          %max3A_422 = arith.maximumf %max3A_372, %get3A_421 : vector<16xf32>
          %add3A_423 = arith.constant 112 : i32
          %add3A_424 = arith.addi %add3A_380, %add3A_423 : i32
          %get3A_425 = arith.index_cast %add3A_424 : i32 to index
          %get3A_426 = tpu.vector_load %arg6[%get3A_425] {strides = array<i32>} : memref<57344xf32, #tpu.memory_space<vmem>>, vector<16xf32>,
          %get3A_427 = vector.shape_cast %get3A_426 : vector<16xf32> to vector<16xf32>
          %max3A_428 = arith.maximumf %max3A_378, %get3A_427 : vector<16xf32>
          %add3A_429 = arith.constant 512 : i32
          %add3A_430 = arith.addi %add3A_198, %add3A_429 : i32
          %add3A_431 = arith.constant 0 : i32
          %add3A_432 = arith.addi %add3A_430, %add3A_431 : i32
          %get3A_433 = arith.index_cast %add3A_432 : i32 to index
          %get3A_434 = tpu.vector_load %arg6[%get3A_433] {strides = array<i32>} : memref<57344xf32, #tpu.memory_space<vmem>>, vector<16xf32>,
          %get3A_435 = vector.shape_cast %get3A_434 : vector<16xf32> to vector<16xf32>
          %max3A_436 = arith.maximumf %max3A_386, %get3A_435 : vector<16xf32>
          %add3A_437 = arith.constant 16 : i32
          %add3A_438 = arith.addi %add3A_430, %add3A_437 : i32
          %get3A_439 = arith.index_cast %add3A_438 : i32 to index
          %get3A_440 = tpu.vector_load %arg6[%get3A_439] {strides = array<i32>} : memref<57344xf32, #tpu.memory_space<vmem>>, vector<16xf32>,
          %get3A_441 = vector.shape_cast %get3A_440 : vector<16xf32> to vector<16xf32>
          %max3A_442 = arith.maximumf %max3A_392, %get3A_441 : vector<16xf32>
          %add3A_443 = arith.constant 32 : i32
          %add3A_444 = arith.addi %add3A_430, %add3A_443 : i32
          %get3A_445 = arith.index_cast %add3A_444 : i32 to index
          %get3A_446 = tpu.vector_load %arg6[%get3A_445] {strides = array<i32>} : memref<57344xf32, #tpu.memory_space<vmem>>, vector<16xf32>,
          %get3A_447 = vector.shape_cast %get3A_446 : vector<16xf32> to vector<16xf32>
          %max3A_448 = arith.maximumf %max3A_398, %get3A_447 : vector<16xf32>
          %add3A_449 = arith.constant 48 : i32
          %add3A_450 = arith.addi %add3A_430, %add3A_449 : i32
          %get3A_451 = arith.index_cast %add3A_450 : i32 to index
          %get3A_452 = tpu.vector_load %arg6[%get3A_451] {strides = array<i32>} : memref<57344xf32, #tpu.memory_space<vmem>>, vector<16xf32>,
          %get3A_453 = vector.shape_cast %get3A_452 : vector<16xf32> to vector<16xf32>
          %max3A_454 = arith.maximumf %max3A_404, %get3A_453 : vector<16xf32>
          %add3A_455 = arith.constant 64 : i32
          %add3A_456 = arith.addi %add3A_430, %add3A_455 : i32
          %get3A_457 = arith.index_cast %add3A_456 : i32 to index
          %get3A_458 = tpu.vector_load %arg6[%get3A_457] {strides = array<i32>} : memref<57344xf32, #tpu.memory_space<vmem>>, vector<16xf32>,
          %get3A_459 = vector.shape_cast %get3A_458 : vector<16xf32> to vector<16xf32>
          %max3A_460 = arith.maximumf %max3A_410, %get3A_459 : vector<16xf32>
          %add3A_461 = arith.constant 80 : i32
          %add3A_462 = arith.addi %add3A_430, %add3A_461 : i32
          %get3A_463 = arith.index_cast %add3A_462 : i32 to index
          %get3A_464 = tpu.vector_load %arg6[%get3A_463] {strides = array<i32>} : memref<57344xf32, #tpu.memory_space<vmem>>, vector<16xf32>,
          %get3A_465 = vector.shape_cast %get3A_464 : vector<16xf32> to vector<16xf32>
          %max3A_466 = arith.maximumf %max3A_416, %get3A_465 : vector<16xf32>
          %add3A_467 = arith.constant 96 : i32
          %add3A_468 = arith.addi %add3A_430, %add3A_467 : i32
          %get3A_469 = arith.index_cast %add3A_468 : i32 to index
          %get3A_470 = tpu.vector_load %arg6[%get3A_469] {strides = array<i32>} : memref<57344xf32, #tpu.memory_space<vmem>>, vector<16xf32>,
          %get3A_471 = vector.shape_cast %get3A_470 : vector<16xf32> to vector<16xf32>
          %max3A_472 = arith.maximumf %max3A_422, %get3A_471 : vector<16xf32>
          %add3A_473 = arith.constant 112 : i32
          %add3A_474 = arith.addi %add3A_430, %add3A_473 : i32
          %get3A_475 = arith.index_cast %add3A_474 : i32 to index
          %get3A_476 = tpu.vector_load %arg6[%get3A_475] {strides = array<i32>} : memref<57344xf32, #tpu.memory_space<vmem>>, vector<16xf32>,
          %get3A_477 = vector.shape_cast %get3A_476 : vector<16xf32> to vector<16xf32>
          %max3A_478 = arith.maximumf %max3A_428, %get3A_477 : vector<16xf32>
          %add3A_479 = arith.constant 640 : i32
          %add3A_480 = arith.addi %add3A_198, %add3A_479 : i32
          %add3A_481 = arith.constant 0 : i32
          %add3A_482 = arith.addi %add3A_480, %add3A_481 : i32
          %get3A_483 = arith.index_cast %add3A_482 : i32 to index
          %get3A_484 = tpu.vector_load %arg6[%get3A_483] {strides = array<i32>} : memref<57344xf32, #tpu.memory_space<vmem>>, vector<16xf32>,
          %get3A_485 = vector.shape_cast %get3A_484 : vector<16xf32> to vector<16xf32>
          %max3A_486 = arith.maximumf %max3A_436, %get3A_485 : vector<16xf32>
          %add3A_487 = arith.constant 16 : i32
          %add3A_488 = arith.addi %add3A_480, %add3A_487 : i32
          %get3A_489 = arith.index_cast %add3A_488 : i32 to index
          %get3A_490 = tpu.vector_load %arg6[%get3A_489] {strides = array<i32>} : memref<57344xf32, #tpu.memory_space<vmem>>, vector<16xf32>,
          %get3A_491 = vector.shape_cast %get3A_490 : vector<16xf32> to vector<16xf32>
          %max3A_492 = arith.maximumf %max3A_442, %get3A_491 : vector<16xf32>
          %add3A_493 = arith.constant 32 : i32
          %add3A_494 = arith.addi %add3A_480, %add3A_493 : i32
          %get3A_495 = arith.index_cast %add3A_494 : i32 to index
          %get3A_496 = tpu.vector_load %arg6[%get3A_495] {strides = array<i32>} : memref<57344xf32, #tpu.memory_space<vmem>>, vector<16xf32>,
          %get3A_497 = vector.shape_cast %get3A_496 : vector<16xf32> to vector<16xf32>
          %max3A_498 = arith.maximumf %max3A_448, %get3A_497 : vector<16xf32>
          %add3A_499 = arith.constant 48 : i32
          %add3A_500 = arith.addi %add3A_480, %add3A_499 : i32
          %get3A_501 = arith.index_cast %add3A_500 : i32 to index
          %get3A_502 = tpu.vector_load %arg6[%get3A_501] {strides = array<i32>} : memref<57344xf32, #tpu.memory_space<vmem>>, vector<16xf32>,
          %get3A_503 = vector.shape_cast %get3A_502 : vector<16xf32> to vector<16xf32>
          %max3A_504 = arith.maximumf %max3A_454, %get3A_503 : vector<16xf32>
          %add3A_505 = arith.constant 64 : i32
          %add3A_506 = arith.addi %add3A_480, %add3A_505 : i32
          %get3A_507 = arith.index_cast %add3A_506 : i32 to index
          %get3A_508 = tpu.vector_load %arg6[%get3A_507] {strides = array<i32>} : memref<57344xf32, #tpu.memory_space<vmem>>, vector<16xf32>,
          %get3A_509 = vector.shape_cast %get3A_508 : vector<16xf32> to vector<16xf32>
          %max3A_510 = arith.maximumf %max3A_460, %get3A_509 : vector<16xf32>
          %add3A_511 = arith.constant 80 : i32
          %add3A_512 = arith.addi %add3A_480, %add3A_511 : i32
          %get3A_513 = arith.index_cast %add3A_512 : i32 to index
          %get3A_514 = tpu.vector_load %arg6[%get3A_513] {strides = array<i32>} : memref<57344xf32, #tpu.memory_space<vmem>>, vector<16xf32>,
          %get3A_515 = vector.shape_cast %get3A_514 : vector<16xf32> to vector<16xf32>
          %max3A_516 = arith.maximumf %max3A_466, %get3A_515 : vector<16xf32>
          %add3A_517 = arith.constant 96 : i32
          %add3A_518 = arith.addi %add3A_480, %add3A_517 : i32
          %get3A_519 = arith.index_cast %add3A_518 : i32 to index
          %get3A_520 = tpu.vector_load %arg6[%get3A_519] {strides = array<i32>} : memref<57344xf32, #tpu.memory_space<vmem>>, vector<16xf32>,
          %get3A_521 = vector.shape_cast %get3A_520 : vector<16xf32> to vector<16xf32>
          %max3A_522 = arith.maximumf %max3A_472, %get3A_521 : vector<16xf32>
          %add3A_523 = arith.constant 112 : i32
          %add3A_524 = arith.addi %add3A_480, %add3A_523 : i32
          %get3A_525 = arith.index_cast %add3A_524 : i32 to index
          %get3A_526 = tpu.vector_load %arg6[%get3A_525] {strides = array<i32>} : memref<57344xf32, #tpu.memory_space<vmem>>, vector<16xf32>,
          %get3A_527 = vector.shape_cast %get3A_526 : vector<16xf32> to vector<16xf32>
          %max3A_528 = arith.maximumf %max3A_478, %get3A_527 : vector<16xf32>
          %add3A_529 = arith.constant 768 : i32
          %add3A_530 = arith.addi %add3A_198, %add3A_529 : i32
          %add3A_531 = arith.constant 0 : i32
          %add3A_532 = arith.addi %add3A_530, %add3A_531 : i32
          %get3A_533 = arith.index_cast %add3A_532 : i32 to index
          %get3A_534 = tpu.vector_load %arg6[%get3A_533] {strides = array<i32>} : memref<57344xf32, #tpu.memory_space<vmem>>, vector<16xf32>,
          %get3A_535 = vector.shape_cast %get3A_534 : vector<16xf32> to vector<16xf32>
          %max3A_536 = arith.maximumf %max3A_486, %get3A_535 : vector<16xf32>
          %add3A_537 = arith.constant 16 : i32
          %add3A_538 = arith.addi %add3A_530, %add3A_537 : i32
          %get3A_539 = arith.index_cast %add3A_538 : i32 to index
          %get3A_540 = tpu.vector_load %arg6[%get3A_539] {strides = array<i32>} : memref<57344xf32, #tpu.memory_space<vmem>>, vector<16xf32>,
          %get3A_541 = vector.shape_cast %get3A_540 : vector<16xf32> to vector<16xf32>
          %max3A_542 = arith.maximumf %max3A_492, %get3A_541 : vector<16xf32>
          %add3A_543 = arith.constant 32 : i32
          %add3A_544 = arith.addi %add3A_530, %add3A_543 : i32
          %get3A_545 = arith.index_cast %add3A_544 : i32 to index
          %get3A_546 = tpu.vector_load %arg6[%get3A_545] {strides = array<i32>} : memref<57344xf32, #tpu.memory_space<vmem>>, vector<16xf32>,
          %get3A_547 = vector.shape_cast %get3A_546 : vector<16xf32> to vector<16xf32>
          %max3A_548 = arith.maximumf %max3A_498, %get3A_547 : vector<16xf32>
          %add3A_549 = arith.constant 48 : i32
          %add3A_550 = arith.addi %add3A_530, %add3A_549 : i32
          %get3A_551 = arith.index_cast %add3A_550 : i32 to index
          %get3A_552 = tpu.vector_load %arg6[%get3A_551] {strides = array<i32>} : memref<57344xf32, #tpu.memory_space<vmem>>, vector<16xf32>,
          %get3A_553 = vector.shape_cast %get3A_552 : vector<16xf32> to vector<16xf32>
          %max3A_554 = arith.maximumf %max3A_504, %get3A_553 : vector<16xf32>
          %add3A_555 = arith.constant 64 : i32
          %add3A_556 = arith.addi %add3A_530, %add3A_555 : i32
          %get3A_557 = arith.index_cast %add3A_556 : i32 to index
          %get3A_558 = tpu.vector_load %arg6[%get3A_557] {strides = array<i32>} : memref<57344xf32, #tpu.memory_space<vmem>>, vector<16xf32>,
          %get3A_559 = vector.shape_cast %get3A_558 : vector<16xf32> to vector<16xf32>
          %max3A_560 = arith.maximumf %max3A_510, %get3A_559 : vector<16xf32>
          %add3A_561 = arith.constant 80 : i32
          %add3A_562 = arith.addi %add3A_530, %add3A_561 : i32
          %get3A_563 = arith.index_cast %add3A_562 : i32 to index
          %get3A_564 = tpu.vector_load %arg6[%get3A_563] {strides = array<i32>} : memref<57344xf32, #tpu.memory_space<vmem>>, vector<16xf32>,
          %get3A_565 = vector.shape_cast %get3A_564 : vector<16xf32> to vector<16xf32>
          %max3A_566 = arith.maximumf %max3A_516, %get3A_565 : vector<16xf32>
          %add3A_567 = arith.constant 96 : i32
          %add3A_568 = arith.addi %add3A_530, %add3A_567 : i32
          %get3A_569 = arith.index_cast %add3A_568 : i32 to index
          %get3A_570 = tpu.vector_load %arg6[%get3A_569] {strides = array<i32>} : memref<57344xf32, #tpu.memory_space<vmem>>, vector<16xf32>,
          %get3A_571 = vector.shape_cast %get3A_570 : vector<16xf32> to vector<16xf32>
          %max3A_572 = arith.maximumf %max3A_522, %get3A_571 : vector<16xf32>
          %add3A_573 = arith.constant 112 : i32
          %add3A_574 = arith.addi %add3A_530, %add3A_573 : i32
          %get3A_575 = arith.index_cast %add3A_574 : i32 to index
          %get3A_576 = tpu.vector_load %arg6[%get3A_575] {strides = array<i32>} : memref<57344xf32, #tpu.memory_space<vmem>>, vector<16xf32>,
          %get3A_577 = vector.shape_cast %get3A_576 : vector<16xf32> to vector<16xf32>
          %max3A_578 = arith.maximumf %max3A_528, %get3A_577 : vector<16xf32>
          %add3A_579 = arith.constant 896 : i32
          %add3A_580 = arith.addi %add3A_198, %add3A_579 : i32
          %add3A_581 = arith.constant 0 : i32
          %add3A_582 = arith.addi %add3A_580, %add3A_581 : i32
          %get3A_583 = arith.index_cast %add3A_582 : i32 to index
          %get3A_584 = tpu.vector_load %arg6[%get3A_583] {strides = array<i32>} : memref<57344xf32, #tpu.memory_space<vmem>>, vector<16xf32>,
          %get3A_585 = vector.shape_cast %get3A_584 : vector<16xf32> to vector<16xf32>
          %max3A_586 = arith.maximumf %max3A_536, %get3A_585 : vector<16xf32>
          %add3A_587 = arith.constant 16 : i32
          %add3A_588 = arith.addi %add3A_580, %add3A_587 : i32
          %get3A_589 = arith.index_cast %add3A_588 : i32 to index
          %get3A_590 = tpu.vector_load %arg6[%get3A_589] {strides = array<i32>} : memref<57344xf32, #tpu.memory_space<vmem>>, vector<16xf32>,
          %get3A_591 = vector.shape_cast %get3A_590 : vector<16xf32> to vector<16xf32>
          %max3A_592 = arith.maximumf %max3A_542, %get3A_591 : vector<16xf32>
          %add3A_593 = arith.constant 32 : i32
          %add3A_594 = arith.addi %add3A_580, %add3A_593 : i32
          %get3A_595 = arith.index_cast %add3A_594 : i32 to index
          %get3A_596 = tpu.vector_load %arg6[%get3A_595] {strides = array<i32>} : memref<57344xf32, #tpu.memory_space<vmem>>, vector<16xf32>,
          %get3A_597 = vector.shape_cast %get3A_596 : vector<16xf32> to vector<16xf32>
          %max3A_598 = arith.maximumf %max3A_548, %get3A_597 : vector<16xf32>
          %add3A_599 = arith.constant 48 : i32
          %add3A_600 = arith.addi %add3A_580, %add3A_599 : i32
          %get3A_601 = arith.index_cast %add3A_600 : i32 to index
          %get3A_602 = tpu.vector_load %arg6[%get3A_601] {strides = array<i32>} : memref<57344xf32, #tpu.memory_space<vmem>>, vector<16xf32>,
          %get3A_603 = vector.shape_cast %get3A_602 : vector<16xf32> to vector<16xf32>
          %max3A_604 = arith.maximumf %max3A_554, %get3A_603 : vector<16xf32>
          %add3A_605 = arith.constant 64 : i32
          %add3A_606 = arith.addi %add3A_580, %add3A_605 : i32
          %get3A_607 = arith.index_cast %add3A_606 : i32 to index
          %get3A_608 = tpu.vector_load %arg6[%get3A_607] {strides = array<i32>} : memref<57344xf32, #tpu.memory_space<vmem>>, vector<16xf32>,
          %get3A_609 = vector.shape_cast %get3A_608 : vector<16xf32> to vector<16xf32>
          %max3A_610 = arith.maximumf %max3A_560, %get3A_609 : vector<16xf32>
          %add3A_611 = arith.constant 80 : i32
          %add3A_612 = arith.addi %add3A_580, %add3A_611 : i32
          %get3A_613 = arith.index_cast %add3A_612 : i32 to index
          %get3A_614 = tpu.vector_load %arg6[%get3A_613] {strides = array<i32>} : memref<57344xf32, #tpu.memory_space<vmem>>, vector<16xf32>,
          %get3A_615 = vector.shape_cast %get3A_614 : vector<16xf32> to vector<16xf32>
          %max3A_616 = arith.maximumf %max3A_566, %get3A_615 : vector<16xf32>
          %add3A_617 = arith.constant 96 : i32
          %add3A_618 = arith.addi %add3A_580, %add3A_617 : i32
          %get3A_619 = arith.index_cast %add3A_618 : i32 to index
          %get3A_620 = tpu.vector_load %arg6[%get3A_619] {strides = array<i32>} : memref<57344xf32, #tpu.memory_space<vmem>>, vector<16xf32>,
          %get3A_621 = vector.shape_cast %get3A_620 : vector<16xf32> to vector<16xf32>
          %max3A_622 = arith.maximumf %max3A_572, %get3A_621 : vector<16xf32>
          %add3A_623 = arith.constant 112 : i32
          %add3A_624 = arith.addi %add3A_580, %add3A_623 : i32
          %get3A_625 = arith.index_cast %add3A_624 : i32 to index
          %get3A_626 = tpu.vector_load %arg6[%get3A_625] {strides = array<i32>} : memref<57344xf32, #tpu.memory_space<vmem>>, vector<16xf32>,
          %get3A_627 = vector.shape_cast %get3A_626 : vector<16xf32> to vector<16xf32>
          %max3A_628 = arith.maximumf %max3A_578, %get3A_627 : vector<16xf32>
          %add3A_629 = arith.constant 1024 : i32
          %add3A_630 = arith.addi %add3A_198, %add3A_629 : i32
          %add3A_631 = arith.constant 0 : i32
          %add3A_632 = arith.addi %add3A_630, %add3A_631 : i32
          %get3A_633 = arith.index_cast %add3A_632 : i32 to index
          %get3A_634 = tpu.vector_load %arg6[%get3A_633] {strides = array<i32>} : memref<57344xf32, #tpu.memory_space<vmem>>, vector<16xf32>,
          %get3A_635 = vector.shape_cast %get3A_634 : vector<16xf32> to vector<16xf32>
          %max3A_636 = arith.maximumf %max3A_586, %get3A_635 : vector<16xf32>
          %add3A_637 = arith.constant 16 : i32
          %add3A_638 = arith.addi %add3A_630, %add3A_637 : i32
          %get3A_639 = arith.index_cast %add3A_638 : i32 to index
          %get3A_640 = tpu.vector_load %arg6[%get3A_639] {strides = array<i32>} : memref<57344xf32, #tpu.memory_space<vmem>>, vector<16xf32>,
          %get3A_641 = vector.shape_cast %get3A_640 : vector<16xf32> to vector<16xf32>
          %max3A_642 = arith.maximumf %max3A_592, %get3A_641 : vector<16xf32>
          %add3A_643 = arith.constant 32 : i32
          %add3A_644 = arith.addi %add3A_630, %add3A_643 : i32
          %get3A_645 = arith.index_cast %add3A_644 : i32 to index
          %get3A_646 = tpu.vector_load %arg6[%get3A_645] {strides = array<i32>} : memref<57344xf32, #tpu.memory_space<vmem>>, vector<16xf32>,
          %get3A_647 = vector.shape_cast %get3A_646 : vector<16xf32> to vector<16xf32>
          %max3A_648 = arith.maximumf %max3A_598, %get3A_647 : vector<16xf32>
          %add3A_649 = arith.constant 48 : i32
          %add3A_650 = arith.addi %add3A_630, %add3A_649 : i32
          %get3A_651 = arith.index_cast %add3A_650 : i32 to index
          %get3A_652 = tpu.vector_load %arg6[%get3A_651] {strides = array<i32>} : memref<57344xf32, #tpu.memory_space<vmem>>, vector<16xf32>,
          %get3A_653 = vector.shape_cast %get3A_652 : vector<16xf32> to vector<16xf32>
          %max3A_654 = arith.maximumf %max3A_604, %get3A_653 : vector<16xf32>
          %add3A_655 = arith.constant 64 : i32
          %add3A_656 = arith.addi %add3A_630, %add3A_655 : i32
          %get3A_657 = arith.index_cast %add3A_656 : i32 to index
          %get3A_658 = tpu.vector_load %arg6[%get3A_657] {strides = array<i32>} : memref<57344xf32, #tpu.memory_space<vmem>>, vector<16xf32>,
          %get3A_659 = vector.shape_cast %get3A_658 : vector<16xf32> to vector<16xf32>
          %max3A_660 = arith.maximumf %max3A_610, %get3A_659 : vector<16xf32>
          %add3A_661 = arith.constant 80 : i32
          %add3A_662 = arith.addi %add3A_630, %add3A_661 : i32
          %get3A_663 = arith.index_cast %add3A_662 : i32 to index
          %get3A_664 = tpu.vector_load %arg6[%get3A_663] {strides = array<i32>} : memref<57344xf32, #tpu.memory_space<vmem>>, vector<16xf32>,
          %get3A_665 = vector.shape_cast %get3A_664 : vector<16xf32> to vector<16xf32>
          %max3A_666 = arith.maximumf %max3A_616, %get3A_665 : vector<16xf32>
          %add3A_667 = arith.constant 96 : i32
          %add3A_668 = arith.addi %add3A_630, %add3A_667 : i32
          %get3A_669 = arith.index_cast %add3A_668 : i32 to index
          %get3A_670 = tpu.vector_load %arg6[%get3A_669] {strides = array<i32>} : memref<57344xf32, #tpu.memory_space<vmem>>, vector<16xf32>,
          %get3A_671 = vector.shape_cast %get3A_670 : vector<16xf32> to vector<16xf32>
          %max3A_672 = arith.maximumf %max3A_622, %get3A_671 : vector<16xf32>
          %add3A_673 = arith.constant 112 : i32
          %add3A_674 = arith.addi %add3A_630, %add3A_673 : i32
          %get3A_675 = arith.index_cast %add3A_674 : i32 to index
          %get3A_676 = tpu.vector_load %arg6[%get3A_675] {strides = array<i32>} : memref<57344xf32, #tpu.memory_space<vmem>>, vector<16xf32>,
          %get3A_677 = vector.shape_cast %get3A_676 : vector<16xf32> to vector<16xf32>
          %max3A_678 = arith.maximumf %max3A_628, %get3A_677 : vector<16xf32>
          %add3A_679 = arith.constant 1152 : i32
          %add3A_680 = arith.addi %add3A_198, %add3A_679 : i32
          %add3A_681 = arith.constant 0 : i32
          %add3A_682 = arith.addi %add3A_680, %add3A_681 : i32
          %get3A_683 = arith.index_cast %add3A_682 : i32 to index
          %get3A_684 = tpu.vector_load %arg6[%get3A_683] {strides = array<i32>} : memref<57344xf32, #tpu.memory_space<vmem>>, vector<16xf32>,
          %get3A_685 = vector.shape_cast %get3A_684 : vector<16xf32> to vector<16xf32>
          %max3A_686 = arith.maximumf %max3A_636, %get3A_685 : vector<16xf32>
          %add3A_687 = arith.constant 16 : i32
          %add3A_688 = arith.addi %add3A_680, %add3A_687 : i32
          %get3A_689 = arith.index_cast %add3A_688 : i32 to index
          %get3A_690 = tpu.vector_load %arg6[%get3A_689] {strides = array<i32>} : memref<57344xf32, #tpu.memory_space<vmem>>, vector<16xf32>,
          %get3A_691 = vector.shape_cast %get3A_690 : vector<16xf32> to vector<16xf32>
          %max3A_692 = arith.maximumf %max3A_642, %get3A_691 : vector<16xf32>
          %add3A_693 = arith.constant 32 : i32
          %add3A_694 = arith.addi %add3A_680, %add3A_693 : i32
          %get3A_695 = arith.index_cast %add3A_694 : i32 to index
          %get3A_696 = tpu.vector_load %arg6[%get3A_695] {strides = array<i32>} : memref<57344xf32, #tpu.memory_space<vmem>>, vector<16xf32>,
          %get3A_697 = vector.shape_cast %get3A_696 : vector<16xf32> to vector<16xf32>
          %max3A_698 = arith.maximumf %max3A_648, %get3A_697 : vector<16xf32>
          %add3A_699 = arith.constant 48 : i32
          %add3A_700 = arith.addi %add3A_680, %add3A_699 : i32
          %get3A_701 = arith.index_cast %add3A_700 : i32 to index
          %get3A_702 = tpu.vector_load %arg6[%get3A_701] {strides = array<i32>} : memref<57344xf32, #tpu.memory_space<vmem>>, vector<16xf32>,
          %get3A_703 = vector.shape_cast %get3A_702 : vector<16xf32> to vector<16xf32>
          %max3A_704 = arith.maximumf %max3A_654, %get3A_703 : vector<16xf32>
          %add3A_705 = arith.constant 64 : i32
          %add3A_706 = arith.addi %add3A_680, %add3A_705 : i32
          %get3A_707 = arith.index_cast %add3A_706 : i32 to index
          %get3A_708 = tpu.vector_load %arg6[%get3A_707] {strides = array<i32>} : memref<57344xf32, #tpu.memory_space<vmem>>, vector<16xf32>,
          %get3A_709 = vector.shape_cast %get3A_708 : vector<16xf32> to vector<16xf32>
          %max3A_710 = arith.maximumf %max3A_660, %get3A_709 : vector<16xf32>
          %add3A_711 = arith.constant 80 : i32
          %add3A_712 = arith.addi %add3A_680, %add3A_711 : i32
          %get3A_713 = arith.index_cast %add3A_712 : i32 to index
          %get3A_714 = tpu.vector_load %arg6[%get3A_713] {strides = array<i32>} : memref<57344xf32, #tpu.memory_space<vmem>>, vector<16xf32>,
          %get3A_715 = vector.shape_cast %get3A_714 : vector<16xf32> to vector<16xf32>
          %max3A_716 = arith.maximumf %max3A_666, %get3A_715 : vector<16xf32>
          %add3A_717 = arith.constant 96 : i32
          %add3A_718 = arith.addi %add3A_680, %add3A_717 : i32
          %get3A_719 = arith.index_cast %add3A_718 : i32 to index
          %get3A_720 = tpu.vector_load %arg6[%get3A_719] {strides = array<i32>} : memref<57344xf32, #tpu.memory_space<vmem>>, vector<16xf32>,
          %get3A_721 = vector.shape_cast %get3A_720 : vector<16xf32> to vector<16xf32>
          %max3A_722 = arith.maximumf %max3A_672, %get3A_721 : vector<16xf32>
          %add3A_723 = arith.constant 112 : i32
          %add3A_724 = arith.addi %add3A_680, %add3A_723 : i32
          %get3A_725 = arith.index_cast %add3A_724 : i32 to index
          %get3A_726 = tpu.vector_load %arg6[%get3A_725] {strides = array<i32>} : memref<57344xf32, #tpu.memory_space<vmem>>, vector<16xf32>,
          %get3A_727 = vector.shape_cast %get3A_726 : vector<16xf32> to vector<16xf32>
          %max3A_728 = arith.maximumf %max3A_678, %get3A_727 : vector<16xf32>
          %add3A_729 = arith.constant 1280 : i32
          %add3A_730 = arith.addi %add3A_198, %add3A_729 : i32
          %add3A_731 = arith.constant 0 : i32
          %add3A_732 = arith.addi %add3A_730, %add3A_731 : i32
          %get3A_733 = arith.index_cast %add3A_732 : i32 to index
          %get3A_734 = tpu.vector_load %arg6[%get3A_733] {strides = array<i32>} : memref<57344xf32, #tpu.memory_space<vmem>>, vector<16xf32>,
          %get3A_735 = vector.shape_cast %get3A_734 : vector<16xf32> to vector<16xf32>
          %max3A_736 = arith.maximumf %max3A_686, %get3A_735 : vector<16xf32>
          %add3A_737 = arith.constant 16 : i32
          %add3A_738 = arith.addi %add3A_730, %add3A_737 : i32
          %get3A_739 = arith.index_cast %add3A_738 : i32 to index
          %get3A_740 = tpu.vector_load %arg6[%get3A_739] {strides = array<i32>} : memref<57344xf32, #tpu.memory_space<vmem>>, vector<16xf32>,
          %get3A_741 = vector.shape_cast %get3A_740 : vector<16xf32> to vector<16xf32>
          %max3A_742 = arith.maximumf %max3A_692, %get3A_741 : vector<16xf32>
          %add3A_743 = arith.constant 32 : i32
          %add3A_744 = arith.addi %add3A_730, %add3A_743 : i32
          %get3A_745 = arith.index_cast %add3A_744 : i32 to index
          %get3A_746 = tpu.vector_load %arg6[%get3A_745] {strides = array<i32>} : memref<57344xf32, #tpu.memory_space<vmem>>, vector<16xf32>,
          %get3A_747 = vector.shape_cast %get3A_746 : vector<16xf32> to vector<16xf32>
          %max3A_748 = arith.maximumf %max3A_698, %get3A_747 : vector<16xf32>
          %add3A_749 = arith.constant 48 : i32
          %add3A_750 = arith.addi %add3A_730, %add3A_749 : i32
          %get3A_751 = arith.index_cast %add3A_750 : i32 to index
          %get3A_752 = tpu.vector_load %arg6[%get3A_751] {strides = array<i32>} : memref<57344xf32, #tpu.memory_space<vmem>>, vector<16xf32>,
          %get3A_753 = vector.shape_cast %get3A_752 : vector<16xf32> to vector<16xf32>
          %max3A_754 = arith.maximumf %max3A_704, %get3A_753 : vector<16xf32>
          %add3A_755 = arith.constant 64 : i32
          %add3A_756 = arith.addi %add3A_730, %add3A_755 : i32
          %get3A_757 = arith.index_cast %add3A_756 : i32 to index
          %get3A_758 = tpu.vector_load %arg6[%get3A_757] {strides = array<i32>} : memref<57344xf32, #tpu.memory_space<vmem>>, vector<16xf32>,
          %get3A_759 = vector.shape_cast %get3A_758 : vector<16xf32> to vector<16xf32>
          %max3A_760 = arith.maximumf %max3A_710, %get3A_759 : vector<16xf32>
          %add3A_761 = arith.constant 80 : i32
          %add3A_762 = arith.addi %add3A_730, %add3A_761 : i32
          %get3A_763 = arith.index_cast %add3A_762 : i32 to index
          %get3A_764 = tpu.vector_load %arg6[%get3A_763] {strides = array<i32>} : memref<57344xf32, #tpu.memory_space<vmem>>, vector<16xf32>,
          %get3A_765 = vector.shape_cast %get3A_764 : vector<16xf32> to vector<16xf32>
          %max3A_766 = arith.maximumf %max3A_716, %get3A_765 : vector<16xf32>
          %add3A_767 = arith.constant 96 : i32
          %add3A_768 = arith.addi %add3A_730, %add3A_767 : i32
          %get3A_769 = arith.index_cast %add3A_768 : i32 to index
          %get3A_770 = tpu.vector_load %arg6[%get3A_769] {strides = array<i32>} : memref<57344xf32, #tpu.memory_space<vmem>>, vector<16xf32>,
          %get3A_771 = vector.shape_cast %get3A_770 : vector<16xf32> to vector<16xf32>
          %max3A_772 = arith.maximumf %max3A_722, %get3A_771 : vector<16xf32>
          %add3A_773 = arith.constant 112 : i32
          %add3A_774 = arith.addi %add3A_730, %add3A_773 : i32
          %get3A_775 = arith.index_cast %add3A_774 : i32 to index
          %get3A_776 = tpu.vector_load %arg6[%get3A_775] {strides = array<i32>} : memref<57344xf32, #tpu.memory_space<vmem>>, vector<16xf32>,
          %get3A_777 = vector.shape_cast %get3A_776 : vector<16xf32> to vector<16xf32>
          %max3A_778 = arith.maximumf %max3A_728, %get3A_777 : vector<16xf32>
          %add3A_779 = arith.constant 1408 : i32
          %add3A_780 = arith.addi %add3A_198, %add3A_779 : i32
          %add3A_781 = arith.constant 0 : i32
          %add3A_782 = arith.addi %add3A_780, %add3A_781 : i32
          %get3A_783 = arith.index_cast %add3A_782 : i32 to index
          %get3A_784 = tpu.vector_load %arg6[%get3A_783] {strides = array<i32>} : memref<57344xf32, #tpu.memory_space<vmem>>, vector<16xf32>,
          %get3A_785 = vector.shape_cast %get3A_784 : vector<16xf32> to vector<16xf32>
          %max3A_786 = arith.maximumf %max3A_736, %get3A_785 : vector<16xf32>
          %add3A_787 = arith.constant 16 : i32
          %add3A_788 = arith.addi %add3A_780, %add3A_787 : i32
          %get3A_789 = arith.index_cast %add3A_788 : i32 to index
          %get3A_790 = tpu.vector_load %arg6[%get3A_789] {strides = array<i32>} : memref<57344xf32, #tpu.memory_space<vmem>>, vector<16xf32>,
          %get3A_791 = vector.shape_cast %get3A_790 : vector<16xf32> to vector<16xf32>
          %max3A_792 = arith.maximumf %max3A_742, %get3A_791 : vector<16xf32>
          %add3A_793 = arith.constant 32 : i32
          %add3A_794 = arith.addi %add3A_780, %add3A_793 : i32
          %get3A_795 = arith.index_cast %add3A_794 : i32 to index
          %get3A_796 = tpu.vector_load %arg6[%get3A_795] {strides = array<i32>} : memref<57344xf32, #tpu.memory_space<vmem>>, vector<16xf32>,
          %get3A_797 = vector.shape_cast %get3A_796 : vector<16xf32> to vector<16xf32>
          %max3A_798 = arith.maximumf %max3A_748, %get3A_797 : vector<16xf32>
          %add3A_799 = arith.constant 48 : i32
          %add3A_800 = arith.addi %add3A_780, %add3A_799 : i32
          %get3A_801 = arith.index_cast %add3A_800 : i32 to index
          %get3A_802 = tpu.vector_load %arg6[%get3A_801] {strides = array<i32>} : memref<57344xf32, #tpu.memory_space<vmem>>, vector<16xf32>,
          %get3A_803 = vector.shape_cast %get3A_802 : vector<16xf32> to vector<16xf32>
          %max3A_804 = arith.maximumf %max3A_754, %get3A_803 : vector<16xf32>
          %add3A_805 = arith.constant 64 : i32
          %add3A_806 = arith.addi %add3A_780, %add3A_805 : i32
          %get3A_807 = arith.index_cast %add3A_806 : i32 to index
          %get3A_808 = tpu.vector_load %arg6[%get3A_807] {strides = array<i32>} : memref<57344xf32, #tpu.memory_space<vmem>>, vector<16xf32>,
          %get3A_809 = vector.shape_cast %get3A_808 : vector<16xf32> to vector<16xf32>
          %max3A_810 = arith.maximumf %max3A_760, %get3A_809 : vector<16xf32>
          %add3A_811 = arith.constant 80 : i32
          %add3A_812 = arith.addi %add3A_780, %add3A_811 : i32
          %get3A_813 = arith.index_cast %add3A_812 : i32 to index
          %get3A_814 = tpu.vector_load %arg6[%get3A_813] {strides = array<i32>} : memref<57344xf32, #tpu.memory_space<vmem>>, vector<16xf32>,
          %get3A_815 = vector.shape_cast %get3A_814 : vector<16xf32> to vector<16xf32>
          %max3A_816 = arith.maximumf %max3A_766, %get3A_815 : vector<16xf32>
          %add3A_817 = arith.constant 96 : i32
          %add3A_818 = arith.addi %add3A_780, %add3A_817 : i32
          %get3A_819 = arith.index_cast %add3A_818 : i32 to index
          %get3A_820 = tpu.vector_load %arg6[%get3A_819] {strides = array<i32>} : memref<57344xf32, #tpu.memory_space<vmem>>, vector<16xf32>,
          %get3A_821 = vector.shape_cast %get3A_820 : vector<16xf32> to vector<16xf32>
          %max3A_822 = arith.maximumf %max3A_772, %get3A_821 : vector<16xf32>
          %add3A_823 = arith.constant 112 : i32
          %add3A_824 = arith.addi %add3A_780, %add3A_823 : i32
          %get3A_825 = arith.index_cast %add3A_824 : i32 to index
          %get3A_826 = tpu.vector_load %arg6[%get3A_825] {strides = array<i32>} : memref<57344xf32, #tpu.memory_space<vmem>>, vector<16xf32>,
          %get3A_827 = vector.shape_cast %get3A_826 : vector<16xf32> to vector<16xf32>
          %max3A_828 = arith.maximumf %max3A_778, %get3A_827 : vector<16xf32>
          %add3A_829 = arith.constant 1536 : i32
          %add3A_830 = arith.addi %add3A_198, %add3A_829 : i32
          %add3A_831 = arith.constant 0 : i32
          %add3A_832 = arith.addi %add3A_830, %add3A_831 : i32
          %get3A_833 = arith.index_cast %add3A_832 : i32 to index
          %get3A_834 = tpu.vector_load %arg6[%get3A_833] {strides = array<i32>} : memref<57344xf32, #tpu.memory_space<vmem>>, vector<16xf32>,
          %get3A_835 = vector.shape_cast %get3A_834 : vector<16xf32> to vector<16xf32>
          %max3A_836 = arith.maximumf %max3A_786, %get3A_835 : vector<16xf32>
          %add3A_837 = arith.constant 16 : i32
          %add3A_838 = arith.addi %add3A_830, %add3A_837 : i32
          %get3A_839 = arith.index_cast %add3A_838 : i32 to index
          %get3A_840 = tpu.vector_load %arg6[%get3A_839] {strides = array<i32>} : memref<57344xf32, #tpu.memory_space<vmem>>, vector<16xf32>,
          %get3A_841 = vector.shape_cast %get3A_840 : vector<16xf32> to vector<16xf32>
          %max3A_842 = arith.maximumf %max3A_792, %get3A_841 : vector<16xf32>
          %add3A_843 = arith.constant 32 : i32
          %add3A_844 = arith.addi %add3A_830, %add3A_843 : i32
          %get3A_845 = arith.index_cast %add3A_844 : i32 to index
          %get3A_846 = tpu.vector_load %arg6[%get3A_845] {strides = array<i32>} : memref<57344xf32, #tpu.memory_space<vmem>>, vector<16xf32>,
          %get3A_847 = vector.shape_cast %get3A_846 : vector<16xf32> to vector<16xf32>
          %max3A_848 = arith.maximumf %max3A_798, %get3A_847 : vector<16xf32>
          %add3A_849 = arith.constant 48 : i32
          %add3A_850 = arith.addi %add3A_830, %add3A_849 : i32
          %get3A_851 = arith.index_cast %add3A_850 : i32 to index
          %get3A_852 = tpu.vector_load %arg6[%get3A_851] {strides = array<i32>} : memref<57344xf32, #tpu.memory_space<vmem>>, vector<16xf32>,
          %get3A_853 = vector.shape_cast %get3A_852 : vector<16xf32> to vector<16xf32>
          %max3A_854 = arith.maximumf %max3A_804, %get3A_853 : vector<16xf32>
          %add3A_855 = arith.constant 64 : i32
          %add3A_856 = arith.addi %add3A_830, %add3A_855 : i32
          %get3A_857 = arith.index_cast %add3A_856 : i32 to index
          %get3A_858 = tpu.vector_load %arg6[%get3A_857] {strides = array<i32>} : memref<57344xf32, #tpu.memory_space<vmem>>, vector<16xf32>,
          %get3A_859 = vector.shape_cast %get3A_858 : vector<16xf32> to vector<16xf32>
          %max3A_860 = arith.maximumf %max3A_810, %get3A_859 : vector<16xf32>
          %add3A_861 = arith.constant 80 : i32
          %add3A_862 = arith.addi %add3A_830, %add3A_861 : i32
          %get3A_863 = arith.index_cast %add3A_862 : i32 to index
          %get3A_864 = tpu.vector_load %arg6[%get3A_863] {strides = array<i32>} : memref<57344xf32, #tpu.memory_space<vmem>>, vector<16xf32>,
          %get3A_865 = vector.shape_cast %get3A_864 : vector<16xf32> to vector<16xf32>
          %max3A_866 = arith.maximumf %max3A_816, %get3A_865 : vector<16xf32>
          %add3A_867 = arith.constant 96 : i32
          %add3A_868 = arith.addi %add3A_830, %add3A_867 : i32
          %get3A_869 = arith.index_cast %add3A_868 : i32 to index
          %get3A_870 = tpu.vector_load %arg6[%get3A_869] {strides = array<i32>} : memref<57344xf32, #tpu.memory_space<vmem>>, vector<16xf32>,
          %get3A_871 = vector.shape_cast %get3A_870 : vector<16xf32> to vector<16xf32>
          %max3A_872 = arith.maximumf %max3A_822, %get3A_871 : vector<16xf32>
          %add3A_873 = arith.constant 112 : i32
          %add3A_874 = arith.addi %add3A_830, %add3A_873 : i32
          %get3A_875 = arith.index_cast %add3A_874 : i32 to index
          %get3A_876 = tpu.vector_load %arg6[%get3A_875] {strides = array<i32>} : memref<57344xf32, #tpu.memory_space<vmem>>, vector<16xf32>,
          %get3A_877 = vector.shape_cast %get3A_876 : vector<16xf32> to vector<16xf32>
          %max3A_878 = arith.maximumf %max3A_828, %get3A_877 : vector<16xf32>
          %add3A_879 = arith.constant 1664 : i32
          %add3A_880 = arith.addi %add3A_198, %add3A_879 : i32
          %add3A_881 = arith.constant 0 : i32
          %add3A_882 = arith.addi %add3A_880, %add3A_881 : i32
          %get3A_883 = arith.index_cast %add3A_882 : i32 to index
          %get3A_884 = tpu.vector_load %arg6[%get3A_883] {strides = array<i32>} : memref<57344xf32, #tpu.memory_space<vmem>>, vector<16xf32>,
          %get3A_885 = vector.shape_cast %get3A_884 : vector<16xf32> to vector<16xf32>
          %max3A_886 = arith.maximumf %max3A_836, %get3A_885 : vector<16xf32>
          %add3A_887 = arith.constant 16 : i32
          %add3A_888 = arith.addi %add3A_880, %add3A_887 : i32
          %get3A_889 = arith.index_cast %add3A_888 : i32 to index
          %get3A_890 = tpu.vector_load %arg6[%get3A_889] {strides = array<i32>} : memref<57344xf32, #tpu.memory_space<vmem>>, vector<16xf32>,
          %get3A_891 = vector.shape_cast %get3A_890 : vector<16xf32> to vector<16xf32>
          %max3A_892 = arith.maximumf %max3A_842, %get3A_891 : vector<16xf32>
          %add3A_893 = arith.constant 32 : i32
          %add3A_894 = arith.addi %add3A_880, %add3A_893 : i32
          %get3A_895 = arith.index_cast %add3A_894 : i32 to index
          %get3A_896 = tpu.vector_load %arg6[%get3A_895] {strides = array<i32>} : memref<57344xf32, #tpu.memory_space<vmem>>, vector<16xf32>,
          %get3A_897 = vector.shape_cast %get3A_896 : vector<16xf32> to vector<16xf32>
          %max3A_898 = arith.maximumf %max3A_848, %get3A_897 : vector<16xf32>
          %add3A_899 = arith.constant 48 : i32
          %add3A_900 = arith.addi %add3A_880, %add3A_899 : i32
          %get3A_901 = arith.index_cast %add3A_900 : i32 to index
          %get3A_902 = tpu.vector_load %arg6[%get3A_901] {strides = array<i32>} : memref<57344xf32, #tpu.memory_space<vmem>>, vector<16xf32>,
          %get3A_903 = vector.shape_cast %get3A_902 : vector<16xf32> to vector<16xf32>
          %max3A_904 = arith.maximumf %max3A_854, %get3A_903 : vector<16xf32>
          %add3A_905 = arith.constant 64 : i32
          %add3A_906 = arith.addi %add3A_880, %add3A_905 : i32
          %get3A_907 = arith.index_cast %add3A_906 : i32 to index
          %get3A_908 = tpu.vector_load %arg6[%get3A_907] {strides = array<i32>} : memref<57344xf32, #tpu.memory_space<vmem>>, vector<16xf32>,
          %get3A_909 = vector.shape_cast %get3A_908 : vector<16xf32> to vector<16xf32>
          %max3A_910 = arith.maximumf %max3A_860, %get3A_909 : vector<16xf32>
          %add3A_911 = arith.constant 80 : i32
          %add3A_912 = arith.addi %add3A_880, %add3A_911 : i32
          %get3A_913 = arith.index_cast %add3A_912 : i32 to index
          %get3A_914 = tpu.vector_load %arg6[%get3A_913] {strides = array<i32>} : memref<57344xf32, #tpu.memory_space<vmem>>, vector<16xf32>,
          %get3A_915 = vector.shape_cast %get3A_914 : vector<16xf32> to vector<16xf32>
          %max3A_916 = arith.maximumf %max3A_866, %get3A_915 : vector<16xf32>
          %add3A_917 = arith.constant 96 : i32
          %add3A_918 = arith.addi %add3A_880, %add3A_917 : i32
          %get3A_919 = arith.index_cast %add3A_918 : i32 to index
          %get3A_920 = tpu.vector_load %arg6[%get3A_919] {strides = array<i32>} : memref<57344xf32, #tpu.memory_space<vmem>>, vector<16xf32>,
          %get3A_921 = vector.shape_cast %get3A_920 : vector<16xf32> to vector<16xf32>
          %max3A_922 = arith.maximumf %max3A_872, %get3A_921 : vector<16xf32>
          %add3A_923 = arith.constant 112 : i32
          %add3A_924 = arith.addi %add3A_880, %add3A_923 : i32
          %get3A_925 = arith.index_cast %add3A_924 : i32 to index
          %get3A_926 = tpu.vector_load %arg6[%get3A_925] {strides = array<i32>} : memref<57344xf32, #tpu.memory_space<vmem>>, vector<16xf32>,
          %get3A_927 = vector.shape_cast %get3A_926 : vector<16xf32> to vector<16xf32>
          %max3A_928 = arith.maximumf %max3A_878, %get3A_927 : vector<16xf32>
          %add3A_929 = arith.constant 1792 : i32
          %add3A_930 = arith.addi %add3A_198, %add3A_929 : i32
          %add3A_931 = arith.constant 0 : i32
          %add3A_932 = arith.addi %add3A_930, %add3A_931 : i32
          %get3A_933 = arith.index_cast %add3A_932 : i32 to index
          %get3A_934 = tpu.vector_load %arg6[%get3A_933] {strides = array<i32>} : memref<57344xf32, #tpu.memory_space<vmem>>, vector<16xf32>,
          %get3A_935 = vector.shape_cast %get3A_934 : vector<16xf32> to vector<16xf32>
          %max3A_936 = arith.maximumf %max3A_886, %get3A_935 : vector<16xf32>
          %add3A_937 = arith.constant 16 : i32
          %add3A_938 = arith.addi %add3A_930, %add3A_937 : i32
          %get3A_939 = arith.index_cast %add3A_938 : i32 to index
          %get3A_940 = tpu.vector_load %arg6[%get3A_939] {strides = array<i32>} : memref<57344xf32, #tpu.memory_space<vmem>>, vector<16xf32>,
          %get3A_941 = vector.shape_cast %get3A_940 : vector<16xf32> to vector<16xf32>
          %max3A_942 = arith.maximumf %max3A_892, %get3A_941 : vector<16xf32>
          %add3A_943 = arith.constant 32 : i32
          %add3A_944 = arith.addi %add3A_930, %add3A_943 : i32
          %get3A_945 = arith.index_cast %add3A_944 : i32 to index
          %get3A_946 = tpu.vector_load %arg6[%get3A_945] {strides = array<i32>} : memref<57344xf32, #tpu.memory_space<vmem>>, vector<16xf32>,
          %get3A_947 = vector.shape_cast %get3A_946 : vector<16xf32> to vector<16xf32>
          %max3A_948 = arith.maximumf %max3A_898, %get3A_947 : vector<16xf32>
          %add3A_949 = arith.constant 48 : i32
          %add3A_950 = arith.addi %add3A_930, %add3A_949 : i32
          %get3A_951 = arith.index_cast %add3A_950 : i32 to index
          %get3A_952 = tpu.vector_load %arg6[%get3A_951] {strides = array<i32>} : memref<57344xf32, #tpu.memory_space<vmem>>, vector<16xf32>,
          %get3A_953 = vector.shape_cast %get3A_952 : vector<16xf32> to vector<16xf32>
          %max3A_954 = arith.maximumf %max3A_904, %get3A_953 : vector<16xf32>
          %add3A_955 = arith.constant 64 : i32
          %add3A_956 = arith.addi %add3A_930, %add3A_955 : i32
          %get3A_957 = arith.index_cast %add3A_956 : i32 to index
          %get3A_958 = tpu.vector_load %arg6[%get3A_957] {strides = array<i32>} : memref<57344xf32, #tpu.memory_space<vmem>>, vector<16xf32>,
          %get3A_959 = vector.shape_cast %get3A_958 : vector<16xf32> to vector<16xf32>
          %max3A_960 = arith.maximumf %max3A_910, %get3A_959 : vector<16xf32>
          %add3A_961 = arith.constant 80 : i32
          %add3A_962 = arith.addi %add3A_930, %add3A_961 : i32
          %get3A_963 = arith.index_cast %add3A_962 : i32 to index
          %get3A_964 = tpu.vector_load %arg6[%get3A_963] {strides = array<i32>} : memref<57344xf32, #tpu.memory_space<vmem>>, vector<16xf32>,
          %get3A_965 = vector.shape_cast %get3A_964 : vector<16xf32> to vector<16xf32>
          %max3A_966 = arith.maximumf %max3A_916, %get3A_965 : vector<16xf32>
          %add3A_967 = arith.constant 96 : i32
          %add3A_968 = arith.addi %add3A_930, %add3A_967 : i32
          %get3A_969 = arith.index_cast %add3A_968 : i32 to index
          %get3A_970 = tpu.vector_load %arg6[%get3A_969] {strides = array<i32>} : memref<57344xf32, #tpu.memory_space<vmem>>, vector<16xf32>,
          %get3A_971 = vector.shape_cast %get3A_970 : vector<16xf32> to vector<16xf32>
          %max3A_972 = arith.maximumf %max3A_922, %get3A_971 : vector<16xf32>
          %add3A_973 = arith.constant 112 : i32
          %add3A_974 = arith.addi %add3A_930, %add3A_973 : i32
          %get3A_975 = arith.index_cast %add3A_974 : i32 to index
          %get3A_976 = tpu.vector_load %arg6[%get3A_975] {strides = array<i32>} : memref<57344xf32, #tpu.memory_space<vmem>>, vector<16xf32>,
          %get3A_977 = vector.shape_cast %get3A_976 : vector<16xf32> to vector<16xf32>
          %max3A_978 = arith.maximumf %max3A_928, %get3A_977 : vector<16xf32>
          %add3A_979 = arith.constant 1920 : i32
          %add3A_980 = arith.addi %add3A_198, %add3A_979 : i32
          %add3A_981 = arith.constant 0 : i32
          %add3A_982 = arith.addi %add3A_980, %add3A_981 : i32
          %get3A_983 = arith.index_cast %add3A_982 : i32 to index
          %get3A_984 = tpu.vector_load %arg6[%get3A_983] {strides = array<i32>} : memref<57344xf32, #tpu.memory_space<vmem>>, vector<16xf32>,
          %get3A_985 = vector.shape_cast %get3A_984 : vector<16xf32> to vector<16xf32>
          %max3A_986 = arith.maximumf %max3A_936, %get3A_985 : vector<16xf32>
          %add3A_987 = arith.constant 16 : i32
          %add3A_988 = arith.addi %add3A_980, %add3A_987 : i32
          %get3A_989 = arith.index_cast %add3A_988 : i32 to index
          %get3A_990 = tpu.vector_load %arg6[%get3A_989] {strides = array<i32>} : memref<57344xf32, #tpu.memory_space<vmem>>, vector<16xf32>,
          %get3A_991 = vector.shape_cast %get3A_990 : vector<16xf32> to vector<16xf32>
          %max3A_992 = arith.maximumf %max3A_942, %get3A_991 : vector<16xf32>
          %add3A_993 = arith.constant 32 : i32
          %add3A_994 = arith.addi %add3A_980, %add3A_993 : i32
          %get3A_995 = arith.index_cast %add3A_994 : i32 to index
          %get3A_996 = tpu.vector_load %arg6[%get3A_995] {strides = array<i32>} : memref<57344xf32, #tpu.memory_space<vmem>>, vector<16xf32>,
          %get3A_997 = vector.shape_cast %get3A_996 : vector<16xf32> to vector<16xf32>
          %max3A_998 = arith.maximumf %max3A_948, %get3A_997 : vector<16xf32>
          %add3A_999 = arith.constant 48 : i32
          %add3A_1000 = arith.addi %add3A_980, %add3A_999 : i32
          %get3A_1001 = arith.index_cast %add3A_1000 : i32 to index
          %get3A_1002 = tpu.vector_load %arg6[%get3A_1001] {strides = array<i32>} : memref<57344xf32, #tpu.memory_space<vmem>>, vector<16xf32>,
          %get3A_1003 = vector.shape_cast %get3A_1002 : vector<16xf32> to vector<16xf32>
          %max3A_1004 = arith.maximumf %max3A_954, %get3A_1003 : vector<16xf32>
          %add3A_1005 = arith.constant 64 : i32
          %add3A_1006 = arith.addi %add3A_980, %add3A_1005 : i32
          %get3A_1007 = arith.index_cast %add3A_1006 : i32 to index
          %get3A_1008 = tpu.vector_load %arg6[%get3A_1007] {strides = array<i32>} : memref<57344xf32, #tpu.memory_space<vmem>>, vector<16xf32>,
          %get3A_1009 = vector.shape_cast %get3A_1008 : vector<16xf32> to vector<16xf32>
          %max3A_1010 = arith.maximumf %max3A_960, %get3A_1009 : vector<16xf32>
          %add3A_1011 = arith.constant 80 : i32
          %add3A_1012 = arith.addi %add3A_980, %add3A_1011 : i32
          %get3A_1013 = arith.index_cast %add3A_1012 : i32 to index
          %get3A_1014 = tpu.vector_load %arg6[%get3A_1013] {strides = array<i32>} : memref<57344xf32, #tpu.memory_space<vmem>>, vector<16xf32>,
          %get3A_1015 = vector.shape_cast %get3A_1014 : vector<16xf32> to vector<16xf32>
          %max3A_1016 = arith.maximumf %max3A_966, %get3A_1015 : vector<16xf32>
          %add3A_1017 = arith.constant 96 : i32
          %add3A_1018 = arith.addi %add3A_980, %add3A_1017 : i32
          %get3A_1019 = arith.index_cast %add3A_1018 : i32 to index
          %get3A_1020 = tpu.vector_load %arg6[%get3A_1019] {strides = array<i32>} : memref<57344xf32, #tpu.memory_space<vmem>>, vector<16xf32>,
          %get3A_1021 = vector.shape_cast %get3A_1020 : vector<16xf32> to vector<16xf32>
          %max3A_1022 = arith.maximumf %max3A_972, %get3A_1021 : vector<16xf32>
          %add3A_1023 = arith.constant 112 : i32
          %add3A_1024 = arith.addi %add3A_980, %add3A_1023 : i32
          %get3A_1025 = arith.index_cast %add3A_1024 : i32 to index
          %get3A_1026 = tpu.vector_load %arg6[%get3A_1025] {strides = array<i32>} : memref<57344xf32, #tpu.memory_space<vmem>>, vector<16xf32>,
          %get3A_1027 = vector.shape_cast %get3A_1026 : vector<16xf32> to vector<16xf32>
          %max3A_1028 = arith.maximumf %max3A_978, %get3A_1027 : vector<16xf32>
          %swap3A_1029 = arith.constant 0 : index
          %swap3A_1030 = tpu.vector_load %arg8[%swap3A_1029] {strides = array<i32>} : memref<128xf32, #tpu.memory_space<vmem>>, vector<16xf32>,
          %swap3A_1031 = vector.shape_cast %swap3A_1030 : vector<16xf32> to vector<16xf32>
          %swap3A_1032 = vector.shape_cast %max3A_986 : vector<16xf32> to vector<16xf32>
          tpu.vector_store %arg8[%swap3A_1029], %swap3A_1032 {strides = array<i32>} : memref<128xf32, #tpu.memory_space<vmem>>, vector<16xf32>,
          %swap3A_1033 = arith.constant 16 : index
          %swap3A_1034 = tpu.vector_load %arg8[%swap3A_1033] {strides = array<i32>} : memref<128xf32, #tpu.memory_space<vmem>>, vector<16xf32>,
          %swap3A_1035 = vector.shape_cast %swap3A_1034 : vector<16xf32> to vector<16xf32>
          %swap3A_1036 = vector.shape_cast %max3A_992 : vector<16xf32> to vector<16xf32>
          tpu.vector_store %arg8[%swap3A_1033], %swap3A_1036 {strides = array<i32>} : memref<128xf32, #tpu.memory_space<vmem>>, vector<16xf32>,
          %swap3A_1037 = arith.constant 32 : index
          %swap3A_1038 = tpu.vector_load %arg8[%swap3A_1037] {strides = array<i32>} : memref<128xf32, #tpu.memory_space<vmem>>, vector<16xf32>,
          %swap3A_1039 = vector.shape_cast %swap3A_1038 : vector<16xf32> to vector<16xf32>
          %swap3A_1040 = vector.shape_cast %max3A_998 : vector<16xf32> to vector<16xf32>
          tpu.vector_store %arg8[%swap3A_1037], %swap3A_1040 {strides = array<i32>} : memref<128xf32, #tpu.memory_space<vmem>>, vector<16xf32>,
          %swap3A_1041 = arith.constant 48 : index
          %swap3A_1042 = tpu.vector_load %arg8[%swap3A_1041] {strides = array<i32>} : memref<128xf32, #tpu.memory_space<vmem>>, vector<16xf32>,
          %swap3A_1043 = vector.shape_cast %swap3A_1042 : vector<16xf32> to vector<16xf32>
          %swap3A_1044 = vector.shape_cast %max3A_1004 : vector<16xf32> to vector<16xf32>
          tpu.vector_store %arg8[%swap3A_1041], %swap3A_1044 {strides = array<i32>} : memref<128xf32, #tpu.memory_space<vmem>>, vector<16xf32>,
          %swap3A_1045 = arith.constant 64 : index
          %swap3A_1046 = tpu.vector_load %arg8[%swap3A_1045] {strides = array<i32>} : memref<128xf32, #tpu.memory_space<vmem>>, vector<16xf32>,
          %swap3A_1047 = vector.shape_cast %swap3A_1046 : vector<16xf32> to vector<16xf32>
          %swap3A_1048 = vector.shape_cast %max3A_1010 : vector<16xf32> to vector<16xf32>
          tpu.vector_store %arg8[%swap3A_1045], %swap3A_1048 {strides = array<i32>} : memref<128xf32, #tpu.memory_space<vmem>>, vector<16xf32>,
          %swap3A_1049 = arith.constant 80 : index
          %swap3A_1050 = tpu.vector_load %arg8[%swap3A_1049] {strides = array<i32>} : memref<128xf32, #tpu.memory_space<vmem>>, vector<16xf32>,
          %swap3A_1051 = vector.shape_cast %swap3A_1050 : vector<16xf32> to vector<16xf32>
          %swap3A_1052 = vector.shape_cast %max3A_1016 : vector<16xf32> to vector<16xf32>
          tpu.vector_store %arg8[%swap3A_1049], %swap3A_1052 {strides = array<i32>} : memref<128xf32, #tpu.memory_space<vmem>>, vector<16xf32>,
          %swap3A_1053 = arith.constant 96 : index
          %swap3A_1054 = tpu.vector_load %arg8[%swap3A_1053] {strides = array<i32>} : memref<128xf32, #tpu.memory_space<vmem>>, vector<16xf32>,
          %swap3A_1055 = vector.shape_cast %swap3A_1054 : vector<16xf32> to vector<16xf32>
          %swap3A_1056 = vector.shape_cast %max3A_1022 : vector<16xf32> to vector<16xf32>
          tpu.vector_store %arg8[%swap3A_1053], %swap3A_1056 {strides = array<i32>} : memref<128xf32, #tpu.memory_space<vmem>>, vector<16xf32>,
          %swap3A_1057 = arith.constant 112 : index
          %swap3A_1058 = tpu.vector_load %arg8[%swap3A_1057] {strides = array<i32>} : memref<128xf32, #tpu.memory_space<vmem>>, vector<16xf32>,
          %swap3A_1059 = vector.shape_cast %swap3A_1058 : vector<16xf32> to vector<16xf32>
          %swap3A_1060 = vector.shape_cast %max3A_1028 : vector<16xf32> to vector<16xf32>
          tpu.vector_store %arg8[%swap3A_1057], %swap3A_1060 {strides = array<i32>} : memref<128xf32, #tpu.memory_space<vmem>>, vector<16xf32>,
          scf.yield %scan3A_185 : i32
        } else {
          %get3A_206 = arith.constant 0 : index
          %get3A_207 = tpu.vector_load %arg8[%get3A_206] {strides = array<i32>} : memref<128xf32, #tpu.memory_space<vmem>>, vector<16xf32>,
          %get3A_208 = vector.shape_cast %get3A_207 : vector<16xf32> to vector<16xf32>
          %get3A_209 = arith.constant 16 : index
          %get3A_210 = tpu.vector_load %arg8[%get3A_209] {strides = array<i32>} : memref<128xf32, #tpu.memory_space<vmem>>, vector<16xf32>,
          %get3A_211 = vector.shape_cast %get3A_210 : vector<16xf32> to vector<16xf32>
          %get3A_212 = arith.constant 32 : index
          %get3A_213 = tpu.vector_load %arg8[%get3A_212] {strides = array<i32>} : memref<128xf32, #tpu.memory_space<vmem>>, vector<16xf32>,
          %get3A_214 = vector.shape_cast %get3A_213 : vector<16xf32> to vector<16xf32>
          %get3A_215 = arith.constant 48 : index
          %get3A_216 = tpu.vector_load %arg8[%get3A_215] {strides = array<i32>} : memref<128xf32, #tpu.memory_space<vmem>>, vector<16xf32>,
          %get3A_217 = vector.shape_cast %get3A_216 : vector<16xf32> to vector<16xf32>
          %get3A_218 = arith.constant 64 : index
          %get3A_219 = tpu.vector_load %arg8[%get3A_218] {strides = array<i32>} : memref<128xf32, #tpu.memory_space<vmem>>, vector<16xf32>,
          %get3A_220 = vector.shape_cast %get3A_219 : vector<16xf32> to vector<16xf32>
          %get3A_221 = arith.constant 80 : index
          %get3A_222 = tpu.vector_load %arg8[%get3A_221] {strides = array<i32>} : memref<128xf32, #tpu.memory_space<vmem>>, vector<16xf32>,
          %get3A_223 = vector.shape_cast %get3A_222 : vector<16xf32> to vector<16xf32>
          %get3A_224 = arith.constant 96 : index
          %get3A_225 = tpu.vector_load %arg8[%get3A_224] {strides = array<i32>} : memref<128xf32, #tpu.memory_space<vmem>>, vector<16xf32>,
          %get3A_226 = vector.shape_cast %get3A_225 : vector<16xf32> to vector<16xf32>
          %get3A_227 = arith.constant 112 : index
          %get3A_228 = tpu.vector_load %arg8[%get3A_227] {strides = array<i32>} : memref<128xf32, #tpu.memory_space<vmem>>, vector<16xf32>,
          %get3A_229 = vector.shape_cast %get3A_228 : vector<16xf32> to vector<16xf32>
          %slice3A_230 = vector.extract_strided_slice %get3A_193 {offsets = [0], sizes = [1], strides = [1]} : vector<16xi32> to vector<1xi32>
          %squeeze3A_231 = vector.extract %slice3A_230[0] : i32 from vector<1xi32>
          %ne3A = arith.cmpi ne, %squeeze3A_231, %scan3A_185 : i32
          %convert_element_type3A_232 = arith.extui %ne3A : i1 to i32
          %cond3A_233 = arith.constant 0 : i32
          %cond3A_234 = arith.cmpi ne, %convert_element_type3A_232, %cond3A_233 : i32
          scf.if %cond3A_234 {
            %reshape3A_1299 = vector.shape_cast %get3A_208 : vector<16xf32> to vector<1x16xf32>
            %swap3A_1300 = arith.index_cast %scan3A_185 : i32 to index
            %swap3A_1301 = arith.constant 0 : index
            %swap3A_1302 = tpu.vector_load %arg7[%swap3A_1300, %swap3A_1301] {strides = array<i32>} : memref<256x128xf32, #tpu.memory_space<vmem>>, vector<1x16xf32>,
            %swap3A_1303 = vector.shape_cast %swap3A_1302 : vector<1x16xf32> to vector<1x16xf32>
            %swap3A_1304 = vector.shape_cast %reshape3A_1299 : vector<1x16xf32> to vector<1x16xf32>
            tpu.vector_store %arg7[%swap3A_1300, %swap3A_1301], %swap3A_1304 {strides = array<i32>} : memref<256x128xf32, #tpu.memory_space<vmem>>, vector<1x16xf32>,
            %reshape3A_1305 = vector.shape_cast %get3A_211 : vector<16xf32> to vector<1x16xf32>
            %swap3A_1306 = arith.index_cast %scan3A_185 : i32 to index
            %swap3A_1307 = arith.constant 16 : index
            %swap3A_1308 = tpu.vector_load %arg7[%swap3A_1306, %swap3A_1307] {strides = array<i32>} : memref<256x128xf32, #tpu.memory_space<vmem>>, vector<1x16xf32>,
            %swap3A_1309 = vector.shape_cast %swap3A_1308 : vector<1x16xf32> to vector<1x16xf32>
            %swap3A_1310 = vector.shape_cast %reshape3A_1305 : vector<1x16xf32> to vector<1x16xf32>
            tpu.vector_store %arg7[%swap3A_1306, %swap3A_1307], %swap3A_1310 {strides = array<i32>} : memref<256x128xf32, #tpu.memory_space<vmem>>, vector<1x16xf32>,
            %reshape3A_1311 = vector.shape_cast %get3A_214 : vector<16xf32> to vector<1x16xf32>
            %swap3A_1312 = arith.index_cast %scan3A_185 : i32 to index
            %swap3A_1313 = arith.constant 32 : index
            %swap3A_1314 = tpu.vector_load %arg7[%swap3A_1312, %swap3A_1313] {strides = array<i32>} : memref<256x128xf32, #tpu.memory_space<vmem>>, vector<1x16xf32>,
            %swap3A_1315 = vector.shape_cast %swap3A_1314 : vector<1x16xf32> to vector<1x16xf32>
            %swap3A_1316 = vector.shape_cast %reshape3A_1311 : vector<1x16xf32> to vector<1x16xf32>
            tpu.vector_store %arg7[%swap3A_1312, %swap3A_1313], %swap3A_1316 {strides = array<i32>} : memref<256x128xf32, #tpu.memory_space<vmem>>, vector<1x16xf32>,
            %reshape3A_1317 = vector.shape_cast %get3A_217 : vector<16xf32> to vector<1x16xf32>
            %swap3A_1318 = arith.index_cast %scan3A_185 : i32 to index
            %swap3A_1319 = arith.constant 48 : index
            %swap3A_1320 = tpu.vector_load %arg7[%swap3A_1318, %swap3A_1319] {strides = array<i32>} : memref<256x128xf32, #tpu.memory_space<vmem>>, vector<1x16xf32>,
            %swap3A_1321 = vector.shape_cast %swap3A_1320 : vector<1x16xf32> to vector<1x16xf32>
            %swap3A_1322 = vector.shape_cast %reshape3A_1317 : vector<1x16xf32> to vector<1x16xf32>
            tpu.vector_store %arg7[%swap3A_1318, %swap3A_1319], %swap3A_1322 {strides = array<i32>} : memref<256x128xf32, #tpu.memory_space<vmem>>, vector<1x16xf32>,
            %reshape3A_1323 = vector.shape_cast %get3A_220 : vector<16xf32> to vector<1x16xf32>
            %swap3A_1324 = arith.index_cast %scan3A_185 : i32 to index
            %swap3A_1325 = arith.constant 64 : index
            %swap3A_1326 = tpu.vector_load %arg7[%swap3A_1324, %swap3A_1325] {strides = array<i32>} : memref<256x128xf32, #tpu.memory_space<vmem>>, vector<1x16xf32>,
            %swap3A_1327 = vector.shape_cast %swap3A_1326 : vector<1x16xf32> to vector<1x16xf32>
            %swap3A_1328 = vector.shape_cast %reshape3A_1323 : vector<1x16xf32> to vector<1x16xf32>
            tpu.vector_store %arg7[%swap3A_1324, %swap3A_1325], %swap3A_1328 {strides = array<i32>} : memref<256x128xf32, #tpu.memory_space<vmem>>, vector<1x16xf32>,
            %reshape3A_1329 = vector.shape_cast %get3A_223 : vector<16xf32> to vector<1x16xf32>
            %swap3A_1330 = arith.index_cast %scan3A_185 : i32 to index
            %swap3A_1331 = arith.constant 80 : index
            %swap3A_1332 = tpu.vector_load %arg7[%swap3A_1330, %swap3A_1331] {strides = array<i32>} : memref<256x128xf32, #tpu.memory_space<vmem>>, vector<1x16xf32>,
            %swap3A_1333 = vector.shape_cast %swap3A_1332 : vector<1x16xf32> to vector<1x16xf32>
            %swap3A_1334 = vector.shape_cast %reshape3A_1329 : vector<1x16xf32> to vector<1x16xf32>
            tpu.vector_store %arg7[%swap3A_1330, %swap3A_1331], %swap3A_1334 {strides = array<i32>} : memref<256x128xf32, #tpu.memory_space<vmem>>, vector<1x16xf32>,
            %reshape3A_1335 = vector.shape_cast %get3A_226 : vector<16xf32> to vector<1x16xf32>
            %swap3A_1336 = arith.index_cast %scan3A_185 : i32 to index
            %swap3A_1337 = arith.constant 96 : index
            %swap3A_1338 = tpu.vector_load %arg7[%swap3A_1336, %swap3A_1337] {strides = array<i32>} : memref<256x128xf32, #tpu.memory_space<vmem>>, vector<1x16xf32>,
            %swap3A_1339 = vector.shape_cast %swap3A_1338 : vector<1x16xf32> to vector<1x16xf32>
            %swap3A_1340 = vector.shape_cast %reshape3A_1335 : vector<1x16xf32> to vector<1x16xf32>
            tpu.vector_store %arg7[%swap3A_1336, %swap3A_1337], %swap3A_1340 {strides = array<i32>} : memref<256x128xf32, #tpu.memory_space<vmem>>, vector<1x16xf32>,
            %reshape3A_1341 = vector.shape_cast %get3A_229 : vector<16xf32> to vector<1x16xf32>
            %swap3A_1342 = arith.index_cast %scan3A_185 : i32 to index
            %swap3A_1343 = arith.constant 112 : index
            %swap3A_1344 = tpu.vector_load %arg7[%swap3A_1342, %swap3A_1343] {strides = array<i32>} : memref<256x128xf32, #tpu.memory_space<vmem>>, vector<1x16xf32>,
            %swap3A_1345 = vector.shape_cast %swap3A_1344 : vector<1x16xf32> to vector<1x16xf32>
            %swap3A_1346 = vector.shape_cast %reshape3A_1341 : vector<1x16xf32> to vector<1x16xf32>
            tpu.vector_store %arg7[%swap3A_1342, %swap3A_1343], %swap3A_1346 {strides = array<i32>} : memref<256x128xf32, #tpu.memory_space<vmem>>, vector<1x16xf32>,
          } else {
          }
          %add3A_235 = arith.constant 0 : i32
          %add3A_236 = arith.addi %add3A_198, %add3A_235 : i32
          %add3A_237 = arith.constant 0 : i32
          %add3A_238 = arith.addi %add3A_236, %add3A_237 : i32
          %get3A_239 = arith.index_cast %add3A_238 : i32 to index
          %get3A_240 = tpu.vector_load %arg6[%get3A_239] {strides = array<i32>} : memref<57344xf32, #tpu.memory_space<vmem>>, vector<16xf32>,
          %get3A_241 = vector.shape_cast %get3A_240 : vector<16xf32> to vector<16xf32>
          %max3A = arith.maximumf %get3A_208, %get3A_241 : vector<16xf32>
          %select_n3A = arith.select %ne3A, %get3A_241, %max3A : vector<16xf32>
          %add3A_242 = arith.constant 16 : i32
          %add3A_243 = arith.addi %add3A_236, %add3A_242 : i32
          %get3A_244 = arith.index_cast %add3A_243 : i32 to index
          %get3A_245 = tpu.vector_load %arg6[%get3A_244] {strides = array<i32>} : memref<57344xf32, #tpu.memory_space<vmem>>, vector<16xf32>,
          %get3A_246 = vector.shape_cast %get3A_245 : vector<16xf32> to vector<16xf32>
          %max3A_247 = arith.maximumf %get3A_211, %get3A_246 : vector<16xf32>
          %select_n3A_248 = arith.select %ne3A, %get3A_246, %max3A_247 : vector<16xf32>
          %add3A_249 = arith.constant 32 : i32
          %add3A_250 = arith.addi %add3A_236, %add3A_249 : i32
          %get3A_251 = arith.index_cast %add3A_250 : i32 to index
          %get3A_252 = tpu.vector_load %arg6[%get3A_251] {strides = array<i32>} : memref<57344xf32, #tpu.memory_space<vmem>>, vector<16xf32>,
          %get3A_253 = vector.shape_cast %get3A_252 : vector<16xf32> to vector<16xf32>
          %max3A_254 = arith.maximumf %get3A_214, %get3A_253 : vector<16xf32>
          %select_n3A_255 = arith.select %ne3A, %get3A_253, %max3A_254 : vector<16xf32>
          %add3A_256 = arith.constant 48 : i32
          %add3A_257 = arith.addi %add3A_236, %add3A_256 : i32
          %get3A_258 = arith.index_cast %add3A_257 : i32 to index
          %get3A_259 = tpu.vector_load %arg6[%get3A_258] {strides = array<i32>} : memref<57344xf32, #tpu.memory_space<vmem>>, vector<16xf32>,
          %get3A_260 = vector.shape_cast %get3A_259 : vector<16xf32> to vector<16xf32>
          %max3A_261 = arith.maximumf %get3A_217, %get3A_260 : vector<16xf32>
          %select_n3A_262 = arith.select %ne3A, %get3A_260, %max3A_261 : vector<16xf32>
          %add3A_263 = arith.constant 64 : i32
          %add3A_264 = arith.addi %add3A_236, %add3A_263 : i32
          %get3A_265 = arith.index_cast %add3A_264 : i32 to index
          %get3A_266 = tpu.vector_load %arg6[%get3A_265] {strides = array<i32>} : memref<57344xf32, #tpu.memory_space<vmem>>, vector<16xf32>,
          %get3A_267 = vector.shape_cast %get3A_266 : vector<16xf32> to vector<16xf32>
          %max3A_268 = arith.maximumf %get3A_220, %get3A_267 : vector<16xf32>
          %select_n3A_269 = arith.select %ne3A, %get3A_267, %max3A_268 : vector<16xf32>
          %add3A_270 = arith.constant 80 : i32
          %add3A_271 = arith.addi %add3A_236, %add3A_270 : i32
          %get3A_272 = arith.index_cast %add3A_271 : i32 to index
          %get3A_273 = tpu.vector_load %arg6[%get3A_272] {strides = array<i32>} : memref<57344xf32, #tpu.memory_space<vmem>>, vector<16xf32>,
          %get3A_274 = vector.shape_cast %get3A_273 : vector<16xf32> to vector<16xf32>
          %max3A_275 = arith.maximumf %get3A_223, %get3A_274 : vector<16xf32>
          %select_n3A_276 = arith.select %ne3A, %get3A_274, %max3A_275 : vector<16xf32>
          %add3A_277 = arith.constant 96 : i32
          %add3A_278 = arith.addi %add3A_236, %add3A_277 : i32
          %get3A_279 = arith.index_cast %add3A_278 : i32 to index
          %get3A_280 = tpu.vector_load %arg6[%get3A_279] {strides = array<i32>} : memref<57344xf32, #tpu.memory_space<vmem>>, vector<16xf32>,
          %get3A_281 = vector.shape_cast %get3A_280 : vector<16xf32> to vector<16xf32>
          %max3A_282 = arith.maximumf %get3A_226, %get3A_281 : vector<16xf32>
          %select_n3A_283 = arith.select %ne3A, %get3A_281, %max3A_282 : vector<16xf32>
          %add3A_284 = arith.constant 112 : i32
          %add3A_285 = arith.addi %add3A_236, %add3A_284 : i32
          %get3A_286 = arith.index_cast %add3A_285 : i32 to index
          %get3A_287 = tpu.vector_load %arg6[%get3A_286] {strides = array<i32>} : memref<57344xf32, #tpu.memory_space<vmem>>, vector<16xf32>,
          %get3A_288 = vector.shape_cast %get3A_287 : vector<16xf32> to vector<16xf32>
          %max3A_289 = arith.maximumf %get3A_229, %get3A_288 : vector<16xf32>
          %select_n3A_290 = arith.select %ne3A, %get3A_288, %max3A_289 : vector<16xf32>
          %select_n3A_291 = arith.select %ne3A, %squeeze3A_231, %scan3A_185 : i32
          %slice3A_292 = vector.extract_strided_slice %get3A_193 {offsets = [1], sizes = [1], strides = [1]} : vector<16xi32> to vector<1xi32>
          %squeeze3A_293 = vector.extract %slice3A_292[0] : i32 from vector<1xi32>
          %ne3A_294 = arith.cmpi ne, %squeeze3A_293, %select_n3A_291 : i32
          %convert_element_type3A_295 = arith.extui %ne3A_294 : i1 to i32
          %cond3A_296 = arith.constant 0 : i32
          %cond3A_297 = arith.cmpi ne, %convert_element_type3A_295, %cond3A_296 : i32
          scf.if %cond3A_297 {
            %reshape3A_1299 = vector.shape_cast %select_n3A : vector<16xf32> to vector<1x16xf32>
            %swap3A_1300 = arith.index_cast %select_n3A_291 : i32 to index
            %swap3A_1301 = arith.constant 0 : index
            %swap3A_1302 = tpu.vector_load %arg7[%swap3A_1300, %swap3A_1301] {strides = array<i32>} : memref<256x128xf32, #tpu.memory_space<vmem>>, vector<1x16xf32>,
            %swap3A_1303 = vector.shape_cast %swap3A_1302 : vector<1x16xf32> to vector<1x16xf32>
            %swap3A_1304 = vector.shape_cast %reshape3A_1299 : vector<1x16xf32> to vector<1x16xf32>
            tpu.vector_store %arg7[%swap3A_1300, %swap3A_1301], %swap3A_1304 {strides = array<i32>} : memref<256x128xf32, #tpu.memory_space<vmem>>, vector<1x16xf32>,
            %reshape3A_1305 = vector.shape_cast %select_n3A_248 : vector<16xf32> to vector<1x16xf32>
            %swap3A_1306 = arith.index_cast %select_n3A_291 : i32 to index
            %swap3A_1307 = arith.constant 16 : index
            %swap3A_1308 = tpu.vector_load %arg7[%swap3A_1306, %swap3A_1307] {strides = array<i32>} : memref<256x128xf32, #tpu.memory_space<vmem>>, vector<1x16xf32>,
            %swap3A_1309 = vector.shape_cast %swap3A_1308 : vector<1x16xf32> to vector<1x16xf32>
            %swap3A_1310 = vector.shape_cast %reshape3A_1305 : vector<1x16xf32> to vector<1x16xf32>
            tpu.vector_store %arg7[%swap3A_1306, %swap3A_1307], %swap3A_1310 {strides = array<i32>} : memref<256x128xf32, #tpu.memory_space<vmem>>, vector<1x16xf32>,
            %reshape3A_1311 = vector.shape_cast %select_n3A_255 : vector<16xf32> to vector<1x16xf32>
            %swap3A_1312 = arith.index_cast %select_n3A_291 : i32 to index
            %swap3A_1313 = arith.constant 32 : index
            %swap3A_1314 = tpu.vector_load %arg7[%swap3A_1312, %swap3A_1313] {strides = array<i32>} : memref<256x128xf32, #tpu.memory_space<vmem>>, vector<1x16xf32>,
            %swap3A_1315 = vector.shape_cast %swap3A_1314 : vector<1x16xf32> to vector<1x16xf32>
            %swap3A_1316 = vector.shape_cast %reshape3A_1311 : vector<1x16xf32> to vector<1x16xf32>
            tpu.vector_store %arg7[%swap3A_1312, %swap3A_1313], %swap3A_1316 {strides = array<i32>} : memref<256x128xf32, #tpu.memory_space<vmem>>, vector<1x16xf32>,
            %reshape3A_1317 = vector.shape_cast %select_n3A_262 : vector<16xf32> to vector<1x16xf32>
            %swap3A_1318 = arith.index_cast %select_n3A_291 : i32 to index
            %swap3A_1319 = arith.constant 48 : index
            %swap3A_1320 = tpu.vector_load %arg7[%swap3A_1318, %swap3A_1319] {strides = array<i32>} : memref<256x128xf32, #tpu.memory_space<vmem>>, vector<1x16xf32>,
            %swap3A_1321 = vector.shape_cast %swap3A_1320 : vector<1x16xf32> to vector<1x16xf32>
            %swap3A_1322 = vector.shape_cast %reshape3A_1317 : vector<1x16xf32> to vector<1x16xf32>
            tpu.vector_store %arg7[%swap3A_1318, %swap3A_1319], %swap3A_1322 {strides = array<i32>} : memref<256x128xf32, #tpu.memory_space<vmem>>, vector<1x16xf32>,
            %reshape3A_1323 = vector.shape_cast %select_n3A_269 : vector<16xf32> to vector<1x16xf32>
            %swap3A_1324 = arith.index_cast %select_n3A_291 : i32 to index
            %swap3A_1325 = arith.constant 64 : index
            %swap3A_1326 = tpu.vector_load %arg7[%swap3A_1324, %swap3A_1325] {strides = array<i32>} : memref<256x128xf32, #tpu.memory_space<vmem>>, vector<1x16xf32>,
            %swap3A_1327 = vector.shape_cast %swap3A_1326 : vector<1x16xf32> to vector<1x16xf32>
            %swap3A_1328 = vector.shape_cast %reshape3A_1323 : vector<1x16xf32> to vector<1x16xf32>
            tpu.vector_store %arg7[%swap3A_1324, %swap3A_1325], %swap3A_1328 {strides = array<i32>} : memref<256x128xf32, #tpu.memory_space<vmem>>, vector<1x16xf32>,
            %reshape3A_1329 = vector.shape_cast %select_n3A_276 : vector<16xf32> to vector<1x16xf32>
            %swap3A_1330 = arith.index_cast %select_n3A_291 : i32 to index
            %swap3A_1331 = arith.constant 80 : index
            %swap3A_1332 = tpu.vector_load %arg7[%swap3A_1330, %swap3A_1331] {strides = array<i32>} : memref<256x128xf32, #tpu.memory_space<vmem>>, vector<1x16xf32>,
            %swap3A_1333 = vector.shape_cast %swap3A_1332 : vector<1x16xf32> to vector<1x16xf32>
            %swap3A_1334 = vector.shape_cast %reshape3A_1329 : vector<1x16xf32> to vector<1x16xf32>
            tpu.vector_store %arg7[%swap3A_1330, %swap3A_1331], %swap3A_1334 {strides = array<i32>} : memref<256x128xf32, #tpu.memory_space<vmem>>, vector<1x16xf32>,
            %reshape3A_1335 = vector.shape_cast %select_n3A_283 : vector<16xf32> to vector<1x16xf32>
            %swap3A_1336 = arith.index_cast %select_n3A_291 : i32 to index
            %swap3A_1337 = arith.constant 96 : index
            %swap3A_1338 = tpu.vector_load %arg7[%swap3A_1336, %swap3A_1337] {strides = array<i32>} : memref<256x128xf32, #tpu.memory_space<vmem>>, vector<1x16xf32>,
            %swap3A_1339 = vector.shape_cast %swap3A_1338 : vector<1x16xf32> to vector<1x16xf32>
            %swap3A_1340 = vector.shape_cast %reshape3A_1335 : vector<1x16xf32> to vector<1x16xf32>
            tpu.vector_store %arg7[%swap3A_1336, %swap3A_1337], %swap3A_1340 {strides = array<i32>} : memref<256x128xf32, #tpu.memory_space<vmem>>, vector<1x16xf32>,
            %reshape3A_1341 = vector.shape_cast %select_n3A_290 : vector<16xf32> to vector<1x16xf32>
            %swap3A_1342 = arith.index_cast %select_n3A_291 : i32 to index
            %swap3A_1343 = arith.constant 112 : index
            %swap3A_1344 = tpu.vector_load %arg7[%swap3A_1342, %swap3A_1343] {strides = array<i32>} : memref<256x128xf32, #tpu.memory_space<vmem>>, vector<1x16xf32>,
            %swap3A_1345 = vector.shape_cast %swap3A_1344 : vector<1x16xf32> to vector<1x16xf32>
            %swap3A_1346 = vector.shape_cast %reshape3A_1341 : vector<1x16xf32> to vector<1x16xf32>
            tpu.vector_store %arg7[%swap3A_1342, %swap3A_1343], %swap3A_1346 {strides = array<i32>} : memref<256x128xf32, #tpu.memory_space<vmem>>, vector<1x16xf32>,
          } else {
          }
          %add3A_298 = arith.constant 128 : i32
          %add3A_299 = arith.addi %add3A_198, %add3A_298 : i32
          %add3A_300 = arith.constant 0 : i32
          %add3A_301 = arith.addi %add3A_299, %add3A_300 : i32
          %get3A_302 = arith.index_cast %add3A_301 : i32 to index
          %get3A_303 = tpu.vector_load %arg6[%get3A_302] {strides = array<i32>} : memref<57344xf32, #tpu.memory_space<vmem>>, vector<16xf32>,
          %get3A_304 = vector.shape_cast %get3A_303 : vector<16xf32> to vector<16xf32>
          %max3A_305 = arith.maximumf %select_n3A, %get3A_304 : vector<16xf32>
          %select_n3A_306 = arith.select %ne3A_294, %get3A_304, %max3A_305 : vector<16xf32>
          %add3A_307 = arith.constant 16 : i32
          %add3A_308 = arith.addi %add3A_299, %add3A_307 : i32
          %get3A_309 = arith.index_cast %add3A_308 : i32 to index
          %get3A_310 = tpu.vector_load %arg6[%get3A_309] {strides = array<i32>} : memref<57344xf32, #tpu.memory_space<vmem>>, vector<16xf32>,
          %get3A_311 = vector.shape_cast %get3A_310 : vector<16xf32> to vector<16xf32>
          %max3A_312 = arith.maximumf %select_n3A_248, %get3A_311 : vector<16xf32>
          %select_n3A_313 = arith.select %ne3A_294, %get3A_311, %max3A_312 : vector<16xf32>
          %add3A_314 = arith.constant 32 : i32
          %add3A_315 = arith.addi %add3A_299, %add3A_314 : i32
          %get3A_316 = arith.index_cast %add3A_315 : i32 to index
          %get3A_317 = tpu.vector_load %arg6[%get3A_316] {strides = array<i32>} : memref<57344xf32, #tpu.memory_space<vmem>>, vector<16xf32>,
          %get3A_318 = vector.shape_cast %get3A_317 : vector<16xf32> to vector<16xf32>
          %max3A_319 = arith.maximumf %select_n3A_255, %get3A_318 : vector<16xf32>
          %select_n3A_320 = arith.select %ne3A_294, %get3A_318, %max3A_319 : vector<16xf32>
          %add3A_321 = arith.constant 48 : i32
          %add3A_322 = arith.addi %add3A_299, %add3A_321 : i32
          %get3A_323 = arith.index_cast %add3A_322 : i32 to index
          %get3A_324 = tpu.vector_load %arg6[%get3A_323] {strides = array<i32>} : memref<57344xf32, #tpu.memory_space<vmem>>, vector<16xf32>,
          %get3A_325 = vector.shape_cast %get3A_324 : vector<16xf32> to vector<16xf32>
          %max3A_326 = arith.maximumf %select_n3A_262, %get3A_325 : vector<16xf32>
          %select_n3A_327 = arith.select %ne3A_294, %get3A_325, %max3A_326 : vector<16xf32>
          %add3A_328 = arith.constant 64 : i32
          %add3A_329 = arith.addi %add3A_299, %add3A_328 : i32
          %get3A_330 = arith.index_cast %add3A_329 : i32 to index
          %get3A_331 = tpu.vector_load %arg6[%get3A_330] {strides = array<i32>} : memref<57344xf32, #tpu.memory_space<vmem>>, vector<16xf32>,
          %get3A_332 = vector.shape_cast %get3A_331 : vector<16xf32> to vector<16xf32>
          %max3A_333 = arith.maximumf %select_n3A_269, %get3A_332 : vector<16xf32>
          %select_n3A_334 = arith.select %ne3A_294, %get3A_332, %max3A_333 : vector<16xf32>
          %add3A_335 = arith.constant 80 : i32
          %add3A_336 = arith.addi %add3A_299, %add3A_335 : i32
          %get3A_337 = arith.index_cast %add3A_336 : i32 to index
          %get3A_338 = tpu.vector_load %arg6[%get3A_337] {strides = array<i32>} : memref<57344xf32, #tpu.memory_space<vmem>>, vector<16xf32>,
          %get3A_339 = vector.shape_cast %get3A_338 : vector<16xf32> to vector<16xf32>
          %max3A_340 = arith.maximumf %select_n3A_276, %get3A_339 : vector<16xf32>
          %select_n3A_341 = arith.select %ne3A_294, %get3A_339, %max3A_340 : vector<16xf32>
          %add3A_342 = arith.constant 96 : i32
          %add3A_343 = arith.addi %add3A_299, %add3A_342 : i32
          %get3A_344 = arith.index_cast %add3A_343 : i32 to index
          %get3A_345 = tpu.vector_load %arg6[%get3A_344] {strides = array<i32>} : memref<57344xf32, #tpu.memory_space<vmem>>, vector<16xf32>,
          %get3A_346 = vector.shape_cast %get3A_345 : vector<16xf32> to vector<16xf32>
          %max3A_347 = arith.maximumf %select_n3A_283, %get3A_346 : vector<16xf32>
          %select_n3A_348 = arith.select %ne3A_294, %get3A_346, %max3A_347 : vector<16xf32>
          %add3A_349 = arith.constant 112 : i32
          %add3A_350 = arith.addi %add3A_299, %add3A_349 : i32
          %get3A_351 = arith.index_cast %add3A_350 : i32 to index
          %get3A_352 = tpu.vector_load %arg6[%get3A_351] {strides = array<i32>} : memref<57344xf32, #tpu.memory_space<vmem>>, vector<16xf32>,
          %get3A_353 = vector.shape_cast %get3A_352 : vector<16xf32> to vector<16xf32>
          %max3A_354 = arith.maximumf %select_n3A_290, %get3A_353 : vector<16xf32>
          %select_n3A_355 = arith.select %ne3A_294, %get3A_353, %max3A_354 : vector<16xf32>
          %select_n3A_356 = arith.select %ne3A_294, %squeeze3A_293, %select_n3A_291 : i32
          %slice3A_357 = vector.extract_strided_slice %get3A_193 {offsets = [2], sizes = [1], strides = [1]} : vector<16xi32> to vector<1xi32>
          %squeeze3A_358 = vector.extract %slice3A_357[0] : i32 from vector<1xi32>
          %ne3A_359 = arith.cmpi ne, %squeeze3A_358, %select_n3A_356 : i32
          %convert_element_type3A_360 = arith.extui %ne3A_359 : i1 to i32
          %cond3A_361 = arith.constant 0 : i32
          %cond3A_362 = arith.cmpi ne, %convert_element_type3A_360, %cond3A_361 : i32
          scf.if %cond3A_362 {
            %reshape3A_1299 = vector.shape_cast %select_n3A_306 : vector<16xf32> to vector<1x16xf32>
            %swap3A_1300 = arith.index_cast %select_n3A_356 : i32 to index
            %swap3A_1301 = arith.constant 0 : index
            %swap3A_1302 = tpu.vector_load %arg7[%swap3A_1300, %swap3A_1301] {strides = array<i32>} : memref<256x128xf32, #tpu.memory_space<vmem>>, vector<1x16xf32>,
            %swap3A_1303 = vector.shape_cast %swap3A_1302 : vector<1x16xf32> to vector<1x16xf32>
            %swap3A_1304 = vector.shape_cast %reshape3A_1299 : vector<1x16xf32> to vector<1x16xf32>
            tpu.vector_store %arg7[%swap3A_1300, %swap3A_1301], %swap3A_1304 {strides = array<i32>} : memref<256x128xf32, #tpu.memory_space<vmem>>, vector<1x16xf32>,
            %reshape3A_1305 = vector.shape_cast %select_n3A_313 : vector<16xf32> to vector<1x16xf32>
            %swap3A_1306 = arith.index_cast %select_n3A_356 : i32 to index
            %swap3A_1307 = arith.constant 16 : index
            %swap3A_1308 = tpu.vector_load %arg7[%swap3A_1306, %swap3A_1307] {strides = array<i32>} : memref<256x128xf32, #tpu.memory_space<vmem>>, vector<1x16xf32>,
            %swap3A_1309 = vector.shape_cast %swap3A_1308 : vector<1x16xf32> to vector<1x16xf32>
            %swap3A_1310 = vector.shape_cast %reshape3A_1305 : vector<1x16xf32> to vector<1x16xf32>
            tpu.vector_store %arg7[%swap3A_1306, %swap3A_1307], %swap3A_1310 {strides = array<i32>} : memref<256x128xf32, #tpu.memory_space<vmem>>, vector<1x16xf32>,
            %reshape3A_1311 = vector.shape_cast %select_n3A_320 : vector<16xf32> to vector<1x16xf32>
            %swap3A_1312 = arith.index_cast %select_n3A_356 : i32 to index
            %swap3A_1313 = arith.constant 32 : index
            %swap3A_1314 = tpu.vector_load %arg7[%swap3A_1312, %swap3A_1313] {strides = array<i32>} : memref<256x128xf32, #tpu.memory_space<vmem>>, vector<1x16xf32>,
            %swap3A_1315 = vector.shape_cast %swap3A_1314 : vector<1x16xf32> to vector<1x16xf32>
            %swap3A_1316 = vector.shape_cast %reshape3A_1311 : vector<1x16xf32> to vector<1x16xf32>
            tpu.vector_store %arg7[%swap3A_1312, %swap3A_1313], %swap3A_1316 {strides = array<i32>} : memref<256x128xf32, #tpu.memory_space<vmem>>, vector<1x16xf32>,
            %reshape3A_1317 = vector.shape_cast %select_n3A_327 : vector<16xf32> to vector<1x16xf32>
            %swap3A_1318 = arith.index_cast %select_n3A_356 : i32 to index
            %swap3A_1319 = arith.constant 48 : index
            %swap3A_1320 = tpu.vector_load %arg7[%swap3A_1318, %swap3A_1319] {strides = array<i32>} : memref<256x128xf32, #tpu.memory_space<vmem>>, vector<1x16xf32>,
            %swap3A_1321 = vector.shape_cast %swap3A_1320 : vector<1x16xf32> to vector<1x16xf32>
            %swap3A_1322 = vector.shape_cast %reshape3A_1317 : vector<1x16xf32> to vector<1x16xf32>
            tpu.vector_store %arg7[%swap3A_1318, %swap3A_1319], %swap3A_1322 {strides = array<i32>} : memref<256x128xf32, #tpu.memory_space<vmem>>, vector<1x16xf32>,
            %reshape3A_1323 = vector.shape_cast %select_n3A_334 : vector<16xf32> to vector<1x16xf32>
            %swap3A_1324 = arith.index_cast %select_n3A_356 : i32 to index
            %swap3A_1325 = arith.constant 64 : index
            %swap3A_1326 = tpu.vector_load %arg7[%swap3A_1324, %swap3A_1325] {strides = array<i32>} : memref<256x128xf32, #tpu.memory_space<vmem>>, vector<1x16xf32>,
            %swap3A_1327 = vector.shape_cast %swap3A_1326 : vector<1x16xf32> to vector<1x16xf32>
            %swap3A_1328 = vector.shape_cast %reshape3A_1323 : vector<1x16xf32> to vector<1x16xf32>
            tpu.vector_store %arg7[%swap3A_1324, %swap3A_1325], %swap3A_1328 {strides = array<i32>} : memref<256x128xf32, #tpu.memory_space<vmem>>, vector<1x16xf32>,
            %reshape3A_1329 = vector.shape_cast %select_n3A_341 : vector<16xf32> to vector<1x16xf32>
            %swap3A_1330 = arith.index_cast %select_n3A_356 : i32 to index
            %swap3A_1331 = arith.constant 80 : index
            %swap3A_1332 = tpu.vector_load %arg7[%swap3A_1330, %swap3A_1331] {strides = array<i32>} : memref<256x128xf32, #tpu.memory_space<vmem>>, vector<1x16xf32>,
            %swap3A_1333 = vector.shape_cast %swap3A_1332 : vector<1x16xf32> to vector<1x16xf32>
            %swap3A_1334 = vector.shape_cast %reshape3A_1329 : vector<1x16xf32> to vector<1x16xf32>
            tpu.vector_store %arg7[%swap3A_1330, %swap3A_1331], %swap3A_1334 {strides = array<i32>} : memref<256x128xf32, #tpu.memory_space<vmem>>, vector<1x16xf32>,
            %reshape3A_1335 = vector.shape_cast %select_n3A_348 : vector<16xf32> to vector<1x16xf32>
            %swap3A_1336 = arith.index_cast %select_n3A_356 : i32 to index
            %swap3A_1337 = arith.constant 96 : index
            %swap3A_1338 = tpu.vector_load %arg7[%swap3A_1336, %swap3A_1337] {strides = array<i32>} : memref<256x128xf32, #tpu.memory_space<vmem>>, vector<1x16xf32>,
            %swap3A_1339 = vector.shape_cast %swap3A_1338 : vector<1x16xf32> to vector<1x16xf32>
            %swap3A_1340 = vector.shape_cast %reshape3A_1335 : vector<1x16xf32> to vector<1x16xf32>
            tpu.vector_store %arg7[%swap3A_1336, %swap3A_1337], %swap3A_1340 {strides = array<i32>} : memref<256x128xf32, #tpu.memory_space<vmem>>, vector<1x16xf32>,
            %reshape3A_1341 = vector.shape_cast %select_n3A_355 : vector<16xf32> to vector<1x16xf32>
            %swap3A_1342 = arith.index_cast %select_n3A_356 : i32 to index
            %swap3A_1343 = arith.constant 112 : index
            %swap3A_1344 = tpu.vector_load %arg7[%swap3A_1342, %swap3A_1343] {strides = array<i32>} : memref<256x128xf32, #tpu.memory_space<vmem>>, vector<1x16xf32>,
            %swap3A_1345 = vector.shape_cast %swap3A_1344 : vector<1x16xf32> to vector<1x16xf32>
            %swap3A_1346 = vector.shape_cast %reshape3A_1341 : vector<1x16xf32> to vector<1x16xf32>
            tpu.vector_store %arg7[%swap3A_1342, %swap3A_1343], %swap3A_1346 {strides = array<i32>} : memref<256x128xf32, #tpu.memory_space<vmem>>, vector<1x16xf32>,
          } else {
          }
          %add3A_363 = arith.constant 256 : i32
          %add3A_364 = arith.addi %add3A_198, %add3A_363 : i32
          %add3A_365 = arith.constant 0 : i32
          %add3A_366 = arith.addi %add3A_364, %add3A_365 : i32
          %get3A_367 = arith.index_cast %add3A_366 : i32 to index
          %get3A_368 = tpu.vector_load %arg6[%get3A_367] {strides = array<i32>} : memref<57344xf32, #tpu.memory_space<vmem>>, vector<16xf32>,
          %get3A_369 = vector.shape_cast %get3A_368 : vector<16xf32> to vector<16xf32>
          %max3A_370 = arith.maximumf %select_n3A_306, %get3A_369 : vector<16xf32>
          %select_n3A_371 = arith.select %ne3A_359, %get3A_369, %max3A_370 : vector<16xf32>
          %add3A_372 = arith.constant 16 : i32
          %add3A_373 = arith.addi %add3A_364, %add3A_372 : i32
          %get3A_374 = arith.index_cast %add3A_373 : i32 to index
          %get3A_375 = tpu.vector_load %arg6[%get3A_374] {strides = array<i32>} : memref<57344xf32, #tpu.memory_space<vmem>>, vector<16xf32>,
          %get3A_376 = vector.shape_cast %get3A_375 : vector<16xf32> to vector<16xf32>
          %max3A_377 = arith.maximumf %select_n3A_313, %get3A_376 : vector<16xf32>
          %select_n3A_378 = arith.select %ne3A_359, %get3A_376, %max3A_377 : vector<16xf32>
          %add3A_379 = arith.constant 32 : i32
          %add3A_380 = arith.addi %add3A_364, %add3A_379 : i32
          %get3A_381 = arith.index_cast %add3A_380 : i32 to index
          %get3A_382 = tpu.vector_load %arg6[%get3A_381] {strides = array<i32>} : memref<57344xf32, #tpu.memory_space<vmem>>, vector<16xf32>,
          %get3A_383 = vector.shape_cast %get3A_382 : vector<16xf32> to vector<16xf32>
          %max3A_384 = arith.maximumf %select_n3A_320, %get3A_383 : vector<16xf32>
          %select_n3A_385 = arith.select %ne3A_359, %get3A_383, %max3A_384 : vector<16xf32>
          %add3A_386 = arith.constant 48 : i32
          %add3A_387 = arith.addi %add3A_364, %add3A_386 : i32
          %get3A_388 = arith.index_cast %add3A_387 : i32 to index
          %get3A_389 = tpu.vector_load %arg6[%get3A_388] {strides = array<i32>} : memref<57344xf32, #tpu.memory_space<vmem>>, vector<16xf32>,
          %get3A_390 = vector.shape_cast %get3A_389 : vector<16xf32> to vector<16xf32>
          %max3A_391 = arith.maximumf %select_n3A_327, %get3A_390 : vector<16xf32>
          %select_n3A_392 = arith.select %ne3A_359, %get3A_390, %max3A_391 : vector<16xf32>
          %add3A_393 = arith.constant 64 : i32
          %add3A_394 = arith.addi %add3A_364, %add3A_393 : i32
          %get3A_395 = arith.index_cast %add3A_394 : i32 to index
          %get3A_396 = tpu.vector_load %arg6[%get3A_395] {strides = array<i32>} : memref<57344xf32, #tpu.memory_space<vmem>>, vector<16xf32>,
          %get3A_397 = vector.shape_cast %get3A_396 : vector<16xf32> to vector<16xf32>
          %max3A_398 = arith.maximumf %select_n3A_334, %get3A_397 : vector<16xf32>
          %select_n3A_399 = arith.select %ne3A_359, %get3A_397, %max3A_398 : vector<16xf32>
          %add3A_400 = arith.constant 80 : i32
          %add3A_401 = arith.addi %add3A_364, %add3A_400 : i32
          %get3A_402 = arith.index_cast %add3A_401 : i32 to index
          %get3A_403 = tpu.vector_load %arg6[%get3A_402] {strides = array<i32>} : memref<57344xf32, #tpu.memory_space<vmem>>, vector<16xf32>,
          %get3A_404 = vector.shape_cast %get3A_403 : vector<16xf32> to vector<16xf32>
          %max3A_405 = arith.maximumf %select_n3A_341, %get3A_404 : vector<16xf32>
          %select_n3A_406 = arith.select %ne3A_359, %get3A_404, %max3A_405 : vector<16xf32>
          %add3A_407 = arith.constant 96 : i32
          %add3A_408 = arith.addi %add3A_364, %add3A_407 : i32
          %get3A_409 = arith.index_cast %add3A_408 : i32 to index
          %get3A_410 = tpu.vector_load %arg6[%get3A_409] {strides = array<i32>} : memref<57344xf32, #tpu.memory_space<vmem>>, vector<16xf32>,
          %get3A_411 = vector.shape_cast %get3A_410 : vector<16xf32> to vector<16xf32>
          %max3A_412 = arith.maximumf %select_n3A_348, %get3A_411 : vector<16xf32>
          %select_n3A_413 = arith.select %ne3A_359, %get3A_411, %max3A_412 : vector<16xf32>
          %add3A_414 = arith.constant 112 : i32
          %add3A_415 = arith.addi %add3A_364, %add3A_414 : i32
          %get3A_416 = arith.index_cast %add3A_415 : i32 to index
          %get3A_417 = tpu.vector_load %arg6[%get3A_416] {strides = array<i32>} : memref<57344xf32, #tpu.memory_space<vmem>>, vector<16xf32>,
          %get3A_418 = vector.shape_cast %get3A_417 : vector<16xf32> to vector<16xf32>
          %max3A_419 = arith.maximumf %select_n3A_355, %get3A_418 : vector<16xf32>
          %select_n3A_420 = arith.select %ne3A_359, %get3A_418, %max3A_419 : vector<16xf32>
          %select_n3A_421 = arith.select %ne3A_359, %squeeze3A_358, %select_n3A_356 : i32
          %slice3A_422 = vector.extract_strided_slice %get3A_193 {offsets = [3], sizes = [1], strides = [1]} : vector<16xi32> to vector<1xi32>
          %squeeze3A_423 = vector.extract %slice3A_422[0] : i32 from vector<1xi32>
          %ne3A_424 = arith.cmpi ne, %squeeze3A_423, %select_n3A_421 : i32
          %convert_element_type3A_425 = arith.extui %ne3A_424 : i1 to i32
          %cond3A_426 = arith.constant 0 : i32
          %cond3A_427 = arith.cmpi ne, %convert_element_type3A_425, %cond3A_426 : i32
          scf.if %cond3A_427 {
            %reshape3A_1299 = vector.shape_cast %select_n3A_371 : vector<16xf32> to vector<1x16xf32>
            %swap3A_1300 = arith.index_cast %select_n3A_421 : i32 to index
            %swap3A_1301 = arith.constant 0 : index
            %swap3A_1302 = tpu.vector_load %arg7[%swap3A_1300, %swap3A_1301] {strides = array<i32>} : memref<256x128xf32, #tpu.memory_space<vmem>>, vector<1x16xf32>,
            %swap3A_1303 = vector.shape_cast %swap3A_1302 : vector<1x16xf32> to vector<1x16xf32>
            %swap3A_1304 = vector.shape_cast %reshape3A_1299 : vector<1x16xf32> to vector<1x16xf32>
            tpu.vector_store %arg7[%swap3A_1300, %swap3A_1301], %swap3A_1304 {strides = array<i32>} : memref<256x128xf32, #tpu.memory_space<vmem>>, vector<1x16xf32>,
            %reshape3A_1305 = vector.shape_cast %select_n3A_378 : vector<16xf32> to vector<1x16xf32>
            %swap3A_1306 = arith.index_cast %select_n3A_421 : i32 to index
            %swap3A_1307 = arith.constant 16 : index
            %swap3A_1308 = tpu.vector_load %arg7[%swap3A_1306, %swap3A_1307] {strides = array<i32>} : memref<256x128xf32, #tpu.memory_space<vmem>>, vector<1x16xf32>,
            %swap3A_1309 = vector.shape_cast %swap3A_1308 : vector<1x16xf32> to vector<1x16xf32>
            %swap3A_1310 = vector.shape_cast %reshape3A_1305 : vector<1x16xf32> to vector<1x16xf32>
            tpu.vector_store %arg7[%swap3A_1306, %swap3A_1307], %swap3A_1310 {strides = array<i32>} : memref<256x128xf32, #tpu.memory_space<vmem>>, vector<1x16xf32>,
            %reshape3A_1311 = vector.shape_cast %select_n3A_385 : vector<16xf32> to vector<1x16xf32>
            %swap3A_1312 = arith.index_cast %select_n3A_421 : i32 to index
            %swap3A_1313 = arith.constant 32 : index
            %swap3A_1314 = tpu.vector_load %arg7[%swap3A_1312, %swap3A_1313] {strides = array<i32>} : memref<256x128xf32, #tpu.memory_space<vmem>>, vector<1x16xf32>,
            %swap3A_1315 = vector.shape_cast %swap3A_1314 : vector<1x16xf32> to vector<1x16xf32>
            %swap3A_1316 = vector.shape_cast %reshape3A_1311 : vector<1x16xf32> to vector<1x16xf32>
            tpu.vector_store %arg7[%swap3A_1312, %swap3A_1313], %swap3A_1316 {strides = array<i32>} : memref<256x128xf32, #tpu.memory_space<vmem>>, vector<1x16xf32>,
            %reshape3A_1317 = vector.shape_cast %select_n3A_392 : vector<16xf32> to vector<1x16xf32>
            %swap3A_1318 = arith.index_cast %select_n3A_421 : i32 to index
            %swap3A_1319 = arith.constant 48 : index
            %swap3A_1320 = tpu.vector_load %arg7[%swap3A_1318, %swap3A_1319] {strides = array<i32>} : memref<256x128xf32, #tpu.memory_space<vmem>>, vector<1x16xf32>,
            %swap3A_1321 = vector.shape_cast %swap3A_1320 : vector<1x16xf32> to vector<1x16xf32>
            %swap3A_1322 = vector.shape_cast %reshape3A_1317 : vector<1x16xf32> to vector<1x16xf32>
            tpu.vector_store %arg7[%swap3A_1318, %swap3A_1319], %swap3A_1322 {strides = array<i32>} : memref<256x128xf32, #tpu.memory_space<vmem>>, vector<1x16xf32>,
            %reshape3A_1323 = vector.shape_cast %select_n3A_399 : vector<16xf32> to vector<1x16xf32>
            %swap3A_1324 = arith.index_cast %select_n3A_421 : i32 to index
            %swap3A_1325 = arith.constant 64 : index
            %swap3A_1326 = tpu.vector_load %arg7[%swap3A_1324, %swap3A_1325] {strides = array<i32>} : memref<256x128xf32, #tpu.memory_space<vmem>>, vector<1x16xf32>,
            %swap3A_1327 = vector.shape_cast %swap3A_1326 : vector<1x16xf32> to vector<1x16xf32>
            %swap3A_1328 = vector.shape_cast %reshape3A_1323 : vector<1x16xf32> to vector<1x16xf32>
            tpu.vector_store %arg7[%swap3A_1324, %swap3A_1325], %swap3A_1328 {strides = array<i32>} : memref<256x128xf32, #tpu.memory_space<vmem>>, vector<1x16xf32>,
            %reshape3A_1329 = vector.shape_cast %select_n3A_406 : vector<16xf32> to vector<1x16xf32>
            %swap3A_1330 = arith.index_cast %select_n3A_421 : i32 to index
            %swap3A_1331 = arith.constant 80 : index
            %swap3A_1332 = tpu.vector_load %arg7[%swap3A_1330, %swap3A_1331] {strides = array<i32>} : memref<256x128xf32, #tpu.memory_space<vmem>>, vector<1x16xf32>,
            %swap3A_1333 = vector.shape_cast %swap3A_1332 : vector<1x16xf32> to vector<1x16xf32>
            %swap3A_1334 = vector.shape_cast %reshape3A_1329 : vector<1x16xf32> to vector<1x16xf32>
            tpu.vector_store %arg7[%swap3A_1330, %swap3A_1331], %swap3A_1334 {strides = array<i32>} : memref<256x128xf32, #tpu.memory_space<vmem>>, vector<1x16xf32>,
            %reshape3A_1335 = vector.shape_cast %select_n3A_413 : vector<16xf32> to vector<1x16xf32>
            %swap3A_1336 = arith.index_cast %select_n3A_421 : i32 to index
            %swap3A_1337 = arith.constant 96 : index
            %swap3A_1338 = tpu.vector_load %arg7[%swap3A_1336, %swap3A_1337] {strides = array<i32>} : memref<256x128xf32, #tpu.memory_space<vmem>>, vector<1x16xf32>,
            %swap3A_1339 = vector.shape_cast %swap3A_1338 : vector<1x16xf32> to vector<1x16xf32>
            %swap3A_1340 = vector.shape_cast %reshape3A_1335 : vector<1x16xf32> to vector<1x16xf32>
            tpu.vector_store %arg7[%swap3A_1336, %swap3A_1337], %swap3A_1340 {strides = array<i32>} : memref<256x128xf32, #tpu.memory_space<vmem>>, vector<1x16xf32>,
            %reshape3A_1341 = vector.shape_cast %select_n3A_420 : vector<16xf32> to vector<1x16xf32>
            %swap3A_1342 = arith.index_cast %select_n3A_421 : i32 to index
            %swap3A_1343 = arith.constant 112 : index
            %swap3A_1344 = tpu.vector_load %arg7[%swap3A_1342, %swap3A_1343] {strides = array<i32>} : memref<256x128xf32, #tpu.memory_space<vmem>>, vector<1x16xf32>,
            %swap3A_1345 = vector.shape_cast %swap3A_1344 : vector<1x16xf32> to vector<1x16xf32>
            %swap3A_1346 = vector.shape_cast %reshape3A_1341 : vector<1x16xf32> to vector<1x16xf32>
            tpu.vector_store %arg7[%swap3A_1342, %swap3A_1343], %swap3A_1346 {strides = array<i32>} : memref<256x128xf32, #tpu.memory_space<vmem>>, vector<1x16xf32>,
          } else {
          }
          %add3A_428 = arith.constant 384 : i32
          %add3A_429 = arith.addi %add3A_198, %add3A_428 : i32
          %add3A_430 = arith.constant 0 : i32
          %add3A_431 = arith.addi %add3A_429, %add3A_430 : i32
          %get3A_432 = arith.index_cast %add3A_431 : i32 to index
          %get3A_433 = tpu.vector_load %arg6[%get3A_432] {strides = array<i32>} : memref<57344xf32, #tpu.memory_space<vmem>>, vector<16xf32>,
          %get3A_434 = vector.shape_cast %get3A_433 : vector<16xf32> to vector<16xf32>
          %max3A_435 = arith.maximumf %select_n3A_371, %get3A_434 : vector<16xf32>
          %select_n3A_436 = arith.select %ne3A_424, %get3A_434, %max3A_435 : vector<16xf32>
          %add3A_437 = arith.constant 16 : i32
          %add3A_438 = arith.addi %add3A_429, %add3A_437 : i32
          %get3A_439 = arith.index_cast %add3A_438 : i32 to index
          %get3A_440 = tpu.vector_load %arg6[%get3A_439] {strides = array<i32>} : memref<57344xf32, #tpu.memory_space<vmem>>, vector<16xf32>,
          %get3A_441 = vector.shape_cast %get3A_440 : vector<16xf32> to vector<16xf32>
          %max3A_442 = arith.maximumf %select_n3A_378, %get3A_441 : vector<16xf32>
          %select_n3A_443 = arith.select %ne3A_424, %get3A_441, %max3A_442 : vector<16xf32>
          %add3A_444 = arith.constant 32 : i32
          %add3A_445 = arith.addi %add3A_429, %add3A_444 : i32
          %get3A_446 = arith.index_cast %add3A_445 : i32 to index
          %get3A_447 = tpu.vector_load %arg6[%get3A_446] {strides = array<i32>} : memref<57344xf32, #tpu.memory_space<vmem>>, vector<16xf32>,
          %get3A_448 = vector.shape_cast %get3A_447 : vector<16xf32> to vector<16xf32>
          %max3A_449 = arith.maximumf %select_n3A_385, %get3A_448 : vector<16xf32>
          %select_n3A_450 = arith.select %ne3A_424, %get3A_448, %max3A_449 : vector<16xf32>
          %add3A_451 = arith.constant 48 : i32
          %add3A_452 = arith.addi %add3A_429, %add3A_451 : i32
          %get3A_453 = arith.index_cast %add3A_452 : i32 to index
          %get3A_454 = tpu.vector_load %arg6[%get3A_453] {strides = array<i32>} : memref<57344xf32, #tpu.memory_space<vmem>>, vector<16xf32>,
          %get3A_455 = vector.shape_cast %get3A_454 : vector<16xf32> to vector<16xf32>
          %max3A_456 = arith.maximumf %select_n3A_392, %get3A_455 : vector<16xf32>
          %select_n3A_457 = arith.select %ne3A_424, %get3A_455, %max3A_456 : vector<16xf32>
          %add3A_458 = arith.constant 64 : i32
          %add3A_459 = arith.addi %add3A_429, %add3A_458 : i32
          %get3A_460 = arith.index_cast %add3A_459 : i32 to index
          %get3A_461 = tpu.vector_load %arg6[%get3A_460] {strides = array<i32>} : memref<57344xf32, #tpu.memory_space<vmem>>, vector<16xf32>,
          %get3A_462 = vector.shape_cast %get3A_461 : vector<16xf32> to vector<16xf32>
          %max3A_463 = arith.maximumf %select_n3A_399, %get3A_462 : vector<16xf32>
          %select_n3A_464 = arith.select %ne3A_424, %get3A_462, %max3A_463 : vector<16xf32>
          %add3A_465 = arith.constant 80 : i32
          %add3A_466 = arith.addi %add3A_429, %add3A_465 : i32
          %get3A_467 = arith.index_cast %add3A_466 : i32 to index
          %get3A_468 = tpu.vector_load %arg6[%get3A_467] {strides = array<i32>} : memref<57344xf32, #tpu.memory_space<vmem>>, vector<16xf32>,
          %get3A_469 = vector.shape_cast %get3A_468 : vector<16xf32> to vector<16xf32>
          %max3A_470 = arith.maximumf %select_n3A_406, %get3A_469 : vector<16xf32>
          %select_n3A_471 = arith.select %ne3A_424, %get3A_469, %max3A_470 : vector<16xf32>
          %add3A_472 = arith.constant 96 : i32
          %add3A_473 = arith.addi %add3A_429, %add3A_472 : i32
          %get3A_474 = arith.index_cast %add3A_473 : i32 to index
          %get3A_475 = tpu.vector_load %arg6[%get3A_474] {strides = array<i32>} : memref<57344xf32, #tpu.memory_space<vmem>>, vector<16xf32>,
          %get3A_476 = vector.shape_cast %get3A_475 : vector<16xf32> to vector<16xf32>
          %max3A_477 = arith.maximumf %select_n3A_413, %get3A_476 : vector<16xf32>
          %select_n3A_478 = arith.select %ne3A_424, %get3A_476, %max3A_477 : vector<16xf32>
          %add3A_479 = arith.constant 112 : i32
          %add3A_480 = arith.addi %add3A_429, %add3A_479 : i32
          %get3A_481 = arith.index_cast %add3A_480 : i32 to index
          %get3A_482 = tpu.vector_load %arg6[%get3A_481] {strides = array<i32>} : memref<57344xf32, #tpu.memory_space<vmem>>, vector<16xf32>,
          %get3A_483 = vector.shape_cast %get3A_482 : vector<16xf32> to vector<16xf32>
          %max3A_484 = arith.maximumf %select_n3A_420, %get3A_483 : vector<16xf32>
          %select_n3A_485 = arith.select %ne3A_424, %get3A_483, %max3A_484 : vector<16xf32>
          %select_n3A_486 = arith.select %ne3A_424, %squeeze3A_423, %select_n3A_421 : i32
          %slice3A_487 = vector.extract_strided_slice %get3A_193 {offsets = [4], sizes = [1], strides = [1]} : vector<16xi32> to vector<1xi32>
          %squeeze3A_488 = vector.extract %slice3A_487[0] : i32 from vector<1xi32>
          %ne3A_489 = arith.cmpi ne, %squeeze3A_488, %select_n3A_486 : i32
          %convert_element_type3A_490 = arith.extui %ne3A_489 : i1 to i32
          %cond3A_491 = arith.constant 0 : i32
          %cond3A_492 = arith.cmpi ne, %convert_element_type3A_490, %cond3A_491 : i32
          scf.if %cond3A_492 {
            %reshape3A_1299 = vector.shape_cast %select_n3A_436 : vector<16xf32> to vector<1x16xf32>
            %swap3A_1300 = arith.index_cast %select_n3A_486 : i32 to index
            %swap3A_1301 = arith.constant 0 : index
            %swap3A_1302 = tpu.vector_load %arg7[%swap3A_1300, %swap3A_1301] {strides = array<i32>} : memref<256x128xf32, #tpu.memory_space<vmem>>, vector<1x16xf32>,
            %swap3A_1303 = vector.shape_cast %swap3A_1302 : vector<1x16xf32> to vector<1x16xf32>
            %swap3A_1304 = vector.shape_cast %reshape3A_1299 : vector<1x16xf32> to vector<1x16xf32>
            tpu.vector_store %arg7[%swap3A_1300, %swap3A_1301], %swap3A_1304 {strides = array<i32>} : memref<256x128xf32, #tpu.memory_space<vmem>>, vector<1x16xf32>,
            %reshape3A_1305 = vector.shape_cast %select_n3A_443 : vector<16xf32> to vector<1x16xf32>
            %swap3A_1306 = arith.index_cast %select_n3A_486 : i32 to index
            %swap3A_1307 = arith.constant 16 : index
            %swap3A_1308 = tpu.vector_load %arg7[%swap3A_1306, %swap3A_1307] {strides = array<i32>} : memref<256x128xf32, #tpu.memory_space<vmem>>, vector<1x16xf32>,
            %swap3A_1309 = vector.shape_cast %swap3A_1308 : vector<1x16xf32> to vector<1x16xf32>
            %swap3A_1310 = vector.shape_cast %reshape3A_1305 : vector<1x16xf32> to vector<1x16xf32>
            tpu.vector_store %arg7[%swap3A_1306, %swap3A_1307], %swap3A_1310 {strides = array<i32>} : memref<256x128xf32, #tpu.memory_space<vmem>>, vector<1x16xf32>,
            %reshape3A_1311 = vector.shape_cast %select_n3A_450 : vector<16xf32> to vector<1x16xf32>
            %swap3A_1312 = arith.index_cast %select_n3A_486 : i32 to index
            %swap3A_1313 = arith.constant 32 : index
            %swap3A_1314 = tpu.vector_load %arg7[%swap3A_1312, %swap3A_1313] {strides = array<i32>} : memref<256x128xf32, #tpu.memory_space<vmem>>, vector<1x16xf32>,
            %swap3A_1315 = vector.shape_cast %swap3A_1314 : vector<1x16xf32> to vector<1x16xf32>
            %swap3A_1316 = vector.shape_cast %reshape3A_1311 : vector<1x16xf32> to vector<1x16xf32>
            tpu.vector_store %arg7[%swap3A_1312, %swap3A_1313], %swap3A_1316 {strides = array<i32>} : memref<256x128xf32, #tpu.memory_space<vmem>>, vector<1x16xf32>,
            %reshape3A_1317 = vector.shape_cast %select_n3A_457 : vector<16xf32> to vector<1x16xf32>
            %swap3A_1318 = arith.index_cast %select_n3A_486 : i32 to index
            %swap3A_1319 = arith.constant 48 : index
            %swap3A_1320 = tpu.vector_load %arg7[%swap3A_1318, %swap3A_1319] {strides = array<i32>} : memref<256x128xf32, #tpu.memory_space<vmem>>, vector<1x16xf32>,
            %swap3A_1321 = vector.shape_cast %swap3A_1320 : vector<1x16xf32> to vector<1x16xf32>
            %swap3A_1322 = vector.shape_cast %reshape3A_1317 : vector<1x16xf32> to vector<1x16xf32>
            tpu.vector_store %arg7[%swap3A_1318, %swap3A_1319], %swap3A_1322 {strides = array<i32>} : memref<256x128xf32, #tpu.memory_space<vmem>>, vector<1x16xf32>,
            %reshape3A_1323 = vector.shape_cast %select_n3A_464 : vector<16xf32> to vector<1x16xf32>
            %swap3A_1324 = arith.index_cast %select_n3A_486 : i32 to index
            %swap3A_1325 = arith.constant 64 : index
            %swap3A_1326 = tpu.vector_load %arg7[%swap3A_1324, %swap3A_1325] {strides = array<i32>} : memref<256x128xf32, #tpu.memory_space<vmem>>, vector<1x16xf32>,
            %swap3A_1327 = vector.shape_cast %swap3A_1326 : vector<1x16xf32> to vector<1x16xf32>
            %swap3A_1328 = vector.shape_cast %reshape3A_1323 : vector<1x16xf32> to vector<1x16xf32>
            tpu.vector_store %arg7[%swap3A_1324, %swap3A_1325], %swap3A_1328 {strides = array<i32>} : memref<256x128xf32, #tpu.memory_space<vmem>>, vector<1x16xf32>,
            %reshape3A_1329 = vector.shape_cast %select_n3A_471 : vector<16xf32> to vector<1x16xf32>
            %swap3A_1330 = arith.index_cast %select_n3A_486 : i32 to index
            %swap3A_1331 = arith.constant 80 : index
            %swap3A_1332 = tpu.vector_load %arg7[%swap3A_1330, %swap3A_1331] {strides = array<i32>} : memref<256x128xf32, #tpu.memory_space<vmem>>, vector<1x16xf32>,
            %swap3A_1333 = vector.shape_cast %swap3A_1332 : vector<1x16xf32> to vector<1x16xf32>
            %swap3A_1334 = vector.shape_cast %reshape3A_1329 : vector<1x16xf32> to vector<1x16xf32>
            tpu.vector_store %arg7[%swap3A_1330, %swap3A_1331], %swap3A_1334 {strides = array<i32>} : memref<256x128xf32, #tpu.memory_space<vmem>>, vector<1x16xf32>,
            %reshape3A_1335 = vector.shape_cast %select_n3A_478 : vector<16xf32> to vector<1x16xf32>
            %swap3A_1336 = arith.index_cast %select_n3A_486 : i32 to index
            %swap3A_1337 = arith.constant 96 : index
            %swap3A_1338 = tpu.vector_load %arg7[%swap3A_1336, %swap3A_1337] {strides = array<i32>} : memref<256x128xf32, #tpu.memory_space<vmem>>, vector<1x16xf32>,
            %swap3A_1339 = vector.shape_cast %swap3A_1338 : vector<1x16xf32> to vector<1x16xf32>
            %swap3A_1340 = vector.shape_cast %reshape3A_1335 : vector<1x16xf32> to vector<1x16xf32>
            tpu.vector_store %arg7[%swap3A_1336, %swap3A_1337], %swap3A_1340 {strides = array<i32>} : memref<256x128xf32, #tpu.memory_space<vmem>>, vector<1x16xf32>,
            %reshape3A_1341 = vector.shape_cast %select_n3A_485 : vector<16xf32> to vector<1x16xf32>
            %swap3A_1342 = arith.index_cast %select_n3A_486 : i32 to index
            %swap3A_1343 = arith.constant 112 : index
            %swap3A_1344 = tpu.vector_load %arg7[%swap3A_1342, %swap3A_1343] {strides = array<i32>} : memref<256x128xf32, #tpu.memory_space<vmem>>, vector<1x16xf32>,
            %swap3A_1345 = vector.shape_cast %swap3A_1344 : vector<1x16xf32> to vector<1x16xf32>
            %swap3A_1346 = vector.shape_cast %reshape3A_1341 : vector<1x16xf32> to vector<1x16xf32>
            tpu.vector_store %arg7[%swap3A_1342, %swap3A_1343], %swap3A_1346 {strides = array<i32>} : memref<256x128xf32, #tpu.memory_space<vmem>>, vector<1x16xf32>,
          } else {
          }
          %add3A_493 = arith.constant 512 : i32
          %add3A_494 = arith.addi %add3A_198, %add3A_493 : i32
          %add3A_495 = arith.constant 0 : i32
          %add3A_496 = arith.addi %add3A_494, %add3A_495 : i32
          %get3A_497 = arith.index_cast %add3A_496 : i32 to index
          %get3A_498 = tpu.vector_load %arg6[%get3A_497] {strides = array<i32>} : memref<57344xf32, #tpu.memory_space<vmem>>, vector<16xf32>,
          %get3A_499 = vector.shape_cast %get3A_498 : vector<16xf32> to vector<16xf32>
          %max3A_500 = arith.maximumf %select_n3A_436, %get3A_499 : vector<16xf32>
          %select_n3A_501 = arith.select %ne3A_489, %get3A_499, %max3A_500 : vector<16xf32>
          %add3A_502 = arith.constant 16 : i32
          %add3A_503 = arith.addi %add3A_494, %add3A_502 : i32
          %get3A_504 = arith.index_cast %add3A_503 : i32 to index
          %get3A_505 = tpu.vector_load %arg6[%get3A_504] {strides = array<i32>} : memref<57344xf32, #tpu.memory_space<vmem>>, vector<16xf32>,
          %get3A_506 = vector.shape_cast %get3A_505 : vector<16xf32> to vector<16xf32>
          %max3A_507 = arith.maximumf %select_n3A_443, %get3A_506 : vector<16xf32>
          %select_n3A_508 = arith.select %ne3A_489, %get3A_506, %max3A_507 : vector<16xf32>
          %add3A_509 = arith.constant 32 : i32
          %add3A_510 = arith.addi %add3A_494, %add3A_509 : i32
          %get3A_511 = arith.index_cast %add3A_510 : i32 to index
          %get3A_512 = tpu.vector_load %arg6[%get3A_511] {strides = array<i32>} : memref<57344xf32, #tpu.memory_space<vmem>>, vector<16xf32>,
          %get3A_513 = vector.shape_cast %get3A_512 : vector<16xf32> to vector<16xf32>
          %max3A_514 = arith.maximumf %select_n3A_450, %get3A_513 : vector<16xf32>
          %select_n3A_515 = arith.select %ne3A_489, %get3A_513, %max3A_514 : vector<16xf32>
          %add3A_516 = arith.constant 48 : i32
          %add3A_517 = arith.addi %add3A_494, %add3A_516 : i32
          %get3A_518 = arith.index_cast %add3A_517 : i32 to index
          %get3A_519 = tpu.vector_load %arg6[%get3A_518] {strides = array<i32>} : memref<57344xf32, #tpu.memory_space<vmem>>, vector<16xf32>,
          %get3A_520 = vector.shape_cast %get3A_519 : vector<16xf32> to vector<16xf32>
          %max3A_521 = arith.maximumf %select_n3A_457, %get3A_520 : vector<16xf32>
          %select_n3A_522 = arith.select %ne3A_489, %get3A_520, %max3A_521 : vector<16xf32>
          %add3A_523 = arith.constant 64 : i32
          %add3A_524 = arith.addi %add3A_494, %add3A_523 : i32
          %get3A_525 = arith.index_cast %add3A_524 : i32 to index
          %get3A_526 = tpu.vector_load %arg6[%get3A_525] {strides = array<i32>} : memref<57344xf32, #tpu.memory_space<vmem>>, vector<16xf32>,
          %get3A_527 = vector.shape_cast %get3A_526 : vector<16xf32> to vector<16xf32>
          %max3A_528 = arith.maximumf %select_n3A_464, %get3A_527 : vector<16xf32>
          %select_n3A_529 = arith.select %ne3A_489, %get3A_527, %max3A_528 : vector<16xf32>
          %add3A_530 = arith.constant 80 : i32
          %add3A_531 = arith.addi %add3A_494, %add3A_530 : i32
          %get3A_532 = arith.index_cast %add3A_531 : i32 to index
          %get3A_533 = tpu.vector_load %arg6[%get3A_532] {strides = array<i32>} : memref<57344xf32, #tpu.memory_space<vmem>>, vector<16xf32>,
          %get3A_534 = vector.shape_cast %get3A_533 : vector<16xf32> to vector<16xf32>
          %max3A_535 = arith.maximumf %select_n3A_471, %get3A_534 : vector<16xf32>
          %select_n3A_536 = arith.select %ne3A_489, %get3A_534, %max3A_535 : vector<16xf32>
          %add3A_537 = arith.constant 96 : i32
          %add3A_538 = arith.addi %add3A_494, %add3A_537 : i32
          %get3A_539 = arith.index_cast %add3A_538 : i32 to index
          %get3A_540 = tpu.vector_load %arg6[%get3A_539] {strides = array<i32>} : memref<57344xf32, #tpu.memory_space<vmem>>, vector<16xf32>,
          %get3A_541 = vector.shape_cast %get3A_540 : vector<16xf32> to vector<16xf32>
          %max3A_542 = arith.maximumf %select_n3A_478, %get3A_541 : vector<16xf32>
          %select_n3A_543 = arith.select %ne3A_489, %get3A_541, %max3A_542 : vector<16xf32>
          %add3A_544 = arith.constant 112 : i32
          %add3A_545 = arith.addi %add3A_494, %add3A_544 : i32
          %get3A_546 = arith.index_cast %add3A_545 : i32 to index
          %get3A_547 = tpu.vector_load %arg6[%get3A_546] {strides = array<i32>} : memref<57344xf32, #tpu.memory_space<vmem>>, vector<16xf32>,
          %get3A_548 = vector.shape_cast %get3A_547 : vector<16xf32> to vector<16xf32>
          %max3A_549 = arith.maximumf %select_n3A_485, %get3A_548 : vector<16xf32>
          %select_n3A_550 = arith.select %ne3A_489, %get3A_548, %max3A_549 : vector<16xf32>
          %select_n3A_551 = arith.select %ne3A_489, %squeeze3A_488, %select_n3A_486 : i32
          %slice3A_552 = vector.extract_strided_slice %get3A_193 {offsets = [5], sizes = [1], strides = [1]} : vector<16xi32> to vector<1xi32>
          %squeeze3A_553 = vector.extract %slice3A_552[0] : i32 from vector<1xi32>
          %ne3A_554 = arith.cmpi ne, %squeeze3A_553, %select_n3A_551 : i32
          %convert_element_type3A_555 = arith.extui %ne3A_554 : i1 to i32
          %cond3A_556 = arith.constant 0 : i32
          %cond3A_557 = arith.cmpi ne, %convert_element_type3A_555, %cond3A_556 : i32
          scf.if %cond3A_557 {
            %reshape3A_1299 = vector.shape_cast %select_n3A_501 : vector<16xf32> to vector<1x16xf32>
            %swap3A_1300 = arith.index_cast %select_n3A_551 : i32 to index
            %swap3A_1301 = arith.constant 0 : index
            %swap3A_1302 = tpu.vector_load %arg7[%swap3A_1300, %swap3A_1301] {strides = array<i32>} : memref<256x128xf32, #tpu.memory_space<vmem>>, vector<1x16xf32>,
            %swap3A_1303 = vector.shape_cast %swap3A_1302 : vector<1x16xf32> to vector<1x16xf32>
            %swap3A_1304 = vector.shape_cast %reshape3A_1299 : vector<1x16xf32> to vector<1x16xf32>
            tpu.vector_store %arg7[%swap3A_1300, %swap3A_1301], %swap3A_1304 {strides = array<i32>} : memref<256x128xf32, #tpu.memory_space<vmem>>, vector<1x16xf32>,
            %reshape3A_1305 = vector.shape_cast %select_n3A_508 : vector<16xf32> to vector<1x16xf32>
            %swap3A_1306 = arith.index_cast %select_n3A_551 : i32 to index
            %swap3A_1307 = arith.constant 16 : index
            %swap3A_1308 = tpu.vector_load %arg7[%swap3A_1306, %swap3A_1307] {strides = array<i32>} : memref<256x128xf32, #tpu.memory_space<vmem>>, vector<1x16xf32>,
            %swap3A_1309 = vector.shape_cast %swap3A_1308 : vector<1x16xf32> to vector<1x16xf32>
            %swap3A_1310 = vector.shape_cast %reshape3A_1305 : vector<1x16xf32> to vector<1x16xf32>
            tpu.vector_store %arg7[%swap3A_1306, %swap3A_1307], %swap3A_1310 {strides = array<i32>} : memref<256x128xf32, #tpu.memory_space<vmem>>, vector<1x16xf32>,
            %reshape3A_1311 = vector.shape_cast %select_n3A_515 : vector<16xf32> to vector<1x16xf32>
            %swap3A_1312 = arith.index_cast %select_n3A_551 : i32 to index
            %swap3A_1313 = arith.constant 32 : index
            %swap3A_1314 = tpu.vector_load %arg7[%swap3A_1312, %swap3A_1313] {strides = array<i32>} : memref<256x128xf32, #tpu.memory_space<vmem>>, vector<1x16xf32>,
            %swap3A_1315 = vector.shape_cast %swap3A_1314 : vector<1x16xf32> to vector<1x16xf32>
            %swap3A_1316 = vector.shape_cast %reshape3A_1311 : vector<1x16xf32> to vector<1x16xf32>
            tpu.vector_store %arg7[%swap3A_1312, %swap3A_1313], %swap3A_1316 {strides = array<i32>} : memref<256x128xf32, #tpu.memory_space<vmem>>, vector<1x16xf32>,
            %reshape3A_1317 = vector.shape_cast %select_n3A_522 : vector<16xf32> to vector<1x16xf32>
            %swap3A_1318 = arith.index_cast %select_n3A_551 : i32 to index
            %swap3A_1319 = arith.constant 48 : index
            %swap3A_1320 = tpu.vector_load %arg7[%swap3A_1318, %swap3A_1319] {strides = array<i32>} : memref<256x128xf32, #tpu.memory_space<vmem>>, vector<1x16xf32>,
            %swap3A_1321 = vector.shape_cast %swap3A_1320 : vector<1x16xf32> to vector<1x16xf32>
            %swap3A_1322 = vector.shape_cast %reshape3A_1317 : vector<1x16xf32> to vector<1x16xf32>
            tpu.vector_store %arg7[%swap3A_1318, %swap3A_1319], %swap3A_1322 {strides = array<i32>} : memref<256x128xf32, #tpu.memory_space<vmem>>, vector<1x16xf32>,
            %reshape3A_1323 = vector.shape_cast %select_n3A_529 : vector<16xf32> to vector<1x16xf32>
            %swap3A_1324 = arith.index_cast %select_n3A_551 : i32 to index
            %swap3A_1325 = arith.constant 64 : index
            %swap3A_1326 = tpu.vector_load %arg7[%swap3A_1324, %swap3A_1325] {strides = array<i32>} : memref<256x128xf32, #tpu.memory_space<vmem>>, vector<1x16xf32>,
            %swap3A_1327 = vector.shape_cast %swap3A_1326 : vector<1x16xf32> to vector<1x16xf32>
            %swap3A_1328 = vector.shape_cast %reshape3A_1323 : vector<1x16xf32> to vector<1x16xf32>
            tpu.vector_store %arg7[%swap3A_1324, %swap3A_1325], %swap3A_1328 {strides = array<i32>} : memref<256x128xf32, #tpu.memory_space<vmem>>, vector<1x16xf32>,
            %reshape3A_1329 = vector.shape_cast %select_n3A_536 : vector<16xf32> to vector<1x16xf32>
            %swap3A_1330 = arith.index_cast %select_n3A_551 : i32 to index
            %swap3A_1331 = arith.constant 80 : index
            %swap3A_1332 = tpu.vector_load %arg7[%swap3A_1330, %swap3A_1331] {strides = array<i32>} : memref<256x128xf32, #tpu.memory_space<vmem>>, vector<1x16xf32>,
            %swap3A_1333 = vector.shape_cast %swap3A_1332 : vector<1x16xf32> to vector<1x16xf32>
            %swap3A_1334 = vector.shape_cast %reshape3A_1329 : vector<1x16xf32> to vector<1x16xf32>
            tpu.vector_store %arg7[%swap3A_1330, %swap3A_1331], %swap3A_1334 {strides = array<i32>} : memref<256x128xf32, #tpu.memory_space<vmem>>, vector<1x16xf32>,
            %reshape3A_1335 = vector.shape_cast %select_n3A_543 : vector<16xf32> to vector<1x16xf32>
            %swap3A_1336 = arith.index_cast %select_n3A_551 : i32 to index
            %swap3A_1337 = arith.constant 96 : index
            %swap3A_1338 = tpu.vector_load %arg7[%swap3A_1336, %swap3A_1337] {strides = array<i32>} : memref<256x128xf32, #tpu.memory_space<vmem>>, vector<1x16xf32>,
            %swap3A_1339 = vector.shape_cast %swap3A_1338 : vector<1x16xf32> to vector<1x16xf32>
            %swap3A_1340 = vector.shape_cast %reshape3A_1335 : vector<1x16xf32> to vector<1x16xf32>
            tpu.vector_store %arg7[%swap3A_1336, %swap3A_1337], %swap3A_1340 {strides = array<i32>} : memref<256x128xf32, #tpu.memory_space<vmem>>, vector<1x16xf32>,
            %reshape3A_1341 = vector.shape_cast %select_n3A_550 : vector<16xf32> to vector<1x16xf32>
            %swap3A_1342 = arith.index_cast %select_n3A_551 : i32 to index
            %swap3A_1343 = arith.constant 112 : index
            %swap3A_1344 = tpu.vector_load %arg7[%swap3A_1342, %swap3A_1343] {strides = array<i32>} : memref<256x128xf32, #tpu.memory_space<vmem>>, vector<1x16xf32>,
            %swap3A_1345 = vector.shape_cast %swap3A_1344 : vector<1x16xf32> to vector<1x16xf32>
            %swap3A_1346 = vector.shape_cast %reshape3A_1341 : vector<1x16xf32> to vector<1x16xf32>
            tpu.vector_store %arg7[%swap3A_1342, %swap3A_1343], %swap3A_1346 {strides = array<i32>} : memref<256x128xf32, #tpu.memory_space<vmem>>, vector<1x16xf32>,
          } else {
          }
          %add3A_558 = arith.constant 640 : i32
          %add3A_559 = arith.addi %add3A_198, %add3A_558 : i32
          %add3A_560 = arith.constant 0 : i32
          %add3A_561 = arith.addi %add3A_559, %add3A_560 : i32
          %get3A_562 = arith.index_cast %add3A_561 : i32 to index
          %get3A_563 = tpu.vector_load %arg6[%get3A_562] {strides = array<i32>} : memref<57344xf32, #tpu.memory_space<vmem>>, vector<16xf32>,
          %get3A_564 = vector.shape_cast %get3A_563 : vector<16xf32> to vector<16xf32>
          %max3A_565 = arith.maximumf %select_n3A_501, %get3A_564 : vector<16xf32>
          %select_n3A_566 = arith.select %ne3A_554, %get3A_564, %max3A_565 : vector<16xf32>
          %add3A_567 = arith.constant 16 : i32
          %add3A_568 = arith.addi %add3A_559, %add3A_567 : i32
          %get3A_569 = arith.index_cast %add3A_568 : i32 to index
          %get3A_570 = tpu.vector_load %arg6[%get3A_569] {strides = array<i32>} : memref<57344xf32, #tpu.memory_space<vmem>>, vector<16xf32>,
          %get3A_571 = vector.shape_cast %get3A_570 : vector<16xf32> to vector<16xf32>
          %max3A_572 = arith.maximumf %select_n3A_508, %get3A_571 : vector<16xf32>
          %select_n3A_573 = arith.select %ne3A_554, %get3A_571, %max3A_572 : vector<16xf32>
          %add3A_574 = arith.constant 32 : i32
          %add3A_575 = arith.addi %add3A_559, %add3A_574 : i32
          %get3A_576 = arith.index_cast %add3A_575 : i32 to index
          %get3A_577 = tpu.vector_load %arg6[%get3A_576] {strides = array<i32>} : memref<57344xf32, #tpu.memory_space<vmem>>, vector<16xf32>,
          %get3A_578 = vector.shape_cast %get3A_577 : vector<16xf32> to vector<16xf32>
          %max3A_579 = arith.maximumf %select_n3A_515, %get3A_578 : vector<16xf32>
          %select_n3A_580 = arith.select %ne3A_554, %get3A_578, %max3A_579 : vector<16xf32>
          %add3A_581 = arith.constant 48 : i32
          %add3A_582 = arith.addi %add3A_559, %add3A_581 : i32
          %get3A_583 = arith.index_cast %add3A_582 : i32 to index
          %get3A_584 = tpu.vector_load %arg6[%get3A_583] {strides = array<i32>} : memref<57344xf32, #tpu.memory_space<vmem>>, vector<16xf32>,
          %get3A_585 = vector.shape_cast %get3A_584 : vector<16xf32> to vector<16xf32>
          %max3A_586 = arith.maximumf %select_n3A_522, %get3A_585 : vector<16xf32>
          %select_n3A_587 = arith.select %ne3A_554, %get3A_585, %max3A_586 : vector<16xf32>
          %add3A_588 = arith.constant 64 : i32
          %add3A_589 = arith.addi %add3A_559, %add3A_588 : i32
          %get3A_590 = arith.index_cast %add3A_589 : i32 to index
          %get3A_591 = tpu.vector_load %arg6[%get3A_590] {strides = array<i32>} : memref<57344xf32, #tpu.memory_space<vmem>>, vector<16xf32>,
          %get3A_592 = vector.shape_cast %get3A_591 : vector<16xf32> to vector<16xf32>
          %max3A_593 = arith.maximumf %select_n3A_529, %get3A_592 : vector<16xf32>
          %select_n3A_594 = arith.select %ne3A_554, %get3A_592, %max3A_593 : vector<16xf32>
          %add3A_595 = arith.constant 80 : i32
          %add3A_596 = arith.addi %add3A_559, %add3A_595 : i32
          %get3A_597 = arith.index_cast %add3A_596 : i32 to index
          %get3A_598 = tpu.vector_load %arg6[%get3A_597] {strides = array<i32>} : memref<57344xf32, #tpu.memory_space<vmem>>, vector<16xf32>,
          %get3A_599 = vector.shape_cast %get3A_598 : vector<16xf32> to vector<16xf32>
          %max3A_600 = arith.maximumf %select_n3A_536, %get3A_599 : vector<16xf32>
          %select_n3A_601 = arith.select %ne3A_554, %get3A_599, %max3A_600 : vector<16xf32>
          %add3A_602 = arith.constant 96 : i32
          %add3A_603 = arith.addi %add3A_559, %add3A_602 : i32
          %get3A_604 = arith.index_cast %add3A_603 : i32 to index
          %get3A_605 = tpu.vector_load %arg6[%get3A_604] {strides = array<i32>} : memref<57344xf32, #tpu.memory_space<vmem>>, vector<16xf32>,
          %get3A_606 = vector.shape_cast %get3A_605 : vector<16xf32> to vector<16xf32>
          %max3A_607 = arith.maximumf %select_n3A_543, %get3A_606 : vector<16xf32>
          %select_n3A_608 = arith.select %ne3A_554, %get3A_606, %max3A_607 : vector<16xf32>
          %add3A_609 = arith.constant 112 : i32
          %add3A_610 = arith.addi %add3A_559, %add3A_609 : i32
          %get3A_611 = arith.index_cast %add3A_610 : i32 to index
          %get3A_612 = tpu.vector_load %arg6[%get3A_611] {strides = array<i32>} : memref<57344xf32, #tpu.memory_space<vmem>>, vector<16xf32>,
          %get3A_613 = vector.shape_cast %get3A_612 : vector<16xf32> to vector<16xf32>
          %max3A_614 = arith.maximumf %select_n3A_550, %get3A_613 : vector<16xf32>
          %select_n3A_615 = arith.select %ne3A_554, %get3A_613, %max3A_614 : vector<16xf32>
          %select_n3A_616 = arith.select %ne3A_554, %squeeze3A_553, %select_n3A_551 : i32
          %slice3A_617 = vector.extract_strided_slice %get3A_193 {offsets = [6], sizes = [1], strides = [1]} : vector<16xi32> to vector<1xi32>
          %squeeze3A_618 = vector.extract %slice3A_617[0] : i32 from vector<1xi32>
          %ne3A_619 = arith.cmpi ne, %squeeze3A_618, %select_n3A_616 : i32
          %convert_element_type3A_620 = arith.extui %ne3A_619 : i1 to i32
          %cond3A_621 = arith.constant 0 : i32
          %cond3A_622 = arith.cmpi ne, %convert_element_type3A_620, %cond3A_621 : i32
          scf.if %cond3A_622 {
            %reshape3A_1299 = vector.shape_cast %select_n3A_566 : vector<16xf32> to vector<1x16xf32>
            %swap3A_1300 = arith.index_cast %select_n3A_616 : i32 to index
            %swap3A_1301 = arith.constant 0 : index
            %swap3A_1302 = tpu.vector_load %arg7[%swap3A_1300, %swap3A_1301] {strides = array<i32>} : memref<256x128xf32, #tpu.memory_space<vmem>>, vector<1x16xf32>,
            %swap3A_1303 = vector.shape_cast %swap3A_1302 : vector<1x16xf32> to vector<1x16xf32>
            %swap3A_1304 = vector.shape_cast %reshape3A_1299 : vector<1x16xf32> to vector<1x16xf32>
            tpu.vector_store %arg7[%swap3A_1300, %swap3A_1301], %swap3A_1304 {strides = array<i32>} : memref<256x128xf32, #tpu.memory_space<vmem>>, vector<1x16xf32>,
            %reshape3A_1305 = vector.shape_cast %select_n3A_573 : vector<16xf32> to vector<1x16xf32>
            %swap3A_1306 = arith.index_cast %select_n3A_616 : i32 to index
            %swap3A_1307 = arith.constant 16 : index
            %swap3A_1308 = tpu.vector_load %arg7[%swap3A_1306, %swap3A_1307] {strides = array<i32>} : memref<256x128xf32, #tpu.memory_space<vmem>>, vector<1x16xf32>,
            %swap3A_1309 = vector.shape_cast %swap3A_1308 : vector<1x16xf32> to vector<1x16xf32>
            %swap3A_1310 = vector.shape_cast %reshape3A_1305 : vector<1x16xf32> to vector<1x16xf32>
            tpu.vector_store %arg7[%swap3A_1306, %swap3A_1307], %swap3A_1310 {strides = array<i32>} : memref<256x128xf32, #tpu.memory_space<vmem>>, vector<1x16xf32>,
            %reshape3A_1311 = vector.shape_cast %select_n3A_580 : vector<16xf32> to vector<1x16xf32>
            %swap3A_1312 = arith.index_cast %select_n3A_616 : i32 to index
            %swap3A_1313 = arith.constant 32 : index
            %swap3A_1314 = tpu.vector_load %arg7[%swap3A_1312, %swap3A_1313] {strides = array<i32>} : memref<256x128xf32, #tpu.memory_space<vmem>>, vector<1x16xf32>,
            %swap3A_1315 = vector.shape_cast %swap3A_1314 : vector<1x16xf32> to vector<1x16xf32>
            %swap3A_1316 = vector.shape_cast %reshape3A_1311 : vector<1x16xf32> to vector<1x16xf32>
            tpu.vector_store %arg7[%swap3A_1312, %swap3A_1313], %swap3A_1316 {strides = array<i32>} : memref<256x128xf32, #tpu.memory_space<vmem>>, vector<1x16xf32>,
            %reshape3A_1317 = vector.shape_cast %select_n3A_587 : vector<16xf32> to vector<1x16xf32>
            %swap3A_1318 = arith.index_cast %select_n3A_616 : i32 to index
            %swap3A_1319 = arith.constant 48 : index
            %swap3A_1320 = tpu.vector_load %arg7[%swap3A_1318, %swap3A_1319] {strides = array<i32>} : memref<256x128xf32, #tpu.memory_space<vmem>>, vector<1x16xf32>,
            %swap3A_1321 = vector.shape_cast %swap3A_1320 : vector<1x16xf32> to vector<1x16xf32>
            %swap3A_1322 = vector.shape_cast %reshape3A_1317 : vector<1x16xf32> to vector<1x16xf32>
            tpu.vector_store %arg7[%swap3A_1318, %swap3A_1319], %swap3A_1322 {strides = array<i32>} : memref<256x128xf32, #tpu.memory_space<vmem>>, vector<1x16xf32>,
            %reshape3A_1323 = vector.shape_cast %select_n3A_594 : vector<16xf32> to vector<1x16xf32>
            %swap3A_1324 = arith.index_cast %select_n3A_616 : i32 to index
            %swap3A_1325 = arith.constant 64 : index
            %swap3A_1326 = tpu.vector_load %arg7[%swap3A_1324, %swap3A_1325] {strides = array<i32>} : memref<256x128xf32, #tpu.memory_space<vmem>>, vector<1x16xf32>,
            %swap3A_1327 = vector.shape_cast %swap3A_1326 : vector<1x16xf32> to vector<1x16xf32>
            %swap3A_1328 = vector.shape_cast %reshape3A_1323 : vector<1x16xf32> to vector<1x16xf32>
            tpu.vector_store %arg7[%swap3A_1324, %swap3A_1325], %swap3A_1328 {strides = array<i32>} : memref<256x128xf32, #tpu.memory_space<vmem>>, vector<1x16xf32>,
            %reshape3A_1329 = vector.shape_cast %select_n3A_601 : vector<16xf32> to vector<1x16xf32>
            %swap3A_1330 = arith.index_cast %select_n3A_616 : i32 to index
            %swap3A_1331 = arith.constant 80 : index
            %swap3A_1332 = tpu.vector_load %arg7[%swap3A_1330, %swap3A_1331] {strides = array<i32>} : memref<256x128xf32, #tpu.memory_space<vmem>>, vector<1x16xf32>,
            %swap3A_1333 = vector.shape_cast %swap3A_1332 : vector<1x16xf32> to vector<1x16xf32>
            %swap3A_1334 = vector.shape_cast %reshape3A_1329 : vector<1x16xf32> to vector<1x16xf32>
            tpu.vector_store %arg7[%swap3A_1330, %swap3A_1331], %swap3A_1334 {strides = array<i32>} : memref<256x128xf32, #tpu.memory_space<vmem>>, vector<1x16xf32>,
            %reshape3A_1335 = vector.shape_cast %select_n3A_608 : vector<16xf32> to vector<1x16xf32>
            %swap3A_1336 = arith.index_cast %select_n3A_616 : i32 to index
            %swap3A_1337 = arith.constant 96 : index
            %swap3A_1338 = tpu.vector_load %arg7[%swap3A_1336, %swap3A_1337] {strides = array<i32>} : memref<256x128xf32, #tpu.memory_space<vmem>>, vector<1x16xf32>,
            %swap3A_1339 = vector.shape_cast %swap3A_1338 : vector<1x16xf32> to vector<1x16xf32>
            %swap3A_1340 = vector.shape_cast %reshape3A_1335 : vector<1x16xf32> to vector<1x16xf32>
            tpu.vector_store %arg7[%swap3A_1336, %swap3A_1337], %swap3A_1340 {strides = array<i32>} : memref<256x128xf32, #tpu.memory_space<vmem>>, vector<1x16xf32>,
            %reshape3A_1341 = vector.shape_cast %select_n3A_615 : vector<16xf32> to vector<1x16xf32>
            %swap3A_1342 = arith.index_cast %select_n3A_616 : i32 to index
            %swap3A_1343 = arith.constant 112 : index
            %swap3A_1344 = tpu.vector_load %arg7[%swap3A_1342, %swap3A_1343] {strides = array<i32>} : memref<256x128xf32, #tpu.memory_space<vmem>>, vector<1x16xf32>,
            %swap3A_1345 = vector.shape_cast %swap3A_1344 : vector<1x16xf32> to vector<1x16xf32>
            %swap3A_1346 = vector.shape_cast %reshape3A_1341 : vector<1x16xf32> to vector<1x16xf32>
            tpu.vector_store %arg7[%swap3A_1342, %swap3A_1343], %swap3A_1346 {strides = array<i32>} : memref<256x128xf32, #tpu.memory_space<vmem>>, vector<1x16xf32>,
          } else {
          }
          %add3A_623 = arith.constant 768 : i32
          %add3A_624 = arith.addi %add3A_198, %add3A_623 : i32
          %add3A_625 = arith.constant 0 : i32
          %add3A_626 = arith.addi %add3A_624, %add3A_625 : i32
          %get3A_627 = arith.index_cast %add3A_626 : i32 to index
          %get3A_628 = tpu.vector_load %arg6[%get3A_627] {strides = array<i32>} : memref<57344xf32, #tpu.memory_space<vmem>>, vector<16xf32>,
          %get3A_629 = vector.shape_cast %get3A_628 : vector<16xf32> to vector<16xf32>
          %max3A_630 = arith.maximumf %select_n3A_566, %get3A_629 : vector<16xf32>
          %select_n3A_631 = arith.select %ne3A_619, %get3A_629, %max3A_630 : vector<16xf32>
          %add3A_632 = arith.constant 16 : i32
          %add3A_633 = arith.addi %add3A_624, %add3A_632 : i32
          %get3A_634 = arith.index_cast %add3A_633 : i32 to index
          %get3A_635 = tpu.vector_load %arg6[%get3A_634] {strides = array<i32>} : memref<57344xf32, #tpu.memory_space<vmem>>, vector<16xf32>,
          %get3A_636 = vector.shape_cast %get3A_635 : vector<16xf32> to vector<16xf32>
          %max3A_637 = arith.maximumf %select_n3A_573, %get3A_636 : vector<16xf32>
          %select_n3A_638 = arith.select %ne3A_619, %get3A_636, %max3A_637 : vector<16xf32>
          %add3A_639 = arith.constant 32 : i32
          %add3A_640 = arith.addi %add3A_624, %add3A_639 : i32
          %get3A_641 = arith.index_cast %add3A_640 : i32 to index
          %get3A_642 = tpu.vector_load %arg6[%get3A_641] {strides = array<i32>} : memref<57344xf32, #tpu.memory_space<vmem>>, vector<16xf32>,
          %get3A_643 = vector.shape_cast %get3A_642 : vector<16xf32> to vector<16xf32>
          %max3A_644 = arith.maximumf %select_n3A_580, %get3A_643 : vector<16xf32>
          %select_n3A_645 = arith.select %ne3A_619, %get3A_643, %max3A_644 : vector<16xf32>
          %add3A_646 = arith.constant 48 : i32
          %add3A_647 = arith.addi %add3A_624, %add3A_646 : i32
          %get3A_648 = arith.index_cast %add3A_647 : i32 to index
          %get3A_649 = tpu.vector_load %arg6[%get3A_648] {strides = array<i32>} : memref<57344xf32, #tpu.memory_space<vmem>>, vector<16xf32>,
          %get3A_650 = vector.shape_cast %get3A_649 : vector<16xf32> to vector<16xf32>
          %max3A_651 = arith.maximumf %select_n3A_587, %get3A_650 : vector<16xf32>
          %select_n3A_652 = arith.select %ne3A_619, %get3A_650, %max3A_651 : vector<16xf32>
          %add3A_653 = arith.constant 64 : i32
          %add3A_654 = arith.addi %add3A_624, %add3A_653 : i32
          %get3A_655 = arith.index_cast %add3A_654 : i32 to index
          %get3A_656 = tpu.vector_load %arg6[%get3A_655] {strides = array<i32>} : memref<57344xf32, #tpu.memory_space<vmem>>, vector<16xf32>,
          %get3A_657 = vector.shape_cast %get3A_656 : vector<16xf32> to vector<16xf32>
          %max3A_658 = arith.maximumf %select_n3A_594, %get3A_657 : vector<16xf32>
          %select_n3A_659 = arith.select %ne3A_619, %get3A_657, %max3A_658 : vector<16xf32>
          %add3A_660 = arith.constant 80 : i32
          %add3A_661 = arith.addi %add3A_624, %add3A_660 : i32
          %get3A_662 = arith.index_cast %add3A_661 : i32 to index
          %get3A_663 = tpu.vector_load %arg6[%get3A_662] {strides = array<i32>} : memref<57344xf32, #tpu.memory_space<vmem>>, vector<16xf32>,
          %get3A_664 = vector.shape_cast %get3A_663 : vector<16xf32> to vector<16xf32>
          %max3A_665 = arith.maximumf %select_n3A_601, %get3A_664 : vector<16xf32>
          %select_n3A_666 = arith.select %ne3A_619, %get3A_664, %max3A_665 : vector<16xf32>
          %add3A_667 = arith.constant 96 : i32
          %add3A_668 = arith.addi %add3A_624, %add3A_667 : i32
          %get3A_669 = arith.index_cast %add3A_668 : i32 to index
          %get3A_670 = tpu.vector_load %arg6[%get3A_669] {strides = array<i32>} : memref<57344xf32, #tpu.memory_space<vmem>>, vector<16xf32>,
          %get3A_671 = vector.shape_cast %get3A_670 : vector<16xf32> to vector<16xf32>
          %max3A_672 = arith.maximumf %select_n3A_608, %get3A_671 : vector<16xf32>
          %select_n3A_673 = arith.select %ne3A_619, %get3A_671, %max3A_672 : vector<16xf32>
          %add3A_674 = arith.constant 112 : i32
          %add3A_675 = arith.addi %add3A_624, %add3A_674 : i32
          %get3A_676 = arith.index_cast %add3A_675 : i32 to index
          %get3A_677 = tpu.vector_load %arg6[%get3A_676] {strides = array<i32>} : memref<57344xf32, #tpu.memory_space<vmem>>, vector<16xf32>,
          %get3A_678 = vector.shape_cast %get3A_677 : vector<16xf32> to vector<16xf32>
          %max3A_679 = arith.maximumf %select_n3A_615, %get3A_678 : vector<16xf32>
          %select_n3A_680 = arith.select %ne3A_619, %get3A_678, %max3A_679 : vector<16xf32>
          %select_n3A_681 = arith.select %ne3A_619, %squeeze3A_618, %select_n3A_616 : i32
          %slice3A_682 = vector.extract_strided_slice %get3A_193 {offsets = [7], sizes = [1], strides = [1]} : vector<16xi32> to vector<1xi32>
          %squeeze3A_683 = vector.extract %slice3A_682[0] : i32 from vector<1xi32>
          %ne3A_684 = arith.cmpi ne, %squeeze3A_683, %select_n3A_681 : i32
          %convert_element_type3A_685 = arith.extui %ne3A_684 : i1 to i32
          %cond3A_686 = arith.constant 0 : i32
          %cond3A_687 = arith.cmpi ne, %convert_element_type3A_685, %cond3A_686 : i32
          scf.if %cond3A_687 {
            %reshape3A_1299 = vector.shape_cast %select_n3A_631 : vector<16xf32> to vector<1x16xf32>
            %swap3A_1300 = arith.index_cast %select_n3A_681 : i32 to index
            %swap3A_1301 = arith.constant 0 : index
            %swap3A_1302 = tpu.vector_load %arg7[%swap3A_1300, %swap3A_1301] {strides = array<i32>} : memref<256x128xf32, #tpu.memory_space<vmem>>, vector<1x16xf32>,
            %swap3A_1303 = vector.shape_cast %swap3A_1302 : vector<1x16xf32> to vector<1x16xf32>
            %swap3A_1304 = vector.shape_cast %reshape3A_1299 : vector<1x16xf32> to vector<1x16xf32>
            tpu.vector_store %arg7[%swap3A_1300, %swap3A_1301], %swap3A_1304 {strides = array<i32>} : memref<256x128xf32, #tpu.memory_space<vmem>>, vector<1x16xf32>,
            %reshape3A_1305 = vector.shape_cast %select_n3A_638 : vector<16xf32> to vector<1x16xf32>
            %swap3A_1306 = arith.index_cast %select_n3A_681 : i32 to index
            %swap3A_1307 = arith.constant 16 : index
            %swap3A_1308 = tpu.vector_load %arg7[%swap3A_1306, %swap3A_1307] {strides = array<i32>} : memref<256x128xf32, #tpu.memory_space<vmem>>, vector<1x16xf32>,
            %swap3A_1309 = vector.shape_cast %swap3A_1308 : vector<1x16xf32> to vector<1x16xf32>
            %swap3A_1310 = vector.shape_cast %reshape3A_1305 : vector<1x16xf32> to vector<1x16xf32>
            tpu.vector_store %arg7[%swap3A_1306, %swap3A_1307], %swap3A_1310 {strides = array<i32>} : memref<256x128xf32, #tpu.memory_space<vmem>>, vector<1x16xf32>,
            %reshape3A_1311 = vector.shape_cast %select_n3A_645 : vector<16xf32> to vector<1x16xf32>
            %swap3A_1312 = arith.index_cast %select_n3A_681 : i32 to index
            %swap3A_1313 = arith.constant 32 : index
            %swap3A_1314 = tpu.vector_load %arg7[%swap3A_1312, %swap3A_1313] {strides = array<i32>} : memref<256x128xf32, #tpu.memory_space<vmem>>, vector<1x16xf32>,
            %swap3A_1315 = vector.shape_cast %swap3A_1314 : vector<1x16xf32> to vector<1x16xf32>
            %swap3A_1316 = vector.shape_cast %reshape3A_1311 : vector<1x16xf32> to vector<1x16xf32>
            tpu.vector_store %arg7[%swap3A_1312, %swap3A_1313], %swap3A_1316 {strides = array<i32>} : memref<256x128xf32, #tpu.memory_space<vmem>>, vector<1x16xf32>,
            %reshape3A_1317 = vector.shape_cast %select_n3A_652 : vector<16xf32> to vector<1x16xf32>
            %swap3A_1318 = arith.index_cast %select_n3A_681 : i32 to index
            %swap3A_1319 = arith.constant 48 : index
            %swap3A_1320 = tpu.vector_load %arg7[%swap3A_1318, %swap3A_1319] {strides = array<i32>} : memref<256x128xf32, #tpu.memory_space<vmem>>, vector<1x16xf32>,
            %swap3A_1321 = vector.shape_cast %swap3A_1320 : vector<1x16xf32> to vector<1x16xf32>
            %swap3A_1322 = vector.shape_cast %reshape3A_1317 : vector<1x16xf32> to vector<1x16xf32>
            tpu.vector_store %arg7[%swap3A_1318, %swap3A_1319], %swap3A_1322 {strides = array<i32>} : memref<256x128xf32, #tpu.memory_space<vmem>>, vector<1x16xf32>,
            %reshape3A_1323 = vector.shape_cast %select_n3A_659 : vector<16xf32> to vector<1x16xf32>
            %swap3A_1324 = arith.index_cast %select_n3A_681 : i32 to index
            %swap3A_1325 = arith.constant 64 : index
            %swap3A_1326 = tpu.vector_load %arg7[%swap3A_1324, %swap3A_1325] {strides = array<i32>} : memref<256x128xf32, #tpu.memory_space<vmem>>, vector<1x16xf32>,
            %swap3A_1327 = vector.shape_cast %swap3A_1326 : vector<1x16xf32> to vector<1x16xf32>
            %swap3A_1328 = vector.shape_cast %reshape3A_1323 : vector<1x16xf32> to vector<1x16xf32>
            tpu.vector_store %arg7[%swap3A_1324, %swap3A_1325], %swap3A_1328 {strides = array<i32>} : memref<256x128xf32, #tpu.memory_space<vmem>>, vector<1x16xf32>,
            %reshape3A_1329 = vector.shape_cast %select_n3A_666 : vector<16xf32> to vector<1x16xf32>
            %swap3A_1330 = arith.index_cast %select_n3A_681 : i32 to index
            %swap3A_1331 = arith.constant 80 : index
            %swap3A_1332 = tpu.vector_load %arg7[%swap3A_1330, %swap3A_1331] {strides = array<i32>} : memref<256x128xf32, #tpu.memory_space<vmem>>, vector<1x16xf32>,
            %swap3A_1333 = vector.shape_cast %swap3A_1332 : vector<1x16xf32> to vector<1x16xf32>
            %swap3A_1334 = vector.shape_cast %reshape3A_1329 : vector<1x16xf32> to vector<1x16xf32>
            tpu.vector_store %arg7[%swap3A_1330, %swap3A_1331], %swap3A_1334 {strides = array<i32>} : memref<256x128xf32, #tpu.memory_space<vmem>>, vector<1x16xf32>,
            %reshape3A_1335 = vector.shape_cast %select_n3A_673 : vector<16xf32> to vector<1x16xf32>
            %swap3A_1336 = arith.index_cast %select_n3A_681 : i32 to index
            %swap3A_1337 = arith.constant 96 : index
            %swap3A_1338 = tpu.vector_load %arg7[%swap3A_1336, %swap3A_1337] {strides = array<i32>} : memref<256x128xf32, #tpu.memory_space<vmem>>, vector<1x16xf32>,
            %swap3A_1339 = vector.shape_cast %swap3A_1338 : vector<1x16xf32> to vector<1x16xf32>
            %swap3A_1340 = vector.shape_cast %reshape3A_1335 : vector<1x16xf32> to vector<1x16xf32>
            tpu.vector_store %arg7[%swap3A_1336, %swap3A_1337], %swap3A_1340 {strides = array<i32>} : memref<256x128xf32, #tpu.memory_space<vmem>>, vector<1x16xf32>,
            %reshape3A_1341 = vector.shape_cast %select_n3A_680 : vector<16xf32> to vector<1x16xf32>
            %swap3A_1342 = arith.index_cast %select_n3A_681 : i32 to index
            %swap3A_1343 = arith.constant 112 : index
            %swap3A_1344 = tpu.vector_load %arg7[%swap3A_1342, %swap3A_1343] {strides = array<i32>} : memref<256x128xf32, #tpu.memory_space<vmem>>, vector<1x16xf32>,
            %swap3A_1345 = vector.shape_cast %swap3A_1344 : vector<1x16xf32> to vector<1x16xf32>
            %swap3A_1346 = vector.shape_cast %reshape3A_1341 : vector<1x16xf32> to vector<1x16xf32>
            tpu.vector_store %arg7[%swap3A_1342, %swap3A_1343], %swap3A_1346 {strides = array<i32>} : memref<256x128xf32, #tpu.memory_space<vmem>>, vector<1x16xf32>,
          } else {
          }
          %add3A_688 = arith.constant 896 : i32
          %add3A_689 = arith.addi %add3A_198, %add3A_688 : i32
          %add3A_690 = arith.constant 0 : i32
          %add3A_691 = arith.addi %add3A_689, %add3A_690 : i32
          %get3A_692 = arith.index_cast %add3A_691 : i32 to index
          %get3A_693 = tpu.vector_load %arg6[%get3A_692] {strides = array<i32>} : memref<57344xf32, #tpu.memory_space<vmem>>, vector<16xf32>,
          %get3A_694 = vector.shape_cast %get3A_693 : vector<16xf32> to vector<16xf32>
          %max3A_695 = arith.maximumf %select_n3A_631, %get3A_694 : vector<16xf32>
          %select_n3A_696 = arith.select %ne3A_684, %get3A_694, %max3A_695 : vector<16xf32>
          %add3A_697 = arith.constant 16 : i32
          %add3A_698 = arith.addi %add3A_689, %add3A_697 : i32
          %get3A_699 = arith.index_cast %add3A_698 : i32 to index
          %get3A_700 = tpu.vector_load %arg6[%get3A_699] {strides = array<i32>} : memref<57344xf32, #tpu.memory_space<vmem>>, vector<16xf32>,
          %get3A_701 = vector.shape_cast %get3A_700 : vector<16xf32> to vector<16xf32>
          %max3A_702 = arith.maximumf %select_n3A_638, %get3A_701 : vector<16xf32>
          %select_n3A_703 = arith.select %ne3A_684, %get3A_701, %max3A_702 : vector<16xf32>
          %add3A_704 = arith.constant 32 : i32
          %add3A_705 = arith.addi %add3A_689, %add3A_704 : i32
          %get3A_706 = arith.index_cast %add3A_705 : i32 to index
          %get3A_707 = tpu.vector_load %arg6[%get3A_706] {strides = array<i32>} : memref<57344xf32, #tpu.memory_space<vmem>>, vector<16xf32>,
          %get3A_708 = vector.shape_cast %get3A_707 : vector<16xf32> to vector<16xf32>
          %max3A_709 = arith.maximumf %select_n3A_645, %get3A_708 : vector<16xf32>
          %select_n3A_710 = arith.select %ne3A_684, %get3A_708, %max3A_709 : vector<16xf32>
          %add3A_711 = arith.constant 48 : i32
          %add3A_712 = arith.addi %add3A_689, %add3A_711 : i32
          %get3A_713 = arith.index_cast %add3A_712 : i32 to index
          %get3A_714 = tpu.vector_load %arg6[%get3A_713] {strides = array<i32>} : memref<57344xf32, #tpu.memory_space<vmem>>, vector<16xf32>,
          %get3A_715 = vector.shape_cast %get3A_714 : vector<16xf32> to vector<16xf32>
          %max3A_716 = arith.maximumf %select_n3A_652, %get3A_715 : vector<16xf32>
          %select_n3A_717 = arith.select %ne3A_684, %get3A_715, %max3A_716 : vector<16xf32>
          %add3A_718 = arith.constant 64 : i32
          %add3A_719 = arith.addi %add3A_689, %add3A_718 : i32
          %get3A_720 = arith.index_cast %add3A_719 : i32 to index
          %get3A_721 = tpu.vector_load %arg6[%get3A_720] {strides = array<i32>} : memref<57344xf32, #tpu.memory_space<vmem>>, vector<16xf32>,
          %get3A_722 = vector.shape_cast %get3A_721 : vector<16xf32> to vector<16xf32>
          %max3A_723 = arith.maximumf %select_n3A_659, %get3A_722 : vector<16xf32>
          %select_n3A_724 = arith.select %ne3A_684, %get3A_722, %max3A_723 : vector<16xf32>
          %add3A_725 = arith.constant 80 : i32
          %add3A_726 = arith.addi %add3A_689, %add3A_725 : i32
          %get3A_727 = arith.index_cast %add3A_726 : i32 to index
          %get3A_728 = tpu.vector_load %arg6[%get3A_727] {strides = array<i32>} : memref<57344xf32, #tpu.memory_space<vmem>>, vector<16xf32>,
          %get3A_729 = vector.shape_cast %get3A_728 : vector<16xf32> to vector<16xf32>
          %max3A_730 = arith.maximumf %select_n3A_666, %get3A_729 : vector<16xf32>
          %select_n3A_731 = arith.select %ne3A_684, %get3A_729, %max3A_730 : vector<16xf32>
          %add3A_732 = arith.constant 96 : i32
          %add3A_733 = arith.addi %add3A_689, %add3A_732 : i32
          %get3A_734 = arith.index_cast %add3A_733 : i32 to index
          %get3A_735 = tpu.vector_load %arg6[%get3A_734] {strides = array<i32>} : memref<57344xf32, #tpu.memory_space<vmem>>, vector<16xf32>,
          %get3A_736 = vector.shape_cast %get3A_735 : vector<16xf32> to vector<16xf32>
          %max3A_737 = arith.maximumf %select_n3A_673, %get3A_736 : vector<16xf32>
          %select_n3A_738 = arith.select %ne3A_684, %get3A_736, %max3A_737 : vector<16xf32>
          %add3A_739 = arith.constant 112 : i32
          %add3A_740 = arith.addi %add3A_689, %add3A_739 : i32
          %get3A_741 = arith.index_cast %add3A_740 : i32 to index
          %get3A_742 = tpu.vector_load %arg6[%get3A_741] {strides = array<i32>} : memref<57344xf32, #tpu.memory_space<vmem>>, vector<16xf32>,
          %get3A_743 = vector.shape_cast %get3A_742 : vector<16xf32> to vector<16xf32>
          %max3A_744 = arith.maximumf %select_n3A_680, %get3A_743 : vector<16xf32>
          %select_n3A_745 = arith.select %ne3A_684, %get3A_743, %max3A_744 : vector<16xf32>
          %select_n3A_746 = arith.select %ne3A_684, %squeeze3A_683, %select_n3A_681 : i32
          %slice3A_747 = vector.extract_strided_slice %get3A_193 {offsets = [8], sizes = [1], strides = [1]} : vector<16xi32> to vector<1xi32>
          %squeeze3A_748 = vector.extract %slice3A_747[0] : i32 from vector<1xi32>
          %ne3A_749 = arith.cmpi ne, %squeeze3A_748, %select_n3A_746 : i32
          %convert_element_type3A_750 = arith.extui %ne3A_749 : i1 to i32
          %cond3A_751 = arith.constant 0 : i32
          %cond3A_752 = arith.cmpi ne, %convert_element_type3A_750, %cond3A_751 : i32
          scf.if %cond3A_752 {
            %reshape3A_1299 = vector.shape_cast %select_n3A_696 : vector<16xf32> to vector<1x16xf32>
            %swap3A_1300 = arith.index_cast %select_n3A_746 : i32 to index
            %swap3A_1301 = arith.constant 0 : index
            %swap3A_1302 = tpu.vector_load %arg7[%swap3A_1300, %swap3A_1301] {strides = array<i32>} : memref<256x128xf32, #tpu.memory_space<vmem>>, vector<1x16xf32>,
            %swap3A_1303 = vector.shape_cast %swap3A_1302 : vector<1x16xf32> to vector<1x16xf32>
            %swap3A_1304 = vector.shape_cast %reshape3A_1299 : vector<1x16xf32> to vector<1x16xf32>
            tpu.vector_store %arg7[%swap3A_1300, %swap3A_1301], %swap3A_1304 {strides = array<i32>} : memref<256x128xf32, #tpu.memory_space<vmem>>, vector<1x16xf32>,
            %reshape3A_1305 = vector.shape_cast %select_n3A_703 : vector<16xf32> to vector<1x16xf32>
            %swap3A_1306 = arith.index_cast %select_n3A_746 : i32 to index
            %swap3A_1307 = arith.constant 16 : index
            %swap3A_1308 = tpu.vector_load %arg7[%swap3A_1306, %swap3A_1307] {strides = array<i32>} : memref<256x128xf32, #tpu.memory_space<vmem>>, vector<1x16xf32>,
            %swap3A_1309 = vector.shape_cast %swap3A_1308 : vector<1x16xf32> to vector<1x16xf32>
            %swap3A_1310 = vector.shape_cast %reshape3A_1305 : vector<1x16xf32> to vector<1x16xf32>
            tpu.vector_store %arg7[%swap3A_1306, %swap3A_1307], %swap3A_1310 {strides = array<i32>} : memref<256x128xf32, #tpu.memory_space<vmem>>, vector<1x16xf32>,
            %reshape3A_1311 = vector.shape_cast %select_n3A_710 : vector<16xf32> to vector<1x16xf32>
            %swap3A_1312 = arith.index_cast %select_n3A_746 : i32 to index
            %swap3A_1313 = arith.constant 32 : index
            %swap3A_1314 = tpu.vector_load %arg7[%swap3A_1312, %swap3A_1313] {strides = array<i32>} : memref<256x128xf32, #tpu.memory_space<vmem>>, vector<1x16xf32>,
            %swap3A_1315 = vector.shape_cast %swap3A_1314 : vector<1x16xf32> to vector<1x16xf32>
            %swap3A_1316 = vector.shape_cast %reshape3A_1311 : vector<1x16xf32> to vector<1x16xf32>
            tpu.vector_store %arg7[%swap3A_1312, %swap3A_1313], %swap3A_1316 {strides = array<i32>} : memref<256x128xf32, #tpu.memory_space<vmem>>, vector<1x16xf32>,
            %reshape3A_1317 = vector.shape_cast %select_n3A_717 : vector<16xf32> to vector<1x16xf32>
            %swap3A_1318 = arith.index_cast %select_n3A_746 : i32 to index
            %swap3A_1319 = arith.constant 48 : index
            %swap3A_1320 = tpu.vector_load %arg7[%swap3A_1318, %swap3A_1319] {strides = array<i32>} : memref<256x128xf32, #tpu.memory_space<vmem>>, vector<1x16xf32>,
            %swap3A_1321 = vector.shape_cast %swap3A_1320 : vector<1x16xf32> to vector<1x16xf32>
            %swap3A_1322 = vector.shape_cast %reshape3A_1317 : vector<1x16xf32> to vector<1x16xf32>
            tpu.vector_store %arg7[%swap3A_1318, %swap3A_1319], %swap3A_1322 {strides = array<i32>} : memref<256x128xf32, #tpu.memory_space<vmem>>, vector<1x16xf32>,
            %reshape3A_1323 = vector.shape_cast %select_n3A_724 : vector<16xf32> to vector<1x16xf32>
            %swap3A_1324 = arith.index_cast %select_n3A_746 : i32 to index
            %swap3A_1325 = arith.constant 64 : index
            %swap3A_1326 = tpu.vector_load %arg7[%swap3A_1324, %swap3A_1325] {strides = array<i32>} : memref<256x128xf32, #tpu.memory_space<vmem>>, vector<1x16xf32>,
            %swap3A_1327 = vector.shape_cast %swap3A_1326 : vector<1x16xf32> to vector<1x16xf32>
            %swap3A_1328 = vector.shape_cast %reshape3A_1323 : vector<1x16xf32> to vector<1x16xf32>
            tpu.vector_store %arg7[%swap3A_1324, %swap3A_1325], %swap3A_1328 {strides = array<i32>} : memref<256x128xf32, #tpu.memory_space<vmem>>, vector<1x16xf32>,
            %reshape3A_1329 = vector.shape_cast %select_n3A_731 : vector<16xf32> to vector<1x16xf32>
            %swap3A_1330 = arith.index_cast %select_n3A_746 : i32 to index
            %swap3A_1331 = arith.constant 80 : index
            %swap3A_1332 = tpu.vector_load %arg7[%swap3A_1330, %swap3A_1331] {strides = array<i32>} : memref<256x128xf32, #tpu.memory_space<vmem>>, vector<1x16xf32>,
            %swap3A_1333 = vector.shape_cast %swap3A_1332 : vector<1x16xf32> to vector<1x16xf32>
            %swap3A_1334 = vector.shape_cast %reshape3A_1329 : vector<1x16xf32> to vector<1x16xf32>
            tpu.vector_store %arg7[%swap3A_1330, %swap3A_1331], %swap3A_1334 {strides = array<i32>} : memref<256x128xf32, #tpu.memory_space<vmem>>, vector<1x16xf32>,
            %reshape3A_1335 = vector.shape_cast %select_n3A_738 : vector<16xf32> to vector<1x16xf32>
            %swap3A_1336 = arith.index_cast %select_n3A_746 : i32 to index
            %swap3A_1337 = arith.constant 96 : index
            %swap3A_1338 = tpu.vector_load %arg7[%swap3A_1336, %swap3A_1337] {strides = array<i32>} : memref<256x128xf32, #tpu.memory_space<vmem>>, vector<1x16xf32>,
            %swap3A_1339 = vector.shape_cast %swap3A_1338 : vector<1x16xf32> to vector<1x16xf32>
            %swap3A_1340 = vector.shape_cast %reshape3A_1335 : vector<1x16xf32> to vector<1x16xf32>
            tpu.vector_store %arg7[%swap3A_1336, %swap3A_1337], %swap3A_1340 {strides = array<i32>} : memref<256x128xf32, #tpu.memory_space<vmem>>, vector<1x16xf32>,
            %reshape3A_1341 = vector.shape_cast %select_n3A_745 : vector<16xf32> to vector<1x16xf32>
            %swap3A_1342 = arith.index_cast %select_n3A_746 : i32 to index
            %swap3A_1343 = arith.constant 112 : index
            %swap3A_1344 = tpu.vector_load %arg7[%swap3A_1342, %swap3A_1343] {strides = array<i32>} : memref<256x128xf32, #tpu.memory_space<vmem>>, vector<1x16xf32>,
            %swap3A_1345 = vector.shape_cast %swap3A_1344 : vector<1x16xf32> to vector<1x16xf32>
            %swap3A_1346 = vector.shape_cast %reshape3A_1341 : vector<1x16xf32> to vector<1x16xf32>
            tpu.vector_store %arg7[%swap3A_1342, %swap3A_1343], %swap3A_1346 {strides = array<i32>} : memref<256x128xf32, #tpu.memory_space<vmem>>, vector<1x16xf32>,
          } else {
          }
          %add3A_753 = arith.constant 1024 : i32
          %add3A_754 = arith.addi %add3A_198, %add3A_753 : i32
          %add3A_755 = arith.constant 0 : i32
          %add3A_756 = arith.addi %add3A_754, %add3A_755 : i32
          %get3A_757 = arith.index_cast %add3A_756 : i32 to index
          %get3A_758 = tpu.vector_load %arg6[%get3A_757] {strides = array<i32>} : memref<57344xf32, #tpu.memory_space<vmem>>, vector<16xf32>,
          %get3A_759 = vector.shape_cast %get3A_758 : vector<16xf32> to vector<16xf32>
          %max3A_760 = arith.maximumf %select_n3A_696, %get3A_759 : vector<16xf32>
          %select_n3A_761 = arith.select %ne3A_749, %get3A_759, %max3A_760 : vector<16xf32>
          %add3A_762 = arith.constant 16 : i32
          %add3A_763 = arith.addi %add3A_754, %add3A_762 : i32
          %get3A_764 = arith.index_cast %add3A_763 : i32 to index
          %get3A_765 = tpu.vector_load %arg6[%get3A_764] {strides = array<i32>} : memref<57344xf32, #tpu.memory_space<vmem>>, vector<16xf32>,
          %get3A_766 = vector.shape_cast %get3A_765 : vector<16xf32> to vector<16xf32>
          %max3A_767 = arith.maximumf %select_n3A_703, %get3A_766 : vector<16xf32>
          %select_n3A_768 = arith.select %ne3A_749, %get3A_766, %max3A_767 : vector<16xf32>
          %add3A_769 = arith.constant 32 : i32
          %add3A_770 = arith.addi %add3A_754, %add3A_769 : i32
          %get3A_771 = arith.index_cast %add3A_770 : i32 to index
          %get3A_772 = tpu.vector_load %arg6[%get3A_771] {strides = array<i32>} : memref<57344xf32, #tpu.memory_space<vmem>>, vector<16xf32>,
          %get3A_773 = vector.shape_cast %get3A_772 : vector<16xf32> to vector<16xf32>
          %max3A_774 = arith.maximumf %select_n3A_710, %get3A_773 : vector<16xf32>
          %select_n3A_775 = arith.select %ne3A_749, %get3A_773, %max3A_774 : vector<16xf32>
          %add3A_776 = arith.constant 48 : i32
          %add3A_777 = arith.addi %add3A_754, %add3A_776 : i32
          %get3A_778 = arith.index_cast %add3A_777 : i32 to index
          %get3A_779 = tpu.vector_load %arg6[%get3A_778] {strides = array<i32>} : memref<57344xf32, #tpu.memory_space<vmem>>, vector<16xf32>,
          %get3A_780 = vector.shape_cast %get3A_779 : vector<16xf32> to vector<16xf32>
          %max3A_781 = arith.maximumf %select_n3A_717, %get3A_780 : vector<16xf32>
          %select_n3A_782 = arith.select %ne3A_749, %get3A_780, %max3A_781 : vector<16xf32>
          %add3A_783 = arith.constant 64 : i32
          %add3A_784 = arith.addi %add3A_754, %add3A_783 : i32
          %get3A_785 = arith.index_cast %add3A_784 : i32 to index
          %get3A_786 = tpu.vector_load %arg6[%get3A_785] {strides = array<i32>} : memref<57344xf32, #tpu.memory_space<vmem>>, vector<16xf32>,
          %get3A_787 = vector.shape_cast %get3A_786 : vector<16xf32> to vector<16xf32>
          %max3A_788 = arith.maximumf %select_n3A_724, %get3A_787 : vector<16xf32>
          %select_n3A_789 = arith.select %ne3A_749, %get3A_787, %max3A_788 : vector<16xf32>
          %add3A_790 = arith.constant 80 : i32
          %add3A_791 = arith.addi %add3A_754, %add3A_790 : i32
          %get3A_792 = arith.index_cast %add3A_791 : i32 to index
          %get3A_793 = tpu.vector_load %arg6[%get3A_792] {strides = array<i32>} : memref<57344xf32, #tpu.memory_space<vmem>>, vector<16xf32>,
          %get3A_794 = vector.shape_cast %get3A_793 : vector<16xf32> to vector<16xf32>
          %max3A_795 = arith.maximumf %select_n3A_731, %get3A_794 : vector<16xf32>
          %select_n3A_796 = arith.select %ne3A_749, %get3A_794, %max3A_795 : vector<16xf32>
          %add3A_797 = arith.constant 96 : i32
          %add3A_798 = arith.addi %add3A_754, %add3A_797 : i32
          %get3A_799 = arith.index_cast %add3A_798 : i32 to index
          %get3A_800 = tpu.vector_load %arg6[%get3A_799] {strides = array<i32>} : memref<57344xf32, #tpu.memory_space<vmem>>, vector<16xf32>,
          %get3A_801 = vector.shape_cast %get3A_800 : vector<16xf32> to vector<16xf32>
          %max3A_802 = arith.maximumf %select_n3A_738, %get3A_801 : vector<16xf32>
          %select_n3A_803 = arith.select %ne3A_749, %get3A_801, %max3A_802 : vector<16xf32>
          %add3A_804 = arith.constant 112 : i32
          %add3A_805 = arith.addi %add3A_754, %add3A_804 : i32
          %get3A_806 = arith.index_cast %add3A_805 : i32 to index
          %get3A_807 = tpu.vector_load %arg6[%get3A_806] {strides = array<i32>} : memref<57344xf32, #tpu.memory_space<vmem>>, vector<16xf32>,
          %get3A_808 = vector.shape_cast %get3A_807 : vector<16xf32> to vector<16xf32>
          %max3A_809 = arith.maximumf %select_n3A_745, %get3A_808 : vector<16xf32>
          %select_n3A_810 = arith.select %ne3A_749, %get3A_808, %max3A_809 : vector<16xf32>
          %select_n3A_811 = arith.select %ne3A_749, %squeeze3A_748, %select_n3A_746 : i32
          %slice3A_812 = vector.extract_strided_slice %get3A_193 {offsets = [9], sizes = [1], strides = [1]} : vector<16xi32> to vector<1xi32>
          %squeeze3A_813 = vector.extract %slice3A_812[0] : i32 from vector<1xi32>
          %ne3A_814 = arith.cmpi ne, %squeeze3A_813, %select_n3A_811 : i32
          %convert_element_type3A_815 = arith.extui %ne3A_814 : i1 to i32
          %cond3A_816 = arith.constant 0 : i32
          %cond3A_817 = arith.cmpi ne, %convert_element_type3A_815, %cond3A_816 : i32
          scf.if %cond3A_817 {
            %reshape3A_1299 = vector.shape_cast %select_n3A_761 : vector<16xf32> to vector<1x16xf32>
            %swap3A_1300 = arith.index_cast %select_n3A_811 : i32 to index
            %swap3A_1301 = arith.constant 0 : index
            %swap3A_1302 = tpu.vector_load %arg7[%swap3A_1300, %swap3A_1301] {strides = array<i32>} : memref<256x128xf32, #tpu.memory_space<vmem>>, vector<1x16xf32>,
            %swap3A_1303 = vector.shape_cast %swap3A_1302 : vector<1x16xf32> to vector<1x16xf32>
            %swap3A_1304 = vector.shape_cast %reshape3A_1299 : vector<1x16xf32> to vector<1x16xf32>
            tpu.vector_store %arg7[%swap3A_1300, %swap3A_1301], %swap3A_1304 {strides = array<i32>} : memref<256x128xf32, #tpu.memory_space<vmem>>, vector<1x16xf32>,
            %reshape3A_1305 = vector.shape_cast %select_n3A_768 : vector<16xf32> to vector<1x16xf32>
            %swap3A_1306 = arith.index_cast %select_n3A_811 : i32 to index
            %swap3A_1307 = arith.constant 16 : index
            %swap3A_1308 = tpu.vector_load %arg7[%swap3A_1306, %swap3A_1307] {strides = array<i32>} : memref<256x128xf32, #tpu.memory_space<vmem>>, vector<1x16xf32>,
            %swap3A_1309 = vector.shape_cast %swap3A_1308 : vector<1x16xf32> to vector<1x16xf32>
            %swap3A_1310 = vector.shape_cast %reshape3A_1305 : vector<1x16xf32> to vector<1x16xf32>
            tpu.vector_store %arg7[%swap3A_1306, %swap3A_1307], %swap3A_1310 {strides = array<i32>} : memref<256x128xf32, #tpu.memory_space<vmem>>, vector<1x16xf32>,
            %reshape3A_1311 = vector.shape_cast %select_n3A_775 : vector<16xf32> to vector<1x16xf32>
            %swap3A_1312 = arith.index_cast %select_n3A_811 : i32 to index
            %swap3A_1313 = arith.constant 32 : index
            %swap3A_1314 = tpu.vector_load %arg7[%swap3A_1312, %swap3A_1313] {strides = array<i32>} : memref<256x128xf32, #tpu.memory_space<vmem>>, vector<1x16xf32>,
            %swap3A_1315 = vector.shape_cast %swap3A_1314 : vector<1x16xf32> to vector<1x16xf32>
            %swap3A_1316 = vector.shape_cast %reshape3A_1311 : vector<1x16xf32> to vector<1x16xf32>
            tpu.vector_store %arg7[%swap3A_1312, %swap3A_1313], %swap3A_1316 {strides = array<i32>} : memref<256x128xf32, #tpu.memory_space<vmem>>, vector<1x16xf32>,
            %reshape3A_1317 = vector.shape_cast %select_n3A_782 : vector<16xf32> to vector<1x16xf32>
            %swap3A_1318 = arith.index_cast %select_n3A_811 : i32 to index
            %swap3A_1319 = arith.constant 48 : index
            %swap3A_1320 = tpu.vector_load %arg7[%swap3A_1318, %swap3A_1319] {strides = array<i32>} : memref<256x128xf32, #tpu.memory_space<vmem>>, vector<1x16xf32>,
            %swap3A_1321 = vector.shape_cast %swap3A_1320 : vector<1x16xf32> to vector<1x16xf32>
            %swap3A_1322 = vector.shape_cast %reshape3A_1317 : vector<1x16xf32> to vector<1x16xf32>
            tpu.vector_store %arg7[%swap3A_1318, %swap3A_1319], %swap3A_1322 {strides = array<i32>} : memref<256x128xf32, #tpu.memory_space<vmem>>, vector<1x16xf32>,
            %reshape3A_1323 = vector.shape_cast %select_n3A_789 : vector<16xf32> to vector<1x16xf32>
            %swap3A_1324 = arith.index_cast %select_n3A_811 : i32 to index
            %swap3A_1325 = arith.constant 64 : index
            %swap3A_1326 = tpu.vector_load %arg7[%swap3A_1324, %swap3A_1325] {strides = array<i32>} : memref<256x128xf32, #tpu.memory_space<vmem>>, vector<1x16xf32>,
            %swap3A_1327 = vector.shape_cast %swap3A_1326 : vector<1x16xf32> to vector<1x16xf32>
            %swap3A_1328 = vector.shape_cast %reshape3A_1323 : vector<1x16xf32> to vector<1x16xf32>
            tpu.vector_store %arg7[%swap3A_1324, %swap3A_1325], %swap3A_1328 {strides = array<i32>} : memref<256x128xf32, #tpu.memory_space<vmem>>, vector<1x16xf32>,
            %reshape3A_1329 = vector.shape_cast %select_n3A_796 : vector<16xf32> to vector<1x16xf32>
            %swap3A_1330 = arith.index_cast %select_n3A_811 : i32 to index
            %swap3A_1331 = arith.constant 80 : index
            %swap3A_1332 = tpu.vector_load %arg7[%swap3A_1330, %swap3A_1331] {strides = array<i32>} : memref<256x128xf32, #tpu.memory_space<vmem>>, vector<1x16xf32>,
            %swap3A_1333 = vector.shape_cast %swap3A_1332 : vector<1x16xf32> to vector<1x16xf32>
            %swap3A_1334 = vector.shape_cast %reshape3A_1329 : vector<1x16xf32> to vector<1x16xf32>
            tpu.vector_store %arg7[%swap3A_1330, %swap3A_1331], %swap3A_1334 {strides = array<i32>} : memref<256x128xf32, #tpu.memory_space<vmem>>, vector<1x16xf32>,
            %reshape3A_1335 = vector.shape_cast %select_n3A_803 : vector<16xf32> to vector<1x16xf32>
            %swap3A_1336 = arith.index_cast %select_n3A_811 : i32 to index
            %swap3A_1337 = arith.constant 96 : index
            %swap3A_1338 = tpu.vector_load %arg7[%swap3A_1336, %swap3A_1337] {strides = array<i32>} : memref<256x128xf32, #tpu.memory_space<vmem>>, vector<1x16xf32>,
            %swap3A_1339 = vector.shape_cast %swap3A_1338 : vector<1x16xf32> to vector<1x16xf32>
            %swap3A_1340 = vector.shape_cast %reshape3A_1335 : vector<1x16xf32> to vector<1x16xf32>
            tpu.vector_store %arg7[%swap3A_1336, %swap3A_1337], %swap3A_1340 {strides = array<i32>} : memref<256x128xf32, #tpu.memory_space<vmem>>, vector<1x16xf32>,
            %reshape3A_1341 = vector.shape_cast %select_n3A_810 : vector<16xf32> to vector<1x16xf32>
            %swap3A_1342 = arith.index_cast %select_n3A_811 : i32 to index
            %swap3A_1343 = arith.constant 112 : index
            %swap3A_1344 = tpu.vector_load %arg7[%swap3A_1342, %swap3A_1343] {strides = array<i32>} : memref<256x128xf32, #tpu.memory_space<vmem>>, vector<1x16xf32>,
            %swap3A_1345 = vector.shape_cast %swap3A_1344 : vector<1x16xf32> to vector<1x16xf32>
            %swap3A_1346 = vector.shape_cast %reshape3A_1341 : vector<1x16xf32> to vector<1x16xf32>
            tpu.vector_store %arg7[%swap3A_1342, %swap3A_1343], %swap3A_1346 {strides = array<i32>} : memref<256x128xf32, #tpu.memory_space<vmem>>, vector<1x16xf32>,
          } else {
          }
          %add3A_818 = arith.constant 1152 : i32
          %add3A_819 = arith.addi %add3A_198, %add3A_818 : i32
          %add3A_820 = arith.constant 0 : i32
          %add3A_821 = arith.addi %add3A_819, %add3A_820 : i32
          %get3A_822 = arith.index_cast %add3A_821 : i32 to index
          %get3A_823 = tpu.vector_load %arg6[%get3A_822] {strides = array<i32>} : memref<57344xf32, #tpu.memory_space<vmem>>, vector<16xf32>,
          %get3A_824 = vector.shape_cast %get3A_823 : vector<16xf32> to vector<16xf32>
          %max3A_825 = arith.maximumf %select_n3A_761, %get3A_824 : vector<16xf32>
          %select_n3A_826 = arith.select %ne3A_814, %get3A_824, %max3A_825 : vector<16xf32>
          %add3A_827 = arith.constant 16 : i32
          %add3A_828 = arith.addi %add3A_819, %add3A_827 : i32
          %get3A_829 = arith.index_cast %add3A_828 : i32 to index
          %get3A_830 = tpu.vector_load %arg6[%get3A_829] {strides = array<i32>} : memref<57344xf32, #tpu.memory_space<vmem>>, vector<16xf32>,
          %get3A_831 = vector.shape_cast %get3A_830 : vector<16xf32> to vector<16xf32>
          %max3A_832 = arith.maximumf %select_n3A_768, %get3A_831 : vector<16xf32>
          %select_n3A_833 = arith.select %ne3A_814, %get3A_831, %max3A_832 : vector<16xf32>
          %add3A_834 = arith.constant 32 : i32
          %add3A_835 = arith.addi %add3A_819, %add3A_834 : i32
          %get3A_836 = arith.index_cast %add3A_835 : i32 to index
          %get3A_837 = tpu.vector_load %arg6[%get3A_836] {strides = array<i32>} : memref<57344xf32, #tpu.memory_space<vmem>>, vector<16xf32>,
          %get3A_838 = vector.shape_cast %get3A_837 : vector<16xf32> to vector<16xf32>
          %max3A_839 = arith.maximumf %select_n3A_775, %get3A_838 : vector<16xf32>
          %select_n3A_840 = arith.select %ne3A_814, %get3A_838, %max3A_839 : vector<16xf32>
          %add3A_841 = arith.constant 48 : i32
          %add3A_842 = arith.addi %add3A_819, %add3A_841 : i32
          %get3A_843 = arith.index_cast %add3A_842 : i32 to index
          %get3A_844 = tpu.vector_load %arg6[%get3A_843] {strides = array<i32>} : memref<57344xf32, #tpu.memory_space<vmem>>, vector<16xf32>,
          %get3A_845 = vector.shape_cast %get3A_844 : vector<16xf32> to vector<16xf32>
          %max3A_846 = arith.maximumf %select_n3A_782, %get3A_845 : vector<16xf32>
          %select_n3A_847 = arith.select %ne3A_814, %get3A_845, %max3A_846 : vector<16xf32>
          %add3A_848 = arith.constant 64 : i32
          %add3A_849 = arith.addi %add3A_819, %add3A_848 : i32
          %get3A_850 = arith.index_cast %add3A_849 : i32 to index
          %get3A_851 = tpu.vector_load %arg6[%get3A_850] {strides = array<i32>} : memref<57344xf32, #tpu.memory_space<vmem>>, vector<16xf32>,
          %get3A_852 = vector.shape_cast %get3A_851 : vector<16xf32> to vector<16xf32>
          %max3A_853 = arith.maximumf %select_n3A_789, %get3A_852 : vector<16xf32>
          %select_n3A_854 = arith.select %ne3A_814, %get3A_852, %max3A_853 : vector<16xf32>
          %add3A_855 = arith.constant 80 : i32
          %add3A_856 = arith.addi %add3A_819, %add3A_855 : i32
          %get3A_857 = arith.index_cast %add3A_856 : i32 to index
          %get3A_858 = tpu.vector_load %arg6[%get3A_857] {strides = array<i32>} : memref<57344xf32, #tpu.memory_space<vmem>>, vector<16xf32>,
          %get3A_859 = vector.shape_cast %get3A_858 : vector<16xf32> to vector<16xf32>
          %max3A_860 = arith.maximumf %select_n3A_796, %get3A_859 : vector<16xf32>
          %select_n3A_861 = arith.select %ne3A_814, %get3A_859, %max3A_860 : vector<16xf32>
          %add3A_862 = arith.constant 96 : i32
          %add3A_863 = arith.addi %add3A_819, %add3A_862 : i32
          %get3A_864 = arith.index_cast %add3A_863 : i32 to index
          %get3A_865 = tpu.vector_load %arg6[%get3A_864] {strides = array<i32>} : memref<57344xf32, #tpu.memory_space<vmem>>, vector<16xf32>,
          %get3A_866 = vector.shape_cast %get3A_865 : vector<16xf32> to vector<16xf32>
          %max3A_867 = arith.maximumf %select_n3A_803, %get3A_866 : vector<16xf32>
          %select_n3A_868 = arith.select %ne3A_814, %get3A_866, %max3A_867 : vector<16xf32>
          %add3A_869 = arith.constant 112 : i32
          %add3A_870 = arith.addi %add3A_819, %add3A_869 : i32
          %get3A_871 = arith.index_cast %add3A_870 : i32 to index
          %get3A_872 = tpu.vector_load %arg6[%get3A_871] {strides = array<i32>} : memref<57344xf32, #tpu.memory_space<vmem>>, vector<16xf32>,
          %get3A_873 = vector.shape_cast %get3A_872 : vector<16xf32> to vector<16xf32>
          %max3A_874 = arith.maximumf %select_n3A_810, %get3A_873 : vector<16xf32>
          %select_n3A_875 = arith.select %ne3A_814, %get3A_873, %max3A_874 : vector<16xf32>
          %select_n3A_876 = arith.select %ne3A_814, %squeeze3A_813, %select_n3A_811 : i32
          %slice3A_877 = vector.extract_strided_slice %get3A_193 {offsets = [10], sizes = [1], strides = [1]} : vector<16xi32> to vector<1xi32>
          %squeeze3A_878 = vector.extract %slice3A_877[0] : i32 from vector<1xi32>
          %ne3A_879 = arith.cmpi ne, %squeeze3A_878, %select_n3A_876 : i32
          %convert_element_type3A_880 = arith.extui %ne3A_879 : i1 to i32
          %cond3A_881 = arith.constant 0 : i32
          %cond3A_882 = arith.cmpi ne, %convert_element_type3A_880, %cond3A_881 : i32
          scf.if %cond3A_882 {
            %reshape3A_1299 = vector.shape_cast %select_n3A_826 : vector<16xf32> to vector<1x16xf32>
            %swap3A_1300 = arith.index_cast %select_n3A_876 : i32 to index
            %swap3A_1301 = arith.constant 0 : index
            %swap3A_1302 = tpu.vector_load %arg7[%swap3A_1300, %swap3A_1301] {strides = array<i32>} : memref<256x128xf32, #tpu.memory_space<vmem>>, vector<1x16xf32>,
            %swap3A_1303 = vector.shape_cast %swap3A_1302 : vector<1x16xf32> to vector<1x16xf32>
            %swap3A_1304 = vector.shape_cast %reshape3A_1299 : vector<1x16xf32> to vector<1x16xf32>
            tpu.vector_store %arg7[%swap3A_1300, %swap3A_1301], %swap3A_1304 {strides = array<i32>} : memref<256x128xf32, #tpu.memory_space<vmem>>, vector<1x16xf32>,
            %reshape3A_1305 = vector.shape_cast %select_n3A_833 : vector<16xf32> to vector<1x16xf32>
            %swap3A_1306 = arith.index_cast %select_n3A_876 : i32 to index
            %swap3A_1307 = arith.constant 16 : index
            %swap3A_1308 = tpu.vector_load %arg7[%swap3A_1306, %swap3A_1307] {strides = array<i32>} : memref<256x128xf32, #tpu.memory_space<vmem>>, vector<1x16xf32>,
            %swap3A_1309 = vector.shape_cast %swap3A_1308 : vector<1x16xf32> to vector<1x16xf32>
            %swap3A_1310 = vector.shape_cast %reshape3A_1305 : vector<1x16xf32> to vector<1x16xf32>
            tpu.vector_store %arg7[%swap3A_1306, %swap3A_1307], %swap3A_1310 {strides = array<i32>} : memref<256x128xf32, #tpu.memory_space<vmem>>, vector<1x16xf32>,
            %reshape3A_1311 = vector.shape_cast %select_n3A_840 : vector<16xf32> to vector<1x16xf32>
            %swap3A_1312 = arith.index_cast %select_n3A_876 : i32 to index
            %swap3A_1313 = arith.constant 32 : index
            %swap3A_1314 = tpu.vector_load %arg7[%swap3A_1312, %swap3A_1313] {strides = array<i32>} : memref<256x128xf32, #tpu.memory_space<vmem>>, vector<1x16xf32>,
            %swap3A_1315 = vector.shape_cast %swap3A_1314 : vector<1x16xf32> to vector<1x16xf32>
            %swap3A_1316 = vector.shape_cast %reshape3A_1311 : vector<1x16xf32> to vector<1x16xf32>
            tpu.vector_store %arg7[%swap3A_1312, %swap3A_1313], %swap3A_1316 {strides = array<i32>} : memref<256x128xf32, #tpu.memory_space<vmem>>, vector<1x16xf32>,
            %reshape3A_1317 = vector.shape_cast %select_n3A_847 : vector<16xf32> to vector<1x16xf32>
            %swap3A_1318 = arith.index_cast %select_n3A_876 : i32 to index
            %swap3A_1319 = arith.constant 48 : index
            %swap3A_1320 = tpu.vector_load %arg7[%swap3A_1318, %swap3A_1319] {strides = array<i32>} : memref<256x128xf32, #tpu.memory_space<vmem>>, vector<1x16xf32>,
            %swap3A_1321 = vector.shape_cast %swap3A_1320 : vector<1x16xf32> to vector<1x16xf32>
            %swap3A_1322 = vector.shape_cast %reshape3A_1317 : vector<1x16xf32> to vector<1x16xf32>
            tpu.vector_store %arg7[%swap3A_1318, %swap3A_1319], %swap3A_1322 {strides = array<i32>} : memref<256x128xf32, #tpu.memory_space<vmem>>, vector<1x16xf32>,
            %reshape3A_1323 = vector.shape_cast %select_n3A_854 : vector<16xf32> to vector<1x16xf32>
            %swap3A_1324 = arith.index_cast %select_n3A_876 : i32 to index
            %swap3A_1325 = arith.constant 64 : index
            %swap3A_1326 = tpu.vector_load %arg7[%swap3A_1324, %swap3A_1325] {strides = array<i32>} : memref<256x128xf32, #tpu.memory_space<vmem>>, vector<1x16xf32>,
            %swap3A_1327 = vector.shape_cast %swap3A_1326 : vector<1x16xf32> to vector<1x16xf32>
            %swap3A_1328 = vector.shape_cast %reshape3A_1323 : vector<1x16xf32> to vector<1x16xf32>
            tpu.vector_store %arg7[%swap3A_1324, %swap3A_1325], %swap3A_1328 {strides = array<i32>} : memref<256x128xf32, #tpu.memory_space<vmem>>, vector<1x16xf32>,
            %reshape3A_1329 = vector.shape_cast %select_n3A_861 : vector<16xf32> to vector<1x16xf32>
            %swap3A_1330 = arith.index_cast %select_n3A_876 : i32 to index
            %swap3A_1331 = arith.constant 80 : index
            %swap3A_1332 = tpu.vector_load %arg7[%swap3A_1330, %swap3A_1331] {strides = array<i32>} : memref<256x128xf32, #tpu.memory_space<vmem>>, vector<1x16xf32>,
            %swap3A_1333 = vector.shape_cast %swap3A_1332 : vector<1x16xf32> to vector<1x16xf32>
            %swap3A_1334 = vector.shape_cast %reshape3A_1329 : vector<1x16xf32> to vector<1x16xf32>
            tpu.vector_store %arg7[%swap3A_1330, %swap3A_1331], %swap3A_1334 {strides = array<i32>} : memref<256x128xf32, #tpu.memory_space<vmem>>, vector<1x16xf32>,
            %reshape3A_1335 = vector.shape_cast %select_n3A_868 : vector<16xf32> to vector<1x16xf32>
            %swap3A_1336 = arith.index_cast %select_n3A_876 : i32 to index
            %swap3A_1337 = arith.constant 96 : index
            %swap3A_1338 = tpu.vector_load %arg7[%swap3A_1336, %swap3A_1337] {strides = array<i32>} : memref<256x128xf32, #tpu.memory_space<vmem>>, vector<1x16xf32>,
            %swap3A_1339 = vector.shape_cast %swap3A_1338 : vector<1x16xf32> to vector<1x16xf32>
            %swap3A_1340 = vector.shape_cast %reshape3A_1335 : vector<1x16xf32> to vector<1x16xf32>
            tpu.vector_store %arg7[%swap3A_1336, %swap3A_1337], %swap3A_1340 {strides = array<i32>} : memref<256x128xf32, #tpu.memory_space<vmem>>, vector<1x16xf32>,
            %reshape3A_1341 = vector.shape_cast %select_n3A_875 : vector<16xf32> to vector<1x16xf32>
            %swap3A_1342 = arith.index_cast %select_n3A_876 : i32 to index
            %swap3A_1343 = arith.constant 112 : index
            %swap3A_1344 = tpu.vector_load %arg7[%swap3A_1342, %swap3A_1343] {strides = array<i32>} : memref<256x128xf32, #tpu.memory_space<vmem>>, vector<1x16xf32>,
            %swap3A_1345 = vector.shape_cast %swap3A_1344 : vector<1x16xf32> to vector<1x16xf32>
            %swap3A_1346 = vector.shape_cast %reshape3A_1341 : vector<1x16xf32> to vector<1x16xf32>
            tpu.vector_store %arg7[%swap3A_1342, %swap3A_1343], %swap3A_1346 {strides = array<i32>} : memref<256x128xf32, #tpu.memory_space<vmem>>, vector<1x16xf32>,
          } else {
          }
          %add3A_883 = arith.constant 1280 : i32
          %add3A_884 = arith.addi %add3A_198, %add3A_883 : i32
          %add3A_885 = arith.constant 0 : i32
          %add3A_886 = arith.addi %add3A_884, %add3A_885 : i32
          %get3A_887 = arith.index_cast %add3A_886 : i32 to index
          %get3A_888 = tpu.vector_load %arg6[%get3A_887] {strides = array<i32>} : memref<57344xf32, #tpu.memory_space<vmem>>, vector<16xf32>,
          %get3A_889 = vector.shape_cast %get3A_888 : vector<16xf32> to vector<16xf32>
          %max3A_890 = arith.maximumf %select_n3A_826, %get3A_889 : vector<16xf32>
          %select_n3A_891 = arith.select %ne3A_879, %get3A_889, %max3A_890 : vector<16xf32>
          %add3A_892 = arith.constant 16 : i32
          %add3A_893 = arith.addi %add3A_884, %add3A_892 : i32
          %get3A_894 = arith.index_cast %add3A_893 : i32 to index
          %get3A_895 = tpu.vector_load %arg6[%get3A_894] {strides = array<i32>} : memref<57344xf32, #tpu.memory_space<vmem>>, vector<16xf32>,
          %get3A_896 = vector.shape_cast %get3A_895 : vector<16xf32> to vector<16xf32>
          %max3A_897 = arith.maximumf %select_n3A_833, %get3A_896 : vector<16xf32>
          %select_n3A_898 = arith.select %ne3A_879, %get3A_896, %max3A_897 : vector<16xf32>
          %add3A_899 = arith.constant 32 : i32
          %add3A_900 = arith.addi %add3A_884, %add3A_899 : i32
          %get3A_901 = arith.index_cast %add3A_900 : i32 to index
          %get3A_902 = tpu.vector_load %arg6[%get3A_901] {strides = array<i32>} : memref<57344xf32, #tpu.memory_space<vmem>>, vector<16xf32>,
          %get3A_903 = vector.shape_cast %get3A_902 : vector<16xf32> to vector<16xf32>
          %max3A_904 = arith.maximumf %select_n3A_840, %get3A_903 : vector<16xf32>
          %select_n3A_905 = arith.select %ne3A_879, %get3A_903, %max3A_904 : vector<16xf32>
          %add3A_906 = arith.constant 48 : i32
          %add3A_907 = arith.addi %add3A_884, %add3A_906 : i32
          %get3A_908 = arith.index_cast %add3A_907 : i32 to index
          %get3A_909 = tpu.vector_load %arg6[%get3A_908] {strides = array<i32>} : memref<57344xf32, #tpu.memory_space<vmem>>, vector<16xf32>,
          %get3A_910 = vector.shape_cast %get3A_909 : vector<16xf32> to vector<16xf32>
          %max3A_911 = arith.maximumf %select_n3A_847, %get3A_910 : vector<16xf32>
          %select_n3A_912 = arith.select %ne3A_879, %get3A_910, %max3A_911 : vector<16xf32>
          %add3A_913 = arith.constant 64 : i32
          %add3A_914 = arith.addi %add3A_884, %add3A_913 : i32
          %get3A_915 = arith.index_cast %add3A_914 : i32 to index
          %get3A_916 = tpu.vector_load %arg6[%get3A_915] {strides = array<i32>} : memref<57344xf32, #tpu.memory_space<vmem>>, vector<16xf32>,
          %get3A_917 = vector.shape_cast %get3A_916 : vector<16xf32> to vector<16xf32>
          %max3A_918 = arith.maximumf %select_n3A_854, %get3A_917 : vector<16xf32>
          %select_n3A_919 = arith.select %ne3A_879, %get3A_917, %max3A_918 : vector<16xf32>
          %add3A_920 = arith.constant 80 : i32
          %add3A_921 = arith.addi %add3A_884, %add3A_920 : i32
          %get3A_922 = arith.index_cast %add3A_921 : i32 to index
          %get3A_923 = tpu.vector_load %arg6[%get3A_922] {strides = array<i32>} : memref<57344xf32, #tpu.memory_space<vmem>>, vector<16xf32>,
          %get3A_924 = vector.shape_cast %get3A_923 : vector<16xf32> to vector<16xf32>
          %max3A_925 = arith.maximumf %select_n3A_861, %get3A_924 : vector<16xf32>
          %select_n3A_926 = arith.select %ne3A_879, %get3A_924, %max3A_925 : vector<16xf32>
          %add3A_927 = arith.constant 96 : i32
          %add3A_928 = arith.addi %add3A_884, %add3A_927 : i32
          %get3A_929 = arith.index_cast %add3A_928 : i32 to index
          %get3A_930 = tpu.vector_load %arg6[%get3A_929] {strides = array<i32>} : memref<57344xf32, #tpu.memory_space<vmem>>, vector<16xf32>,
          %get3A_931 = vector.shape_cast %get3A_930 : vector<16xf32> to vector<16xf32>
          %max3A_932 = arith.maximumf %select_n3A_868, %get3A_931 : vector<16xf32>
          %select_n3A_933 = arith.select %ne3A_879, %get3A_931, %max3A_932 : vector<16xf32>
          %add3A_934 = arith.constant 112 : i32
          %add3A_935 = arith.addi %add3A_884, %add3A_934 : i32
          %get3A_936 = arith.index_cast %add3A_935 : i32 to index
          %get3A_937 = tpu.vector_load %arg6[%get3A_936] {strides = array<i32>} : memref<57344xf32, #tpu.memory_space<vmem>>, vector<16xf32>,
          %get3A_938 = vector.shape_cast %get3A_937 : vector<16xf32> to vector<16xf32>
          %max3A_939 = arith.maximumf %select_n3A_875, %get3A_938 : vector<16xf32>
          %select_n3A_940 = arith.select %ne3A_879, %get3A_938, %max3A_939 : vector<16xf32>
          %select_n3A_941 = arith.select %ne3A_879, %squeeze3A_878, %select_n3A_876 : i32
          %slice3A_942 = vector.extract_strided_slice %get3A_193 {offsets = [11], sizes = [1], strides = [1]} : vector<16xi32> to vector<1xi32>
          %squeeze3A_943 = vector.extract %slice3A_942[0] : i32 from vector<1xi32>
          %ne3A_944 = arith.cmpi ne, %squeeze3A_943, %select_n3A_941 : i32
          %convert_element_type3A_945 = arith.extui %ne3A_944 : i1 to i32
          %cond3A_946 = arith.constant 0 : i32
          %cond3A_947 = arith.cmpi ne, %convert_element_type3A_945, %cond3A_946 : i32
          scf.if %cond3A_947 {
            %reshape3A_1299 = vector.shape_cast %select_n3A_891 : vector<16xf32> to vector<1x16xf32>
            %swap3A_1300 = arith.index_cast %select_n3A_941 : i32 to index
            %swap3A_1301 = arith.constant 0 : index
            %swap3A_1302 = tpu.vector_load %arg7[%swap3A_1300, %swap3A_1301] {strides = array<i32>} : memref<256x128xf32, #tpu.memory_space<vmem>>, vector<1x16xf32>,
            %swap3A_1303 = vector.shape_cast %swap3A_1302 : vector<1x16xf32> to vector<1x16xf32>
            %swap3A_1304 = vector.shape_cast %reshape3A_1299 : vector<1x16xf32> to vector<1x16xf32>
            tpu.vector_store %arg7[%swap3A_1300, %swap3A_1301], %swap3A_1304 {strides = array<i32>} : memref<256x128xf32, #tpu.memory_space<vmem>>, vector<1x16xf32>,
            %reshape3A_1305 = vector.shape_cast %select_n3A_898 : vector<16xf32> to vector<1x16xf32>
            %swap3A_1306 = arith.index_cast %select_n3A_941 : i32 to index
            %swap3A_1307 = arith.constant 16 : index
            %swap3A_1308 = tpu.vector_load %arg7[%swap3A_1306, %swap3A_1307] {strides = array<i32>} : memref<256x128xf32, #tpu.memory_space<vmem>>, vector<1x16xf32>,
            %swap3A_1309 = vector.shape_cast %swap3A_1308 : vector<1x16xf32> to vector<1x16xf32>
            %swap3A_1310 = vector.shape_cast %reshape3A_1305 : vector<1x16xf32> to vector<1x16xf32>
            tpu.vector_store %arg7[%swap3A_1306, %swap3A_1307], %swap3A_1310 {strides = array<i32>} : memref<256x128xf32, #tpu.memory_space<vmem>>, vector<1x16xf32>,
            %reshape3A_1311 = vector.shape_cast %select_n3A_905 : vector<16xf32> to vector<1x16xf32>
            %swap3A_1312 = arith.index_cast %select_n3A_941 : i32 to index
            %swap3A_1313 = arith.constant 32 : index
            %swap3A_1314 = tpu.vector_load %arg7[%swap3A_1312, %swap3A_1313] {strides = array<i32>} : memref<256x128xf32, #tpu.memory_space<vmem>>, vector<1x16xf32>,
            %swap3A_1315 = vector.shape_cast %swap3A_1314 : vector<1x16xf32> to vector<1x16xf32>
            %swap3A_1316 = vector.shape_cast %reshape3A_1311 : vector<1x16xf32> to vector<1x16xf32>
            tpu.vector_store %arg7[%swap3A_1312, %swap3A_1313], %swap3A_1316 {strides = array<i32>} : memref<256x128xf32, #tpu.memory_space<vmem>>, vector<1x16xf32>,
            %reshape3A_1317 = vector.shape_cast %select_n3A_912 : vector<16xf32> to vector<1x16xf32>
            %swap3A_1318 = arith.index_cast %select_n3A_941 : i32 to index
            %swap3A_1319 = arith.constant 48 : index
            %swap3A_1320 = tpu.vector_load %arg7[%swap3A_1318, %swap3A_1319] {strides = array<i32>} : memref<256x128xf32, #tpu.memory_space<vmem>>, vector<1x16xf32>,
            %swap3A_1321 = vector.shape_cast %swap3A_1320 : vector<1x16xf32> to vector<1x16xf32>
            %swap3A_1322 = vector.shape_cast %reshape3A_1317 : vector<1x16xf32> to vector<1x16xf32>
            tpu.vector_store %arg7[%swap3A_1318, %swap3A_1319], %swap3A_1322 {strides = array<i32>} : memref<256x128xf32, #tpu.memory_space<vmem>>, vector<1x16xf32>,
            %reshape3A_1323 = vector.shape_cast %select_n3A_919 : vector<16xf32> to vector<1x16xf32>
            %swap3A_1324 = arith.index_cast %select_n3A_941 : i32 to index
            %swap3A_1325 = arith.constant 64 : index
            %swap3A_1326 = tpu.vector_load %arg7[%swap3A_1324, %swap3A_1325] {strides = array<i32>} : memref<256x128xf32, #tpu.memory_space<vmem>>, vector<1x16xf32>,
            %swap3A_1327 = vector.shape_cast %swap3A_1326 : vector<1x16xf32> to vector<1x16xf32>
            %swap3A_1328 = vector.shape_cast %reshape3A_1323 : vector<1x16xf32> to vector<1x16xf32>
            tpu.vector_store %arg7[%swap3A_1324, %swap3A_1325], %swap3A_1328 {strides = array<i32>} : memref<256x128xf32, #tpu.memory_space<vmem>>, vector<1x16xf32>,
            %reshape3A_1329 = vector.shape_cast %select_n3A_926 : vector<16xf32> to vector<1x16xf32>
            %swap3A_1330 = arith.index_cast %select_n3A_941 : i32 to index
            %swap3A_1331 = arith.constant 80 : index
            %swap3A_1332 = tpu.vector_load %arg7[%swap3A_1330, %swap3A_1331] {strides = array<i32>} : memref<256x128xf32, #tpu.memory_space<vmem>>, vector<1x16xf32>,
            %swap3A_1333 = vector.shape_cast %swap3A_1332 : vector<1x16xf32> to vector<1x16xf32>
            %swap3A_1334 = vector.shape_cast %reshape3A_1329 : vector<1x16xf32> to vector<1x16xf32>
            tpu.vector_store %arg7[%swap3A_1330, %swap3A_1331], %swap3A_1334 {strides = array<i32>} : memref<256x128xf32, #tpu.memory_space<vmem>>, vector<1x16xf32>,
            %reshape3A_1335 = vector.shape_cast %select_n3A_933 : vector<16xf32> to vector<1x16xf32>
            %swap3A_1336 = arith.index_cast %select_n3A_941 : i32 to index
            %swap3A_1337 = arith.constant 96 : index
            %swap3A_1338 = tpu.vector_load %arg7[%swap3A_1336, %swap3A_1337] {strides = array<i32>} : memref<256x128xf32, #tpu.memory_space<vmem>>, vector<1x16xf32>,
            %swap3A_1339 = vector.shape_cast %swap3A_1338 : vector<1x16xf32> to vector<1x16xf32>
            %swap3A_1340 = vector.shape_cast %reshape3A_1335 : vector<1x16xf32> to vector<1x16xf32>
            tpu.vector_store %arg7[%swap3A_1336, %swap3A_1337], %swap3A_1340 {strides = array<i32>} : memref<256x128xf32, #tpu.memory_space<vmem>>, vector<1x16xf32>,
            %reshape3A_1341 = vector.shape_cast %select_n3A_940 : vector<16xf32> to vector<1x16xf32>
            %swap3A_1342 = arith.index_cast %select_n3A_941 : i32 to index
            %swap3A_1343 = arith.constant 112 : index
            %swap3A_1344 = tpu.vector_load %arg7[%swap3A_1342, %swap3A_1343] {strides = array<i32>} : memref<256x128xf32, #tpu.memory_space<vmem>>, vector<1x16xf32>,
            %swap3A_1345 = vector.shape_cast %swap3A_1344 : vector<1x16xf32> to vector<1x16xf32>
            %swap3A_1346 = vector.shape_cast %reshape3A_1341 : vector<1x16xf32> to vector<1x16xf32>
            tpu.vector_store %arg7[%swap3A_1342, %swap3A_1343], %swap3A_1346 {strides = array<i32>} : memref<256x128xf32, #tpu.memory_space<vmem>>, vector<1x16xf32>,
          } else {
          }
          %add3A_948 = arith.constant 1408 : i32
          %add3A_949 = arith.addi %add3A_198, %add3A_948 : i32
          %add3A_950 = arith.constant 0 : i32
          %add3A_951 = arith.addi %add3A_949, %add3A_950 : i32
          %get3A_952 = arith.index_cast %add3A_951 : i32 to index
          %get3A_953 = tpu.vector_load %arg6[%get3A_952] {strides = array<i32>} : memref<57344xf32, #tpu.memory_space<vmem>>, vector<16xf32>,
          %get3A_954 = vector.shape_cast %get3A_953 : vector<16xf32> to vector<16xf32>
          %max3A_955 = arith.maximumf %select_n3A_891, %get3A_954 : vector<16xf32>
          %select_n3A_956 = arith.select %ne3A_944, %get3A_954, %max3A_955 : vector<16xf32>
          %add3A_957 = arith.constant 16 : i32
          %add3A_958 = arith.addi %add3A_949, %add3A_957 : i32
          %get3A_959 = arith.index_cast %add3A_958 : i32 to index
          %get3A_960 = tpu.vector_load %arg6[%get3A_959] {strides = array<i32>} : memref<57344xf32, #tpu.memory_space<vmem>>, vector<16xf32>,
          %get3A_961 = vector.shape_cast %get3A_960 : vector<16xf32> to vector<16xf32>
          %max3A_962 = arith.maximumf %select_n3A_898, %get3A_961 : vector<16xf32>
          %select_n3A_963 = arith.select %ne3A_944, %get3A_961, %max3A_962 : vector<16xf32>
          %add3A_964 = arith.constant 32 : i32
          %add3A_965 = arith.addi %add3A_949, %add3A_964 : i32
          %get3A_966 = arith.index_cast %add3A_965 : i32 to index
          %get3A_967 = tpu.vector_load %arg6[%get3A_966] {strides = array<i32>} : memref<57344xf32, #tpu.memory_space<vmem>>, vector<16xf32>,
          %get3A_968 = vector.shape_cast %get3A_967 : vector<16xf32> to vector<16xf32>
          %max3A_969 = arith.maximumf %select_n3A_905, %get3A_968 : vector<16xf32>
          %select_n3A_970 = arith.select %ne3A_944, %get3A_968, %max3A_969 : vector<16xf32>
          %add3A_971 = arith.constant 48 : i32
          %add3A_972 = arith.addi %add3A_949, %add3A_971 : i32
          %get3A_973 = arith.index_cast %add3A_972 : i32 to index
          %get3A_974 = tpu.vector_load %arg6[%get3A_973] {strides = array<i32>} : memref<57344xf32, #tpu.memory_space<vmem>>, vector<16xf32>,
          %get3A_975 = vector.shape_cast %get3A_974 : vector<16xf32> to vector<16xf32>
          %max3A_976 = arith.maximumf %select_n3A_912, %get3A_975 : vector<16xf32>
          %select_n3A_977 = arith.select %ne3A_944, %get3A_975, %max3A_976 : vector<16xf32>
          %add3A_978 = arith.constant 64 : i32
          %add3A_979 = arith.addi %add3A_949, %add3A_978 : i32
          %get3A_980 = arith.index_cast %add3A_979 : i32 to index
          %get3A_981 = tpu.vector_load %arg6[%get3A_980] {strides = array<i32>} : memref<57344xf32, #tpu.memory_space<vmem>>, vector<16xf32>,
          %get3A_982 = vector.shape_cast %get3A_981 : vector<16xf32> to vector<16xf32>
          %max3A_983 = arith.maximumf %select_n3A_919, %get3A_982 : vector<16xf32>
          %select_n3A_984 = arith.select %ne3A_944, %get3A_982, %max3A_983 : vector<16xf32>
          %add3A_985 = arith.constant 80 : i32
          %add3A_986 = arith.addi %add3A_949, %add3A_985 : i32
          %get3A_987 = arith.index_cast %add3A_986 : i32 to index
          %get3A_988 = tpu.vector_load %arg6[%get3A_987] {strides = array<i32>} : memref<57344xf32, #tpu.memory_space<vmem>>, vector<16xf32>,
          %get3A_989 = vector.shape_cast %get3A_988 : vector<16xf32> to vector<16xf32>
          %max3A_990 = arith.maximumf %select_n3A_926, %get3A_989 : vector<16xf32>
          %select_n3A_991 = arith.select %ne3A_944, %get3A_989, %max3A_990 : vector<16xf32>
          %add3A_992 = arith.constant 96 : i32
          %add3A_993 = arith.addi %add3A_949, %add3A_992 : i32
          %get3A_994 = arith.index_cast %add3A_993 : i32 to index
          %get3A_995 = tpu.vector_load %arg6[%get3A_994] {strides = array<i32>} : memref<57344xf32, #tpu.memory_space<vmem>>, vector<16xf32>,
          %get3A_996 = vector.shape_cast %get3A_995 : vector<16xf32> to vector<16xf32>
          %max3A_997 = arith.maximumf %select_n3A_933, %get3A_996 : vector<16xf32>
          %select_n3A_998 = arith.select %ne3A_944, %get3A_996, %max3A_997 : vector<16xf32>
          %add3A_999 = arith.constant 112 : i32
          %add3A_1000 = arith.addi %add3A_949, %add3A_999 : i32
          %get3A_1001 = arith.index_cast %add3A_1000 : i32 to index
          %get3A_1002 = tpu.vector_load %arg6[%get3A_1001] {strides = array<i32>} : memref<57344xf32, #tpu.memory_space<vmem>>, vector<16xf32>,
          %get3A_1003 = vector.shape_cast %get3A_1002 : vector<16xf32> to vector<16xf32>
          %max3A_1004 = arith.maximumf %select_n3A_940, %get3A_1003 : vector<16xf32>
          %select_n3A_1005 = arith.select %ne3A_944, %get3A_1003, %max3A_1004 : vector<16xf32>
          %select_n3A_1006 = arith.select %ne3A_944, %squeeze3A_943, %select_n3A_941 : i32
          %slice3A_1007 = vector.extract_strided_slice %get3A_193 {offsets = [12], sizes = [1], strides = [1]} : vector<16xi32> to vector<1xi32>
          %squeeze3A_1008 = vector.extract %slice3A_1007[0] : i32 from vector<1xi32>
          %ne3A_1009 = arith.cmpi ne, %squeeze3A_1008, %select_n3A_1006 : i32
          %convert_element_type3A_1010 = arith.extui %ne3A_1009 : i1 to i32
          %cond3A_1011 = arith.constant 0 : i32
          %cond3A_1012 = arith.cmpi ne, %convert_element_type3A_1010, %cond3A_1011 : i32
          scf.if %cond3A_1012 {
            %reshape3A_1299 = vector.shape_cast %select_n3A_956 : vector<16xf32> to vector<1x16xf32>
            %swap3A_1300 = arith.index_cast %select_n3A_1006 : i32 to index
            %swap3A_1301 = arith.constant 0 : index
            %swap3A_1302 = tpu.vector_load %arg7[%swap3A_1300, %swap3A_1301] {strides = array<i32>} : memref<256x128xf32, #tpu.memory_space<vmem>>, vector<1x16xf32>,
            %swap3A_1303 = vector.shape_cast %swap3A_1302 : vector<1x16xf32> to vector<1x16xf32>
            %swap3A_1304 = vector.shape_cast %reshape3A_1299 : vector<1x16xf32> to vector<1x16xf32>
            tpu.vector_store %arg7[%swap3A_1300, %swap3A_1301], %swap3A_1304 {strides = array<i32>} : memref<256x128xf32, #tpu.memory_space<vmem>>, vector<1x16xf32>,
            %reshape3A_1305 = vector.shape_cast %select_n3A_963 : vector<16xf32> to vector<1x16xf32>
            %swap3A_1306 = arith.index_cast %select_n3A_1006 : i32 to index
            %swap3A_1307 = arith.constant 16 : index
            %swap3A_1308 = tpu.vector_load %arg7[%swap3A_1306, %swap3A_1307] {strides = array<i32>} : memref<256x128xf32, #tpu.memory_space<vmem>>, vector<1x16xf32>,
            %swap3A_1309 = vector.shape_cast %swap3A_1308 : vector<1x16xf32> to vector<1x16xf32>
            %swap3A_1310 = vector.shape_cast %reshape3A_1305 : vector<1x16xf32> to vector<1x16xf32>
            tpu.vector_store %arg7[%swap3A_1306, %swap3A_1307], %swap3A_1310 {strides = array<i32>} : memref<256x128xf32, #tpu.memory_space<vmem>>, vector<1x16xf32>,
            %reshape3A_1311 = vector.shape_cast %select_n3A_970 : vector<16xf32> to vector<1x16xf32>
            %swap3A_1312 = arith.index_cast %select_n3A_1006 : i32 to index
            %swap3A_1313 = arith.constant 32 : index
            %swap3A_1314 = tpu.vector_load %arg7[%swap3A_1312, %swap3A_1313] {strides = array<i32>} : memref<256x128xf32, #tpu.memory_space<vmem>>, vector<1x16xf32>,
            %swap3A_1315 = vector.shape_cast %swap3A_1314 : vector<1x16xf32> to vector<1x16xf32>
            %swap3A_1316 = vector.shape_cast %reshape3A_1311 : vector<1x16xf32> to vector<1x16xf32>
            tpu.vector_store %arg7[%swap3A_1312, %swap3A_1313], %swap3A_1316 {strides = array<i32>} : memref<256x128xf32, #tpu.memory_space<vmem>>, vector<1x16xf32>,
            %reshape3A_1317 = vector.shape_cast %select_n3A_977 : vector<16xf32> to vector<1x16xf32>
            %swap3A_1318 = arith.index_cast %select_n3A_1006 : i32 to index
            %swap3A_1319 = arith.constant 48 : index
            %swap3A_1320 = tpu.vector_load %arg7[%swap3A_1318, %swap3A_1319] {strides = array<i32>} : memref<256x128xf32, #tpu.memory_space<vmem>>, vector<1x16xf32>,
            %swap3A_1321 = vector.shape_cast %swap3A_1320 : vector<1x16xf32> to vector<1x16xf32>
            %swap3A_1322 = vector.shape_cast %reshape3A_1317 : vector<1x16xf32> to vector<1x16xf32>
            tpu.vector_store %arg7[%swap3A_1318, %swap3A_1319], %swap3A_1322 {strides = array<i32>} : memref<256x128xf32, #tpu.memory_space<vmem>>, vector<1x16xf32>,
            %reshape3A_1323 = vector.shape_cast %select_n3A_984 : vector<16xf32> to vector<1x16xf32>
            %swap3A_1324 = arith.index_cast %select_n3A_1006 : i32 to index
            %swap3A_1325 = arith.constant 64 : index
            %swap3A_1326 = tpu.vector_load %arg7[%swap3A_1324, %swap3A_1325] {strides = array<i32>} : memref<256x128xf32, #tpu.memory_space<vmem>>, vector<1x16xf32>,
            %swap3A_1327 = vector.shape_cast %swap3A_1326 : vector<1x16xf32> to vector<1x16xf32>
            %swap3A_1328 = vector.shape_cast %reshape3A_1323 : vector<1x16xf32> to vector<1x16xf32>
            tpu.vector_store %arg7[%swap3A_1324, %swap3A_1325], %swap3A_1328 {strides = array<i32>} : memref<256x128xf32, #tpu.memory_space<vmem>>, vector<1x16xf32>,
            %reshape3A_1329 = vector.shape_cast %select_n3A_991 : vector<16xf32> to vector<1x16xf32>
            %swap3A_1330 = arith.index_cast %select_n3A_1006 : i32 to index
            %swap3A_1331 = arith.constant 80 : index
            %swap3A_1332 = tpu.vector_load %arg7[%swap3A_1330, %swap3A_1331] {strides = array<i32>} : memref<256x128xf32, #tpu.memory_space<vmem>>, vector<1x16xf32>,
            %swap3A_1333 = vector.shape_cast %swap3A_1332 : vector<1x16xf32> to vector<1x16xf32>
            %swap3A_1334 = vector.shape_cast %reshape3A_1329 : vector<1x16xf32> to vector<1x16xf32>
            tpu.vector_store %arg7[%swap3A_1330, %swap3A_1331], %swap3A_1334 {strides = array<i32>} : memref<256x128xf32, #tpu.memory_space<vmem>>, vector<1x16xf32>,
            %reshape3A_1335 = vector.shape_cast %select_n3A_998 : vector<16xf32> to vector<1x16xf32>
            %swap3A_1336 = arith.index_cast %select_n3A_1006 : i32 to index
            %swap3A_1337 = arith.constant 96 : index
            %swap3A_1338 = tpu.vector_load %arg7[%swap3A_1336, %swap3A_1337] {strides = array<i32>} : memref<256x128xf32, #tpu.memory_space<vmem>>, vector<1x16xf32>,
            %swap3A_1339 = vector.shape_cast %swap3A_1338 : vector<1x16xf32> to vector<1x16xf32>
            %swap3A_1340 = vector.shape_cast %reshape3A_1335 : vector<1x16xf32> to vector<1x16xf32>
            tpu.vector_store %arg7[%swap3A_1336, %swap3A_1337], %swap3A_1340 {strides = array<i32>} : memref<256x128xf32, #tpu.memory_space<vmem>>, vector<1x16xf32>,
            %reshape3A_1341 = vector.shape_cast %select_n3A_1005 : vector<16xf32> to vector<1x16xf32>
            %swap3A_1342 = arith.index_cast %select_n3A_1006 : i32 to index
            %swap3A_1343 = arith.constant 112 : index
            %swap3A_1344 = tpu.vector_load %arg7[%swap3A_1342, %swap3A_1343] {strides = array<i32>} : memref<256x128xf32, #tpu.memory_space<vmem>>, vector<1x16xf32>,
            %swap3A_1345 = vector.shape_cast %swap3A_1344 : vector<1x16xf32> to vector<1x16xf32>
            %swap3A_1346 = vector.shape_cast %reshape3A_1341 : vector<1x16xf32> to vector<1x16xf32>
            tpu.vector_store %arg7[%swap3A_1342, %swap3A_1343], %swap3A_1346 {strides = array<i32>} : memref<256x128xf32, #tpu.memory_space<vmem>>, vector<1x16xf32>,
          } else {
          }
          %add3A_1013 = arith.constant 1536 : i32
          %add3A_1014 = arith.addi %add3A_198, %add3A_1013 : i32
          %add3A_1015 = arith.constant 0 : i32
          %add3A_1016 = arith.addi %add3A_1014, %add3A_1015 : i32
          %get3A_1017 = arith.index_cast %add3A_1016 : i32 to index
          %get3A_1018 = tpu.vector_load %arg6[%get3A_1017] {strides = array<i32>} : memref<57344xf32, #tpu.memory_space<vmem>>, vector<16xf32>,
          %get3A_1019 = vector.shape_cast %get3A_1018 : vector<16xf32> to vector<16xf32>
          %max3A_1020 = arith.maximumf %select_n3A_956, %get3A_1019 : vector<16xf32>
          %select_n3A_1021 = arith.select %ne3A_1009, %get3A_1019, %max3A_1020 : vector<16xf32>
          %add3A_1022 = arith.constant 16 : i32
          %add3A_1023 = arith.addi %add3A_1014, %add3A_1022 : i32
          %get3A_1024 = arith.index_cast %add3A_1023 : i32 to index
          %get3A_1025 = tpu.vector_load %arg6[%get3A_1024] {strides = array<i32>} : memref<57344xf32, #tpu.memory_space<vmem>>, vector<16xf32>,
          %get3A_1026 = vector.shape_cast %get3A_1025 : vector<16xf32> to vector<16xf32>
          %max3A_1027 = arith.maximumf %select_n3A_963, %get3A_1026 : vector<16xf32>
          %select_n3A_1028 = arith.select %ne3A_1009, %get3A_1026, %max3A_1027 : vector<16xf32>
          %add3A_1029 = arith.constant 32 : i32
          %add3A_1030 = arith.addi %add3A_1014, %add3A_1029 : i32
          %get3A_1031 = arith.index_cast %add3A_1030 : i32 to index
          %get3A_1032 = tpu.vector_load %arg6[%get3A_1031] {strides = array<i32>} : memref<57344xf32, #tpu.memory_space<vmem>>, vector<16xf32>,
          %get3A_1033 = vector.shape_cast %get3A_1032 : vector<16xf32> to vector<16xf32>
          %max3A_1034 = arith.maximumf %select_n3A_970, %get3A_1033 : vector<16xf32>
          %select_n3A_1035 = arith.select %ne3A_1009, %get3A_1033, %max3A_1034 : vector<16xf32>
          %add3A_1036 = arith.constant 48 : i32
          %add3A_1037 = arith.addi %add3A_1014, %add3A_1036 : i32
          %get3A_1038 = arith.index_cast %add3A_1037 : i32 to index
          %get3A_1039 = tpu.vector_load %arg6[%get3A_1038] {strides = array<i32>} : memref<57344xf32, #tpu.memory_space<vmem>>, vector<16xf32>,
          %get3A_1040 = vector.shape_cast %get3A_1039 : vector<16xf32> to vector<16xf32>
          %max3A_1041 = arith.maximumf %select_n3A_977, %get3A_1040 : vector<16xf32>
          %select_n3A_1042 = arith.select %ne3A_1009, %get3A_1040, %max3A_1041 : vector<16xf32>
          %add3A_1043 = arith.constant 64 : i32
          %add3A_1044 = arith.addi %add3A_1014, %add3A_1043 : i32
          %get3A_1045 = arith.index_cast %add3A_1044 : i32 to index
          %get3A_1046 = tpu.vector_load %arg6[%get3A_1045] {strides = array<i32>} : memref<57344xf32, #tpu.memory_space<vmem>>, vector<16xf32>,
          %get3A_1047 = vector.shape_cast %get3A_1046 : vector<16xf32> to vector<16xf32>
          %max3A_1048 = arith.maximumf %select_n3A_984, %get3A_1047 : vector<16xf32>
          %select_n3A_1049 = arith.select %ne3A_1009, %get3A_1047, %max3A_1048 : vector<16xf32>
          %add3A_1050 = arith.constant 80 : i32
          %add3A_1051 = arith.addi %add3A_1014, %add3A_1050 : i32
          %get3A_1052 = arith.index_cast %add3A_1051 : i32 to index
          %get3A_1053 = tpu.vector_load %arg6[%get3A_1052] {strides = array<i32>} : memref<57344xf32, #tpu.memory_space<vmem>>, vector<16xf32>,
          %get3A_1054 = vector.shape_cast %get3A_1053 : vector<16xf32> to vector<16xf32>
          %max3A_1055 = arith.maximumf %select_n3A_991, %get3A_1054 : vector<16xf32>
          %select_n3A_1056 = arith.select %ne3A_1009, %get3A_1054, %max3A_1055 : vector<16xf32>
          %add3A_1057 = arith.constant 96 : i32
          %add3A_1058 = arith.addi %add3A_1014, %add3A_1057 : i32
          %get3A_1059 = arith.index_cast %add3A_1058 : i32 to index
          %get3A_1060 = tpu.vector_load %arg6[%get3A_1059] {strides = array<i32>} : memref<57344xf32, #tpu.memory_space<vmem>>, vector<16xf32>,
          %get3A_1061 = vector.shape_cast %get3A_1060 : vector<16xf32> to vector<16xf32>
          %max3A_1062 = arith.maximumf %select_n3A_998, %get3A_1061 : vector<16xf32>
          %select_n3A_1063 = arith.select %ne3A_1009, %get3A_1061, %max3A_1062 : vector<16xf32>
          %add3A_1064 = arith.constant 112 : i32
          %add3A_1065 = arith.addi %add3A_1014, %add3A_1064 : i32
          %get3A_1066 = arith.index_cast %add3A_1065 : i32 to index
          %get3A_1067 = tpu.vector_load %arg6[%get3A_1066] {strides = array<i32>} : memref<57344xf32, #tpu.memory_space<vmem>>, vector<16xf32>,
          %get3A_1068 = vector.shape_cast %get3A_1067 : vector<16xf32> to vector<16xf32>
          %max3A_1069 = arith.maximumf %select_n3A_1005, %get3A_1068 : vector<16xf32>
          %select_n3A_1070 = arith.select %ne3A_1009, %get3A_1068, %max3A_1069 : vector<16xf32>
          %select_n3A_1071 = arith.select %ne3A_1009, %squeeze3A_1008, %select_n3A_1006 : i32
          %slice3A_1072 = vector.extract_strided_slice %get3A_193 {offsets = [13], sizes = [1], strides = [1]} : vector<16xi32> to vector<1xi32>
          %squeeze3A_1073 = vector.extract %slice3A_1072[0] : i32 from vector<1xi32>
          %ne3A_1074 = arith.cmpi ne, %squeeze3A_1073, %select_n3A_1071 : i32
          %convert_element_type3A_1075 = arith.extui %ne3A_1074 : i1 to i32
          %cond3A_1076 = arith.constant 0 : i32
          %cond3A_1077 = arith.cmpi ne, %convert_element_type3A_1075, %cond3A_1076 : i32
          scf.if %cond3A_1077 {
            %reshape3A_1299 = vector.shape_cast %select_n3A_1021 : vector<16xf32> to vector<1x16xf32>
            %swap3A_1300 = arith.index_cast %select_n3A_1071 : i32 to index
            %swap3A_1301 = arith.constant 0 : index
            %swap3A_1302 = tpu.vector_load %arg7[%swap3A_1300, %swap3A_1301] {strides = array<i32>} : memref<256x128xf32, #tpu.memory_space<vmem>>, vector<1x16xf32>,
            %swap3A_1303 = vector.shape_cast %swap3A_1302 : vector<1x16xf32> to vector<1x16xf32>
            %swap3A_1304 = vector.shape_cast %reshape3A_1299 : vector<1x16xf32> to vector<1x16xf32>
            tpu.vector_store %arg7[%swap3A_1300, %swap3A_1301], %swap3A_1304 {strides = array<i32>} : memref<256x128xf32, #tpu.memory_space<vmem>>, vector<1x16xf32>,
            %reshape3A_1305 = vector.shape_cast %select_n3A_1028 : vector<16xf32> to vector<1x16xf32>
            %swap3A_1306 = arith.index_cast %select_n3A_1071 : i32 to index
            %swap3A_1307 = arith.constant 16 : index
            %swap3A_1308 = tpu.vector_load %arg7[%swap3A_1306, %swap3A_1307] {strides = array<i32>} : memref<256x128xf32, #tpu.memory_space<vmem>>, vector<1x16xf32>,
            %swap3A_1309 = vector.shape_cast %swap3A_1308 : vector<1x16xf32> to vector<1x16xf32>
            %swap3A_1310 = vector.shape_cast %reshape3A_1305 : vector<1x16xf32> to vector<1x16xf32>
            tpu.vector_store %arg7[%swap3A_1306, %swap3A_1307], %swap3A_1310 {strides = array<i32>} : memref<256x128xf32, #tpu.memory_space<vmem>>, vector<1x16xf32>,
            %reshape3A_1311 = vector.shape_cast %select_n3A_1035 : vector<16xf32> to vector<1x16xf32>
            %swap3A_1312 = arith.index_cast %select_n3A_1071 : i32 to index
            %swap3A_1313 = arith.constant 32 : index
            %swap3A_1314 = tpu.vector_load %arg7[%swap3A_1312, %swap3A_1313] {strides = array<i32>} : memref<256x128xf32, #tpu.memory_space<vmem>>, vector<1x16xf32>,
            %swap3A_1315 = vector.shape_cast %swap3A_1314 : vector<1x16xf32> to vector<1x16xf32>
            %swap3A_1316 = vector.shape_cast %reshape3A_1311 : vector<1x16xf32> to vector<1x16xf32>
            tpu.vector_store %arg7[%swap3A_1312, %swap3A_1313], %swap3A_1316 {strides = array<i32>} : memref<256x128xf32, #tpu.memory_space<vmem>>, vector<1x16xf32>,
            %reshape3A_1317 = vector.shape_cast %select_n3A_1042 : vector<16xf32> to vector<1x16xf32>
            %swap3A_1318 = arith.index_cast %select_n3A_1071 : i32 to index
            %swap3A_1319 = arith.constant 48 : index
            %swap3A_1320 = tpu.vector_load %arg7[%swap3A_1318, %swap3A_1319] {strides = array<i32>} : memref<256x128xf32, #tpu.memory_space<vmem>>, vector<1x16xf32>,
            %swap3A_1321 = vector.shape_cast %swap3A_1320 : vector<1x16xf32> to vector<1x16xf32>
            %swap3A_1322 = vector.shape_cast %reshape3A_1317 : vector<1x16xf32> to vector<1x16xf32>
            tpu.vector_store %arg7[%swap3A_1318, %swap3A_1319], %swap3A_1322 {strides = array<i32>} : memref<256x128xf32, #tpu.memory_space<vmem>>, vector<1x16xf32>,
            %reshape3A_1323 = vector.shape_cast %select_n3A_1049 : vector<16xf32> to vector<1x16xf32>
            %swap3A_1324 = arith.index_cast %select_n3A_1071 : i32 to index
            %swap3A_1325 = arith.constant 64 : index
            %swap3A_1326 = tpu.vector_load %arg7[%swap3A_1324, %swap3A_1325] {strides = array<i32>} : memref<256x128xf32, #tpu.memory_space<vmem>>, vector<1x16xf32>,
            %swap3A_1327 = vector.shape_cast %swap3A_1326 : vector<1x16xf32> to vector<1x16xf32>
            %swap3A_1328 = vector.shape_cast %reshape3A_1323 : vector<1x16xf32> to vector<1x16xf32>
            tpu.vector_store %arg7[%swap3A_1324, %swap3A_1325], %swap3A_1328 {strides = array<i32>} : memref<256x128xf32, #tpu.memory_space<vmem>>, vector<1x16xf32>,
            %reshape3A_1329 = vector.shape_cast %select_n3A_1056 : vector<16xf32> to vector<1x16xf32>
            %swap3A_1330 = arith.index_cast %select_n3A_1071 : i32 to index
            %swap3A_1331 = arith.constant 80 : index
            %swap3A_1332 = tpu.vector_load %arg7[%swap3A_1330, %swap3A_1331] {strides = array<i32>} : memref<256x128xf32, #tpu.memory_space<vmem>>, vector<1x16xf32>,
            %swap3A_1333 = vector.shape_cast %swap3A_1332 : vector<1x16xf32> to vector<1x16xf32>
            %swap3A_1334 = vector.shape_cast %reshape3A_1329 : vector<1x16xf32> to vector<1x16xf32>
            tpu.vector_store %arg7[%swap3A_1330, %swap3A_1331], %swap3A_1334 {strides = array<i32>} : memref<256x128xf32, #tpu.memory_space<vmem>>, vector<1x16xf32>,
            %reshape3A_1335 = vector.shape_cast %select_n3A_1063 : vector<16xf32> to vector<1x16xf32>
            %swap3A_1336 = arith.index_cast %select_n3A_1071 : i32 to index
            %swap3A_1337 = arith.constant 96 : index
            %swap3A_1338 = tpu.vector_load %arg7[%swap3A_1336, %swap3A_1337] {strides = array<i32>} : memref<256x128xf32, #tpu.memory_space<vmem>>, vector<1x16xf32>,
            %swap3A_1339 = vector.shape_cast %swap3A_1338 : vector<1x16xf32> to vector<1x16xf32>
            %swap3A_1340 = vector.shape_cast %reshape3A_1335 : vector<1x16xf32> to vector<1x16xf32>
            tpu.vector_store %arg7[%swap3A_1336, %swap3A_1337], %swap3A_1340 {strides = array<i32>} : memref<256x128xf32, #tpu.memory_space<vmem>>, vector<1x16xf32>,
            %reshape3A_1341 = vector.shape_cast %select_n3A_1070 : vector<16xf32> to vector<1x16xf32>
            %swap3A_1342 = arith.index_cast %select_n3A_1071 : i32 to index
            %swap3A_1343 = arith.constant 112 : index
            %swap3A_1344 = tpu.vector_load %arg7[%swap3A_1342, %swap3A_1343] {strides = array<i32>} : memref<256x128xf32, #tpu.memory_space<vmem>>, vector<1x16xf32>,
            %swap3A_1345 = vector.shape_cast %swap3A_1344 : vector<1x16xf32> to vector<1x16xf32>
            %swap3A_1346 = vector.shape_cast %reshape3A_1341 : vector<1x16xf32> to vector<1x16xf32>
            tpu.vector_store %arg7[%swap3A_1342, %swap3A_1343], %swap3A_1346 {strides = array<i32>} : memref<256x128xf32, #tpu.memory_space<vmem>>, vector<1x16xf32>,
          } else {
          }
          %add3A_1078 = arith.constant 1664 : i32
          %add3A_1079 = arith.addi %add3A_198, %add3A_1078 : i32
          %add3A_1080 = arith.constant 0 : i32
          %add3A_1081 = arith.addi %add3A_1079, %add3A_1080 : i32
          %get3A_1082 = arith.index_cast %add3A_1081 : i32 to index
          %get3A_1083 = tpu.vector_load %arg6[%get3A_1082] {strides = array<i32>} : memref<57344xf32, #tpu.memory_space<vmem>>, vector<16xf32>,
          %get3A_1084 = vector.shape_cast %get3A_1083 : vector<16xf32> to vector<16xf32>
          %max3A_1085 = arith.maximumf %select_n3A_1021, %get3A_1084 : vector<16xf32>
          %select_n3A_1086 = arith.select %ne3A_1074, %get3A_1084, %max3A_1085 : vector<16xf32>
          %add3A_1087 = arith.constant 16 : i32
          %add3A_1088 = arith.addi %add3A_1079, %add3A_1087 : i32
          %get3A_1089 = arith.index_cast %add3A_1088 : i32 to index
          %get3A_1090 = tpu.vector_load %arg6[%get3A_1089] {strides = array<i32>} : memref<57344xf32, #tpu.memory_space<vmem>>, vector<16xf32>,
          %get3A_1091 = vector.shape_cast %get3A_1090 : vector<16xf32> to vector<16xf32>
          %max3A_1092 = arith.maximumf %select_n3A_1028, %get3A_1091 : vector<16xf32>
          %select_n3A_1093 = arith.select %ne3A_1074, %get3A_1091, %max3A_1092 : vector<16xf32>
          %add3A_1094 = arith.constant 32 : i32
          %add3A_1095 = arith.addi %add3A_1079, %add3A_1094 : i32
          %get3A_1096 = arith.index_cast %add3A_1095 : i32 to index
          %get3A_1097 = tpu.vector_load %arg6[%get3A_1096] {strides = array<i32>} : memref<57344xf32, #tpu.memory_space<vmem>>, vector<16xf32>,
          %get3A_1098 = vector.shape_cast %get3A_1097 : vector<16xf32> to vector<16xf32>
          %max3A_1099 = arith.maximumf %select_n3A_1035, %get3A_1098 : vector<16xf32>
          %select_n3A_1100 = arith.select %ne3A_1074, %get3A_1098, %max3A_1099 : vector<16xf32>
          %add3A_1101 = arith.constant 48 : i32
          %add3A_1102 = arith.addi %add3A_1079, %add3A_1101 : i32
          %get3A_1103 = arith.index_cast %add3A_1102 : i32 to index
          %get3A_1104 = tpu.vector_load %arg6[%get3A_1103] {strides = array<i32>} : memref<57344xf32, #tpu.memory_space<vmem>>, vector<16xf32>,
          %get3A_1105 = vector.shape_cast %get3A_1104 : vector<16xf32> to vector<16xf32>
          %max3A_1106 = arith.maximumf %select_n3A_1042, %get3A_1105 : vector<16xf32>
          %select_n3A_1107 = arith.select %ne3A_1074, %get3A_1105, %max3A_1106 : vector<16xf32>
          %add3A_1108 = arith.constant 64 : i32
          %add3A_1109 = arith.addi %add3A_1079, %add3A_1108 : i32
          %get3A_1110 = arith.index_cast %add3A_1109 : i32 to index
          %get3A_1111 = tpu.vector_load %arg6[%get3A_1110] {strides = array<i32>} : memref<57344xf32, #tpu.memory_space<vmem>>, vector<16xf32>,
          %get3A_1112 = vector.shape_cast %get3A_1111 : vector<16xf32> to vector<16xf32>
          %max3A_1113 = arith.maximumf %select_n3A_1049, %get3A_1112 : vector<16xf32>
          %select_n3A_1114 = arith.select %ne3A_1074, %get3A_1112, %max3A_1113 : vector<16xf32>
          %add3A_1115 = arith.constant 80 : i32
          %add3A_1116 = arith.addi %add3A_1079, %add3A_1115 : i32
          %get3A_1117 = arith.index_cast %add3A_1116 : i32 to index
          %get3A_1118 = tpu.vector_load %arg6[%get3A_1117] {strides = array<i32>} : memref<57344xf32, #tpu.memory_space<vmem>>, vector<16xf32>,
          %get3A_1119 = vector.shape_cast %get3A_1118 : vector<16xf32> to vector<16xf32>
          %max3A_1120 = arith.maximumf %select_n3A_1056, %get3A_1119 : vector<16xf32>
          %select_n3A_1121 = arith.select %ne3A_1074, %get3A_1119, %max3A_1120 : vector<16xf32>
          %add3A_1122 = arith.constant 96 : i32
          %add3A_1123 = arith.addi %add3A_1079, %add3A_1122 : i32
          %get3A_1124 = arith.index_cast %add3A_1123 : i32 to index
          %get3A_1125 = tpu.vector_load %arg6[%get3A_1124] {strides = array<i32>} : memref<57344xf32, #tpu.memory_space<vmem>>, vector<16xf32>,
          %get3A_1126 = vector.shape_cast %get3A_1125 : vector<16xf32> to vector<16xf32>
          %max3A_1127 = arith.maximumf %select_n3A_1063, %get3A_1126 : vector<16xf32>
          %select_n3A_1128 = arith.select %ne3A_1074, %get3A_1126, %max3A_1127 : vector<16xf32>
          %add3A_1129 = arith.constant 112 : i32
          %add3A_1130 = arith.addi %add3A_1079, %add3A_1129 : i32
          %get3A_1131 = arith.index_cast %add3A_1130 : i32 to index
          %get3A_1132 = tpu.vector_load %arg6[%get3A_1131] {strides = array<i32>} : memref<57344xf32, #tpu.memory_space<vmem>>, vector<16xf32>,
          %get3A_1133 = vector.shape_cast %get3A_1132 : vector<16xf32> to vector<16xf32>
          %max3A_1134 = arith.maximumf %select_n3A_1070, %get3A_1133 : vector<16xf32>
          %select_n3A_1135 = arith.select %ne3A_1074, %get3A_1133, %max3A_1134 : vector<16xf32>
          %select_n3A_1136 = arith.select %ne3A_1074, %squeeze3A_1073, %select_n3A_1071 : i32
          %slice3A_1137 = vector.extract_strided_slice %get3A_193 {offsets = [14], sizes = [1], strides = [1]} : vector<16xi32> to vector<1xi32>
          %squeeze3A_1138 = vector.extract %slice3A_1137[0] : i32 from vector<1xi32>
          %ne3A_1139 = arith.cmpi ne, %squeeze3A_1138, %select_n3A_1136 : i32
          %convert_element_type3A_1140 = arith.extui %ne3A_1139 : i1 to i32
          %cond3A_1141 = arith.constant 0 : i32
          %cond3A_1142 = arith.cmpi ne, %convert_element_type3A_1140, %cond3A_1141 : i32
          scf.if %cond3A_1142 {
            %reshape3A_1299 = vector.shape_cast %select_n3A_1086 : vector<16xf32> to vector<1x16xf32>
            %swap3A_1300 = arith.index_cast %select_n3A_1136 : i32 to index
            %swap3A_1301 = arith.constant 0 : index
            %swap3A_1302 = tpu.vector_load %arg7[%swap3A_1300, %swap3A_1301] {strides = array<i32>} : memref<256x128xf32, #tpu.memory_space<vmem>>, vector<1x16xf32>,
            %swap3A_1303 = vector.shape_cast %swap3A_1302 : vector<1x16xf32> to vector<1x16xf32>
            %swap3A_1304 = vector.shape_cast %reshape3A_1299 : vector<1x16xf32> to vector<1x16xf32>
            tpu.vector_store %arg7[%swap3A_1300, %swap3A_1301], %swap3A_1304 {strides = array<i32>} : memref<256x128xf32, #tpu.memory_space<vmem>>, vector<1x16xf32>,
            %reshape3A_1305 = vector.shape_cast %select_n3A_1093 : vector<16xf32> to vector<1x16xf32>
            %swap3A_1306 = arith.index_cast %select_n3A_1136 : i32 to index
            %swap3A_1307 = arith.constant 16 : index
            %swap3A_1308 = tpu.vector_load %arg7[%swap3A_1306, %swap3A_1307] {strides = array<i32>} : memref<256x128xf32, #tpu.memory_space<vmem>>, vector<1x16xf32>,
            %swap3A_1309 = vector.shape_cast %swap3A_1308 : vector<1x16xf32> to vector<1x16xf32>
            %swap3A_1310 = vector.shape_cast %reshape3A_1305 : vector<1x16xf32> to vector<1x16xf32>
            tpu.vector_store %arg7[%swap3A_1306, %swap3A_1307], %swap3A_1310 {strides = array<i32>} : memref<256x128xf32, #tpu.memory_space<vmem>>, vector<1x16xf32>,
            %reshape3A_1311 = vector.shape_cast %select_n3A_1100 : vector<16xf32> to vector<1x16xf32>
            %swap3A_1312 = arith.index_cast %select_n3A_1136 : i32 to index
            %swap3A_1313 = arith.constant 32 : index
            %swap3A_1314 = tpu.vector_load %arg7[%swap3A_1312, %swap3A_1313] {strides = array<i32>} : memref<256x128xf32, #tpu.memory_space<vmem>>, vector<1x16xf32>,
            %swap3A_1315 = vector.shape_cast %swap3A_1314 : vector<1x16xf32> to vector<1x16xf32>
            %swap3A_1316 = vector.shape_cast %reshape3A_1311 : vector<1x16xf32> to vector<1x16xf32>
            tpu.vector_store %arg7[%swap3A_1312, %swap3A_1313], %swap3A_1316 {strides = array<i32>} : memref<256x128xf32, #tpu.memory_space<vmem>>, vector<1x16xf32>,
            %reshape3A_1317 = vector.shape_cast %select_n3A_1107 : vector<16xf32> to vector<1x16xf32>
            %swap3A_1318 = arith.index_cast %select_n3A_1136 : i32 to index
            %swap3A_1319 = arith.constant 48 : index
            %swap3A_1320 = tpu.vector_load %arg7[%swap3A_1318, %swap3A_1319] {strides = array<i32>} : memref<256x128xf32, #tpu.memory_space<vmem>>, vector<1x16xf32>,
            %swap3A_1321 = vector.shape_cast %swap3A_1320 : vector<1x16xf32> to vector<1x16xf32>
            %swap3A_1322 = vector.shape_cast %reshape3A_1317 : vector<1x16xf32> to vector<1x16xf32>
            tpu.vector_store %arg7[%swap3A_1318, %swap3A_1319], %swap3A_1322 {strides = array<i32>} : memref<256x128xf32, #tpu.memory_space<vmem>>, vector<1x16xf32>,
            %reshape3A_1323 = vector.shape_cast %select_n3A_1114 : vector<16xf32> to vector<1x16xf32>
            %swap3A_1324 = arith.index_cast %select_n3A_1136 : i32 to index
            %swap3A_1325 = arith.constant 64 : index
            %swap3A_1326 = tpu.vector_load %arg7[%swap3A_1324, %swap3A_1325] {strides = array<i32>} : memref<256x128xf32, #tpu.memory_space<vmem>>, vector<1x16xf32>,
            %swap3A_1327 = vector.shape_cast %swap3A_1326 : vector<1x16xf32> to vector<1x16xf32>
            %swap3A_1328 = vector.shape_cast %reshape3A_1323 : vector<1x16xf32> to vector<1x16xf32>
            tpu.vector_store %arg7[%swap3A_1324, %swap3A_1325], %swap3A_1328 {strides = array<i32>} : memref<256x128xf32, #tpu.memory_space<vmem>>, vector<1x16xf32>,
            %reshape3A_1329 = vector.shape_cast %select_n3A_1121 : vector<16xf32> to vector<1x16xf32>
            %swap3A_1330 = arith.index_cast %select_n3A_1136 : i32 to index
            %swap3A_1331 = arith.constant 80 : index
            %swap3A_1332 = tpu.vector_load %arg7[%swap3A_1330, %swap3A_1331] {strides = array<i32>} : memref<256x128xf32, #tpu.memory_space<vmem>>, vector<1x16xf32>,
            %swap3A_1333 = vector.shape_cast %swap3A_1332 : vector<1x16xf32> to vector<1x16xf32>
            %swap3A_1334 = vector.shape_cast %reshape3A_1329 : vector<1x16xf32> to vector<1x16xf32>
            tpu.vector_store %arg7[%swap3A_1330, %swap3A_1331], %swap3A_1334 {strides = array<i32>} : memref<256x128xf32, #tpu.memory_space<vmem>>, vector<1x16xf32>,
            %reshape3A_1335 = vector.shape_cast %select_n3A_1128 : vector<16xf32> to vector<1x16xf32>
            %swap3A_1336 = arith.index_cast %select_n3A_1136 : i32 to index
            %swap3A_1337 = arith.constant 96 : index
            %swap3A_1338 = tpu.vector_load %arg7[%swap3A_1336, %swap3A_1337] {strides = array<i32>} : memref<256x128xf32, #tpu.memory_space<vmem>>, vector<1x16xf32>,
            %swap3A_1339 = vector.shape_cast %swap3A_1338 : vector<1x16xf32> to vector<1x16xf32>
            %swap3A_1340 = vector.shape_cast %reshape3A_1335 : vector<1x16xf32> to vector<1x16xf32>
            tpu.vector_store %arg7[%swap3A_1336, %swap3A_1337], %swap3A_1340 {strides = array<i32>} : memref<256x128xf32, #tpu.memory_space<vmem>>, vector<1x16xf32>,
            %reshape3A_1341 = vector.shape_cast %select_n3A_1135 : vector<16xf32> to vector<1x16xf32>
            %swap3A_1342 = arith.index_cast %select_n3A_1136 : i32 to index
            %swap3A_1343 = arith.constant 112 : index
            %swap3A_1344 = tpu.vector_load %arg7[%swap3A_1342, %swap3A_1343] {strides = array<i32>} : memref<256x128xf32, #tpu.memory_space<vmem>>, vector<1x16xf32>,
            %swap3A_1345 = vector.shape_cast %swap3A_1344 : vector<1x16xf32> to vector<1x16xf32>
            %swap3A_1346 = vector.shape_cast %reshape3A_1341 : vector<1x16xf32> to vector<1x16xf32>
            tpu.vector_store %arg7[%swap3A_1342, %swap3A_1343], %swap3A_1346 {strides = array<i32>} : memref<256x128xf32, #tpu.memory_space<vmem>>, vector<1x16xf32>,
          } else {
          }
          %add3A_1143 = arith.constant 1792 : i32
          %add3A_1144 = arith.addi %add3A_198, %add3A_1143 : i32
          %add3A_1145 = arith.constant 0 : i32
          %add3A_1146 = arith.addi %add3A_1144, %add3A_1145 : i32
          %get3A_1147 = arith.index_cast %add3A_1146 : i32 to index
          %get3A_1148 = tpu.vector_load %arg6[%get3A_1147] {strides = array<i32>} : memref<57344xf32, #tpu.memory_space<vmem>>, vector<16xf32>,
          %get3A_1149 = vector.shape_cast %get3A_1148 : vector<16xf32> to vector<16xf32>
          %max3A_1150 = arith.maximumf %select_n3A_1086, %get3A_1149 : vector<16xf32>
          %select_n3A_1151 = arith.select %ne3A_1139, %get3A_1149, %max3A_1150 : vector<16xf32>
          %add3A_1152 = arith.constant 16 : i32
          %add3A_1153 = arith.addi %add3A_1144, %add3A_1152 : i32
          %get3A_1154 = arith.index_cast %add3A_1153 : i32 to index
          %get3A_1155 = tpu.vector_load %arg6[%get3A_1154] {strides = array<i32>} : memref<57344xf32, #tpu.memory_space<vmem>>, vector<16xf32>,
          %get3A_1156 = vector.shape_cast %get3A_1155 : vector<16xf32> to vector<16xf32>
          %max3A_1157 = arith.maximumf %select_n3A_1093, %get3A_1156 : vector<16xf32>
          %select_n3A_1158 = arith.select %ne3A_1139, %get3A_1156, %max3A_1157 : vector<16xf32>
          %add3A_1159 = arith.constant 32 : i32
          %add3A_1160 = arith.addi %add3A_1144, %add3A_1159 : i32
          %get3A_1161 = arith.index_cast %add3A_1160 : i32 to index
          %get3A_1162 = tpu.vector_load %arg6[%get3A_1161] {strides = array<i32>} : memref<57344xf32, #tpu.memory_space<vmem>>, vector<16xf32>,
          %get3A_1163 = vector.shape_cast %get3A_1162 : vector<16xf32> to vector<16xf32>
          %max3A_1164 = arith.maximumf %select_n3A_1100, %get3A_1163 : vector<16xf32>
          %select_n3A_1165 = arith.select %ne3A_1139, %get3A_1163, %max3A_1164 : vector<16xf32>
          %add3A_1166 = arith.constant 48 : i32
          %add3A_1167 = arith.addi %add3A_1144, %add3A_1166 : i32
          %get3A_1168 = arith.index_cast %add3A_1167 : i32 to index
          %get3A_1169 = tpu.vector_load %arg6[%get3A_1168] {strides = array<i32>} : memref<57344xf32, #tpu.memory_space<vmem>>, vector<16xf32>,
          %get3A_1170 = vector.shape_cast %get3A_1169 : vector<16xf32> to vector<16xf32>
          %max3A_1171 = arith.maximumf %select_n3A_1107, %get3A_1170 : vector<16xf32>
          %select_n3A_1172 = arith.select %ne3A_1139, %get3A_1170, %max3A_1171 : vector<16xf32>
          %add3A_1173 = arith.constant 64 : i32
          %add3A_1174 = arith.addi %add3A_1144, %add3A_1173 : i32
          %get3A_1175 = arith.index_cast %add3A_1174 : i32 to index
          %get3A_1176 = tpu.vector_load %arg6[%get3A_1175] {strides = array<i32>} : memref<57344xf32, #tpu.memory_space<vmem>>, vector<16xf32>,
          %get3A_1177 = vector.shape_cast %get3A_1176 : vector<16xf32> to vector<16xf32>
          %max3A_1178 = arith.maximumf %select_n3A_1114, %get3A_1177 : vector<16xf32>
          %select_n3A_1179 = arith.select %ne3A_1139, %get3A_1177, %max3A_1178 : vector<16xf32>
          %add3A_1180 = arith.constant 80 : i32
          %add3A_1181 = arith.addi %add3A_1144, %add3A_1180 : i32
          %get3A_1182 = arith.index_cast %add3A_1181 : i32 to index
          %get3A_1183 = tpu.vector_load %arg6[%get3A_1182] {strides = array<i32>} : memref<57344xf32, #tpu.memory_space<vmem>>, vector<16xf32>,
          %get3A_1184 = vector.shape_cast %get3A_1183 : vector<16xf32> to vector<16xf32>
          %max3A_1185 = arith.maximumf %select_n3A_1121, %get3A_1184 : vector<16xf32>
          %select_n3A_1186 = arith.select %ne3A_1139, %get3A_1184, %max3A_1185 : vector<16xf32>
          %add3A_1187 = arith.constant 96 : i32
          %add3A_1188 = arith.addi %add3A_1144, %add3A_1187 : i32
          %get3A_1189 = arith.index_cast %add3A_1188 : i32 to index
          %get3A_1190 = tpu.vector_load %arg6[%get3A_1189] {strides = array<i32>} : memref<57344xf32, #tpu.memory_space<vmem>>, vector<16xf32>,
          %get3A_1191 = vector.shape_cast %get3A_1190 : vector<16xf32> to vector<16xf32>
          %max3A_1192 = arith.maximumf %select_n3A_1128, %get3A_1191 : vector<16xf32>
          %select_n3A_1193 = arith.select %ne3A_1139, %get3A_1191, %max3A_1192 : vector<16xf32>
          %add3A_1194 = arith.constant 112 : i32
          %add3A_1195 = arith.addi %add3A_1144, %add3A_1194 : i32
          %get3A_1196 = arith.index_cast %add3A_1195 : i32 to index
          %get3A_1197 = tpu.vector_load %arg6[%get3A_1196] {strides = array<i32>} : memref<57344xf32, #tpu.memory_space<vmem>>, vector<16xf32>,
          %get3A_1198 = vector.shape_cast %get3A_1197 : vector<16xf32> to vector<16xf32>
          %max3A_1199 = arith.maximumf %select_n3A_1135, %get3A_1198 : vector<16xf32>
          %select_n3A_1200 = arith.select %ne3A_1139, %get3A_1198, %max3A_1199 : vector<16xf32>
          %select_n3A_1201 = arith.select %ne3A_1139, %squeeze3A_1138, %select_n3A_1136 : i32
          %slice3A_1202 = vector.extract_strided_slice %get3A_193 {offsets = [15], sizes = [1], strides = [1]} : vector<16xi32> to vector<1xi32>
          %squeeze3A_1203 = vector.extract %slice3A_1202[0] : i32 from vector<1xi32>
          %ne3A_1204 = arith.cmpi ne, %squeeze3A_1203, %select_n3A_1201 : i32
          %convert_element_type3A_1205 = arith.extui %ne3A_1204 : i1 to i32
          %cond3A_1206 = arith.constant 0 : i32
          %cond3A_1207 = arith.cmpi ne, %convert_element_type3A_1205, %cond3A_1206 : i32
          scf.if %cond3A_1207 {
            %reshape3A_1299 = vector.shape_cast %select_n3A_1151 : vector<16xf32> to vector<1x16xf32>
            %swap3A_1300 = arith.index_cast %select_n3A_1201 : i32 to index
            %swap3A_1301 = arith.constant 0 : index
            %swap3A_1302 = tpu.vector_load %arg7[%swap3A_1300, %swap3A_1301] {strides = array<i32>} : memref<256x128xf32, #tpu.memory_space<vmem>>, vector<1x16xf32>,
            %swap3A_1303 = vector.shape_cast %swap3A_1302 : vector<1x16xf32> to vector<1x16xf32>
            %swap3A_1304 = vector.shape_cast %reshape3A_1299 : vector<1x16xf32> to vector<1x16xf32>
            tpu.vector_store %arg7[%swap3A_1300, %swap3A_1301], %swap3A_1304 {strides = array<i32>} : memref<256x128xf32, #tpu.memory_space<vmem>>, vector<1x16xf32>,
            %reshape3A_1305 = vector.shape_cast %select_n3A_1158 : vector<16xf32> to vector<1x16xf32>
            %swap3A_1306 = arith.index_cast %select_n3A_1201 : i32 to index
            %swap3A_1307 = arith.constant 16 : index
            %swap3A_1308 = tpu.vector_load %arg7[%swap3A_1306, %swap3A_1307] {strides = array<i32>} : memref<256x128xf32, #tpu.memory_space<vmem>>, vector<1x16xf32>,
            %swap3A_1309 = vector.shape_cast %swap3A_1308 : vector<1x16xf32> to vector<1x16xf32>
            %swap3A_1310 = vector.shape_cast %reshape3A_1305 : vector<1x16xf32> to vector<1x16xf32>
            tpu.vector_store %arg7[%swap3A_1306, %swap3A_1307], %swap3A_1310 {strides = array<i32>} : memref<256x128xf32, #tpu.memory_space<vmem>>, vector<1x16xf32>,
            %reshape3A_1311 = vector.shape_cast %select_n3A_1165 : vector<16xf32> to vector<1x16xf32>
            %swap3A_1312 = arith.index_cast %select_n3A_1201 : i32 to index
            %swap3A_1313 = arith.constant 32 : index
            %swap3A_1314 = tpu.vector_load %arg7[%swap3A_1312, %swap3A_1313] {strides = array<i32>} : memref<256x128xf32, #tpu.memory_space<vmem>>, vector<1x16xf32>,
            %swap3A_1315 = vector.shape_cast %swap3A_1314 : vector<1x16xf32> to vector<1x16xf32>
            %swap3A_1316 = vector.shape_cast %reshape3A_1311 : vector<1x16xf32> to vector<1x16xf32>
            tpu.vector_store %arg7[%swap3A_1312, %swap3A_1313], %swap3A_1316 {strides = array<i32>} : memref<256x128xf32, #tpu.memory_space<vmem>>, vector<1x16xf32>,
            %reshape3A_1317 = vector.shape_cast %select_n3A_1172 : vector<16xf32> to vector<1x16xf32>
            %swap3A_1318 = arith.index_cast %select_n3A_1201 : i32 to index
            %swap3A_1319 = arith.constant 48 : index
            %swap3A_1320 = tpu.vector_load %arg7[%swap3A_1318, %swap3A_1319] {strides = array<i32>} : memref<256x128xf32, #tpu.memory_space<vmem>>, vector<1x16xf32>,
            %swap3A_1321 = vector.shape_cast %swap3A_1320 : vector<1x16xf32> to vector<1x16xf32>
            %swap3A_1322 = vector.shape_cast %reshape3A_1317 : vector<1x16xf32> to vector<1x16xf32>
            tpu.vector_store %arg7[%swap3A_1318, %swap3A_1319], %swap3A_1322 {strides = array<i32>} : memref<256x128xf32, #tpu.memory_space<vmem>>, vector<1x16xf32>,
            %reshape3A_1323 = vector.shape_cast %select_n3A_1179 : vector<16xf32> to vector<1x16xf32>
            %swap3A_1324 = arith.index_cast %select_n3A_1201 : i32 to index
            %swap3A_1325 = arith.constant 64 : index
            %swap3A_1326 = tpu.vector_load %arg7[%swap3A_1324, %swap3A_1325] {strides = array<i32>} : memref<256x128xf32, #tpu.memory_space<vmem>>, vector<1x16xf32>,
            %swap3A_1327 = vector.shape_cast %swap3A_1326 : vector<1x16xf32> to vector<1x16xf32>
            %swap3A_1328 = vector.shape_cast %reshape3A_1323 : vector<1x16xf32> to vector<1x16xf32>
            tpu.vector_store %arg7[%swap3A_1324, %swap3A_1325], %swap3A_1328 {strides = array<i32>} : memref<256x128xf32, #tpu.memory_space<vmem>>, vector<1x16xf32>,
            %reshape3A_1329 = vector.shape_cast %select_n3A_1186 : vector<16xf32> to vector<1x16xf32>
            %swap3A_1330 = arith.index_cast %select_n3A_1201 : i32 to index
            %swap3A_1331 = arith.constant 80 : index
            %swap3A_1332 = tpu.vector_load %arg7[%swap3A_1330, %swap3A_1331] {strides = array<i32>} : memref<256x128xf32, #tpu.memory_space<vmem>>, vector<1x16xf32>,
            %swap3A_1333 = vector.shape_cast %swap3A_1332 : vector<1x16xf32> to vector<1x16xf32>
            %swap3A_1334 = vector.shape_cast %reshape3A_1329 : vector<1x16xf32> to vector<1x16xf32>
            tpu.vector_store %arg7[%swap3A_1330, %swap3A_1331], %swap3A_1334 {strides = array<i32>} : memref<256x128xf32, #tpu.memory_space<vmem>>, vector<1x16xf32>,
            %reshape3A_1335 = vector.shape_cast %select_n3A_1193 : vector<16xf32> to vector<1x16xf32>
            %swap3A_1336 = arith.index_cast %select_n3A_1201 : i32 to index
            %swap3A_1337 = arith.constant 96 : index
            %swap3A_1338 = tpu.vector_load %arg7[%swap3A_1336, %swap3A_1337] {strides = array<i32>} : memref<256x128xf32, #tpu.memory_space<vmem>>, vector<1x16xf32>,
            %swap3A_1339 = vector.shape_cast %swap3A_1338 : vector<1x16xf32> to vector<1x16xf32>
            %swap3A_1340 = vector.shape_cast %reshape3A_1335 : vector<1x16xf32> to vector<1x16xf32>
            tpu.vector_store %arg7[%swap3A_1336, %swap3A_1337], %swap3A_1340 {strides = array<i32>} : memref<256x128xf32, #tpu.memory_space<vmem>>, vector<1x16xf32>,
            %reshape3A_1341 = vector.shape_cast %select_n3A_1200 : vector<16xf32> to vector<1x16xf32>
            %swap3A_1342 = arith.index_cast %select_n3A_1201 : i32 to index
            %swap3A_1343 = arith.constant 112 : index
            %swap3A_1344 = tpu.vector_load %arg7[%swap3A_1342, %swap3A_1343] {strides = array<i32>} : memref<256x128xf32, #tpu.memory_space<vmem>>, vector<1x16xf32>,
            %swap3A_1345 = vector.shape_cast %swap3A_1344 : vector<1x16xf32> to vector<1x16xf32>
            %swap3A_1346 = vector.shape_cast %reshape3A_1341 : vector<1x16xf32> to vector<1x16xf32>
            tpu.vector_store %arg7[%swap3A_1342, %swap3A_1343], %swap3A_1346 {strides = array<i32>} : memref<256x128xf32, #tpu.memory_space<vmem>>, vector<1x16xf32>,
          } else {
          }
          %add3A_1208 = arith.constant 1920 : i32
          %add3A_1209 = arith.addi %add3A_198, %add3A_1208 : i32
          %add3A_1210 = arith.constant 0 : i32
          %add3A_1211 = arith.addi %add3A_1209, %add3A_1210 : i32
          %get3A_1212 = arith.index_cast %add3A_1211 : i32 to index
          %get3A_1213 = tpu.vector_load %arg6[%get3A_1212] {strides = array<i32>} : memref<57344xf32, #tpu.memory_space<vmem>>, vector<16xf32>,
          %get3A_1214 = vector.shape_cast %get3A_1213 : vector<16xf32> to vector<16xf32>
          %max3A_1215 = arith.maximumf %select_n3A_1151, %get3A_1214 : vector<16xf32>
          %select_n3A_1216 = arith.select %ne3A_1204, %get3A_1214, %max3A_1215 : vector<16xf32>
          %add3A_1217 = arith.constant 16 : i32
          %add3A_1218 = arith.addi %add3A_1209, %add3A_1217 : i32
          %get3A_1219 = arith.index_cast %add3A_1218 : i32 to index
          %get3A_1220 = tpu.vector_load %arg6[%get3A_1219] {strides = array<i32>} : memref<57344xf32, #tpu.memory_space<vmem>>, vector<16xf32>,
          %get3A_1221 = vector.shape_cast %get3A_1220 : vector<16xf32> to vector<16xf32>
          %max3A_1222 = arith.maximumf %select_n3A_1158, %get3A_1221 : vector<16xf32>
          %select_n3A_1223 = arith.select %ne3A_1204, %get3A_1221, %max3A_1222 : vector<16xf32>
          %add3A_1224 = arith.constant 32 : i32
          %add3A_1225 = arith.addi %add3A_1209, %add3A_1224 : i32
          %get3A_1226 = arith.index_cast %add3A_1225 : i32 to index
          %get3A_1227 = tpu.vector_load %arg6[%get3A_1226] {strides = array<i32>} : memref<57344xf32, #tpu.memory_space<vmem>>, vector<16xf32>,
          %get3A_1228 = vector.shape_cast %get3A_1227 : vector<16xf32> to vector<16xf32>
          %max3A_1229 = arith.maximumf %select_n3A_1165, %get3A_1228 : vector<16xf32>
          %select_n3A_1230 = arith.select %ne3A_1204, %get3A_1228, %max3A_1229 : vector<16xf32>
          %add3A_1231 = arith.constant 48 : i32
          %add3A_1232 = arith.addi %add3A_1209, %add3A_1231 : i32
          %get3A_1233 = arith.index_cast %add3A_1232 : i32 to index
          %get3A_1234 = tpu.vector_load %arg6[%get3A_1233] {strides = array<i32>} : memref<57344xf32, #tpu.memory_space<vmem>>, vector<16xf32>,
          %get3A_1235 = vector.shape_cast %get3A_1234 : vector<16xf32> to vector<16xf32>
          %max3A_1236 = arith.maximumf %select_n3A_1172, %get3A_1235 : vector<16xf32>
          %select_n3A_1237 = arith.select %ne3A_1204, %get3A_1235, %max3A_1236 : vector<16xf32>
          %add3A_1238 = arith.constant 64 : i32
          %add3A_1239 = arith.addi %add3A_1209, %add3A_1238 : i32
          %get3A_1240 = arith.index_cast %add3A_1239 : i32 to index
          %get3A_1241 = tpu.vector_load %arg6[%get3A_1240] {strides = array<i32>} : memref<57344xf32, #tpu.memory_space<vmem>>, vector<16xf32>,
          %get3A_1242 = vector.shape_cast %get3A_1241 : vector<16xf32> to vector<16xf32>
          %max3A_1243 = arith.maximumf %select_n3A_1179, %get3A_1242 : vector<16xf32>
          %select_n3A_1244 = arith.select %ne3A_1204, %get3A_1242, %max3A_1243 : vector<16xf32>
          %add3A_1245 = arith.constant 80 : i32
          %add3A_1246 = arith.addi %add3A_1209, %add3A_1245 : i32
          %get3A_1247 = arith.index_cast %add3A_1246 : i32 to index
          %get3A_1248 = tpu.vector_load %arg6[%get3A_1247] {strides = array<i32>} : memref<57344xf32, #tpu.memory_space<vmem>>, vector<16xf32>,
          %get3A_1249 = vector.shape_cast %get3A_1248 : vector<16xf32> to vector<16xf32>
          %max3A_1250 = arith.maximumf %select_n3A_1186, %get3A_1249 : vector<16xf32>
          %select_n3A_1251 = arith.select %ne3A_1204, %get3A_1249, %max3A_1250 : vector<16xf32>
          %add3A_1252 = arith.constant 96 : i32
          %add3A_1253 = arith.addi %add3A_1209, %add3A_1252 : i32
          %get3A_1254 = arith.index_cast %add3A_1253 : i32 to index
          %get3A_1255 = tpu.vector_load %arg6[%get3A_1254] {strides = array<i32>} : memref<57344xf32, #tpu.memory_space<vmem>>, vector<16xf32>,
          %get3A_1256 = vector.shape_cast %get3A_1255 : vector<16xf32> to vector<16xf32>
          %max3A_1257 = arith.maximumf %select_n3A_1193, %get3A_1256 : vector<16xf32>
          %select_n3A_1258 = arith.select %ne3A_1204, %get3A_1256, %max3A_1257 : vector<16xf32>
          %add3A_1259 = arith.constant 112 : i32
          %add3A_1260 = arith.addi %add3A_1209, %add3A_1259 : i32
          %get3A_1261 = arith.index_cast %add3A_1260 : i32 to index
          %get3A_1262 = tpu.vector_load %arg6[%get3A_1261] {strides = array<i32>} : memref<57344xf32, #tpu.memory_space<vmem>>, vector<16xf32>,
          %get3A_1263 = vector.shape_cast %get3A_1262 : vector<16xf32> to vector<16xf32>
          %max3A_1264 = arith.maximumf %select_n3A_1200, %get3A_1263 : vector<16xf32>
          %select_n3A_1265 = arith.select %ne3A_1204, %get3A_1263, %max3A_1264 : vector<16xf32>
          %select_n3A_1266 = arith.select %ne3A_1204, %squeeze3A_1203, %select_n3A_1201 : i32
          %swap3A_1267 = arith.constant 0 : index
          %swap3A_1268 = tpu.vector_load %arg8[%swap3A_1267] {strides = array<i32>} : memref<128xf32, #tpu.memory_space<vmem>>, vector<16xf32>,
          %swap3A_1269 = vector.shape_cast %swap3A_1268 : vector<16xf32> to vector<16xf32>
          %swap3A_1270 = vector.shape_cast %select_n3A_1216 : vector<16xf32> to vector<16xf32>
          tpu.vector_store %arg8[%swap3A_1267], %swap3A_1270 {strides = array<i32>} : memref<128xf32, #tpu.memory_space<vmem>>, vector<16xf32>,
          %swap3A_1271 = arith.constant 16 : index
          %swap3A_1272 = tpu.vector_load %arg8[%swap3A_1271] {strides = array<i32>} : memref<128xf32, #tpu.memory_space<vmem>>, vector<16xf32>,
          %swap3A_1273 = vector.shape_cast %swap3A_1272 : vector<16xf32> to vector<16xf32>
          %swap3A_1274 = vector.shape_cast %select_n3A_1223 : vector<16xf32> to vector<16xf32>
          tpu.vector_store %arg8[%swap3A_1271], %swap3A_1274 {strides = array<i32>} : memref<128xf32, #tpu.memory_space<vmem>>, vector<16xf32>,
          %swap3A_1275 = arith.constant 32 : index
          %swap3A_1276 = tpu.vector_load %arg8[%swap3A_1275] {strides = array<i32>} : memref<128xf32, #tpu.memory_space<vmem>>, vector<16xf32>,
          %swap3A_1277 = vector.shape_cast %swap3A_1276 : vector<16xf32> to vector<16xf32>
          %swap3A_1278 = vector.shape_cast %select_n3A_1230 : vector<16xf32> to vector<16xf32>
          tpu.vector_store %arg8[%swap3A_1275], %swap3A_1278 {strides = array<i32>} : memref<128xf32, #tpu.memory_space<vmem>>, vector<16xf32>,
          %swap3A_1279 = arith.constant 48 : index
          %swap3A_1280 = tpu.vector_load %arg8[%swap3A_1279] {strides = array<i32>} : memref<128xf32, #tpu.memory_space<vmem>>, vector<16xf32>,
          %swap3A_1281 = vector.shape_cast %swap3A_1280 : vector<16xf32> to vector<16xf32>
          %swap3A_1282 = vector.shape_cast %select_n3A_1237 : vector<16xf32> to vector<16xf32>
          tpu.vector_store %arg8[%swap3A_1279], %swap3A_1282 {strides = array<i32>} : memref<128xf32, #tpu.memory_space<vmem>>, vector<16xf32>,
          %swap3A_1283 = arith.constant 64 : index
          %swap3A_1284 = tpu.vector_load %arg8[%swap3A_1283] {strides = array<i32>} : memref<128xf32, #tpu.memory_space<vmem>>, vector<16xf32>,
          %swap3A_1285 = vector.shape_cast %swap3A_1284 : vector<16xf32> to vector<16xf32>
          %swap3A_1286 = vector.shape_cast %select_n3A_1244 : vector<16xf32> to vector<16xf32>
          tpu.vector_store %arg8[%swap3A_1283], %swap3A_1286 {strides = array<i32>} : memref<128xf32, #tpu.memory_space<vmem>>, vector<16xf32>,
          %swap3A_1287 = arith.constant 80 : index
          %swap3A_1288 = tpu.vector_load %arg8[%swap3A_1287] {strides = array<i32>} : memref<128xf32, #tpu.memory_space<vmem>>, vector<16xf32>,
          %swap3A_1289 = vector.shape_cast %swap3A_1288 : vector<16xf32> to vector<16xf32>
          %swap3A_1290 = vector.shape_cast %select_n3A_1251 : vector<16xf32> to vector<16xf32>
          tpu.vector_store %arg8[%swap3A_1287], %swap3A_1290 {strides = array<i32>} : memref<128xf32, #tpu.memory_space<vmem>>, vector<16xf32>,
          %swap3A_1291 = arith.constant 96 : index
          %swap3A_1292 = tpu.vector_load %arg8[%swap3A_1291] {strides = array<i32>} : memref<128xf32, #tpu.memory_space<vmem>>, vector<16xf32>,
          %swap3A_1293 = vector.shape_cast %swap3A_1292 : vector<16xf32> to vector<16xf32>
          %swap3A_1294 = vector.shape_cast %select_n3A_1258 : vector<16xf32> to vector<16xf32>
          tpu.vector_store %arg8[%swap3A_1291], %swap3A_1294 {strides = array<i32>} : memref<128xf32, #tpu.memory_space<vmem>>, vector<16xf32>,
          %swap3A_1295 = arith.constant 112 : index
          %swap3A_1296 = tpu.vector_load %arg8[%swap3A_1295] {strides = array<i32>} : memref<128xf32, #tpu.memory_space<vmem>>, vector<16xf32>,
          %swap3A_1297 = vector.shape_cast %swap3A_1296 : vector<16xf32> to vector<16xf32>
          %swap3A_1298 = vector.shape_cast %select_n3A_1265 : vector<16xf32> to vector<16xf32>
          tpu.vector_store %arg8[%swap3A_1295], %swap3A_1298 {strides = array<i32>} : memref<128xf32, #tpu.memory_space<vmem>>, vector<16xf32>,
          scf.yield %select_n3A_1266 : i32
        }
        scf.yield %cond3A_205 : i32
      }
      %scan3A_160 = arith.constant 14 : i32
      %add3A_161 = arith.constant 2 : i32
      %add3A_162 = arith.addi %scan3A_142, %add3A_161 : i32
      %mul3A_163 = arith.constant 224 : i32
      %mul3A_164 = arith.muli %add3A_162, %mul3A_163 : i32
      %add3A_165 = arith.addi %multiple_of3A, %mul3A_164 : i32
      %mul3A_166 = arith.constant 128 : i32
      %mul3A_167 = arith.muli %add3A_165, %mul3A_166 : i32
      %add3A_168 = arith.constant 2 : i32
      %add3A_169 = arith.addi %scan3A_142, %add3A_168 : i32
      %lt3A = arith.constant 14 : i32
      %lt3A_170 = arith.cmpi slt, %add3A_169, %lt3A : i32
      %and3A = arith.andi %eq3A_145, %lt3A_170 : i1
      %convert_element_type3A_171 = arith.extui %and3A : i1 to i32
      %cond3A_172 = arith.constant 0 : i32
      %cond3A_173 = arith.cmpi ne, %convert_element_type3A_171, %cond3A_172 : i32
      scf.if %cond3A_173 {
        %dma_start3A_184 = arith.constant 0 : i32
        %dma_start3A_185 = tpu.memref_slice %arg6[%dma_start3A_184] : memref<57344xf32, #tpu.memory_space<vmem>> -> memref<28672xf32, #tpu.memory_space<vmem>>
        %dma_start3A_186 = tpu.memref_slice %arg2[%mul3A_167] : memref<12800000xf32, #tpu.memory_space<hbm>> -> memref<28672xf32, #tpu.memory_space<hbm>>
        %dma_start3A_187 = arith.constant 0 : i32
        %dma_start3A_188 = tpu.memref_slice %arg6[%dma_start3A_187] : memref<57344xf32, #tpu.memory_space<vmem>> -> memref<28672xf32, #tpu.memory_space<vmem>>
        %dma_start3A_189 = tpu.memref_slice %arg2[%mul3A_167] : memref<12800000xf32, #tpu.memory_space<hbm>> -> memref<28672xf32, #tpu.memory_space<hbm>>
        tpu.enqueue_dma source(%dma_start3A_189 : memref<28672xf32, #tpu.memory_space<hbm>>) target(%dma_start3A_188 : memref<28672xf32, #tpu.memory_space<vmem>>) target_semaphore(%arg9 : memref<!tpu.dma_semaphore, #tpu.memory_space<semaphore_mem>>)
      } else {
      }
      %not3A_174 = arith.constant true
      %not3A_175 = arith.xori %eq3A_145, %not3A_174 : i1
      %add3A_176 = arith.constant 2 : i32
      %add3A_177 = arith.addi %scan3A_142, %add3A_176 : i32
      %lt3A_178 = arith.constant 14 : i32
      %lt3A_179 = arith.cmpi slt, %add3A_177, %lt3A_178 : i32
      %and3A_180 = arith.andi %not3A_175, %lt3A_179 : i1
      %convert_element_type3A_181 = arith.extui %and3A_180 : i1 to i32
      %cond3A_182 = arith.constant 0 : i32
      %cond3A_183 = arith.cmpi ne, %convert_element_type3A_181, %cond3A_182 : i32
      scf.if %cond3A_183 {
        %dma_start3A_184 = arith.constant 28672 : i32
        %dma_start3A_185 = tpu.memref_slice %arg6[%dma_start3A_184] : memref<57344xf32, #tpu.memory_space<vmem>> -> memref<28672xf32, #tpu.memory_space<vmem>>
        %dma_start3A_186 = tpu.memref_slice %arg2[%mul3A_167] : memref<12800000xf32, #tpu.memory_space<hbm>> -> memref<28672xf32, #tpu.memory_space<hbm>>
        %dma_start3A_187 = arith.constant 28672 : i32
        %dma_start3A_188 = tpu.memref_slice %arg6[%dma_start3A_187] : memref<57344xf32, #tpu.memory_space<vmem>> -> memref<28672xf32, #tpu.memory_space<vmem>>
        %dma_start3A_189 = tpu.memref_slice %arg2[%mul3A_167] : memref<12800000xf32, #tpu.memory_space<hbm>> -> memref<28672xf32, #tpu.memory_space<hbm>>
        tpu.enqueue_dma source(%dma_start3A_189 : memref<28672xf32, #tpu.memory_space<hbm>>) target(%dma_start3A_188 : memref<28672xf32, #tpu.memory_space<vmem>>) target_semaphore(%arg10 : memref<!tpu.dma_semaphore, #tpu.memory_space<semaphore_mem>>)
      } else {
      }
      scf.yield %scan3A_159 : i32
    }
    %scan3A_67 = arith.constant 14 : i32
    %get3A_68 = arith.constant 0 : index
    %get3A_69 = tpu.vector_load %arg8[%get3A_68] {strides = array<i32>} : memref<128xf32, #tpu.memory_space<vmem>>, vector<16xf32>,
    %get3A_70 = vector.shape_cast %get3A_69 : vector<16xf32> to vector<16xf32>
    %get3A_71 = arith.constant 16 : index
    %get3A_72 = tpu.vector_load %arg8[%get3A_71] {strides = array<i32>} : memref<128xf32, #tpu.memory_space<vmem>>, vector<16xf32>,
    %get3A_73 = vector.shape_cast %get3A_72 : vector<16xf32> to vector<16xf32>
    %get3A_74 = arith.constant 32 : index
    %get3A_75 = tpu.vector_load %arg8[%get3A_74] {strides = array<i32>} : memref<128xf32, #tpu.memory_space<vmem>>, vector<16xf32>,
    %get3A_76 = vector.shape_cast %get3A_75 : vector<16xf32> to vector<16xf32>
    %get3A_77 = arith.constant 48 : index
    %get3A_78 = tpu.vector_load %arg8[%get3A_77] {strides = array<i32>} : memref<128xf32, #tpu.memory_space<vmem>>, vector<16xf32>,
    %get3A_79 = vector.shape_cast %get3A_78 : vector<16xf32> to vector<16xf32>
    %get3A_80 = arith.constant 64 : index
    %get3A_81 = tpu.vector_load %arg8[%get3A_80] {strides = array<i32>} : memref<128xf32, #tpu.memory_space<vmem>>, vector<16xf32>,
    %get3A_82 = vector.shape_cast %get3A_81 : vector<16xf32> to vector<16xf32>
    %get3A_83 = arith.constant 80 : index
    %get3A_84 = tpu.vector_load %arg8[%get3A_83] {strides = array<i32>} : memref<128xf32, #tpu.memory_space<vmem>>, vector<16xf32>,
    %get3A_85 = vector.shape_cast %get3A_84 : vector<16xf32> to vector<16xf32>
    %get3A_86 = arith.constant 96 : index
    %get3A_87 = tpu.vector_load %arg8[%get3A_86] {strides = array<i32>} : memref<128xf32, #tpu.memory_space<vmem>>, vector<16xf32>,
    %get3A_88 = vector.shape_cast %get3A_87 : vector<16xf32> to vector<16xf32>
    %get3A_89 = arith.constant 112 : index
    %get3A_90 = tpu.vector_load %arg8[%get3A_89] {strides = array<i32>} : memref<128xf32, #tpu.memory_space<vmem>>, vector<16xf32>,
    %get3A_91 = vector.shape_cast %get3A_90 : vector<16xf32> to vector<16xf32>
    %reshape3A_92 = vector.shape_cast %get3A_70 : vector<16xf32> to vector<1x16xf32>
    %swap3A_93 = arith.index_cast %scan3A_66 : i32 to index
    %swap3A_94 = arith.constant 0 : index
    %swap3A_95 = tpu.vector_load %arg7[%swap3A_93, %swap3A_94] {strides = array<i32>} : memref<256x128xf32, #tpu.memory_space<vmem>>, vector<1x16xf32>,
    %swap3A_96 = vector.shape_cast %swap3A_95 : vector<1x16xf32> to vector<1x16xf32>
    %swap3A_97 = vector.shape_cast %reshape3A_92 : vector<1x16xf32> to vector<1x16xf32>
    tpu.vector_store %arg7[%swap3A_93, %swap3A_94], %swap3A_97 {strides = array<i32>} : memref<256x128xf32, #tpu.memory_space<vmem>>, vector<1x16xf32>,
    %reshape3A_98 = vector.shape_cast %get3A_73 : vector<16xf32> to vector<1x16xf32>
    %swap3A_99 = arith.index_cast %scan3A_66 : i32 to index
    %swap3A_100 = arith.constant 16 : index
    %swap3A_101 = tpu.vector_load %arg7[%swap3A_99, %swap3A_100] {strides = array<i32>} : memref<256x128xf32, #tpu.memory_space<vmem>>, vector<1x16xf32>,
    %swap3A_102 = vector.shape_cast %swap3A_101 : vector<1x16xf32> to vector<1x16xf32>
    %swap3A_103 = vector.shape_cast %reshape3A_98 : vector<1x16xf32> to vector<1x16xf32>
    tpu.vector_store %arg7[%swap3A_99, %swap3A_100], %swap3A_103 {strides = array<i32>} : memref<256x128xf32, #tpu.memory_space<vmem>>, vector<1x16xf32>,
    %reshape3A_104 = vector.shape_cast %get3A_76 : vector<16xf32> to vector<1x16xf32>
    %swap3A_105 = arith.index_cast %scan3A_66 : i32 to index
    %swap3A_106 = arith.constant 32 : index
    %swap3A_107 = tpu.vector_load %arg7[%swap3A_105, %swap3A_106] {strides = array<i32>} : memref<256x128xf32, #tpu.memory_space<vmem>>, vector<1x16xf32>,
    %swap3A_108 = vector.shape_cast %swap3A_107 : vector<1x16xf32> to vector<1x16xf32>
    %swap3A_109 = vector.shape_cast %reshape3A_104 : vector<1x16xf32> to vector<1x16xf32>
    tpu.vector_store %arg7[%swap3A_105, %swap3A_106], %swap3A_109 {strides = array<i32>} : memref<256x128xf32, #tpu.memory_space<vmem>>, vector<1x16xf32>,
    %reshape3A_110 = vector.shape_cast %get3A_79 : vector<16xf32> to vector<1x16xf32>
    %swap3A_111 = arith.index_cast %scan3A_66 : i32 to index
    %swap3A_112 = arith.constant 48 : index
    %swap3A_113 = tpu.vector_load %arg7[%swap3A_111, %swap3A_112] {strides = array<i32>} : memref<256x128xf32, #tpu.memory_space<vmem>>, vector<1x16xf32>,
    %swap3A_114 = vector.shape_cast %swap3A_113 : vector<1x16xf32> to vector<1x16xf32>
    %swap3A_115 = vector.shape_cast %reshape3A_110 : vector<1x16xf32> to vector<1x16xf32>
    tpu.vector_store %arg7[%swap3A_111, %swap3A_112], %swap3A_115 {strides = array<i32>} : memref<256x128xf32, #tpu.memory_space<vmem>>, vector<1x16xf32>,
    %reshape3A_116 = vector.shape_cast %get3A_82 : vector<16xf32> to vector<1x16xf32>
    %swap3A_117 = arith.index_cast %scan3A_66 : i32 to index
    %swap3A_118 = arith.constant 64 : index
    %swap3A_119 = tpu.vector_load %arg7[%swap3A_117, %swap3A_118] {strides = array<i32>} : memref<256x128xf32, #tpu.memory_space<vmem>>, vector<1x16xf32>,
    %swap3A_120 = vector.shape_cast %swap3A_119 : vector<1x16xf32> to vector<1x16xf32>
    %swap3A_121 = vector.shape_cast %reshape3A_116 : vector<1x16xf32> to vector<1x16xf32>
    tpu.vector_store %arg7[%swap3A_117, %swap3A_118], %swap3A_121 {strides = array<i32>} : memref<256x128xf32, #tpu.memory_space<vmem>>, vector<1x16xf32>,
    %reshape3A_122 = vector.shape_cast %get3A_85 : vector<16xf32> to vector<1x16xf32>
    %swap3A_123 = arith.index_cast %scan3A_66 : i32 to index
    %swap3A_124 = arith.constant 80 : index
    %swap3A_125 = tpu.vector_load %arg7[%swap3A_123, %swap3A_124] {strides = array<i32>} : memref<256x128xf32, #tpu.memory_space<vmem>>, vector<1x16xf32>,
    %swap3A_126 = vector.shape_cast %swap3A_125 : vector<1x16xf32> to vector<1x16xf32>
    %swap3A_127 = vector.shape_cast %reshape3A_122 : vector<1x16xf32> to vector<1x16xf32>
    tpu.vector_store %arg7[%swap3A_123, %swap3A_124], %swap3A_127 {strides = array<i32>} : memref<256x128xf32, #tpu.memory_space<vmem>>, vector<1x16xf32>,
    %reshape3A_128 = vector.shape_cast %get3A_88 : vector<16xf32> to vector<1x16xf32>
    %swap3A_129 = arith.index_cast %scan3A_66 : i32 to index
    %swap3A_130 = arith.constant 96 : index
    %swap3A_131 = tpu.vector_load %arg7[%swap3A_129, %swap3A_130] {strides = array<i32>} : memref<256x128xf32, #tpu.memory_space<vmem>>, vector<1x16xf32>,
    %swap3A_132 = vector.shape_cast %swap3A_131 : vector<1x16xf32> to vector<1x16xf32>
    %swap3A_133 = vector.shape_cast %reshape3A_128 : vector<1x16xf32> to vector<1x16xf32>
    tpu.vector_store %arg7[%swap3A_129, %swap3A_130], %swap3A_133 {strides = array<i32>} : memref<256x128xf32, #tpu.memory_space<vmem>>, vector<1x16xf32>,
    %reshape3A_134 = vector.shape_cast %get3A_91 : vector<16xf32> to vector<1x16xf32>
    %swap3A_135 = arith.index_cast %scan3A_66 : i32 to index
    %swap3A_136 = arith.constant 112 : index
    %swap3A_137 = tpu.vector_load %arg7[%swap3A_135, %swap3A_136] {strides = array<i32>} : memref<256x128xf32, #tpu.memory_space<vmem>>, vector<1x16xf32>,
    %swap3A_138 = vector.shape_cast %swap3A_137 : vector<1x16xf32> to vector<1x16xf32>
    %swap3A_139 = vector.shape_cast %reshape3A_134 : vector<1x16xf32> to vector<1x16xf32>
    tpu.vector_store %arg7[%swap3A_135, %swap3A_136], %swap3A_139 {strides = array<i32>} : memref<256x128xf32, #tpu.memory_space<vmem>>, vector<1x16xf32>,
    %mul3A_140 = arith.constant 256 : i32
    %mul3A_141 = arith.muli %add3A, %mul3A_140 : i32
    "tpu.region"() ({
      %run_scoped3A = tpu.sem_alloc : memref<!tpu.dma_semaphore, #tpu.memory_space<semaphore_mem>>
      %dma_start3A_142 = arith.constant 0 : i32
      %dma_start3A_143 = tpu.memref_slice %arg4[%mul3A_141, %dma_start3A_142] : memref<8192x128xf32, #tpu.memory_space<hbm>> -> memref<256x128xf32, #tpu.memory_space<hbm>>
      %dma_start3A_144 = arith.constant 0 : i32
      %dma_start3A_145 = tpu.memref_slice %arg4[%mul3A_141, %dma_start3A_144] : memref<8192x128xf32, #tpu.memory_space<hbm>> -> memref<256x128xf32, #tpu.memory_space<hbm>>
      tpu.enqueue_dma source(%arg7 : memref<256x128xf32, #tpu.memory_space<vmem>>) target(%dma_start3A_145 : memref<256x128xf32, #tpu.memory_space<hbm>>) target_semaphore(%run_scoped3A : memref<!tpu.dma_semaphore, #tpu.memory_space<semaphore_mem>>)
      %dma_wait3A_146 = arith.constant 0 : i32
      %dma_wait3A_147 = tpu.memref_slice %arg4[%mul3A_141, %dma_wait3A_146] : memref<8192x128xf32, #tpu.memory_space<hbm>> -> memref<256x128xf32, #tpu.memory_space<hbm>>
      %dma_wait3A_148 = arith.constant 0 : i32
      %dma_wait3A_149 = tpu.memref_slice %arg4[%mul3A_141, %dma_wait3A_148] : memref<8192x128xf32, #tpu.memory_space<hbm>> -> memref<256x128xf32, #tpu.memory_space<hbm>>
      tpu.wait_dma2 semaphore(%run_scoped3A : memref<!tpu.dma_semaphore, #tpu.memory_space<semaphore_mem>>) src(%arg7 : memref<256x128xf32, #tpu.memory_space<vmem>>) dst(%dma_wait3A_149 : memref<256x128xf32, #tpu.memory_space<hbm>>)
      tpu.yield
    }) : () -> ()
    return
  }
}

module attributes {stable_mosaic.version = 14 : i64} {
  func.func @_combine_body(%arg0: memref<8192x128xf32, #tpu.memory_space<vmem>>, %arg1: memref<256x128xf32, #tpu.memory_space<vmem>>) attributes {dimension_semantics = [], scalar_prefetch = 0 : i64, scratch_operands = 0 : i64, tpu.core_type = #tpu.core_type<tc>} {
    %get3A = arith.constant 0 : index
    %get3A_0 = arith.constant 0 : index
    %get3A_1 = vector.load %arg0[%get3A, %get3A_0] : memref<8192x128xf32, #tpu.memory_space<vmem>>, vector<256x128xf32>
    %get3A_2 = arith.constant 256 : index
    %get3A_3 = arith.constant 0 : index
    %get3A_4 = vector.load %arg0[%get3A_2, %get3A_3] : memref<8192x128xf32, #tpu.memory_space<vmem>>, vector<256x128xf32>
    %max3A = arith.maximumf %get3A_1, %get3A_4 : vector<256x128xf32>
    %get3A_5 = arith.constant 512 : index
    %get3A_6 = arith.constant 0 : index
    %get3A_7 = vector.load %arg0[%get3A_5, %get3A_6] : memref<8192x128xf32, #tpu.memory_space<vmem>>, vector<256x128xf32>
    %max3A_8 = arith.maximumf %max3A, %get3A_7 : vector<256x128xf32>
    %get3A_9 = arith.constant 768 : index
    %get3A_10 = arith.constant 0 : index
    %get3A_11 = vector.load %arg0[%get3A_9, %get3A_10] : memref<8192x128xf32, #tpu.memory_space<vmem>>, vector<256x128xf32>
    %max3A_12 = arith.maximumf %max3A_8, %get3A_11 : vector<256x128xf32>
    %get3A_13 = arith.constant 1024 : index
    %get3A_14 = arith.constant 0 : index
    %get3A_15 = vector.load %arg0[%get3A_13, %get3A_14] : memref<8192x128xf32, #tpu.memory_space<vmem>>, vector<256x128xf32>
    %max3A_16 = arith.maximumf %max3A_12, %get3A_15 : vector<256x128xf32>
    %get3A_17 = arith.constant 1280 : index
    %get3A_18 = arith.constant 0 : index
    %get3A_19 = vector.load %arg0[%get3A_17, %get3A_18] : memref<8192x128xf32, #tpu.memory_space<vmem>>, vector<256x128xf32>
    %max3A_20 = arith.maximumf %max3A_16, %get3A_19 : vector<256x128xf32>
    %get3A_21 = arith.constant 1536 : index
    %get3A_22 = arith.constant 0 : index
    %get3A_23 = vector.load %arg0[%get3A_21, %get3A_22] : memref<8192x128xf32, #tpu.memory_space<vmem>>, vector<256x128xf32>
    %max3A_24 = arith.maximumf %max3A_20, %get3A_23 : vector<256x128xf32>
    %get3A_25 = arith.constant 1792 : index
    %get3A_26 = arith.constant 0 : index
    %get3A_27 = vector.load %arg0[%get3A_25, %get3A_26] : memref<8192x128xf32, #tpu.memory_space<vmem>>, vector<256x128xf32>
    %max3A_28 = arith.maximumf %max3A_24, %get3A_27 : vector<256x128xf32>
    %get3A_29 = arith.constant 2048 : index
    %get3A_30 = arith.constant 0 : index
    %get3A_31 = vector.load %arg0[%get3A_29, %get3A_30] : memref<8192x128xf32, #tpu.memory_space<vmem>>, vector<256x128xf32>
    %max3A_32 = arith.maximumf %max3A_28, %get3A_31 : vector<256x128xf32>
    %get3A_33 = arith.constant 2304 : index
    %get3A_34 = arith.constant 0 : index
    %get3A_35 = vector.load %arg0[%get3A_33, %get3A_34] : memref<8192x128xf32, #tpu.memory_space<vmem>>, vector<256x128xf32>
    %max3A_36 = arith.maximumf %max3A_32, %get3A_35 : vector<256x128xf32>
    %get3A_37 = arith.constant 2560 : index
    %get3A_38 = arith.constant 0 : index
    %get3A_39 = vector.load %arg0[%get3A_37, %get3A_38] : memref<8192x128xf32, #tpu.memory_space<vmem>>, vector<256x128xf32>
    %max3A_40 = arith.maximumf %max3A_36, %get3A_39 : vector<256x128xf32>
    %get3A_41 = arith.constant 2816 : index
    %get3A_42 = arith.constant 0 : index
    %get3A_43 = vector.load %arg0[%get3A_41, %get3A_42] : memref<8192x128xf32, #tpu.memory_space<vmem>>, vector<256x128xf32>
    %max3A_44 = arith.maximumf %max3A_40, %get3A_43 : vector<256x128xf32>
    %get3A_45 = arith.constant 3072 : index
    %get3A_46 = arith.constant 0 : index
    %get3A_47 = vector.load %arg0[%get3A_45, %get3A_46] : memref<8192x128xf32, #tpu.memory_space<vmem>>, vector<256x128xf32>
    %max3A_48 = arith.maximumf %max3A_44, %get3A_47 : vector<256x128xf32>
    %get3A_49 = arith.constant 3328 : index
    %get3A_50 = arith.constant 0 : index
    %get3A_51 = vector.load %arg0[%get3A_49, %get3A_50] : memref<8192x128xf32, #tpu.memory_space<vmem>>, vector<256x128xf32>
    %max3A_52 = arith.maximumf %max3A_48, %get3A_51 : vector<256x128xf32>
    %get3A_53 = arith.constant 3584 : index
    %get3A_54 = arith.constant 0 : index
    %get3A_55 = vector.load %arg0[%get3A_53, %get3A_54] : memref<8192x128xf32, #tpu.memory_space<vmem>>, vector<256x128xf32>
    %max3A_56 = arith.maximumf %max3A_52, %get3A_55 : vector<256x128xf32>
    %get3A_57 = arith.constant 3840 : index
    %get3A_58 = arith.constant 0 : index
    %get3A_59 = vector.load %arg0[%get3A_57, %get3A_58] : memref<8192x128xf32, #tpu.memory_space<vmem>>, vector<256x128xf32>
    %max3A_60 = arith.maximumf %max3A_56, %get3A_59 : vector<256x128xf32>
    %get3A_61 = arith.constant 4096 : index
    %get3A_62 = arith.constant 0 : index
    %get3A_63 = vector.load %arg0[%get3A_61, %get3A_62] : memref<8192x128xf32, #tpu.memory_space<vmem>>, vector<256x128xf32>
    %max3A_64 = arith.maximumf %max3A_60, %get3A_63 : vector<256x128xf32>
    %get3A_65 = arith.constant 4352 : index
    %get3A_66 = arith.constant 0 : index
    %get3A_67 = vector.load %arg0[%get3A_65, %get3A_66] : memref<8192x128xf32, #tpu.memory_space<vmem>>, vector<256x128xf32>
    %max3A_68 = arith.maximumf %max3A_64, %get3A_67 : vector<256x128xf32>
    %get3A_69 = arith.constant 4608 : index
    %get3A_70 = arith.constant 0 : index
    %get3A_71 = vector.load %arg0[%get3A_69, %get3A_70] : memref<8192x128xf32, #tpu.memory_space<vmem>>, vector<256x128xf32>
    %max3A_72 = arith.maximumf %max3A_68, %get3A_71 : vector<256x128xf32>
    %get3A_73 = arith.constant 4864 : index
    %get3A_74 = arith.constant 0 : index
    %get3A_75 = vector.load %arg0[%get3A_73, %get3A_74] : memref<8192x128xf32, #tpu.memory_space<vmem>>, vector<256x128xf32>
    %max3A_76 = arith.maximumf %max3A_72, %get3A_75 : vector<256x128xf32>
    %get3A_77 = arith.constant 5120 : index
    %get3A_78 = arith.constant 0 : index
    %get3A_79 = vector.load %arg0[%get3A_77, %get3A_78] : memref<8192x128xf32, #tpu.memory_space<vmem>>, vector<256x128xf32>
    %max3A_80 = arith.maximumf %max3A_76, %get3A_79 : vector<256x128xf32>
    %get3A_81 = arith.constant 5376 : index
    %get3A_82 = arith.constant 0 : index
    %get3A_83 = vector.load %arg0[%get3A_81, %get3A_82] : memref<8192x128xf32, #tpu.memory_space<vmem>>, vector<256x128xf32>
    %max3A_84 = arith.maximumf %max3A_80, %get3A_83 : vector<256x128xf32>
    %get3A_85 = arith.constant 5632 : index
    %get3A_86 = arith.constant 0 : index
    %get3A_87 = vector.load %arg0[%get3A_85, %get3A_86] : memref<8192x128xf32, #tpu.memory_space<vmem>>, vector<256x128xf32>
    %max3A_88 = arith.maximumf %max3A_84, %get3A_87 : vector<256x128xf32>
    %get3A_89 = arith.constant 5888 : index
    %get3A_90 = arith.constant 0 : index
    %get3A_91 = vector.load %arg0[%get3A_89, %get3A_90] : memref<8192x128xf32, #tpu.memory_space<vmem>>, vector<256x128xf32>
    %max3A_92 = arith.maximumf %max3A_88, %get3A_91 : vector<256x128xf32>
    %get3A_93 = arith.constant 6144 : index
    %get3A_94 = arith.constant 0 : index
    %get3A_95 = vector.load %arg0[%get3A_93, %get3A_94] : memref<8192x128xf32, #tpu.memory_space<vmem>>, vector<256x128xf32>
    %max3A_96 = arith.maximumf %max3A_92, %get3A_95 : vector<256x128xf32>
    %get3A_97 = arith.constant 6400 : index
    %get3A_98 = arith.constant 0 : index
    %get3A_99 = vector.load %arg0[%get3A_97, %get3A_98] : memref<8192x128xf32, #tpu.memory_space<vmem>>, vector<256x128xf32>
    %max3A_100 = arith.maximumf %max3A_96, %get3A_99 : vector<256x128xf32>
    %get3A_101 = arith.constant 6656 : index
    %get3A_102 = arith.constant 0 : index
    %get3A_103 = vector.load %arg0[%get3A_101, %get3A_102] : memref<8192x128xf32, #tpu.memory_space<vmem>>, vector<256x128xf32>
    %max3A_104 = arith.maximumf %max3A_100, %get3A_103 : vector<256x128xf32>
    %get3A_105 = arith.constant 6912 : index
    %get3A_106 = arith.constant 0 : index
    %get3A_107 = vector.load %arg0[%get3A_105, %get3A_106] : memref<8192x128xf32, #tpu.memory_space<vmem>>, vector<256x128xf32>
    %max3A_108 = arith.maximumf %max3A_104, %get3A_107 : vector<256x128xf32>
    %get3A_109 = arith.constant 7168 : index
    %get3A_110 = arith.constant 0 : index
    %get3A_111 = vector.load %arg0[%get3A_109, %get3A_110] : memref<8192x128xf32, #tpu.memory_space<vmem>>, vector<256x128xf32>
    %max3A_112 = arith.maximumf %max3A_108, %get3A_111 : vector<256x128xf32>
    %get3A_113 = arith.constant 7424 : index
    %get3A_114 = arith.constant 0 : index
    %get3A_115 = vector.load %arg0[%get3A_113, %get3A_114] : memref<8192x128xf32, #tpu.memory_space<vmem>>, vector<256x128xf32>
    %max3A_116 = arith.maximumf %max3A_112, %get3A_115 : vector<256x128xf32>
    %get3A_117 = arith.constant 7680 : index
    %get3A_118 = arith.constant 0 : index
    %get3A_119 = vector.load %arg0[%get3A_117, %get3A_118] : memref<8192x128xf32, #tpu.memory_space<vmem>>, vector<256x128xf32>
    %max3A_120 = arith.maximumf %max3A_116, %get3A_119 : vector<256x128xf32>
    %get3A_121 = arith.constant 7936 : index
    %get3A_122 = arith.constant 0 : index
    %get3A_123 = vector.load %arg0[%get3A_121, %get3A_122] : memref<8192x128xf32, #tpu.memory_space<vmem>>, vector<256x128xf32>
    %max3A_124 = arith.maximumf %max3A_120, %get3A_123 : vector<256x128xf32>
    %swap3A = arith.constant 0 : index
    %swap3A_125 = arith.constant 0 : index
    %swap3A_126 = vector.load %arg1[%swap3A, %swap3A_125] : memref<256x128xf32, #tpu.memory_space<vmem>>, vector<256x128xf32>
    tpu.vector_store %arg1[%swap3A, %swap3A_125], %max3A_124 {strides = array<i32>} : memref<256x128xf32, #tpu.memory_space<vmem>>, vector<256x128xf32>,
    return
  }
}

</mosaic_0001>

<sc_bundles>
// kernel: kernel.4.cloned.1.call-start
scs
__scs_entry_jumppad:
0x0: {  	(pc) =	sbr.rel $0x88, $3  }
0x1: {  	(tag) =	ssettag $0x0;
	lr =	simm.s32 $0x1  }
0x2: {  	[smem:$0x3F9F] =	sst lr;
	_ =	strace $0xD0000000  }
0x3: {  	_ = 	snop  }
0x4: {  	_ = 	snop  }
0x5: {  	_ = 	snop  }
0x6: {  	_ = 	snop  }
0x7: {  	_ = 	snop  }
__scs_overlays_trampoline_lowered:
0x8: {  	[smem:$0x3FAE] =	sst s0  }
0x9: {  	[smem:$0x3FAF] =	sst s1  }
0xa: {  	[smem:$0x3FB0] =	sst s2  }
0xb: {  	[smem:$0x3FB1] =	sst s3  }
0xc: {  	[smem:$0x3FB2] =	sst s4  }
0xd: {  	[smem:$0x3FB3] =	sst s5  }
0xe: {  	[smem:$0x3FB4] =	sst s6  }
0xf: {  	[smem:$0x3FB5] =	sst s7  }
0x10: {  	[smem:$0x3FB6] =	sst s8  }
0x11: {  	[smem:$0x3FB7] =	sst s9;
	s0 =	simm.s32 @!p0 $0x0  }
0x12: {  	s1 =	sld [smem:$0x3F9D];
	s0 =	simm.s32 @p0 $0x1  }
0x13: {  	[smem:$0x3FB8] =	sst s0;
	s0 =	simm.s32 @!p1 $0x0  }
0x14: {  	s2 =	sld [smem:$0x3F9C];
	s0 =	simm.s32 @p1 $0x1  }
0x15: {  	[smem:$0x3FB9] =	sst s0;
	s0 =	simm.s32 @!p2 $0x0  }
0x16: {  	s3 =	sld [smem:$0x3FDB];
	s0 =	simm.s32 @p2 $0x1  }
0x17: {  	s4 =	simm.s32 $0x1BF5;
	[smem:$0x3FBB] =	sst s0  }
0x18: {  	s0 =	sld [smem:$0x3F9E];
	_ =	swait.ge [sflag:s4], $0x0  }
0x19: {  	s7 =	sld [smem:$0x3F9F]  }
0x1a: {  	s8 =	sadd.s32 $0xFFFFE003, lr  }
0x1b: {  	s9 =	sadd.s32 $0xFFFFFEF7, lr;
	s5 =	simm.s32 $0xFFFFFFFF;
	p2 =	slt.u32 s8, $0xFFFFF086  }
0x1c: {  	p1 =	slt.u32 s9, $0xF7A;
	s5 =	simm.s32 @!p2 $0x0  }
0x1d: {  	s5 =	simm.s32 @p1 $0x1;
	p0 =	seq.s32 s7, s2  }
0x1e: {  	s7 =	smul.u32 @!p0 $0xF7A, s2;
	p2 =	seq.s32 @!p0 s5, $0x0  }
0x1f: {  	s9 =	smul.u32 $0xF7A, s1;
	s8 =	simm.s32 @!p0 $0x1BF5;
	p2 =	por !p2, p0  }
0x20: {  	[sflag:s8] =	ssyncset.s32 @!p0 $0xFFFFF086;
	s6 =	sadd.s32 @!p0 s3, s7;
	s7 =	simm.s32 @!p0 $0x108  }
0x21: {  	s3 =	sadd.s32 s3, s9;
	s6 =	sadd.s32 @!p0 $0x88, s6;
	s7 =	simm.s32 @p2 $0x1082  }
0x22: {  	[simem:s7], [sflag:s8] =	dma.local @!p0 [hbm:s6], $0xF7A  }
0x23: {  	s9 =	sor.u32 $0xD0000000, s2;
	s6 =	simm.s32 $0x108;
	_ =	swait.ge @!p0 [sflag:s8], $0x0  }
0x24: {  	s3 =	sadd.s32 $0x88, s3;
	s6 =	simm.s32 @!p1 $0x1082;
	[sflag:s4] =	ssyncset.s32 $0xFFFFF086  }
0x25: {  	[simem:s6], [sflag:s4] =	dma.local [hbm:s3], $0xF7A  }
0x26: {  	[smem:$0x3F9F] =	sst s1;
	(tag) =	ssettag s2;
	_ =	strace s9  }
0x27: {  	s1 =	sld [smem:$0x3FAF]  }
0x28: {  	s2 =	sld [smem:$0x3FB0]  }
0x29: {  	s4 =	sld [smem:$0x3FB2]  }
0x2a: {  	p0 =	seq.s32 s5, $0x0;
	s5 =	sld [smem:$0x3FB3]  }
0x2b: {  	s6 =	sld [smem:$0x3FB4]  }
0x2c: {  	s7 =	sld [smem:$0x3FB5]  }
0x2d: {  	s3 =	simm.s32 $0x108;
	s8 =	sld [smem:$0x3FB6]  }
0x2e: {  	s3 =	simm.s32 @!p0 $0x1082;
	s9 =	sld [smem:$0x3FB7]  }
0x2f: {  	lr =	sadd.s32 s0, s3;
	s0 =	sld [smem:$0x3FAE]  }
0x30: {  	s3 =	sld [smem:$0x3FB1]  }
0x31: {  	[smem:$0x3FBA] =	sst s10  }
0x32: {  	s10 =	sld [smem:$0x3FB8];
	_ =	sdelay $0x3  }
0x33: {  	p0 =	seq.s32 s10, $0x1;
	s10 =	sld [smem:$0x3FBA];
	_ =	sdelay $0x3  }
0x34: {  	[smem:$0x3FBA] =	sst s10  }
0x35: {  	s10 =	sld [smem:$0x3FB9];
	_ =	sdelay $0x3  }
0x36: {  	p1 =	seq.s32 s10, $0x1;
	s10 =	sld [smem:$0x3FBA];
	_ =	sdelay $0x3  }
0x37: {  	[smem:$0x3FBA] =	sst s10  }
0x38: {  	s10 =	sld [smem:$0x3FBB]  }
0x39: {  	_ = 	snop;
	(pc) =	sbr.ind lr, $3  }
0x3a: {  	_ = 	snop  }
0x3b: {  	_ = 	snop  }
0x3c: {  	p2 =	seq.s32 s10, $0x1;
	s10 =	sld [smem:$0x3FBA]  }
0x3d: {  	_ =	shalt  }
0x3e: {  	_ =	shalt  }
0x3f: {  	_ =	shalt  }
0x40: {  	_ =	shalt  }
0x41: {  	_ =	shalt  }
0x42: {  	_ =	shalt  }
0x43: {  	_ =	shalt  }
0x44: {  	_ =	shalt  }
0x45: {  	_ =	shalt  }
0x46: {  	_ =	shalt  }
0x47: {  	_ =	shalt  }
0x48: {  	_ =	shalt  }
0x49: {  	_ =	shalt  }
0x4a: {  	_ =	shalt  }
0x4b: {  	_ =	shalt  }
0x4c: {  	_ =	shalt  }
0x4d: {  	_ =	shalt  }
0x4e: {  	_ =	shalt  }
0x4f: {  	_ =	shalt  }
0x50: {  	_ =	shalt  }
0x51: {  	_ =	shalt  }
0x52: {  	_ =	shalt  }
0x53: {  	_ =	shalt  }
0x54: {  	_ =	shalt  }
0x55: {  	_ =	shalt  }
0x56: {  	_ =	shalt  }
0x57: {  	_ =	shalt  }
0x58: {  	_ =	shalt  }
0x59: {  	_ =	shalt  }
0x5a: {  	_ =	shalt  }
0x5b: {  	_ =	shalt  }
0x5c: {  	_ =	shalt  }
0x5d: {  	_ =	shalt  }
0x5e: {  	_ =	shalt  }
0x5f: {  	_ =	shalt  }
0x60: {  	_ =	shalt  }
0x61: {  	_ =	shalt  }
0x62: {  	_ =	shalt  }
0x63: {  	_ =	shalt  }
0x64: {  	_ =	shalt  }
0x65: {  	_ =	shalt  }
0x66: {  	_ =	shalt  }
0x67: {  	_ =	shalt  }
0x68: {  	_ =	shalt  }
0x69: {  	_ =	shalt  }
0x6a: {  	_ =	shalt  }
0x6b: {  	_ =	shalt  }
0x6c: {  	_ =	shalt  }
0x6d: {  	_ =	shalt  }
0x6e: {  	_ =	shalt  }
0x6f: {  	_ =	shalt  }
0x70: {  	_ =	shalt  }
0x71: {  	_ =	shalt  }
0x72: {  	_ =	shalt  }
0x73: {  	_ =	shalt  }
0x74: {  	_ =	shalt  }
0x75: {  	_ =	shalt  }
0x76: {  	_ =	shalt  }
0x77: {  	_ =	shalt  }
0x78: {  	_ =	shalt  }
0x79: {  	_ =	shalt  }
0x7a: {  	_ =	shalt  }
0x7b: {  	_ =	shalt  }
0x7c: {  	_ =	shalt  }
0x7d: {  	_ =	shalt  }
0x7e: {  	_ =	shalt  }
0x7f: {  	_ =	shalt  }
0x80: {  	_ =	shalt  }
0x81: {  	_ =	shalt  }
0x82: {  	_ =	shalt  }
0x83: {  	_ =	shalt  }
0x84: {  	_ =	shalt  }
0x85: {  	_ =	shalt  }
0x86: {  	_ =	shalt  }
0x87: {  	_ =	shalt  }
.Lfunc_end0:
.L_simem_size_0:
called_computation_lowered:
.L_overlay_start_0:
0x88: {  	s2 =	sld [smem:$0x3FD9]  }
0x89: {  	s3 =	sld [smem:$0x3FFE];
	_ =	sdelay $0x1  }
0x8a: {  	s1 =	srdreg.scid  }
0x8b: {  	s0 =	sand.u32 $0x1, s1  }
0x8c: {  	s17 =	sshll.u32 s0, $0xA;
	s2 =	sadd.s32 s3, s2  }
0x8d: {  	s2 =	sadd.s32 s2, s17  }
0x8e: {  	[smem:$0x3FC6] =	sst s2  }
0x8f: {  	_ = 	snop  }
0x90: {  	s2 =	sld [smem:$0x3FC9]  }
0x91: {  	s18 =	sld [smem:$0x3FC8];
	(tm) =	ssettm $0x1  }
0x92: {  	s4 =	sld [smem:$0x3FFB];
	_ =	sdelay $0x3  }
0x93: {  	_ =	strace s4  }
0x94: {  	s4 =	sld [smem:$0x3FFC];
	_ =	sdelay $0x3  }
0x95: {  	_ =	strace s4  }
0x96: {  	s4 =	sld [smem:$0x3FFD];
	_ =	sdelay $0x3  }
0x97: {  	_ =	strace s4  }
0x98: {  	_ =	strace $0x8FFFFFFF  }
0x99: {  	s19 =	sld [smem:$0x3FDB];
	_ =	sdelay $0x1  }
0x9a: {  	s5 =	simm.s32 $_scs_section_size  }
0x9b: {  	s6 =	simm.s32 $_size__tile_overlayer_lowered;
	s7 =	simm.s32 $_tile_overlayer_lowered  }
0x9c: {  	s22 =	simm.s32 $0x1BFF;
	s21 =	sshll.u32 s7, $0x1;
	s4 =	sadd.s32 s5, s19  }
0x9d: {  	s8 =	simm.s32 $0x0;
	s20 =	sshll.u32 s6, $0x1;
	s6 =	sadd.s32 s21, s4  }
0x9e: {  	[timem:s8], [sflag:s22] =	dma.local [hbm:s6], s20  }
0x9f: {  	_ =	swait.ge [sflag:s22], s20  }
0xa0: {  	s5 =	ssub.s32 $0x0, s20;
	[sflag:s22] =	ssyncset.done $0x0  }
0xa1: {  	[sflag:s22] =	ssyncadd.s32 s5;
	_ =	sdelay $0x1  }
0xa2: {  	s23 =	simm.s32 $0x1B8B  }
0xa3: {  	_ =	swait.ge [sflag:s23], $0x1  }
0xa4: {  	[sflag:s23] =	ssyncset.done $0x0  }
0xa5: {  	s25 =	simm.s32 $0x1B8E;
	s24 =	sld [smem:$0x3FFE];
	[sflag:s23] =	ssyncadd.s32 $0xFFFFFFFF  }
0xa6: {  	s26 =	simm.s32 $execute0_lowered;
	[smem:$0x3FD2] =	sst s25  }
0xa7: {  	s6 =	sshll.u32 s26, $0x1;
	_ =	strace $0x80000046;
	[dreg:$0x1] =	wrdreg $0xFFFFFFFF  }
0xa8: {  	s28 =	simm.s32 $_size_execute0_lowered;
	s4 =	sadd.s32 s4, s6;
	[dreg:$0x0] =	wrdreg $0x0  }
0xa9: {  	s6 =	sshll.u32 s28, $0x1;
	[dreg:$0x2] =	wrdreg s4  }
0xaa: {  	[dreg:$0x3] =	wrdreg s6  }
0xab: {  	[dreg:$0x4] =	wrdreg $0xC0  }
0xac: {  	_ =	task [dreg:s8], $0x5FFFF  }
0xad: {  	[dreg:$0x1] =	wrdreg $0xFFFFFFFF  }
0xae: {  	[dreg:$0x0] =	wrdreg $0x60  }
0xaf: {  	[dreg:$0x2] =	wrdreg s2  }
0xb0: {  	[dreg:$0x3] =	wrdreg s18  }
0xb1: {  	[dreg:$0x4] =	wrdreg s24  }
0xb2: {  	[dreg:$0x5] =	wrdreg $0x9  }
0xb3: {  	_ =	task.clear_ibuf [dreg:s8], $0x6FFFF;
	_ =	strace $0x90000046  }
0xb4: {  	s29 =	simm.s32 $0x9;
	_ =	strace $0x80000048  }
0xb5: {  	_ =	swait.ge [sflag:s29], $0x1  }
0xb6: {  	[sflag:s29] =	ssyncadd.s32 $0xFFFFFFFF  }
0xb7: {  	_ =	strace $0x90000048  }
0xb8: {  	_ =	sfence  }
0xb9: {  	s30 =	sld [smem:$0x0];
	_ =	sdelay $0x2  }
0xba: {  	s31 =	sshll.u32 s1, $0xD;
	s1 =	sshrl.u32 s1, $0x2  }
0xbb: {  	s3 =	sand.u32 $0x4000, s31;
	s1 =	sadd.s32 s1, s30  }
0xbc: {  	s0 =	sor.u32 s3, s0;
	s1 =	sshll.u32 s1, $0x11  }
0xbd: {  	s0 =	sor.u32 s1, s0  }
0xbe: {  	s0 =	sadd.s32 $0x8F2B, s0  }
0xbf: {  	[sflag:s0] =	ssyncadd.remote.s32 $0x1  }
0xc0: {  	_ =	sfence.sel $0xFFFF  }
0xc1: {  	[dreg:$0x0] =	wrdreg $0xFFFFFFFF;
	(pc) =	sbr.abs _section_cstart, $3  }
0xc2: {  	[dreg:$0x1] =	wrdreg $0xFFFFFFFF  }
0xc3: {  	_ =	task.clear_ibuf [dreg:s8], $0x2FFFF;
	_ =	strace $0x9FFFFFFF  }
0xc4: {  	(tm) =	ssettm $0x7FFFFFFF  }
0xc5: {  	_ =	shalt  }
tec
execute0_lowered:
.L_overlay_start_1:
0x0: {  	(tag) =	ssettag $0x1  }
0x1: {  	s1 =	rddreg [dreg:$0x0]  }
0x2: {  	s5 =	rddreg [dreg:$0x1]  }
0x3: {  	s0 =	srdreg.scid;
	s6 =	rddreg [dreg:$0x2]  }
0x4: {  	s3 =	simm.s32 $0x0;
	s12 =	simm.s32 $0x3;
	s4 =	sand.u32 $0x1, s0  }
0x5: {  	s13 =	simm.s32 $0xEC80;
	s0 =	stileid.u32;
	s2 =	sshll.u32 s4, $0x4  }
0x6: {  	s14 =	simm.s32 $0x4;
	s15 =	simm.s32 $0x0;
	s7 =	sor.u32 s0, s2  }
0x7: {  	[smem:$0x7FF] =	sst s3;
	s29 =	ssub.s32 $0x2, s4;
	s8 =	smul.u32 $0xC40, s7  }
0x8: {  	s2 =	rddreg [dreg:$0x3];
	_ =	strace $0x80000047;
	s31 =	sshrl.u32 s29, $0x1  }
.Ltmp0:
0x9: {  	s7 =	sshll.u32 s7, $0xC;
	s8 =	smin.u32 s8, $0x17A60;
	(pc) =	sbr.rel .LBB2_1-.Ltmp0, $4  }
0xa: {  	s11 =	ssub.s32 s29, s31;
	s9 =	sadd.s32 s7, s6;
	s30 =	sshll.u32 s8, $0x4  }
0xb: {  	s10 =	sshrl.u32 s8, $0x3;
	s7 =	sadd.s32 $0x1C0, s8;
	s8 =	sadd.s32 $0x600, s9  }
0xc: {  	s9 =	smax.u32 s11, $0x1;
	s11 =	simm.s32 $0x7C80;
	s4 =	sadd.s32 s1, s30  }
0xd: {  	v0 =	vimm.f32 $-Inf;
	s5 =	sadd.s32 s5, s10;
	s10 =	simm.s32 $0xC80;
	s6 =	sadd.s32 $0xE00, s4  }
.LBB2_10:
0xe: {  	v0 =	vld [tilespmem:$0x16C80]  }
0xf: {  	v1 =	vld [tilespmem:$0x16C90]  }
0x10: {  	v2 =	vld [tilespmem:$0x16CA0]  }
0x11: {  	v3 =	vld [tilespmem:$0x16CB0]  }
0x12: {  	v4 =	vld [tilespmem:$0x16CC0]  }
0x13: {  	v5 =	vld [tilespmem:$0x16CD0];
	s16 =	sshll.u32 s17, $0x9  }
0x14: {  	v6 =	vld [tilespmem:$0x16CE0];
	s16 =	sshra.s32 s16, $0x2  }
0x15: {  	v7 =	vld [tilespmem:$0x16CF0];
	[tilespmem:s16+$0xEC80] =	vst v0  }
0x16: {  	[tilespmem:s16+$0xEC90] =	vst v1  }
0x17: {  	[tilespmem:s16+$0xECA0] =	vst v2  }
0x18: {  	[tilespmem:s16+$0xECB0] =	vst v3  }
0x19: {  	[tilespmem:s16+$0xECC0] =	vst v4  }
0x1a: {  	s15 =	sadd.s32 $0x1, s15;
	[tilespmem:s16+$0xECD0] =	vst v5  }
0x1b: {  	p0 =	sne.s32 s15, s9;
	[tilespmem:s16+$0xECE0] =	vst v6  }
.Ltmp1:
0x1c: {  	[tilespmem:s16+$0xECF0] =	vst v7;
	(pc) =	sbr.rel @!p0 .LBB2_11-.Ltmp1, $4  }
0x1d: {  	[hbm4b:s8+s3] =	stream.linear.scatter [tilespmem:s13], [sflag:$0x4], $0x8000, $0x38;
	[tilespmem:$0x16D00] =	vst v63  }
0x1e: {  	_ =	swait.ge [sflag:s14], $0x8000  }
0x1f: {  	[sflag:s14] =	ssyncset.done $0x0  }
0x20: {  	v0 =	vimm.f32 $-Inf;
	[sflag:s14] =	ssyncadd.s32 $0xFFFF8000  }
.LBB2_1:
0x21: {  	[tilespmem:s3], [sflag:$0x3] =	stream.linear.gather [hbm4b:s5+s3], $0xC40, $0x38;
	[tilespmem:$0x16D00] =	vst v63  }
0x22: {  	_ = 	snop  }
0x23: {  	[tilespmem:s10], [sflag:$0x1] =	stream.linear.gather [hbm4b:s4+s3], $0x7000, $0x38;
	[tilespmem:$0x16D00] =	vst v63  }
0x24: {  	s16 =	simm.s32 $0x0;
	s17 =	simm.s32 $0x200  }
0x25: {  	[tilespmem:s11], [sflag:$0x2] =	stream.linear.gather [hbm4b:s6+s3], $0x7000, $0x38;
	[tilespmem:$0x16D00] =	vst v63  }
.LBB2_2:
0x26: {  	p0 =	sne.s32 s17, $0x1FE00;
	[tilespmem:s16+$0xECF0] =	vst v0  }
0x27: {  	[tilespmem:s16+$0xEC80] =	vst v0  }
0x28: {  	[tilespmem:s16+$0xEC90] =	vst v0  }
.Ltmp2:
0x29: {  	[tilespmem:s16+$0xECA0] =	vst v0;
	(pc) =	sbr.rel @p0 .LBB2_2-.Ltmp2, $4  }
0x2a: {  	[tilespmem:s16+$0xECB0] =	vst v0  }
0x2b: {  	[tilespmem:s16+$0xECC0] =	vst v0  }
0x2c: {  	[tilespmem:s16+$0xECD0] =	vst v0  }
0x2d: {  	[tilespmem:s16+$0xECE0] =	vst v0;
	s16 =	sshra.s32 s17, $0x2;
	s17 =	sadd.s32 $0x200, s17  }
0x2e: {  	[tilespmem:s16+$0xECF0] =	vst v0  }
0x2f: {  	[tilespmem:s16+$0xEC80] =	vst v0  }
0x30: {  	[tilespmem:s16+$0xEC90] =	vst v0  }
0x31: {  	[tilespmem:s16+$0xECA0] =	vst v0  }
0x32: {  	[tilespmem:s16+$0xECB0] =	vst v0  }
0x33: {  	[tilespmem:s16+$0xECC0] =	vst v0  }
0x34: {  	[tilespmem:s16+$0xECD0] =	vst v0  }
0x35: {  	[tilespmem:s16+$0xECE0] =	vst v0  }
0x36: {  	[tilespmem:$0x16C80] =	vst v0  }
0x37: {  	[tilespmem:$0x16C90] =	vst v0  }
0x38: {  	[tilespmem:$0x16CA0] =	vst v0  }
0x39: {  	[tilespmem:$0x16CB0] =	vst v0  }
0x3a: {  	[tilespmem:$0x16CC0] =	vst v0  }
0x3b: {  	[tilespmem:$0x16CD0] =	vst v0  }
0x3c: {  	[tilespmem:$0x16CE0] =	vst v0  }
0x3d: {  	[tilespmem:$0x16CF0] =	vst v0  }
0x3e: {  	_ =	swait.ge [sflag:s12], $0xC40  }
0x3f: {  	[sflag:s12] =	ssyncset.done $0x0  }
0x40: {  	[sflag:s12] =	ssyncadd.s32 $0xFFFFF3C0  }
0x41: {  	v1 =	vld [tilespmem:$0x0];
	_ =	sdelay $0x4  }
0x42: {  	(v2sf) =	vpush v1, $0x0;
	_ =	sdelay $0xa  }
.Ltmp3:
0x43: {  	_ = 	snop;
	(pc) =	sbr.rel .LBB2_4-.Ltmp3, $2  }
0x44: {  	_ =	sdelay $0x2  }
0x45: {  	s16 =	simm.s32 $0x0;
	s17 =	spop (v2sf)  }
.LBB2_9:
0x46: {  	s19 =	smul.u32 $0xE0, s16;
	p1 =	sgt.u32 s16, $0xB  }
0x47: {  	p0 =	por !p0, !p0;
	p2 =	sne.s32 @!p1 s18, $0x0  }
0x48: {  	s16 =	sadd.s32 $0x1, s16;
	s18 =	sadd.s32 s19, s7;
	p2 =	por p2, p1  }
0x49: {  	p0 =	por p1, p0;
	s19 =	sshll.u32 @!p2 s18, $0x4;
	s20 =	simm.s32 @!p2 $0x0  }
0x4a: {  	s21 =	simm.s32 @!p2 $0xC80;
	s18 =	sshll.u32 @!p0 s18, $0x4;
	s19 =	sadd.s32 @!p2 s1, s19  }
0x4b: {  	[tilespmem:s21], [sflag:$0x1] =	stream.linear.gather @!p2 [hbm4b:s19+s20], $0x7000, $0x38;
	[tilespmem:$0x16D00] =	vst v63  }
0x4c: {  	s18 =	sadd.s32 @!p0 s1, s18;
	s19 =	simm.s32 @!p0 $0x0;
	s20 =	simm.s32 @!p0 $0x7C80  }
0x4d: {  	[tilespmem:s20], [sflag:$0x2] =	stream.linear.gather @!p0 [hbm4b:s18+s19], $0x7000, $0x38;
	[tilespmem:$0x16D00] =	vst v63  }
0x4e: {  	p0 =	sne.s32 s16, $0xE  }
.Ltmp4:
0x4f: {  	_ = 	snop;
	(pc) =	sbr.rel @!p0 .LBB2_10-.Ltmp4, $1  }
0x50: {  	_ =	sdelay $0x3  }
.LBB2_4:
0x51: {  	s18 =	sand.u32 $0x1, s16  }
0x52: {  	p0 =	seq.s32 s18, $0x1  }
0x53: {  	s19 =	simm.s32 @!p0 $0x1  }
0x54: {  	s20 =	smul.u32 $0x380, s16;
	_ =	swait.ge @!p0 [sflag:s19], $0x7000  }
.Ltmp5:
0x55: {  	p1 =	seq.s32 s18, $0x0;
	[sflag:s19] =	ssyncset.done @!p0 $0x0;
	(pc) =	sbr.rel .LBB2_5-.Ltmp5, $4  }
0x56: {  	[sflag:s19] =	ssyncadd.s32 @!p0 $0xFFFF9000;
	s19 =	simm.s32 @!p1 $0x2  }
0x57: {  	s20 =	sshra.s32 s20, $0x2;
	_ =	swait.ge @!p1 [sflag:s19], $0x7000  }
0x58: {  	s22 =	smov.u32 s17;
	v16 =	vmov s20;
	[sflag:s19] =	ssyncset.done @!p1 $0x0  }
0x59: {  	s20 =	simm.s32 $0x0;
	[tilespmem:$0x1FFF0] =	vst v16;
	[sflag:s19] =	ssyncadd.s32 @!p1 $0xFFFF9000;
	s19 =	smul.u32 $0x7000, s18  }
.LBB2_7:
0x5a: {  	(v2sf) =	vpush v2, $0x0;
	_ =	sdelay $0xe  }
0x5b: {  	s23 =	spop (v2sf);
	(v2sf) =	vpush v2, $0x1  }
0x5c: {  	p2 =	seq.s32 s23, s22  }
0x5d: {  	s22 =	sshll.u32 @!p2 s22, $0x9  }
0x5e: {  	s22 =	sshra.s32 @!p2 s22, $0x2  }
0x5f: {  	[tilespmem:s22+$0xEC80] =	vst @!p2 v10  }
0x60: {  	[tilespmem:s22+$0xEC90] =	vst @!p2 v9  }
0x61: {  	[tilespmem:s22+$0xECA0] =	vst @!p2 v8  }
0x62: {  	[tilespmem:s22+$0xECB0] =	vst @!p2 v7  }
0x63: {  	[tilespmem:s22+$0xECC0] =	vst @!p2 v6  }
0x64: {  	[tilespmem:s22+$0xECD0] =	vst @!p2 v5  }
0x65: {  	[tilespmem:s22+$0xECE0] =	vst @!p2 v4  }
0x66: {  	[tilespmem:s22+$0xECF0] =	vst @!p2 v3  }
0x67: {  	v0 =	vld [tilespmem:s21+$0xC80]  }
0x68: {  	v1 =	vld [tilespmem:s21+$0xC90]  }
0x69: {  	v11 =	vld [tilespmem:s21+$0xCA0]  }
0x6a: {  	v12 =	vld [tilespmem:s21+$0xCB0];
	s22 =	spop (v2sf);
	(v2sf) =	vpush v2, $0x2  }
0x6b: {  	v13 =	vld [tilespmem:s21+$0xCC0];
	p1 =	seq.s32 s22, s23  }
0x6c: {  	v14 =	vld [tilespmem:s21+$0xCD0];
	v10 =	vmax.f32 v10, v0;
	s23 =	sshll.u32 @!p1 s23, $0x9  }
0x6d: {  	v15 =	vld [tilespmem:s21+$0xCE0];
	v9 =	vmax.f32 v9, v1;
	v0 =	vpsel p2, v10, v0;
	s23 =	sshra.s32 @!p1 s23, $0x2  }
0x6e: {  	v8 =	vmax.f32 v8, v11;
	v10 =	vld [tilespmem:s21+$0xCF0];
	v1 =	vpsel p2, v9, v1;
	[tilespmem:s23+$0xEC80] =	vst @!p1 v0  }
0x6f: {  	v7 =	vmax.f32 v7, v12;
	v8 =	vpsel p2, v8, v11;
	[tilespmem:s23+$0xEC90] =	vst @!p1 v1  }
0x70: {  	v6 =	vmax.f32 v6, v13;
	v7 =	vpsel p2, v7, v12;
	[tilespmem:s23+$0xECA0] =	vst @!p1 v8  }
0x71: {  	v5 =	vmax.f32 v5, v14;
	v6 =	vpsel p2, v6, v13;
	[tilespmem:s23+$0xECB0] =	vst @!p1 v7  }
0x72: {  	v4 =	vmax.f32 v4, v15;
	v5 =	vpsel p2, v5, v14;
	[tilespmem:s23+$0xECC0] =	vst @!p1 v6  }
0x73: {  	v4 =	vpsel p2, v4, v15;
	v3 =	vmax.f32 v3, v10;
	[tilespmem:s23+$0xECD0] =	vst @!p1 v5  }
0x74: {  	v3 =	vpsel p2, v3, v10;
	[tilespmem:s23+$0xECE0] =	vst @!p1 v4  }
0x75: {  	[tilespmem:s23+$0xECF0] =	vst @!p1 v3  }
0x76: {  	v9 =	vld [tilespmem:s21+$0xD00]  }
0x77: {  	v10 =	vld [tilespmem:s21+$0xD10]  }
0x78: {  	v11 =	vld [tilespmem:s21+$0xD20]  }
0x79: {  	v63 =	vld [tilespmem:s21+$0xD30];
	s23 =	spop (v2sf);
	(v2sf) =	vpush v2, $0x3  }
0x7a: {  	v20 =	vld [tilespmem:s21+$0xD40];
	p2 =	seq.s32 s23, s22  }
0x7b: {  	v21 =	vld [tilespmem:s21+$0xD50];
	v0 =	vmax.f32 v0, v9;
	s22 =	sshll.u32 @!p2 s22, $0x9  }
0x7c: {  	v15 =	vld [tilespmem:s21+$0xD60];
	v1 =	vmax.f32 v1, v10;
	v0 =	vpsel p1, v0, v9;
	s22 =	sshra.s32 @!p2 s22, $0x2  }
0x7d: {  	v8 =	vmax.f32 v8, v11;
	v9 =	vld [tilespmem:s21+$0xD70];
	v1 =	vpsel p1, v1, v10;
	[tilespmem:s22+$0xEC80] =	vst @!p2 v0  }
0x7e: {  	v7 =	vmax.f32 v7, v63;
	v8 =	vpsel p1, v8, v11;
	[tilespmem:s22+$0xEC90] =	vst @!p2 v1  }
0x7f: {  	v6 =	vmax.f32 v6, v20;
	v7 =	vpsel p1, v7, v63;
	[tilespmem:s22+$0xECA0] =	vst @!p2 v8  }
0x80: {  	v5 =	vmax.f32 v5, v21;
	v6 =	vpsel p1, v6, v20;
	[tilespmem:s22+$0xECB0] =	vst @!p2 v7  }
0x81: {  	v4 =	vmax.f32 v4, v15;
	v5 =	vpsel p1, v5, v21;
	[tilespmem:s22+$0xECC0] =	vst @!p2 v6  }
0x82: {  	v4 =	vpsel p1, v4, v15;
	v3 =	vmax.f32 v3, v9;
	[tilespmem:s22+$0xECD0] =	vst @!p2 v5  }
0x83: {  	v3 =	vpsel p1, v3, v9;
	[tilespmem:s22+$0xECE0] =	vst @!p2 v4  }
0x84: {  	[tilespmem:s22+$0xECF0] =	vst @!p2 v3  }
0x85: {  	v9 =	vld [tilespmem:s21+$0xD80]  }
0x86: {  	v10 =	vld [tilespmem:s21+$0xD90]  }
0x87: {  	v11 =	vld [tilespmem:s21+$0xDA0]  }
0x88: {  	v22 =	vld [tilespmem:s21+$0xDB0];
	s22 =	spop (v2sf);
	(v2sf) =	vpush v2, $0x4  }
0x89: {  	v23 =	vld [tilespmem:s21+$0xDC0];
	p1 =	seq.s32 s22, s23  }
0x8a: {  	v24 =	vld [tilespmem:s21+$0xDD0];
	v0 =	vmax.f32 v0, v9;
	s23 =	sshll.u32 @!p1 s23, $0x9  }
0x8b: {  	v15 =	vld [tilespmem:s21+$0xDE0];
	v1 =	vmax.f32 v1, v10;
	v0 =	vpsel p2, v0, v9;
	s23 =	sshra.s32 @!p1 s23, $0x2  }
0x8c: {  	v8 =	vmax.f32 v8, v11;
	v9 =	vld [tilespmem:s21+$0xDF0];
	v1 =	vpsel p2, v1, v10;
	[tilespmem:s23+$0xEC80] =	vst @!p1 v0  }
0x8d: {  	v7 =	vmax.f32 v7, v22;
	v8 =	vpsel p2, v8, v11;
	[tilespmem:s23+$0xEC90] =	vst @!p1 v1  }
0x8e: {  	v6 =	vmax.f32 v6, v23;
	v7 =	vpsel p2, v7, v22;
	[tilespmem:s23+$0xECA0] =	vst @!p1 v8  }
0x8f: {  	v5 =	vmax.f32 v5, v24;
	v6 =	vpsel p2, v6, v23;
	[tilespmem:s23+$0xECB0] =	vst @!p1 v7  }
0x90: {  	v4 =	vmax.f32 v4, v15;
	v5 =	vpsel p2, v5, v24;
	[tilespmem:s23+$0xECC0] =	vst @!p1 v6  }
0x91: {  	v4 =	vpsel p2, v4, v15;
	v3 =	vmax.f32 v3, v9;
	[tilespmem:s23+$0xECD0] =	vst @!p1 v5  }
0x92: {  	v3 =	vpsel p2, v3, v9;
	[tilespmem:s23+$0xECE0] =	vst @!p1 v4  }
0x93: {  	[tilespmem:s23+$0xECF0] =	vst @!p1 v3  }
0x94: {  	v9 =	vld [tilespmem:s21+$0xE00]  }
0x95: {  	v10 =	vld [tilespmem:s21+$0xE10]  }
0x96: {  	v11 =	vld [tilespmem:s21+$0xE20]  }
0x97: {  	v25 =	vld [tilespmem:s21+$0xE30];
	s23 =	spop (v2sf);
	(v2sf) =	vpush v2, $0x5  }
0x98: {  	v26 =	vld [tilespmem:s21+$0xE40];
	p2 =	seq.s32 s23, s22  }
0x99: {  	v27 =	vld [tilespmem:s21+$0xE50];
	v0 =	vmax.f32 v0, v9;
	s22 =	sshll.u32 @!p2 s22, $0x9  }
0x9a: {  	v15 =	vld [tilespmem:s21+$0xE60];
	v1 =	vmax.f32 v1, v10;
	v0 =	vpsel p1, v0, v9;
	s22 =	sshra.s32 @!p2 s22, $0x2  }
0x9b: {  	v8 =	vmax.f32 v8, v11;
	v9 =	vld [tilespmem:s21+$0xE70];
	v1 =	vpsel p1, v1, v10;
	[tilespmem:s22+$0xEC80] =	vst @!p2 v0  }
0x9c: {  	v7 =	vmax.f32 v7, v25;
	v8 =	vpsel p1, v8, v11;
	[tilespmem:s22+$0xEC90] =	vst @!p2 v1  }
0x9d: {  	v6 =	vmax.f32 v6, v26;
	v7 =	vpsel p1, v7, v25;
	[tilespmem:s22+$0xECA0] =	vst @!p2 v8  }
0x9e: {  	v5 =	vmax.f32 v5, v27;
	v6 =	vpsel p1, v6, v26;
	[tilespmem:s22+$0xECB0] =	vst @!p2 v7  }
0x9f: {  	v4 =	vmax.f32 v4, v15;
	v5 =	vpsel p1, v5, v27;
	[tilespmem:s22+$0xECC0] =	vst @!p2 v6  }
0xa0: {  	v4 =	vpsel p1, v4, v15;
	v3 =	vmax.f32 v3, v9;
	[tilespmem:s22+$0xECD0] =	vst @!p2 v5  }
0xa1: {  	v3 =	vpsel p1, v3, v9;
	[tilespmem:s22+$0xECE0] =	vst @!p2 v4  }
0xa2: {  	[tilespmem:s22+$0xECF0] =	vst @!p2 v3  }
0xa3: {  	v9 =	vld [tilespmem:s21+$0xE80]  }
0xa4: {  	v10 =	vld [tilespmem:s21+$0xE90]  }
0xa5: {  	v11 =	vld [tilespmem:s21+$0xEA0]  }
0xa6: {  	v28 =	vld [tilespmem:s21+$0xEB0];
	s22 =	spop (v2sf);
	(v2sf) =	vpush v2, $0x6  }
0xa7: {  	v29 =	vld [tilespmem:s21+$0xEC0];
	p1 =	seq.s32 s22, s23  }
0xa8: {  	v30 =	vld [tilespmem:s21+$0xED0];
	v0 =	vmax.f32 v0, v9;
	s23 =	sshll.u32 @!p1 s23, $0x9  }
0xa9: {  	v15 =	vld [tilespmem:s21+$0xEE0];
	v1 =	vmax.f32 v1, v10;
	v0 =	vpsel p2, v0, v9;
	s23 =	sshra.s32 @!p1 s23, $0x2  }
0xaa: {  	v8 =	vmax.f32 v8, v11;
	v9 =	vld [tilespmem:s21+$0xEF0];
	v1 =	vpsel p2, v1, v10;
	[tilespmem:s23+$0xEC80] =	vst @!p1 v0  }
0xab: {  	v7 =	vmax.f32 v7, v28;
	v8 =	vpsel p2, v8, v11;
	[tilespmem:s23+$0xEC90] =	vst @!p1 v1  }
0xac: {  	v6 =	vmax.f32 v6, v29;
	v7 =	vpsel p2, v7, v28;
	[tilespmem:s23+$0xECA0] =	vst @!p1 v8  }
0xad: {  	v5 =	vmax.f32 v5, v30;
	v6 =	vpsel p2, v6, v29;
	[tilespmem:s23+$0xECB0] =	vst @!p1 v7  }
0xae: {  	v4 =	vmax.f32 v4, v15;
	v5 =	vpsel p2, v5, v30;
	[tilespmem:s23+$0xECC0] =	vst @!p1 v6  }
0xaf: {  	v4 =	vpsel p2, v4, v15;
	v3 =	vmax.f32 v3, v9;
	[tilespmem:s23+$0xECD0] =	vst @!p1 v5  }
0xb0: {  	v3 =	vpsel p2, v3, v9;
	[tilespmem:s23+$0xECE0] =	vst @!p1 v4  }
0xb1: {  	[tilespmem:s23+$0xECF0] =	vst @!p1 v3  }
0xb2: {  	v9 =	vld [tilespmem:s21+$0xF00]  }
0xb3: {  	v10 =	vld [tilespmem:s21+$0xF10]  }
0xb4: {  	v11 =	vld [tilespmem:s21+$0xF20]  }
0xb5: {  	v31 =	vld [tilespmem:s21+$0xF30];
	s23 =	spop (v2sf);
	(v2sf) =	vpush v2, $0x7  }
0xb6: {  	v32 =	vld [tilespmem:s21+$0xF40];
	p2 =	seq.s32 s23, s22  }
0xb7: {  	v33 =	vld [tilespmem:s21+$0xF50];
	v0 =	vmax.f32 v0, v9;
	s22 =	sshll.u32 @!p2 s22, $0x9  }
0xb8: {  	v15 =	vld [tilespmem:s21+$0xF60];
	v1 =	vmax.f32 v1, v10;
	v0 =	vpsel p1, v0, v9;
	s22 =	sshra.s32 @!p2 s22, $0x2  }
0xb9: {  	v8 =	vmax.f32 v8, v11;
	v9 =	vld [tilespmem:s21+$0xF70];
	v1 =	vpsel p1, v1, v10;
	[tilespmem:s22+$0xEC80] =	vst @!p2 v0  }
0xba: {  	v7 =	vmax.f32 v7, v31;
	v8 =	vpsel p1, v8, v11;
	[tilespmem:s22+$0xEC90] =	vst @!p2 v1  }
0xbb: {  	v6 =	vmax.f32 v6, v32;
	v7 =	vpsel p1, v7, v31;
	[tilespmem:s22+$0xECA0] =	vst @!p2 v8  }
0xbc: {  	v5 =	vmax.f32 v5, v33;
	v6 =	vpsel p1, v6, v32;
	[tilespmem:s22+$0xECB0] =	vst @!p2 v7  }
0xbd: {  	v4 =	vmax.f32 v4, v15;
	v5 =	vpsel p1, v5, v33;
	[tilespmem:s22+$0xECC0] =	vst @!p2 v6  }
0xbe: {  	v4 =	vpsel p1, v4, v15;
	v3 =	vmax.f32 v3, v9;
	[tilespmem:s22+$0xECD0] =	vst @!p2 v5  }
0xbf: {  	v3 =	vpsel p1, v3, v9;
	[tilespmem:s22+$0xECE0] =	vst @!p2 v4  }
0xc0: {  	[tilespmem:s22+$0xECF0] =	vst @!p2 v3  }
0xc1: {  	v9 =	vld [tilespmem:s21+$0xF80]  }
0xc2: {  	v10 =	vld [tilespmem:s21+$0xF90]  }
0xc3: {  	v11 =	vld [tilespmem:s21+$0xFA0]  }
0xc4: {  	v34 =	vld [tilespmem:s21+$0xFB0];
	s22 =	spop (v2sf);
	(v2sf) =	vpush v2, $0x8  }
0xc5: {  	v35 =	vld [tilespmem:s21+$0xFC0];
	p1 =	seq.s32 s22, s23  }
0xc6: {  	v36 =	vld [tilespmem:s21+$0xFD0];
	v0 =	vmax.f32 v0, v9;
	s23 =	sshll.u32 @!p1 s23, $0x9  }
0xc7: {  	v15 =	vld [tilespmem:s21+$0xFE0];
	v1 =	vmax.f32 v1, v10;
	v0 =	vpsel p2, v0, v9;
	s23 =	sshra.s32 @!p1 s23, $0x2  }
0xc8: {  	v8 =	vmax.f32 v8, v11;
	v9 =	vld [tilespmem:s21+$0xFF0];
	v1 =	vpsel p2, v1, v10;
	[tilespmem:s23+$0xEC80] =	vst @!p1 v0  }
0xc9: {  	v7 =	vmax.f32 v7, v34;
	v8 =	vpsel p2, v8, v11;
	[tilespmem:s23+$0xEC90] =	vst @!p1 v1  }
0xca: {  	v6 =	vmax.f32 v6, v35;
	v7 =	vpsel p2, v7, v34;
	[tilespmem:s23+$0xECA0] =	vst @!p1 v8  }
0xcb: {  	v5 =	vmax.f32 v5, v36;
	v6 =	vpsel p2, v6, v35;
	[tilespmem:s23+$0xECB0] =	vst @!p1 v7  }
0xcc: {  	v4 =	vmax.f32 v4, v15;
	v5 =	vpsel p2, v5, v36;
	[tilespmem:s23+$0xECC0] =	vst @!p1 v6  }
0xcd: {  	v4 =	vpsel p2, v4, v15;
	v3 =	vmax.f32 v3, v9;
	[tilespmem:s23+$0xECD0] =	vst @!p1 v5  }
0xce: {  	v3 =	vpsel p2, v3, v9;
	[tilespmem:s23+$0xECE0] =	vst @!p1 v4  }
0xcf: {  	[tilespmem:s23+$0xECF0] =	vst @!p1 v3  }
0xd0: {  	v9 =	vld [tilespmem:s21+$0x1000]  }
0xd1: {  	v10 =	vld [tilespmem:s21+$0x1010]  }
0xd2: {  	v11 =	vld [tilespmem:s21+$0x1020]  }
0xd3: {  	v37 =	vld [tilespmem:s21+$0x1030];
	s23 =	spop (v2sf);
	(v2sf) =	vpush v2, $0x9  }
0xd4: {  	v38 =	vld [tilespmem:s21+$0x1040];
	p2 =	seq.s32 s23, s22  }
0xd5: {  	v39 =	vld [tilespmem:s21+$0x1050];
	v0 =	vmax.f32 v0, v9;
	s22 =	sshll.u32 @!p2 s22, $0x9  }
0xd6: {  	v15 =	vld [tilespmem:s21+$0x1060];
	v1 =	vmax.f32 v1, v10;
	v0 =	vpsel p1, v0, v9;
	s22 =	sshra.s32 @!p2 s22, $0x2  }
0xd7: {  	v8 =	vmax.f32 v8, v11;
	v9 =	vld [tilespmem:s21+$0x1070];
	v1 =	vpsel p1, v1, v10;
	[tilespmem:s22+$0xEC80] =	vst @!p2 v0  }
0xd8: {  	v7 =	vmax.f32 v7, v37;
	v8 =	vpsel p1, v8, v11;
	[tilespmem:s22+$0xEC90] =	vst @!p2 v1  }
0xd9: {  	v6 =	vmax.f32 v6, v38;
	v7 =	vpsel p1, v7, v37;
	[tilespmem:s22+$0xECA0] =	vst @!p2 v8  }
0xda: {  	v5 =	vmax.f32 v5, v39;
	v6 =	vpsel p1, v6, v38;
	[tilespmem:s22+$0xECB0] =	vst @!p2 v7  }
0xdb: {  	v4 =	vmax.f32 v4, v15;
	v5 =	vpsel p1, v5, v39;
	[tilespmem:s22+$0xECC0] =	vst @!p2 v6  }
0xdc: {  	v4 =	vpsel p1, v4, v15;
	v3 =	vmax.f32 v3, v9;
	[tilespmem:s22+$0xECD0] =	vst @!p2 v5  }
0xdd: {  	v3 =	vpsel p1, v3, v9;
	[tilespmem:s22+$0xECE0] =	vst @!p2 v4  }
0xde: {  	[tilespmem:s22+$0xECF0] =	vst @!p2 v3  }
0xdf: {  	v9 =	vld [tilespmem:s21+$0x1080]  }
0xe0: {  	v10 =	vld [tilespmem:s21+$0x1090]  }
0xe1: {  	v11 =	vld [tilespmem:s21+$0x10A0]  }
0xe2: {  	v40 =	vld [tilespmem:s21+$0x10B0];
	s22 =	spop (v2sf);
	(v2sf) =	vpush v2, $0xA  }
0xe3: {  	v41 =	vld [tilespmem:s21+$0x10C0];
	p1 =	seq.s32 s22, s23  }
0xe4: {  	v42 =	vld [tilespmem:s21+$0x10D0];
	v0 =	vmax.f32 v0, v9;
	s23 =	sshll.u32 @!p1 s23, $0x9  }
0xe5: {  	v15 =	vld [tilespmem:s21+$0x10E0];
	v1 =	vmax.f32 v1, v10;
	v0 =	vpsel p2, v0, v9;
	s23 =	sshra.s32 @!p1 s23, $0x2  }
0xe6: {  	v8 =	vmax.f32 v8, v11;
	v9 =	vld [tilespmem:s21+$0x10F0];
	v1 =	vpsel p2, v1, v10;
	[tilespmem:s23+$0xEC80] =	vst @!p1 v0  }
0xe7: {  	v7 =	vmax.f32 v7, v40;
	v8 =	vpsel p2, v8, v11;
	[tilespmem:s23+$0xEC90] =	vst @!p1 v1  }
0xe8: {  	v6 =	vmax.f32 v6, v41;
	v7 =	vpsel p2, v7, v40;
	[tilespmem:s23+$0xECA0] =	vst @!p1 v8  }
0xe9: {  	v5 =	vmax.f32 v5, v42;
	v6 =	vpsel p2, v6, v41;
	[tilespmem:s23+$0xECB0] =	vst @!p1 v7  }
0xea: {  	v4 =	vmax.f32 v4, v15;
	v5 =	vpsel p2, v5, v42;
	[tilespmem:s23+$0xECC0] =	vst @!p1 v6  }
0xeb: {  	v4 =	vpsel p2, v4, v15;
	v3 =	vmax.f32 v3, v9;
	[tilespmem:s23+$0xECD0] =	vst @!p1 v5  }
0xec: {  	v3 =	vpsel p2, v3, v9;
	[tilespmem:s23+$0xECE0] =	vst @!p1 v4  }
0xed: {  	[tilespmem:s23+$0xECF0] =	vst @!p1 v3  }
0xee: {  	v9 =	vld [tilespmem:s21+$0x1100]  }
0xef: {  	v10 =	vld [tilespmem:s21+$0x1110]  }
0xf0: {  	v11 =	vld [tilespmem:s21+$0x1120]  }
0xf1: {  	v43 =	vld [tilespmem:s21+$0x1130];
	s23 =	spop (v2sf);
	(v2sf) =	vpush v2, $0xB  }
0xf2: {  	v44 =	vld [tilespmem:s21+$0x1140];
	p2 =	seq.s32 s23, s22  }
0xf3: {  	v45 =	vld [tilespmem:s21+$0x1150];
	v0 =	vmax.f32 v0, v9;
	s22 =	sshll.u32 @!p2 s22, $0x9  }
0xf4: {  	v15 =	vld [tilespmem:s21+$0x1160];
	v1 =	vmax.f32 v1, v10;
	v0 =	vpsel p1, v0, v9;
	s22 =	sshra.s32 @!p2 s22, $0x2  }
0xf5: {  	v8 =	vmax.f32 v8, v11;
	v9 =	vld [tilespmem:s21+$0x1170];
	v1 =	vpsel p1, v1, v10;
	[tilespmem:s22+$0xEC80] =	vst @!p2 v0  }
0xf6: {  	v7 =	vmax.f32 v7, v43;
	v8 =	vpsel p1, v8, v11;
	[tilespmem:s22+$0xEC90] =	vst @!p2 v1  }
0xf7: {  	v6 =	vmax.f32 v6, v44;
	v7 =	vpsel p1, v7, v43;
	[tilespmem:s22+$0xECA0] =	vst @!p2 v8  }
0xf8: {  	v5 =	vmax.f32 v5, v45;
	v6 =	vpsel p1, v6, v44;
	[tilespmem:s22+$0xECB0] =	vst @!p2 v7  }
0xf9: {  	v4 =	vmax.f32 v4, v15;
	v5 =	vpsel p1, v5, v45;
	[tilespmem:s22+$0xECC0] =	vst @!p2 v6  }
0xfa: {  	v4 =	vpsel p1, v4, v15;
	v3 =	vmax.f32 v3, v9;
	[tilespmem:s22+$0xECD0] =	vst @!p2 v5  }
0xfb: {  	v3 =	vpsel p1, v3, v9;
	[tilespmem:s22+$0xECE0] =	vst @!p2 v4  }
0xfc: {  	[tilespmem:s22+$0xECF0] =	vst @!p2 v3  }
0xfd: {  	v9 =	vld [tilespmem:s21+$0x1180]  }
0xfe: {  	v10 =	vld [tilespmem:s21+$0x1190]  }
0xff: {  	v11 =	vld [tilespmem:s21+$0x11A0]  }
0x100: {  	v46 =	vld [tilespmem:s21+$0x11B0];
	s22 =	spop (v2sf);
	(v2sf) =	vpush v2, $0xC  }
0x101: {  	v47 =	vld [tilespmem:s21+$0x11C0];
	p1 =	seq.s32 s22, s23  }
0x102: {  	v48 =	vld [tilespmem:s21+$0x11D0];
	v0 =	vmax.f32 v0, v9;
	s23 =	sshll.u32 @!p1 s23, $0x9  }
0x103: {  	v15 =	vld [tilespmem:s21+$0x11E0];
	v1 =	vmax.f32 v1, v10;
	v0 =	vpsel p2, v0, v9;
	s23 =	sshra.s32 @!p1 s23, $0x2  }
0x104: {  	v8 =	vmax.f32 v8, v11;
	v9 =	vld [tilespmem:s21+$0x11F0];
	v1 =	vpsel p2, v1, v10;
	[tilespmem:s23+$0xEC80] =	vst @!p1 v0  }
0x105: {  	v7 =	vmax.f32 v7, v46;
	v8 =	vpsel p2, v8, v11;
	[tilespmem:s23+$0xEC90] =	vst @!p1 v1  }
0x106: {  	v6 =	vmax.f32 v6, v47;
	v7 =	vpsel p2, v7, v46;
	[tilespmem:s23+$0xECA0] =	vst @!p1 v8  }
0x107: {  	v5 =	vmax.f32 v5, v48;
	v6 =	vpsel p2, v6, v47;
	[tilespmem:s23+$0xECB0] =	vst @!p1 v7  }
0x108: {  	v4 =	vmax.f32 v4, v15;
	v5 =	vpsel p2, v5, v48;
	[tilespmem:s23+$0xECC0] =	vst @!p1 v6  }
0x109: {  	v4 =	vpsel p2, v4, v15;
	v3 =	vmax.f32 v3, v9;
	[tilespmem:s23+$0xECD0] =	vst @!p1 v5  }
0x10a: {  	v3 =	vpsel p2, v3, v9;
	[tilespmem:s23+$0xECE0] =	vst @!p1 v4  }
0x10b: {  	[tilespmem:s23+$0xECF0] =	vst @!p1 v3  }
0x10c: {  	v9 =	vld [tilespmem:s21+$0x1200]  }
0x10d: {  	v10 =	vld [tilespmem:s21+$0x1210]  }
0x10e: {  	v11 =	vld [tilespmem:s21+$0x1220]  }
0x10f: {  	v49 =	vld [tilespmem:s21+$0x1230];
	s23 =	spop (v2sf);
	(v2sf) =	vpush v2, $0xD  }
0x110: {  	v50 =	vld [tilespmem:s21+$0x1240];
	p2 =	seq.s32 s23, s22  }
0x111: {  	v51 =	vld [tilespmem:s21+$0x1250];
	v0 =	vmax.f32 v0, v9;
	s22 =	sshll.u32 @!p2 s22, $0x9  }
0x112: {  	v15 =	vld [tilespmem:s21+$0x1260];
	v1 =	vmax.f32 v1, v10;
	v0 =	vpsel p1, v0, v9;
	s22 =	sshra.s32 @!p2 s22, $0x2  }
0x113: {  	v8 =	vmax.f32 v8, v11;
	v9 =	vld [tilespmem:s21+$0x1270];
	v1 =	vpsel p1, v1, v10;
	[tilespmem:s22+$0xEC80] =	vst @!p2 v0  }
0x114: {  	v7 =	vmax.f32 v7, v49;
	v8 =	vpsel p1, v8, v11;
	[tilespmem:s22+$0xEC90] =	vst @!p2 v1  }
0x115: {  	v6 =	vmax.f32 v6, v50;
	v7 =	vpsel p1, v7, v49;
	[tilespmem:s22+$0xECA0] =	vst @!p2 v8  }
0x116: {  	v5 =	vmax.f32 v5, v51;
	v6 =	vpsel p1, v6, v50;
	[tilespmem:s22+$0xECB0] =	vst @!p2 v7  }
0x117: {  	v4 =	vmax.f32 v4, v15;
	v5 =	vpsel p1, v5, v51;
	[tilespmem:s22+$0xECC0] =	vst @!p2 v6  }
0x118: {  	v4 =	vpsel p1, v4, v15;
	v3 =	vmax.f32 v3, v9;
	[tilespmem:s22+$0xECD0] =	vst @!p2 v5  }
0x119: {  	v3 =	vpsel p1, v3, v9;
	[tilespmem:s22+$0xECE0] =	vst @!p2 v4  }
0x11a: {  	[tilespmem:s22+$0xECF0] =	vst @!p2 v3  }
0x11b: {  	v9 =	vld [tilespmem:s21+$0x1280]  }
0x11c: {  	v10 =	vld [tilespmem:s21+$0x1290]  }
0x11d: {  	v11 =	vld [tilespmem:s21+$0x12A0]  }
0x11e: {  	v52 =	vld [tilespmem:s21+$0x12B0];
	s22 =	spop (v2sf);
	(v2sf) =	vpush v2, $0xE  }
0x11f: {  	v53 =	vld [tilespmem:s21+$0x12C0];
	p1 =	seq.s32 s22, s23  }
0x120: {  	v54 =	vld [tilespmem:s21+$0x12D0];
	v0 =	vmax.f32 v0, v9;
	s23 =	sshll.u32 @!p1 s23, $0x9  }
0x121: {  	v1 =	vmax.f32 v1, v10;
	v0 =	vpsel p2, v0, v9;
	v9 =	vld [tilespmem:s21+$0x12F0];
	s23 =	sshra.s32 @!p1 s23, $0x2  }
0x122: {  	v8 =	vmax.f32 v8, v11;
	v1 =	vpsel p2, v1, v10;
	v2 =	vld [tilespmem:s21+$0x12E0];
	[tilespmem:s23+$0xEC80] =	vst @!p1 v0  }
0x123: {  	v7 =	vmax.f32 v7, v52;
	v8 =	vpsel p2, v8, v11;
	[tilespmem:s23+$0xEC90] =	vst @!p1 v1  }
0x124: {  	v6 =	vmax.f32 v6, v53;
	v7 =	vpsel p2, v7, v52;
	[tilespmem:s23+$0xECA0] =	vst @!p1 v8  }
0x125: {  	v5 =	vmax.f32 v5, v54;
	v6 =	vpsel p2, v6, v53;
	[tilespmem:s23+$0xECB0] =	vst @!p1 v7  }
0x126: {  	v5 =	vpsel p2, v5, v54;
	v3 =	vmax.f32 v3, v9;
	[tilespmem:s23+$0xECC0] =	vst @!p1 v6  }
0x127: {  	v3 =	vpsel p2, v3, v9;
	[tilespmem:s23+$0xECD0] =	vst @!p1 v5;
	v4 =	vmax.f32 v4, v2  }
0x128: {  	[tilespmem:s23+$0xECF0] =	vst @!p1 v3;
	v2 =	vpsel p2, v4, v2  }
0x129: {  	[tilespmem:s23+$0xECE0] =	vst @!p1 v2  }
0x12a: {  	v4 =	vld [tilespmem:s21+$0x1300]  }
0x12b: {  	v9 =	vld [tilespmem:s21+$0x1310]  }
0x12c: {  	v10 =	vld [tilespmem:s21+$0x1320]  }
0x12d: {  	v11 =	vld [tilespmem:s21+$0x1330];
	s23 =	spop (v2sf)  }
0x12e: {  	v55 =	vld [tilespmem:s21+$0x1340];
	p2 =	seq.s32 s23, s22  }
0x12f: {  	v56 =	vld [tilespmem:s21+$0x1350];
	v0 =	vmax.f32 v0, v4;
	s22 =	sshll.u32 @!p2 s22, $0x9  }
0x130: {  	v57 =	vld [tilespmem:s21+$0x1360];
	v1 =	vmax.f32 v1, v9;
	v0 =	vpsel p1, v0, v4;
	s22 =	sshra.s32 @!p2 s22, $0x2  }
0x131: {  	v8 =	vmax.f32 v8, v10;
	v4 =	vld [tilespmem:s21+$0x1370];
	v1 =	vpsel p1, v1, v9;
	[tilespmem:s22+$0xEC80] =	vst @!p2 v0  }
0x132: {  	v7 =	vmax.f32 v7, v11;
	v8 =	vpsel p1, v8, v10;
	[tilespmem:s22+$0xEC90] =	vst @!p2 v1  }
0x133: {  	v6 =	vmax.f32 v6, v55;
	v7 =	vpsel p1, v7, v11;
	[tilespmem:s22+$0xECA0] =	vst @!p2 v8  }
0x134: {  	v5 =	vmax.f32 v5, v56;
	v6 =	vpsel p1, v6, v55;
	[tilespmem:s22+$0xECB0] =	vst @!p2 v7  }
0x135: {  	v2 =	vmax.f32 v2, v57;
	v5 =	vpsel p1, v5, v56;
	[tilespmem:s22+$0xECC0] =	vst @!p2 v6  }
0x136: {  	v2 =	vpsel p1, v2, v57;
	v3 =	vmax.f32 v3, v4;
	[tilespmem:s22+$0xECD0] =	vst @!p2 v5  }
0x137: {  	[tilespmem:s22+$0xECE0] =	vst @!p2 v2;
	v3 =	vpsel p1, v3, v4  }
0x138: {  	[tilespmem:s22+$0xECF0] =	vst @!p2 v3  }
0x139: {  	v4 =	vld [tilespmem:s21+$0x1380]  }
0x13a: {  	v9 =	vld [tilespmem:s21+$0x1390]  }
0x13b: {  	v10 =	vld [tilespmem:s21+$0x13A0]  }
0x13c: {  	v11 =	vld [tilespmem:s21+$0x13B0]  }
0x13d: {  	p1 =	seq.s32 s17, s23;
	v58 =	vld [tilespmem:s21+$0x13C0]  }
0x13e: {  	s22 =	sshll.u32 @!p1 s23, $0x9;
	v59 =	vld [tilespmem:s21+$0x13D0];
	v0 =	vmax.f32 v0, v4  }
0x13f: {  	v60 =	vld [tilespmem:s21+$0x13E0];
	s22 =	sshra.s32 @!p1 s22, $0x2;
	v1 =	vmax.f32 v1, v9;
	v0 =	vpsel p2, v0, v4  }
0x140: {  	v8 =	vmax.f32 v8, v10;
	v4 =	vld [tilespmem:s21+$0x13F0];
	v1 =	vpsel p2, v1, v9;
	[tilespmem:s22+$0xEC80] =	vst @!p1 v0  }
0x141: {  	v7 =	vmax.f32 v7, v11;
	v8 =	vpsel p2, v8, v10;
	[tilespmem:s22+$0xEC90] =	vst @!p1 v1  }
0x142: {  	v6 =	vmax.f32 v6, v58;
	v7 =	vpsel p2, v7, v11;
	[tilespmem:s22+$0xECA0] =	vst @!p1 v8  }
0x143: {  	v5 =	vmax.f32 v5, v59;
	v6 =	vpsel p2, v6, v58;
	[tilespmem:s22+$0xECB0] =	vst @!p1 v7  }
0x144: {  	v2 =	vmax.f32 v2, v60;
	v9 =	vpsel p2, v5, v59;
	[tilespmem:s22+$0xECC0] =	vst @!p1 v6  }
0x145: {  	v10 =	vpsel p2, v2, v60;
	[tilespmem:s22+$0xECD0] =	vst @!p1 v9;
	v2 =	vmax.f32 v3, v4  }
0x146: {  	[tilespmem:s22+$0xECE0] =	vst @!p1 v10;
	v11 =	vpsel p2, v2, v4  }
0x147: {  	[tilespmem:s22+$0xECF0] =	vst @!p1 v11  }
0x148: {  	v2 =	vld [tilespmem:s21+$0x1400]  }
0x149: {  	v3 =	vld [tilespmem:s21+$0x1410]  }
0x14a: {  	v4 =	vld [tilespmem:s21+$0x1420]  }
0x14b: {  	v5 =	vld [tilespmem:s21+$0x1430]  }
0x14c: {  	v61 =	vld [tilespmem:s21+$0x1440]  }
0x14d: {  	v62 =	vld [tilespmem:s21+$0x1450]  }
0x14e: {  	v63 =	vld [tilespmem:s21+$0x1460]  }
0x14f: {  	v15 =	vld [tilespmem:s21+$0x1470]  }
0x150: {  	v0 =	vmax.f32 v0, v2  }
0x151: {  	v1 =	vmax.f32 v1, v3;
	v6 =	vmax.f32 v6, v61;
	v2 =	vpsel p1, v0, v2  }
0x152: {  	v3 =	vpsel p1, v1, v3;
	v0 =	vmax.f32 v8, v4;
	v1 =	vmax.f32 v7, v5  }
0x153: {  	v6 =	vpsel p1, v6, v61;
	v4 =	vpsel p1, v0, v4;
	v5 =	vpsel p1, v1, v5  }
0x154: {  	v0 =	vmax.f32 v9, v62;
	v1 =	vmax.f32 v10, v63;
	v9 =	vmax.f32 v11, v15  }
0x155: {  	v7 =	vpsel p1, v0, v62;
	v8 =	vpsel p1, v1, v63;
	v9 =	vpsel p1, v9, v15  }
.LBB2_8:
0x156: {  	[tilespmem:$0x16C80] =	vst v2  }
0x157: {  	[tilespmem:$0x16C90] =	vst v3;
	s20 =	sadd.s32 $0x1, s20  }
0x158: {  	[tilespmem:$0x16CA0] =	vst v4;
	p1 =	sne.s32 s20, $0xE  }
.Ltmp6:
0x159: {  	[tilespmem:$0x16CB0] =	vst v5;
	(pc) =	sbr.rel @!p1 .LBB2_9-.Ltmp6, $4  }
0x15a: {  	[tilespmem:$0x16CC0] =	vst v6  }
0x15b: {  	[tilespmem:$0x16CD0] =	vst v7  }
0x15c: {  	[tilespmem:$0x16CE0] =	vst v8  }
0x15d: {  	[tilespmem:$0x16CF0] =	vst v9;
	s22 =	smov.u32 s17  }
.LBB2_5:
0x15e: {  	_ =	sdelay $0x1  }
0x15f: {  	s17 =	sshll.u32 s20, $0x4  }
0x160: {  	s17 =	sand.u32 $0x3FFFFFF0, s17  }
0x161: {  	v2 =	vld.idx.msk [tilespmem:v16+s17+$0x0 ss:$0x1], $0xffff;
	_ =	sdelay $0x4  }
0x162: {  	(v2sf) =	vpush v2, $0xF;
	_ =	sdelay $0xd  }
0x163: {  	v10 =	vld [tilespmem:$0x16C80]  }
0x164: {  	v9 =	vld [tilespmem:$0x16C90];
	s17 =	spop (v2sf)  }
0x165: {  	v8 =	vld [tilespmem:$0x16CA0];
	p1 =	sne.s32 s17, s22  }
.Ltmp7:
0x166: {  	v7 =	vld [tilespmem:$0x16CB0];
	(pc) =	sbr.rel @p1 .LBB2_7-.Ltmp7, $4  }
0x167: {  	v6 =	vld [tilespmem:$0x16CC0]  }
0x168: {  	v5 =	vld [tilespmem:$0x16CD0]  }
0x169: {  	s21 =	sshll.u32 s20, $0xB;
	v4 =	vld [tilespmem:$0x16CE0]  }
0x16a: {  	v3 =	vld [tilespmem:$0x16CF0];
	s21 =	sadd.s32 s19, s21  }
0x16b: {  	v0 =	vld [tilespmem:s21+$0xFF0];
	_ =	sdelay $0x4  }
0x16c: {  	[tilespmem:$0x1FDC0] =	vst v0;
	v0 =	vld [tilespmem:s21+$0x1000];
	_ =	sdelay $0x4  }
0x16d: {  	[tilespmem:$0x1FDD0] =	vst v0;
	v0 =	vld [tilespmem:s21+$0x1010];
	_ =	sdelay $0x4  }
0x16e: {  	[tilespmem:$0x1FDE0] =	vst v0;
	v0 =	vld [tilespmem:s21+$0x1020];
	_ =	sdelay $0x4  }
0x16f: {  	[tilespmem:$0x1FDF0] =	vst v0;
	v0 =	vld [tilespmem:s21+$0x1030];
	_ =	sdelay $0x4  }
0x170: {  	[tilespmem:$0x1FE00] =	vst v0;
	v0 =	vld [tilespmem:s21+$0x1040];
	_ =	sdelay $0x4  }
0x171: {  	[tilespmem:$0x1FE10] =	vst v0;
	v0 =	vld [tilespmem:s21+$0x1050]  }
0x172: {  	v2 =	vld [tilespmem:s21+$0xC80]  }
0x173: {  	v11 =	vld [tilespmem:s21+$0xC90]  }
0x174: {  	v12 =	vld [tilespmem:s21+$0xCA0]  }
0x175: {  	v13 =	vld [tilespmem:s21+$0xCB0]  }
0x176: {  	[tilespmem:$0x1FE20] =	vst v0;
	v0 =	vld [tilespmem:s21+$0x1060]  }
0x177: {  	v14 =	vld [tilespmem:s21+$0xCC0]  }
0x178: {  	v15 =	vld [tilespmem:s21+$0xCD0]  }
0x179: {  	v16 =	vld [tilespmem:s21+$0xCE0]  }
0x17a: {  	v17 =	vld [tilespmem:s21+$0xCF0]  }
0x17b: {  	[tilespmem:$0x1FE30] =	vst v0;
	v0 =	vld [tilespmem:s21+$0x1070]  }
0x17c: {  	v18 =	vld [tilespmem:s21+$0xD00]  }
0x17d: {  	v19 =	vld [tilespmem:s21+$0xD10]  }
0x17e: {  	v20 =	vld [tilespmem:s21+$0xD20]  }
0x17f: {  	v21 =	vld [tilespmem:s21+$0xD30]  }
0x180: {  	[tilespmem:$0x1FE40] =	vst v0;
	v0 =	vld [tilespmem:s21+$0x1080]  }
0x181: {  	v22 =	vld [tilespmem:s21+$0xD40]  }
0x182: {  	v23 =	vld [tilespmem:s21+$0xD50]  }
0x183: {  	v24 =	vld [tilespmem:s21+$0xD60]  }
0x184: {  	v25 =	vld [tilespmem:s21+$0xD70]  }
0x185: {  	[tilespmem:$0x1FE50] =	vst v0;
	v0 =	vld [tilespmem:s21+$0x1090]  }
0x186: {  	v26 =	vld [tilespmem:s21+$0xD80]  }
0x187: {  	v27 =	vld [tilespmem:s21+$0xD90]  }
0x188: {  	v28 =	vld [tilespmem:s21+$0xDA0]  }
0x189: {  	v29 =	vld [tilespmem:s21+$0xDB0]  }
0x18a: {  	[tilespmem:$0x1FE60] =	vst v0;
	v0 =	vld [tilespmem:s21+$0x10A0]  }
0x18b: {  	v30 =	vld [tilespmem:s21+$0xDC0]  }
0x18c: {  	v31 =	vld [tilespmem:s21+$0xDD0]  }
0x18d: {  	v32 =	vld [tilespmem:s21+$0xDE0]  }
0x18e: {  	v33 =	vld [tilespmem:s21+$0xDF0]  }
0x18f: {  	[tilespmem:$0x1FE70] =	vst v0;
	v0 =	vld [tilespmem:s21+$0x10B0]  }
0x190: {  	v34 =	vld [tilespmem:s21+$0xE00]  }
0x191: {  	v35 =	vld [tilespmem:s21+$0xE10]  }
0x192: {  	v36 =	vld [tilespmem:s21+$0xE20]  }
0x193: {  	v37 =	vld [tilespmem:s21+$0xE30]  }
0x194: {  	[tilespmem:$0x1FE80] =	vst v0;
	v0 =	vld [tilespmem:s21+$0x10C0]  }
0x195: {  	v38 =	vld [tilespmem:s21+$0xE40]  }
0x196: {  	v39 =	vld [tilespmem:s21+$0xE50]  }
0x197: {  	v40 =	vld [tilespmem:s21+$0xE60]  }
0x198: {  	v41 =	vld [tilespmem:s21+$0xE70]  }
0x199: {  	[tilespmem:$0x1FE90] =	vst v0;
	v0 =	vld [tilespmem:s21+$0x10D0]  }
0x19a: {  	v42 =	vld [tilespmem:s21+$0xE80]  }
0x19b: {  	v43 =	vld [tilespmem:s21+$0xE90]  }
0x19c: {  	v44 =	vld [tilespmem:s21+$0xEA0]  }
0x19d: {  	v45 =	vld [tilespmem:s21+$0xEB0]  }
0x19e: {  	[tilespmem:$0x1FEA0] =	vst v0;
	v0 =	vld [tilespmem:s21+$0x10E0]  }
0x19f: {  	v46 =	vld [tilespmem:s21+$0xEC0]  }
0x1a0: {  	v47 =	vld [tilespmem:s21+$0xED0]  }
0x1a1: {  	v48 =	vld [tilespmem:s21+$0xEE0]  }
0x1a2: {  	v49 =	vld [tilespmem:s21+$0xEF0]  }
0x1a3: {  	[tilespmem:$0x1FEB0] =	vst v0;
	v0 =	vld [tilespmem:s21+$0x10F0]  }
0x1a4: {  	v50 =	vld [tilespmem:s21+$0xF00]  }
0x1a5: {  	v51 =	vld [tilespmem:s21+$0xF10]  }
0x1a6: {  	v52 =	vld [tilespmem:s21+$0xF20]  }
0x1a7: {  	v53 =	vld [tilespmem:s21+$0xF30]  }
0x1a8: {  	[tilespmem:$0x1FEC0] =	vst v0;
	v0 =	vld [tilespmem:s21+$0x1100]  }
0x1a9: {  	v54 =	vld [tilespmem:s21+$0xF40]  }
0x1aa: {  	v55 =	vld [tilespmem:s21+$0xF50]  }
0x1ab: {  	v56 =	vld [tilespmem:s21+$0xF60]  }
0x1ac: {  	v57 =	vld [tilespmem:s21+$0xF70]  }
0x1ad: {  	[tilespmem:$0x1FED0] =	vst v0;
	v0 =	vld [tilespmem:s21+$0x1110]  }
0x1ae: {  	v58 =	vld [tilespmem:s21+$0xF80]  }
0x1af: {  	v59 =	vld [tilespmem:s21+$0xF90]  }
0x1b0: {  	v60 =	vld [tilespmem:s21+$0xFA0]  }
0x1b1: {  	v61 =	vld [tilespmem:s21+$0xFB0]  }
0x1b2: {  	[tilespmem:$0x1FEE0] =	vst v0;
	v0 =	vld [tilespmem:s21+$0x1120]  }
0x1b3: {  	v62 =	vld [tilespmem:s21+$0xFC0]  }
0x1b4: {  	v63 =	vld [tilespmem:s21+$0xFD0]  }
0x1b5: {  	v1 =	vld [tilespmem:s21+$0xFE0]  }
0x1b6: {  	v2 =	vmax.f32 v10, v2;
	v10 =	vld [tilespmem:s21+$0x1220]  }
0x1b7: {  	[tilespmem:$0x1FEF0] =	vst v0;
	v0 =	vld [tilespmem:s21+$0x1130]  }
0x1b8: {  	v9 =	vmax.f32 v9, v11;
	v11 =	vld [tilespmem:s21+$0x1230]  }
0x1b9: {  	v8 =	vmax.f32 v8, v12;
	v12 =	vld [tilespmem:s21+$0x1240]  }
0x1ba: {  	v7 =	vmax.f32 v7, v13;
	v13 =	vld [tilespmem:s21+$0x1250]  }
0x1bb: {  	v6 =	vmax.f32 v6, v14;
	v14 =	vld [tilespmem:s21+$0x1260]  }
0x1bc: {  	[tilespmem:$0x1FF00] =	vst v0;
	v0 =	vld [tilespmem:s21+$0x1140]  }
0x1bd: {  	v5 =	vmax.f32 v5, v15;
	v15 =	vld [tilespmem:s21+$0x1270]  }
0x1be: {  	v4 =	vmax.f32 v4, v16;
	v16 =	vld [tilespmem:s21+$0x1280]  }
0x1bf: {  	v3 =	vmax.f32 v3, v17;
	v17 =	vld [tilespmem:s21+$0x1290]  }
0x1c0: {  	v2 =	vmax.f32 v2, v18;
	v18 =	vld [tilespmem:s21+$0x12A0]  }
0x1c1: {  	[tilespmem:$0x1FF10] =	vst v0;
	v0 =	vld [tilespmem:s21+$0x1150]  }
0x1c2: {  	v9 =	vmax.f32 v9, v19;
	v19 =	vld [tilespmem:s21+$0x12B0]  }
0x1c3: {  	v8 =	vmax.f32 v8, v20;
	v20 =	vld [tilespmem:s21+$0x12C0]  }
0x1c4: {  	v7 =	vmax.f32 v7, v21;
	v21 =	vld [tilespmem:s21+$0x12D0]  }
0x1c5: {  	v6 =	vmax.f32 v6, v22;
	v22 =	vld [tilespmem:s21+$0x12E0]  }
0x1c6: {  	[tilespmem:$0x1FF20] =	vst v0;
	v0 =	vld [tilespmem:s21+$0x1160]  }
0x1c7: {  	v5 =	vmax.f32 v5, v23;
	v23 =	vld [tilespmem:s21+$0x12F0]  }
0x1c8: {  	v4 =	vmax.f32 v4, v24;
	v24 =	vld [tilespmem:s21+$0x1300]  }
0x1c9: {  	v3 =	vmax.f32 v3, v25;
	v25 =	vld [tilespmem:s21+$0x1310];
	v4 =	vmax.f32 v4, v32  }
0x1ca: {  	v2 =	vmax.f32 v2, v26;
	v26 =	vld [tilespmem:s21+$0x1320];
	v4 =	vmax.f32 v4, v40  }
0x1cb: {  	v4 =	vmax.f32 v4, v48;
	[tilespmem:$0x1FF30] =	vst v0;
	v0 =	vld [tilespmem:s21+$0x1170]  }
0x1cc: {  	v9 =	vmax.f32 v9, v27;
	v27 =	vld [tilespmem:s21+$0x1330];
	v4 =	vmax.f32 v4, v56  }
0x1cd: {  	v1 =	vmax.f32 v4, v1;
	v4 =	vld [tilespmem:$0x1FDD0]  }
0x1ce: {  	v8 =	vmax.f32 v8, v28;
	v28 =	vld [tilespmem:s21+$0x1360];
	v2 =	vmax.f32 v2, v34  }
0x1cf: {  	v7 =	vmax.f32 v7, v29;
	v29 =	vld [tilespmem:s21+$0x1370];
	v2 =	vmax.f32 v2, v42  }
0x1d0: {  	v2 =	vmax.f32 v2, v50;
	[tilespmem:$0x1FF40] =	vst v0;
	v0 =	vld [tilespmem:s21+$0x1180]  }
0x1d1: {  	v6 =	vmax.f32 v6, v30;
	v30 =	vld [tilespmem:s21+$0x1380];
	v2 =	vmax.f32 v2, v58  }
0x1d2: {  	v2 =	vmax.f32 v2, v4;
	v4 =	vld [tilespmem:$0x1FDE0]  }
0x1d3: {  	v5 =	vmax.f32 v5, v31;
	v31 =	vld [tilespmem:s21+$0x1390];
	v9 =	vmax.f32 v9, v35  }
0x1d4: {  	v32 =	vld [tilespmem:s21+$0x13A0];
	v9 =	vmax.f32 v9, v43  }
0x1d5: {  	v9 =	vmax.f32 v9, v51;
	[tilespmem:$0x1FF50] =	vst v0;
	v0 =	vld [tilespmem:s21+$0x1190]  }
0x1d6: {  	v43 =	vld [tilespmem:s21+$0x13B0];
	v9 =	vmax.f32 v9, v59  }
0x1d7: {  	v5 =	vmax.f32 v5, v39;
	v4 =	vmax.f32 v9, v4;
	v9 =	vld [tilespmem:$0x1FDF0]  }
0x1d8: {  	v8 =	vmax.f32 v8, v36;
	v5 =	vmax.f32 v5, v47;
	v47 =	vld [tilespmem:s21+$0x13C0]  }
0x1d9: {  	v8 =	vmax.f32 v8, v44;
	v51 =	vld [tilespmem:s21+$0x13D0]  }
0x1da: {  	v8 =	vmax.f32 v8, v52;
	[tilespmem:$0x1FF60] =	vst v0;
	v0 =	vld [tilespmem:s21+$0x11A0]  }
0x1db: {  	v3 =	vmax.f32 v3, v33;
	v5 =	vmax.f32 v5, v55;
	v55 =	vld [tilespmem:s21+$0x13E0];
	v8 =	vmax.f32 v8, v60  }
0x1dc: {  	v3 =	vmax.f32 v3, v41;
	v8 =	vmax.f32 v8, v9;
	v9 =	vld [tilespmem:s21+$0x1350]  }
0x1dd: {  	v3 =	vmax.f32 v3, v49;
	v56 =	vld [tilespmem:$0x1FE00]  }
0x1de: {  	v3 =	vmax.f32 v3, v57;
	v57 =	vld [tilespmem:$0x1FE10]  }
0x1df: {  	v7 =	vmax.f32 v7, v37;
	[tilespmem:$0x1FF70] =	vst v0;
	v0 =	vld [tilespmem:s21+$0x11B0]  }
0x1e0: {  	v7 =	vmax.f32 v7, v45;
	v58 =	vld [tilespmem:$0x1FE20]  }
0x1e1: {  	v7 =	vmax.f32 v7, v53;
	v59 =	vld [tilespmem:$0x1FE30]  }
0x1e2: {  	v6 =	vmax.f32 v6, v38;
	v7 =	vmax.f32 v7, v61;
	v61 =	vld [tilespmem:$0x1FE50]  }
0x1e3: {  	v6 =	vmax.f32 v6, v46;
	v60 =	vld [tilespmem:$0x1FE40]  }
0x1e4: {  	v6 =	vmax.f32 v6, v54;
	[tilespmem:$0x1FF80] =	vst v0;
	v0 =	vld [tilespmem:s21+$0x11C0]  }
0x1e5: {  	v6 =	vmax.f32 v6, v62;
	v62 =	vld [tilespmem:$0x1FE60]  }
0x1e6: {  	v1 =	vmax.f32 v1, v59;
	v59 =	vld [tilespmem:s21+$0x13F0]  }
0x1e7: {  	v2 =	vmax.f32 v2, v61;
	v61 =	vld [tilespmem:s21+$0x1420]  }
0x1e8: {  	v5 =	vmax.f32 v5, v63;
	v63 =	vld [tilespmem:$0x1FE70]  }
0x1e9: {  	[tilespmem:$0x1FF90] =	vst v0;
	v0 =	vld [tilespmem:s21+$0x11D0]  }
0x1ea: {  	v4 =	vmax.f32 v4, v62;
	v62 =	vld [tilespmem:s21+$0x1430]  }
0x1eb: {  	v33 =	vld [tilespmem:$0x1FE80]  }
0x1ec: {  	v34 =	vld [tilespmem:$0x1FE90]  }
0x1ed: {  	v35 =	vld [tilespmem:$0x1FEA0]  }
0x1ee: {  	[tilespmem:$0x1FFA0] =	vst v0;
	v0 =	vld [tilespmem:s21+$0x11E0]  }
0x1ef: {  	v36 =	vld [tilespmem:$0x1FEB0]  }
0x1f0: {  	v37 =	vld [tilespmem:$0x1FEC0]  }
0x1f1: {  	v38 =	vld [tilespmem:$0x1FED0]  }
0x1f2: {  	v39 =	vld [tilespmem:$0x1FEE0]  }
0x1f3: {  	[tilespmem:$0x1FFB0] =	vst v0;
	v0 =	vld [tilespmem:s21+$0x11F0]  }
0x1f4: {  	v40 =	vld [tilespmem:$0x1FEF0]  }
0x1f5: {  	v41 =	vld [tilespmem:$0x1FF00]  }
0x1f6: {  	v42 =	vld [tilespmem:$0x1FF10]  }
0x1f7: {  	v44 =	vld [tilespmem:$0x1FF20]  }
0x1f8: {  	[tilespmem:$0x1FFC0] =	vst v0;
	v0 =	vld [tilespmem:s21+$0x1200]  }
0x1f9: {  	v45 =	vld [tilespmem:$0x1FF30]  }
0x1fa: {  	v48 =	vld [tilespmem:$0x1FF50]  }
0x1fb: {  	v50 =	vld [tilespmem:$0x1FF70]  }
0x1fc: {  	v7 =	vmax.f32 v7, v56;
	v52 =	vld [tilespmem:$0x1FF80]  }
0x1fd: {  	v6 =	vmax.f32 v6, v57;
	v5 =	vmax.f32 v5, v58;
	v8 =	vmax.f32 v8, v63;
	[tilespmem:$0x1FFD0] =	vst v0;
	v0 =	vld [tilespmem:s21+$0x1210]  }
0x1fe: {  	v7 =	vmax.f32 v7, v33;
	v6 =	vmax.f32 v6, v34;
	v5 =	vmax.f32 v5, v35;
	v49 =	vld [tilespmem:$0x1FF60]  }
0x1ff: {  	v1 =	vmax.f32 v1, v36;
	v2 =	vmax.f32 v2, v38;
	v4 =	vmax.f32 v4, v39;
	v54 =	vld [tilespmem:$0x1FFA0]  }
0x200: {  	v8 =	vmax.f32 v8, v40;
	v7 =	vmax.f32 v7, v41;
	v6 =	vmax.f32 v6, v42;
	v53 =	vld [tilespmem:$0x1FF90]  }
0x201: {  	v5 =	vmax.f32 v5, v44;
	v1 =	vmax.f32 v1, v45;
	v8 =	vmax.f32 v8, v50;
	v56 =	vld [tilespmem:$0x1FFB0]  }
0x202: {  	v2 =	vmax.f32 v2, v48;
	v8 =	vmax.f32 v8, v10;
	v7 =	vmax.f32 v7, v52;
	[tilespmem:$0x1FFE0] =	vst v0;
	v0 =	vld [tilespmem:$0x1FDC0]  }
0x203: {  	v4 =	vmax.f32 v4, v49;
	v8 =	vmax.f32 v8, v18;
	v7 =	vmax.f32 v7, v11;
	v58 =	vld [tilespmem:$0x1FFD0]  }
0x204: {  	v46 =	vld [tilespmem:$0x1FF40];
	v8 =	vmax.f32 v8, v26;
	v7 =	vmax.f32 v7, v19;
	v5 =	vmax.f32 v5, v54  }
0x205: {  	v10 =	vld [tilespmem:s21+$0x1400];
	v7 =	vmax.f32 v7, v27;
	v6 =	vmax.f32 v6, v53;
	v5 =	vmax.f32 v5, v13  }
0x206: {  	v7 =	vmax.f32 v7, v43;
	v6 =	vmax.f32 v6, v12;
	v5 =	vmax.f32 v5, v21;
	v57 =	vld [tilespmem:$0x1FFC0]  }
0x207: {  	v6 =	vmax.f32 v6, v20;
	v5 =	vmax.f32 v5, v9;
	v0 =	vmax.f32 v3, v0;
	v3 =	vld [tilespmem:s21+$0x1340]  }
0x208: {  	v1 =	vmax.f32 v1, v56;
	v2 =	vmax.f32 v2, v58;
	v0 =	vmax.f32 v0, v60;
	v60 =	vld [tilespmem:$0x1FFE0]  }
0x209: {  	v63 =	vld [tilespmem:s21+$0x1440];
	v1 =	vmax.f32 v1, v14;
	v2 =	vmax.f32 v2, v16;
	v0 =	vmax.f32 v0, v37  }
0x20a: {  	v11 =	vld [tilespmem:s21+$0x1410];
	v1 =	vmax.f32 v1, v22;
	v2 =	vmax.f32 v2, v24;
	v0 =	vmax.f32 v0, v46  }
0x20b: {  	v9 =	vld [tilespmem:s21+$0x1460];
	v1 =	vmax.f32 v1, v28;
	v2 =	vmax.f32 v2, v30;
	v0 =	vmax.f32 v0, v57  }
0x20c: {  	v1 =	vmax.f32 v1, v55;
	v16 =	vld [tilespmem:s21+$0x1470];
	v2 =	vmax.f32 v2, v10;
	v0 =	vmax.f32 v0, v15  }
0x20d: {  	v15 =	vld [tilespmem:s21+$0x1450];
	v3 =	vmax.f32 v6, v3;
	v6 =	vmax.f32 v8, v32;
	v4 =	vmax.f32 v4, v60  }
.Ltmp8:
0x20e: {  	v0 =	vmax.f32 v0, v23;
	v8 =	vmax.f32 v3, v47;
	v4 =	vmax.f32 v4, v17;
	(pc) =	sbr.rel .LBB2_8-.Ltmp8, $4  }
0x20f: {  	v0 =	vmax.f32 v0, v29;
	v17 =	vmax.f32 v5, v51;
	v4 =	vmax.f32 v4, v25  }
0x210: {  	v5 =	vmax.f32 v7, v62;
	v0 =	vmax.f32 v0, v59;
	v4 =	vmax.f32 v4, v31  }
0x211: {  	v3 =	vmax.f32 v4, v11;
	v4 =	vmax.f32 v6, v61;
	v6 =	vmax.f32 v8, v63  }
0x212: {  	v7 =	vmax.f32 v17, v15;
	v8 =	vmax.f32 v1, v9;
	v9 =	vmax.f32 v0, v16;
	v16 =	vld [tilespmem:$0x1FFF0]  }
.LBB2_11:
0x213: {  	_ =	sfence.sel $0x180000  }
0x214: {  	[bflag:$0x0] =	sbarrier.arrive $0xFFFF  }
0x215: {  	p0 =	sne.s32 s0, $0x0;
	_ =	strace $0x90000047  }
0x216: {  	s0 =	sadd.s32 @!p0 $0x100000, s2;
	[bflag:$0x2] =	sbarrier.arrive $0xFFFF  }
0x217: {  	[sflag:s0] =	ssyncadd.tile.s32 @!p0 $0x1;
	_ =	shalt  }
.Lfunc_end2:
_tile_overlayer_lowered:
.L_overlay_start_2:
0x218: {  	(tag) =	ssettag $0x2  }
0x219: {  	s0 =	rddreg [dreg:$0x0];
	s2 =	stileid.u32  }
0x21a: {  	s1 =	rddreg [dreg:$0x1];
	p0 =	sne.s32 s2, $0x0  }
0x21b: {  	s3 =	rddreg [dreg:$0x2];
	[bflag:$0x3] =	sbarrier.arrive $0xFFFF;
	s2 =	simm.s32 @!p0 $0x1C04  }
0x21c: {  	[timem:s3], [sflag:s2] =	dma.local @!p0 [hbm:s0], s1  }
0x21d: {  	s0 =	simm.s32 @!p0 $0x4  }
0x21e: {  	_ =	swait.ge @!p0 [sflag:s0], s1  }
0x21f: {  	s1 =	ssub.s32 @!p0 $0x0, s1;
	[sflag:s0] =	ssyncset.done @!p0 $0x0  }
0x220: {  	[sflag:s0] =	ssyncadd.s32 @!p0 s1  }
0x221: {  	[bflag:$0x3] =	sbarrier.arrive $0xFFFF  }
0x222: {  	_ =	shalt  }

</sc_bundles>
